<compile_context>
chip_gen: v7x
topology: tpu7x:2x2x1
jax: 0.10.2.dev20260603
libtpu: 0.0.44.dev20260713+nightly
codegen_flags: <defaults>
</compile_context>

<pallas_src>
import functools

import jax
import jax.numpy as jnp
from jax import lax
from jax.experimental import pallas as pl
from jax.experimental.pallas import tpu as pltpu
from jax.experimental.pallas import tpu_sc as plsc

B, S, F, I, K, E, TOPK, C = 1, 2048, 768, 768, 5, 8, 2, 256
BETA = 0.5
ST = 256
NS = S // ST
EPAD = 128
U = 2 * S
NT = U // ST
NW = NT + E - 1


def _top2_parts(logits):
    lane = lax.broadcasted_iota(jnp.int32, logits.shape, 1)
    masked = jnp.where(lane < E, logits, -1e30)
    i1 = jnp.argmax(masked, axis=1, keepdims=True)
    v1 = jnp.max(masked, axis=1, keepdims=True)
    masked2 = jnp.where(lane == i1, -1e30, masked)
    i2 = jnp.argmax(masked2, axis=1, keepdims=True)
    v2 = jnp.max(masked2, axis=1, keepdims=True)
    s1 = jax.nn.sigmoid(v1 - v2)
    oh1 = (lane == i1).astype(jnp.float32)
    oh2 = (lane == i2).astype(jnp.float32)
    return oh1, oh2, s1, 1.0 - s1


def _moe_in_kernel(inp_ref, emb_hi_ref, gw_ref, gb_ref, w_ref, out_ref):
    col = inp_ref[...]
    lane = lax.broadcasted_iota(jnp.int32, (ST, C), 1)
    onehot = (col == lane).astype(jnp.float32)
    h = jnp.dot(onehot, emb_hi_ref[...], preferred_element_type=jnp.float32)
    logits = jnp.dot(h, gw_ref[...], preferred_element_type=jnp.float32) + gb_ref[...]
    oh1, oh2, s1, s2 = _top2_parts(logits)
    comb = oh1 * s1 + oh2 * s2
    acc = jnp.zeros((ST, I), jnp.float32)
    for e in range(E):
        ye = lax.dot_general(h, w_ref[e], (((1,), (1,)), ((), ())),
                             preferred_element_type=jnp.float32)
        acc = acc + comb[:, e:e + 1] * ye
    out_ref[...] = jnp.maximum(acc, 0.0)


def _conv_kernel(h1p_ref, wk_ref, gw_ref, gb_ref, ha_ref, hb_ref, dest_ref, meta_ref, ind_ref, rank_ref):
    i = pl.program_id(0)

    @pl.when(i < NS)
    def _():
        im = jnp.minimum(i, NS - 1)
        blk = h1p_ref[pl.ds(im * ST, ST + 8), :]
        acc = jnp.zeros((ST, I), jnp.float32)
        for kk in range(K):
            xs = lax.slice(blk, (4 + kk, 0), (4 + kk + ST, I))
            acc = acc + lax.dot_general(xs, wk_ref[kk], (((1,), (1,)), ((), ())),
                                        preferred_element_type=jnp.float32)
        h2 = jnp.maximum(acc, 0.0)
        logits = jnp.dot(h2, gw_ref[...], preferred_element_type=jnp.float32) + gb_ref[...]
        oh1, oh2, s1, s2 = _top2_parts(logits)
        ha_ref[...] = h2 * s1
        hb_ref[...] = h2 * s2
        ind_ref[pl.ds(im * ST, ST), :] = oh1
        ind_ref[pl.ds(S + im * ST, ST), :] = oh2

    @pl.when(i == NS)
    def _():
        _route(ind_ref, dest_ref, meta_ref, rank_ref)


def _route(ind_ref, dest_ref, meta_ref, rank_ref):
    f32 = jnp.float32
    r = lax.broadcasted_iota(jnp.int32, (ST, ST), 0)
    c = lax.broadcasted_iota(jnp.int32, (ST, ST), 1)
    tri = (c < r).astype(f32)
    run = jnp.zeros((1, EPAD), f32)
    for ch in range(U // ST):
        ind_c = ind_ref[ch * ST:(ch + 1) * ST, :]
        rank_c = jnp.dot(tri, ind_c, preferred_element_type=f32) + run
        rank_ref[ch * ST:(ch + 1) * ST, :] = rank_c
        run = run + jnp.sum(ind_c, axis=0, keepdims=True)
    counts = run
    re = lax.broadcasted_iota(jnp.int32, (EPAD, EPAD), 0)
    ce = lax.broadcasted_iota(jnp.int32, (EPAD, EPAD), 1)
    trie = (re < ce).astype(f32)
    offs = jnp.dot(counts, trie, preferred_element_type=f32)
    for ch in range(U // ST):
        ind_c = ind_ref[ch * ST:(ch + 1) * ST, :]
        d = jnp.sum(ind_c * (rank_ref[ch * ST:(ch + 1) * ST, :] + offs),
                    axis=1, keepdims=True)
        dest_ref[ch * ST:(ch + 1) * ST, :] = d.astype(jnp.int32)
    jv = lax.broadcasted_iota(jnp.int32, (NT, 1), 0).astype(f32)
    tile_lo = jv * ST
    tile_hi = tile_lo + ST
    lo_e = offs
    hi_e = offs + counts
    flag = ((lo_e < tile_hi) & (hi_e > tile_lo) & (counts > 0.0)).astype(f32)
    rowsum = jnp.sum(flag, axis=1, keepdims=True)
    rj = lax.broadcasted_iota(jnp.int32, (NT, NT), 0)
    cj = lax.broadcasted_iota(jnp.int32, (NT, NT), 1)
    trij = (cj < rj).astype(f32)
    prevrows = jnp.dot(trij, rowsum, preferred_element_type=f32)
    excl_e = jnp.dot(flag, trie, preferred_element_type=f32)
    widx = prevrows + excl_e
    first = flag * (excl_e == 0.0).astype(f32)
    ev = lax.broadcasted_iota(jnp.int32, (1, EPAD), 1).astype(f32)
    wlane = lax.broadcasted_iota(jnp.int32, (1, EPAD), 1)
    wt_row = jnp.zeros((1, EPAD), f32)
    we_row = jnp.zeros((1, EPAD), f32)
    wl_row = jnp.zeros((1, EPAD), f32)
    wh_row = jnp.zeros((1, EPAD), f32)
    wf_row = jnp.zeros((1, EPAD), f32)
    for w in range(NW):
        sel = flag * (widx == float(w)).astype(f32)
        has = jnp.sum(sel)
        wt = jnp.sum(sel * jv) + (1.0 - has) * float(NT - 1)
        we = jnp.sum(sel * ev)
        wl = jnp.sum(sel * jnp.maximum(lo_e, tile_lo))
        wh = jnp.sum(sel * jnp.minimum(hi_e, tile_hi))
        wf = jnp.sum(sel * first)
        oh = (wlane == w).astype(f32)
        wt_row = wt_row + oh * wt
        we_row = we_row + oh * we
        wl_row = wl_row + oh * wl
        wh_row = wh_row + oh * wh
        wf_row = wf_row + oh * wf
    z = jnp.zeros((1, EPAD), f32)
    meta = jnp.concatenate([wt_row, we_row, wl_row, wh_row, wf_row, z, z, z], axis=0)
    meta_ref[...] = meta.astype(jnp.int32)


def _group_kernel(wt_ref, we_ref, wl_ref, wh_ref, wf_ref, h_ref, w_ref, out_ref):
    w = pl.program_id(0)
    rows = wt_ref[w] * ST + lax.broadcasted_iota(jnp.int32, (ST, 1), 0)
    mask = ((rows >= wl_ref[w]) & (rows < wh_ref[w])).astype(jnp.float32)
    hm = h_ref[...] * mask
    y = lax.dot_general(hm, w_ref[0], (((1,), (1,)), ((), ())),
                        preferred_element_type=jnp.float32)

    @pl.when(wf_ref[w] == 1)
    def _():
        out_ref[...] = y

    @pl.when(wf_ref[w] != 1)
    def _():
        out_ref[...] += y


def _post_kernel(oa_ref, ob2_ref, inp_ref, tgt_ref, emb_ref, owt_ref, ob_ref, out_ref):
    i = pl.program_id(0)
    o = oa_ref[...] + ob2_ref[...]
    d, sc, sh = o[:, :F], o[:, F:2 * F], o[:, 2 * F:]
    r = lax.broadcasted_iota(jnp.int32, (F, F), 0)
    c = lax.broadcasted_iota(jnp.int32, (F, F), 1)
    tri = (r <= c).astype(jnp.float32)
    cum = jnp.dot(d, tri, preferred_element_type=jnp.float32)
    pos = (i * ST + lax.broadcasted_iota(jnp.int32, (ST, 1), 0)).astype(jnp.float32)
    y = cum / (pos + 1.0) * sc + sh
    y = y - jnp.mean(y, axis=1, keepdims=True)
    nrm = jnp.sqrt(jnp.sum(y * y, axis=1, keepdims=True))
    y = y / (nrm * (F ** -0.5) + 1e-5)
    col = inp_ref[...]
    lane = lax.broadcasted_iota(jnp.int32, (ST, C), 1)
    onehot = (col == lane).astype(jnp.float32)
    x = jnp.dot(onehot, emb_ref[...], preferred_element_type=jnp.float32)
    x0, x1 = x[:, :F], x[:, F:]
    y1 = x0 * BETA + y * (1.0 - BETA)
    y2 = x1 + y1
    cat = jnp.concatenate([y1, y2], axis=1)
    logits = jnp.dot(cat, owt_ref[...], preferred_element_type=jnp.float32) + ob_ref[...]
    m = jnp.max(logits, axis=1, keepdims=True)
    lse = m + jnp.log(jnp.sum(jnp.exp(logits - m), axis=1, keepdims=True))
    tcol = tgt_ref[...]
    tsel = (tcol == lane).astype(jnp.float32)
    g = jnp.sum(logits * tsel, axis=1, keepdims=True)
    part = jnp.sum(lse - g, keepdims=True).reshape(1, 1)

    @pl.when(i == 0)
    def _():
        out_ref[...] = jnp.zeros_like(out_ref)

    out_ref[...] += part


def _make_sc_kernels():
    mesh = plsc.VectorSubcoreMesh(core_axis_name="c", subcore_axis_name="s")
    nc, ns = mesh.num_cores, mesh.num_subcores
    nw = nc * ns
    i32, f32 = jnp.int32, jnp.float32

    g_rows = U // nw

    @functools.partial(
        pl.kernel, out_type=jax.ShapeDtypeStruct((U, I), f32), mesh=mesh,
        scratch_types=[pltpu.VMEM((g_rows,), i32), pltpu.VMEM((g_rows, I), f32),
                       pltpu.SemaphoreType.DMA])
    def dispatch_sc(ha_hbm, hb_hbm, dest_hbm, out_hbm, idx_v, rows_v, sem):
        wid = lax.axis_index("s") * nc + lax.axis_index("c")
        base = wid * g_rows
        pltpu.sync_copy(dest_hbm.at[pl.ds(base, g_rows)], idx_v)

        @pl.when(base < S)
        def _():
            pltpu.sync_copy(ha_hbm.at[pl.ds(base, g_rows)], rows_v)

        @pl.when(base >= S)
        def _():
            pltpu.sync_copy(hb_hbm.at[pl.ds(base - S, g_rows)], rows_v)

        pltpu.async_copy(rows_v, out_hbm.at[idx_v], sem).wait()

    u_per_w = U // nw
    CH = 32
    D3 = 3 * F

    @functools.partial(
        pl.kernel, out_type=jax.ShapeDtypeStruct((U, D3), f32), mesh=mesh,
        scratch_types=[pltpu.VMEM((u_per_w,), i32), pltpu.VMEM((CH, D3), f32),
                       pltpu.SemaphoreType.DMA])
    def combine_sc(ysort_hbm, dest_hbm, out_hbm, idx_v, rows_v, sem):
        wid = lax.axis_index("s") * nc + lax.axis_index("c")
        base = wid * u_per_w
        pltpu.sync_copy(dest_hbm.at[pl.ds(base, u_per_w)], idx_v)

        def chunk(ch, carry):
            pltpu.async_copy(
                ysort_hbm.at[idx_v.at[pl.ds(ch * CH, CH)]], rows_v, sem).wait()
            pltpu.sync_copy(rows_v, out_hbm.at[pl.ds(base + ch * CH, CH)])
            return carry

        lax.fori_loop(0, u_per_w // CH, chunk, 0)

    return dispatch_sc, combine_sc


def kernel(inp, tgt, emb, gate_w_in, gate_b_in, w_moe_in, w1, gate_w_out, gate_b_out, w_moe_out, out_w, out_b):
    f32, i32 = jnp.float32, jnp.int32
    inp2 = inp.reshape(S, 1).astype(i32)
    tgt2 = tgt.reshape(S, 1).astype(i32)
    emb_hi = emb[:, F:]
    gw_in = jnp.zeros((F, EPAD), f32).at[:, :E].set(gate_w_in)
    gb_in = jnp.zeros((1, EPAD), f32).at[0, :E].set(gate_b_in)
    gw_out = jnp.zeros((I, EPAD), f32).at[:, :E].set(gate_w_out)
    gb_out = jnp.zeros((1, EPAD), f32).at[0, :E].set(gate_b_out)
    wk = jnp.transpose(w1, (2, 0, 1))
    owt = out_w.T
    obr = out_b.reshape(1, C)

    h1 = pl.pallas_call(
        _moe_in_kernel,
        grid=(NS,),
        in_specs=[
            pl.BlockSpec((ST, 1), lambda i: (i, 0)),
            pl.BlockSpec((C, F), lambda i: (0, 0)),
            pl.BlockSpec((F, EPAD), lambda i: (0, 0)),
            pl.BlockSpec((1, EPAD), lambda i: (0, 0)),
            pl.BlockSpec((E, I, F), lambda i: (0, 0, 0)),
        ],
        out_specs=pl.BlockSpec((ST, I), lambda i: (i, 0)),
        out_shape=jax.ShapeDtypeStruct((S, I), f32),
    )(inp2, emb_hi, gw_in, gb_in, w_moe_in)

    h1p = jnp.zeros((S + 8, I), f32).at[8:].set(h1)

    ha, hb, dest2d, meta = pl.pallas_call(
        _conv_kernel,
        grid=(NS + 1,),
        in_specs=[
            pl.BlockSpec((S + 8, I), lambda i: (0, 0)),
            pl.BlockSpec((K, I, I), lambda i: (0, 0, 0)),
            pl.BlockSpec((I, EPAD), lambda i: (0, 0)),
            pl.BlockSpec((1, EPAD), lambda i: (0, 0)),
        ],
        out_specs=[
            pl.BlockSpec((ST, I), lambda i: (jnp.minimum(i, NS - 1), 0)),
            pl.BlockSpec((ST, I), lambda i: (jnp.minimum(i, NS - 1), 0)),
            pl.BlockSpec((U, 1), lambda i: (0, 0)),
            pl.BlockSpec((8, EPAD), lambda i: (0, 0)),
        ],
        out_shape=[
            jax.ShapeDtypeStruct((S, I), f32),
            jax.ShapeDtypeStruct((S, I), f32),
            jax.ShapeDtypeStruct((U, 1), i32),
            jax.ShapeDtypeStruct((8, EPAD), i32),
        ],
        scratch_shapes=[pltpu.VMEM((U, EPAD), f32), pltpu.VMEM((U, EPAD), f32)],
    )(h1p, wk, gw_out, gb_out)

    dest = dest2d.reshape(U)
    wt, we, wl, wh, wf = (meta[0, :NW], meta[1, :NW], meta[2, :NW],
                          meta[3, :NW], meta[4, :NW])

    dispatch_sc, combine_sc = _make_sc_kernels()
    hsort = dispatch_sc(ha, hb, dest)

    ysort = pl.pallas_call(
        _group_kernel,
        grid_spec=pltpu.PrefetchScalarGridSpec(
            num_scalar_prefetch=5,
            grid=(NW,),
            in_specs=[
                pl.BlockSpec((ST, I), lambda w, wt, we, wl, wh, wf: (wt[w], 0)),
                pl.BlockSpec((1, 3 * F, I), lambda w, wt, we, wl, wh, wf: (we[w], 0, 0)),
            ],
            out_specs=pl.BlockSpec(
                (ST, 3 * F), lambda w, wt, we, wl, wh, wf: (wt[w], 0)),
        ),
        out_shape=jax.ShapeDtypeStruct((U, 3 * F), f32),
    )(wt, we, wl, wh, wf, hsort, w_moe_out)

    o_slots = combine_sc(ysort, dest)

    tot = pl.pallas_call(
        _post_kernel,
        grid=(NS,),
        in_specs=[
            pl.BlockSpec((ST, 3 * F), lambda i: (i, 0)),
            pl.BlockSpec((ST, 3 * F), lambda i: (i + NS, 0)),
            pl.BlockSpec((ST, 1), lambda i: (i, 0)),
            pl.BlockSpec((ST, 1), lambda i: (i, 0)),
            pl.BlockSpec((C, 2 * F), lambda i: (0, 0)),
            pl.BlockSpec((2 * F, C), lambda i: (0, 0)),
            pl.BlockSpec((1, C), lambda i: (0, 0)),
        ],
        out_specs=pl.BlockSpec((1, 1), lambda i: (0, 0)),
        out_shape=jax.ShapeDtypeStruct((1, 1), f32),
    )(o_slots, o_slots, inp2, tgt2, emb, owt, obr)

    return tot[0, 0] / float(B * S)

# --- scband reference (transcript-rebuilt; emitter-appended) ---
"""Pipeline reference for scband-linear-attention-27951647163012 (READ-ONLY COPY).

The authoritative reference and input builder live on the scoring server;
editing this copy changes nothing except your own understanding.
"""

import jax, jax.numpy as jnp
import numpy as np

B, S, F, I, K, E, TOPK, C = 1, 2048, 768, 768, 5, 8, 2, 256
DEPTH = 1
BETA = 0.5
INIT_SCALE = DEPTH ** -0.5


def setup_inputs(seed: int = 0) -> dict:
    key = jax.random.key(seed)
    ks = jax.random.split(key, 16)
    inp = jax.random.randint(ks[0], (B, S), 0, C)
    tgt = jax.random.randint(ks[1], (B, S), 0, C)
    emb = jax.random.normal(ks[2], (C, 2 * F), dtype=jnp.float32) * (1.0 * 2 ** -0.5)
    gate_w_in = jax.random.normal(ks[3], (F, E), dtype=jnp.float32) * (F ** -0.5)
    gate_b_in = jnp.zeros((E,), jnp.float32)
    w_moe_in = jax.random.normal(ks[4], (E, I, F), dtype=jnp.float32) * (F ** -0.5) * (1.0 / 0.5893)
    w1 = jax.random.normal(ks[5], (I, I, K), dtype=jnp.float32) * ((I * K) ** -0.5) * (1.0 / 0.5893)
    gate_w_out = jax.random.normal(ks[6], (I, E), dtype=jnp.float32) * (I ** -0.5)
    gate_b_out = jnp.zeros((E,), jnp.float32)
    w_moe_out = jax.random.normal(ks[7], (E, 3 * F, I), dtype=jnp.float32) * (I ** -0.5)
    out_w = jax.random.normal(ks[8], (C, 2 * F), dtype=jnp.float32) * ((2 * F) ** -0.5)
    out_b = jnp.zeros((C,), jnp.float32)
    return {"inp": inp, "tgt": tgt, "emb": emb, "gate_w_in": gate_w_in, "gate_b_in": gate_b_in,
            "w_moe_in": w_moe_in, "w1": w1, "gate_w_out": gate_w_out, "gate_b_out": gate_b_out,
            "w_moe_out": w_moe_out, "out_w": out_w, "out_b": out_b}


def _moe(x2d, gw, gb, W):
    # FMoE with NaiveGate + FMoELinear (no bias): top-k gate logits, softmax over
    # selected logits, weighted combine of per-expert linear outputs.
    logits = x2d @ gw + gb
    vals, idx = jax.lax.top_k(logits, TOPK)
    scores = jax.nn.softmax(vals, axis=-1)
    T = x2d.shape[0]
    combine = jnp.zeros((T, E), x2d.dtype).at[jnp.arange(T)[:, None], idx].add(scores)
    out = jnp.zeros((T, W.shape[1]), x2d.dtype)
    for e in range(E):
        out = out + combine[:, e:e + 1] * (x2d @ W[e].T)
    return out


def _cell(x, gw_in, gb_in, W_in, w1, gw_out, gb_out, W_out, divisor):
    # LinearAttentionCell.forward in training mode (no caching, p=0 -> plain conv)
    T = B * S
    h = jnp.transpose(x, (0, 2, 1)).reshape(T, F)
    h = _moe(h, gw_in, gb_in, W_in)
    h = jnp.maximum(h, 0.0)
    h = h.reshape(B, S, I).transpose(0, 2, 1)
    h = jax.lax.conv_general_dilated(h, w1, window_strides=(1,), padding=[(K - 1, 0)],
                                     dimension_numbers=('NCH', 'OIH', 'NCH'))
    h = jnp.maximum(h, 0.0)
    h = h.transpose(0, 2, 1).reshape(T, I)
    o = _moe(h, gw_out, gb_out, W_out)
    o = o.reshape(B, S, 3 * F).transpose(0, 2, 1)
    depth_, scale, shift = jnp.split(o, 3, axis=1)
    cum = jnp.cumsum(depth_, axis=1)
    y = cum / divisor * scale + shift
    y = y - jnp.mean(y, axis=1, keepdims=True)
    y = y / (jnp.linalg.norm(y, axis=1, keepdims=True) * (F ** -0.5) + 1e-5)
    return y * INIT_SCALE


def reference(inp, tgt, emb, gate_w_in, gate_b_in, w_moe_in, w1, gate_w_out, gate_b_out, w_moe_out, out_w, out_b):
    divisor = (jnp.arange(S, dtype=jnp.float32) + 1.0).reshape(1, 1, S)
    x = emb[inp].transpose(0, 2, 1)  # [B, 2F, S]
    x0, x1 = jnp.split(x, 2, axis=1)
    for _ in range(DEPTH):
        # momentum coupling with LinearAttentionCell
        y = x0 * BETA + _cell(x1, gate_w_in, gate_b_in, w_moe_in, w1, gate_w_out, gate_b_out, w_moe_out, divisor) * (1.0 - BETA)
        x0, x1 = x1, y
        # additive coupling with Identity
        y = x0 + x1
        x0, x1 = x1, y
    out = jnp.concatenate([x0, x1], axis=1)  # [B, 2F, S]
    logits = jnp.einsum('bcs,oc->bos', out, out_w) + out_b[None, :, None]
    logp = jax.nn.log_softmax(logits, axis=1)
    nll = -jnp.take_along_axis(logp, tgt[:, None, :], axis=1)[:, 0, :]
    return jnp.mean(nll)

if __name__ == "__main__":
    import jax
    _d = setup_inputs()
    print(jax.jit(kernel)(*tuple(_d.values())))

</pallas_src>

<mosaic_0001>
#map = affine_map<(d0, d1) -> (0, 0)>
#map1 = affine_map<(d0, d1) -> (0)>
module attributes {stable_mosaic.version = 14 : i64} {
  func.func @combine_sc(%arg0: i32, %arg1: i32, %arg2: memref<4096x2304xf32, #tpu.memory_space<hbm>>, %arg3: memref<4096xi32, #tpu.memory_space<hbm>>, %arg4: memref<4096x2304xf32, #tpu.memory_space<hbm>>, %arg5: memref<128xi32, #tpu.memory_space<vmem>>, %arg6: memref<32x2304xf32, #tpu.memory_space<vmem>>, %arg7: memref<!tpu.dma_semaphore, #tpu.memory_space<semaphore_mem>>) attributes {dimension_semantics = [#tpu.dimension_semantics<core_parallel>, #tpu.dimension_semantics<subcore_parallel>], iteration_bounds = array<i64: 2, 16>, scalar_prefetch = 0 : i64, scratch_operands = 3 : i64, tpu.core_type = #tpu.core_type<sc_vector_subcore>, window_params = [{transform_indices = #map}, {transform_indices = #map1}, {transform_indices = #map}]} {
    %mul3A = arith.constant 2 : i32
    %mul3A_0 = arith.muli %arg1, %mul3A : i32
    %add3A = arith.addi %mul3A_0, %arg0 : i32
    %mul3A_1 = arith.constant 128 : i32
    %mul3A_2 = arith.muli %add3A, %mul3A_1 : i32
    "tpu.region"() ({
      %run_scoped3A = tpu.sem_alloc : memref<!tpu.dma_semaphore, #tpu.memory_space<semaphore_mem>>
      %dma_start3A = tpu.memref_slice %arg3[%mul3A_2] : memref<4096xi32, #tpu.memory_space<hbm>> -> memref<128xi32, #tpu.memory_space<hbm>>
      %dma_start3A_8 = tpu.memref_slice %arg3[%mul3A_2] : memref<4096xi32, #tpu.memory_space<hbm>> -> memref<128xi32, #tpu.memory_space<hbm>>
      tpu.enqueue_dma source(%dma_start3A_8 : memref<128xi32, #tpu.memory_space<hbm>>) target(%arg5 : memref<128xi32, #tpu.memory_space<vmem>>) target_semaphore(%run_scoped3A : memref<!tpu.dma_semaphore, #tpu.memory_space<semaphore_mem>>)
      %dma_wait3A = tpu.memref_slice %arg3[%mul3A_2] : memref<4096xi32, #tpu.memory_space<hbm>> -> memref<128xi32, #tpu.memory_space<hbm>>
      %dma_wait3A_9 = tpu.memref_slice %arg3[%mul3A_2] : memref<4096xi32, #tpu.memory_space<hbm>> -> memref<128xi32, #tpu.memory_space<hbm>>
      tpu.wait_dma2 semaphore(%run_scoped3A : memref<!tpu.dma_semaphore, #tpu.memory_space<semaphore_mem>>) src(%dma_wait3A_9 : memref<128xi32, #tpu.memory_space<hbm>>) dst(%arg5 : memref<128xi32, #tpu.memory_space<vmem>>)
      tpu.yield
    }) : () -> ()
    %scan3A = arith.constant 0 : i32
    %scan3A_3 = arith.constant 0 : i32
    %scan3A_4 = arith.constant 4 : i32
    %scan3A_5 = arith.addi %scan3A_3, %scan3A_4 : i32
    %scan3A_6 = arith.constant 1 : i32
    scf.for %scan3A_8 = %scan3A_3 to %scan3A_5 step %scan3A_6  : i32 {
      %mul3A_9 = arith.constant 32 : i32
      %mul3A_10 = arith.muli %scan3A_8, %mul3A_9 : i32
      %dma_start3A = tpu.memref_slice %arg5[%mul3A_10] : memref<128xi32, #tpu.memory_space<vmem>> -> memref<32xi32, #tpu.memory_space<vmem>>
      %dma_start3A_11 = arith.constant 0 : i32
      %dma_start3A_12 = arith.constant 0 : i32
      %dma_start3A_13 = tpu.memref_slice %arg2[%dma_start3A_11, %dma_start3A_12] : memref<4096x2304xf32, #tpu.memory_space<hbm>> -> memref<4096x2304xf32, #tpu.memory_space<hbm>>
      tpu.enqueue_indirect_dma source(%dma_start3A_13 : memref<4096x2304xf32, #tpu.memory_space<hbm>>) target(%arg6 : memref<32x2304xf32, #tpu.memory_space<vmem>>) offsets(%dma_start3A : memref<32xi32, #tpu.memory_space<vmem>>) semaphore(%arg7 : memref<!tpu.dma_semaphore, #tpu.memory_space<semaphore_mem>>)
      %dma_wait3A = tpu.memref_slice %arg5[%mul3A_10] : memref<128xi32, #tpu.memory_space<vmem>> -> memref<32xi32, #tpu.memory_space<vmem>>
      %dma_wait3A_14 = arith.constant 0 : i32
      %dma_wait3A_15 = arith.constant 0 : i32
      %dma_wait3A_16 = tpu.memref_slice %arg2[%dma_wait3A_14, %dma_wait3A_15] : memref<4096x2304xf32, #tpu.memory_space<hbm>> -> memref<4096x2304xf32, #tpu.memory_space<hbm>>
      tpu.wait_indirect_dma semaphore(%arg7 : memref<!tpu.dma_semaphore, #tpu.memory_space<semaphore_mem>>) src(%dma_wait3A_16 : memref<4096x2304xf32, #tpu.memory_space<hbm>>) dst(%arg6 : memref<32x2304xf32, #tpu.memory_space<vmem>>)
      %mul3A_17 = arith.constant 32 : i32
      %mul3A_18 = arith.muli %scan3A_8, %mul3A_17 : i32
      %add3A_19 = arith.addi %mul3A_2, %mul3A_18 : i32
      "tpu.region"() ({
        %run_scoped3A = tpu.sem_alloc : memref<!tpu.dma_semaphore, #tpu.memory_space<semaphore_mem>>
        %dma_start3A_20 = arith.constant 0 : i32
        %dma_start3A_21 = tpu.memref_slice %arg4[%add3A_19, %dma_start3A_20] : memref<4096x2304xf32, #tpu.memory_space<hbm>> -> memref<32x2304xf32, #tpu.memory_space<hbm>>
        %dma_start3A_22 = arith.constant 0 : i32
        %dma_start3A_23 = tpu.memref_slice %arg4[%add3A_19, %dma_start3A_22] : memref<4096x2304xf32, #tpu.memory_space<hbm>> -> memref<32x2304xf32, #tpu.memory_space<hbm>>
        tpu.enqueue_dma source(%arg6 : memref<32x2304xf32, #tpu.memory_space<vmem>>) target(%dma_start3A_23 : memref<32x2304xf32, #tpu.memory_space<hbm>>) target_semaphore(%run_scoped3A : memref<!tpu.dma_semaphore, #tpu.memory_space<semaphore_mem>>)
        %dma_wait3A_24 = arith.constant 0 : i32
        %dma_wait3A_25 = tpu.memref_slice %arg4[%add3A_19, %dma_wait3A_24] : memref<4096x2304xf32, #tpu.memory_space<hbm>> -> memref<32x2304xf32, #tpu.memory_space<hbm>>
        %dma_wait3A_26 = arith.constant 0 : i32
        %dma_wait3A_27 = tpu.memref_slice %arg4[%add3A_19, %dma_wait3A_26] : memref<4096x2304xf32, #tpu.memory_space<hbm>> -> memref<32x2304xf32, #tpu.memory_space<hbm>>
        tpu.wait_dma2 semaphore(%run_scoped3A : memref<!tpu.dma_semaphore, #tpu.memory_space<semaphore_mem>>) src(%arg6 : memref<32x2304xf32, #tpu.memory_space<vmem>>) dst(%dma_wait3A_27 : memref<32x2304xf32, #tpu.memory_space<hbm>>)
        tpu.yield
      }) : () -> ()
    }
    %scan3A_7 = arith.constant 4 : i32
    return
  }
}

#map = affine_map<(d0, d1) -> (0, 0)>
#map1 = affine_map<(d0, d1) -> (0)>
module attributes {stable_mosaic.version = 14 : i64} {
  func.func @dispatch_sc(%arg0: i32, %arg1: i32, %arg2: memref<2048x768xf32, #tpu.memory_space<hbm>>, %arg3: memref<2048x768xf32, #tpu.memory_space<hbm>>, %arg4: memref<4096xi32, #tpu.memory_space<hbm>>, %arg5: memref<4096x768xf32, #tpu.memory_space<hbm>>, %arg6: memref<128xi32, #tpu.memory_space<vmem>>, %arg7: memref<128x768xf32, #tpu.memory_space<vmem>>, %arg8: memref<!tpu.dma_semaphore, #tpu.memory_space<semaphore_mem>>) attributes {dimension_semantics = [#tpu.dimension_semantics<core_parallel>, #tpu.dimension_semantics<subcore_parallel>], iteration_bounds = array<i64: 2, 16>, scalar_prefetch = 0 : i64, scratch_operands = 3 : i64, tpu.core_type = #tpu.core_type<sc_vector_subcore>, window_params = [{transform_indices = #map}, {transform_indices = #map}, {transform_indices = #map1}, {transform_indices = #map}]} {
    %mul3A = arith.constant 2 : i32
    %mul3A_0 = arith.muli %arg1, %mul3A : i32
    %add3A = arith.addi %mul3A_0, %arg0 : i32
    %mul3A_1 = arith.constant 128 : i32
    %mul3A_2 = arith.muli %add3A, %mul3A_1 : i32
    "tpu.region"() ({
      %run_scoped3A = tpu.sem_alloc : memref<!tpu.dma_semaphore, #tpu.memory_space<semaphore_mem>>
      %dma_start3A_13 = tpu.memref_slice %arg4[%mul3A_2] : memref<4096xi32, #tpu.memory_space<hbm>> -> memref<128xi32, #tpu.memory_space<hbm>>
      %dma_start3A_14 = tpu.memref_slice %arg4[%mul3A_2] : memref<4096xi32, #tpu.memory_space<hbm>> -> memref<128xi32, #tpu.memory_space<hbm>>
      tpu.enqueue_dma source(%dma_start3A_14 : memref<128xi32, #tpu.memory_space<hbm>>) target(%arg6 : memref<128xi32, #tpu.memory_space<vmem>>) target_semaphore(%run_scoped3A : memref<!tpu.dma_semaphore, #tpu.memory_space<semaphore_mem>>)
      %dma_wait3A_15 = tpu.memref_slice %arg4[%mul3A_2] : memref<4096xi32, #tpu.memory_space<hbm>> -> memref<128xi32, #tpu.memory_space<hbm>>
      %dma_wait3A_16 = tpu.memref_slice %arg4[%mul3A_2] : memref<4096xi32, #tpu.memory_space<hbm>> -> memref<128xi32, #tpu.memory_space<hbm>>
      tpu.wait_dma2 semaphore(%run_scoped3A : memref<!tpu.dma_semaphore, #tpu.memory_space<semaphore_mem>>) src(%dma_wait3A_16 : memref<128xi32, #tpu.memory_space<hbm>>) dst(%arg6 : memref<128xi32, #tpu.memory_space<vmem>>)
      tpu.yield
    }) : () -> ()
    %lt3A = arith.constant 2048 : i32
    %lt3A_3 = arith.cmpi slt, %mul3A_2, %lt3A : i32
    %convert_element_type3A = arith.extui %lt3A_3 : i1 to i32
    %cond3A = arith.constant 0 : i32
    %cond3A_4 = arith.cmpi ne, %convert_element_type3A, %cond3A : i32
    scf.if %cond3A_4 {
      "tpu.region"() ({
        %run_scoped3A = tpu.sem_alloc : memref<!tpu.dma_semaphore, #tpu.memory_space<semaphore_mem>>
        %dma_start3A_13 = arith.constant 0 : i32
        %dma_start3A_14 = tpu.memref_slice %arg2[%mul3A_2, %dma_start3A_13] : memref<2048x768xf32, #tpu.memory_space<hbm>> -> memref<128x768xf32, #tpu.memory_space<hbm>>
        %dma_start3A_15 = arith.constant 0 : i32
        %dma_start3A_16 = tpu.memref_slice %arg2[%mul3A_2, %dma_start3A_15] : memref<2048x768xf32, #tpu.memory_space<hbm>> -> memref<128x768xf32, #tpu.memory_space<hbm>>
        tpu.enqueue_dma source(%dma_start3A_16 : memref<128x768xf32, #tpu.memory_space<hbm>>) target(%arg7 : memref<128x768xf32, #tpu.memory_space<vmem>>) target_semaphore(%run_scoped3A : memref<!tpu.dma_semaphore, #tpu.memory_space<semaphore_mem>>)
        %dma_wait3A_17 = arith.constant 0 : i32
        %dma_wait3A_18 = tpu.memref_slice %arg2[%mul3A_2, %dma_wait3A_17] : memref<2048x768xf32, #tpu.memory_space<hbm>> -> memref<128x768xf32, #tpu.memory_space<hbm>>
        %dma_wait3A_19 = arith.constant 0 : i32
        %dma_wait3A_20 = tpu.memref_slice %arg2[%mul3A_2, %dma_wait3A_19] : memref<2048x768xf32, #tpu.memory_space<hbm>> -> memref<128x768xf32, #tpu.memory_space<hbm>>
        tpu.wait_dma2 semaphore(%run_scoped3A : memref<!tpu.dma_semaphore, #tpu.memory_space<semaphore_mem>>) src(%dma_wait3A_20 : memref<128x768xf32, #tpu.memory_space<hbm>>) dst(%arg7 : memref<128x768xf32, #tpu.memory_space<vmem>>)
        tpu.yield
      }) : () -> ()
    } else {
    }
    %ge3A = arith.constant 2048 : i32
    %ge3A_5 = arith.cmpi sge, %mul3A_2, %ge3A : i32
    %convert_element_type3A_6 = arith.extui %ge3A_5 : i1 to i32
    %cond3A_7 = arith.constant 0 : i32
    %cond3A_8 = arith.cmpi ne, %convert_element_type3A_6, %cond3A_7 : i32
    scf.if %cond3A_8 {
      %sub3A = arith.constant 2048 : i32
      %sub3A_13 = arith.subi %mul3A_2, %sub3A : i32
      "tpu.region"() ({
        %run_scoped3A = tpu.sem_alloc : memref<!tpu.dma_semaphore, #tpu.memory_space<semaphore_mem>>
        %dma_start3A_14 = arith.constant 0 : i32
        %dma_start3A_15 = tpu.memref_slice %arg3[%sub3A_13, %dma_start3A_14] : memref<2048x768xf32, #tpu.memory_space<hbm>> -> memref<128x768xf32, #tpu.memory_space<hbm>>
        %dma_start3A_16 = arith.constant 0 : i32
        %dma_start3A_17 = tpu.memref_slice %arg3[%sub3A_13, %dma_start3A_16] : memref<2048x768xf32, #tpu.memory_space<hbm>> -> memref<128x768xf32, #tpu.memory_space<hbm>>
        tpu.enqueue_dma source(%dma_start3A_17 : memref<128x768xf32, #tpu.memory_space<hbm>>) target(%arg7 : memref<128x768xf32, #tpu.memory_space<vmem>>) target_semaphore(%run_scoped3A : memref<!tpu.dma_semaphore, #tpu.memory_space<semaphore_mem>>)
        %dma_wait3A_18 = arith.constant 0 : i32
        %dma_wait3A_19 = tpu.memref_slice %arg3[%sub3A_13, %dma_wait3A_18] : memref<2048x768xf32, #tpu.memory_space<hbm>> -> memref<128x768xf32, #tpu.memory_space<hbm>>
        %dma_wait3A_20 = arith.constant 0 : i32
        %dma_wait3A_21 = tpu.memref_slice %arg3[%sub3A_13, %dma_wait3A_20] : memref<2048x768xf32, #tpu.memory_space<hbm>> -> memref<128x768xf32, #tpu.memory_space<hbm>>
        tpu.wait_dma2 semaphore(%run_scoped3A : memref<!tpu.dma_semaphore, #tpu.memory_space<semaphore_mem>>) src(%dma_wait3A_21 : memref<128x768xf32, #tpu.memory_space<hbm>>) dst(%arg7 : memref<128x768xf32, #tpu.memory_space<vmem>>)
        tpu.yield
      }) : () -> ()
    } else {
    }
    %dma_start3A = arith.constant 0 : i32
    %dma_start3A_9 = arith.constant 0 : i32
    %dma_start3A_10 = tpu.memref_slice %arg5[%dma_start3A, %dma_start3A_9] : memref<4096x768xf32, #tpu.memory_space<hbm>> -> memref<4096x768xf32, #tpu.memory_space<hbm>>
    tpu.enqueue_indirect_dma source(%arg7 : memref<128x768xf32, #tpu.memory_space<vmem>>) target(%dma_start3A_10 : memref<4096x768xf32, #tpu.memory_space<hbm>>) offsets(%arg6 : memref<128xi32, #tpu.memory_space<vmem>>) semaphore(%arg8 : memref<!tpu.dma_semaphore, #tpu.memory_space<semaphore_mem>>)
    %dma_wait3A = arith.constant 0 : i32
    %dma_wait3A_11 = arith.constant 0 : i32
    %dma_wait3A_12 = tpu.memref_slice %arg5[%dma_wait3A, %dma_wait3A_11] : memref<4096x768xf32, #tpu.memory_space<hbm>> -> memref<4096x768xf32, #tpu.memory_space<hbm>>
    tpu.wait_indirect_dma semaphore(%arg8 : memref<!tpu.dma_semaphore, #tpu.memory_space<semaphore_mem>>) src(%arg7 : memref<128x768xf32, #tpu.memory_space<vmem>>) dst(%dma_wait3A_12 : memref<4096x768xf32, #tpu.memory_space<hbm>>)
    return
  }
}

module attributes {stable_mosaic.version = 14 : i64} {
  func.func @_moe_in_kernel(%arg0: i32, %arg1: memref<256x1xi32, #tpu.memory_space<vmem>>, %arg2: memref<256x768xf32, #tpu.memory_space<vmem>>, %arg3: memref<768x128xf32, #tpu.memory_space<vmem>>, %arg4: memref<1x128xf32, #tpu.memory_space<vmem>>, %arg5: memref<8x768x768xf32, #tpu.memory_space<vmem>>, %arg6: memref<256x768xf32, #tpu.memory_space<vmem>>) attributes {dimension_semantics = [#tpu.dimension_semantics<arbitrary>], iteration_bounds = array<i64: 8>, scalar_prefetch = 0 : i64, scratch_operands = 0 : i64, tpu.core_type = #tpu.core_type<tc>, window_params = [{transform_indices = @transform_0, window_bounds = array<i64: 256, 1>}, {pipeline_mode = #tpu.pipeline_mode<synchronous>, transform_indices = @transform_1, window_bounds = array<i64: 256, 768>}, {pipeline_mode = #tpu.pipeline_mode<synchronous>, transform_indices = @transform_2, window_bounds = array<i64: 768, 128>}, {pipeline_mode = #tpu.pipeline_mode<synchronous>, transform_indices = @transform_3, window_bounds = array<i64: 1, 128>}, {pipeline_mode = #tpu.pipeline_mode<synchronous>, transform_indices = @transform_4, window_bounds = array<i64: 8, 768, 768>}, {transform_indices = @transform_5, window_bounds = array<i64: 256, 768>}]} {
    %get3A = arith.constant 0 : index
    %get3A_0 = arith.constant 0 : index
    %get3A_1 = vector.load %arg1[%get3A, %get3A_0] : memref<256x1xi32, #tpu.memory_space<vmem>>, vector<256x1xi32>
    %iota3A = tpu.iota {dimensions = array<i32: 1>} : vector<256x256xi32>
    %eq3A = vector.broadcast %get3A_1 : vector<256x1xi32> to vector<256x256xi32>
    %eq3A_2 = arith.cmpi eq, %eq3A, %iota3A : vector<256x256xi32>
    %convert_element_type3A = arith.extui %eq3A_2 : vector<256x256xi1> to vector<256x256xi32>
    %convert_element_type3A_3 = arith.sitofp %convert_element_type3A : vector<256x256xi32> to vector<256x256xf32>
    %get3A_4 = arith.constant 0 : index
    %get3A_5 = arith.constant 0 : index
    %get3A_6 = vector.load %arg2[%get3A_4, %get3A_5] : memref<256x768xf32, #tpu.memory_space<vmem>>, vector<256x768xf32>
    %dot_general3A = arith.constant dense<0.000000e+00> : vector<256x768xf32>
    %dot_general3A_7 = tpu.matmul %convert_element_type3A_3, %get3A_6, %dot_general3A {dimension_numbers = #tpu.dot_dimension_numbers<[1], [0], [0], [1], [0, 0, 1, 1], [], []>, transpose_lhs_hint = false} : vector<256x256xf32>, vector<256x768xf32>, vector<256x768xf32> -> vector<256x768xf32>
    %get3A_8 = arith.constant 0 : index
    %get3A_9 = arith.constant 0 : index
    %get3A_10 = vector.load %arg3[%get3A_8, %get3A_9] : memref<768x128xf32, #tpu.memory_space<vmem>>, vector<768x128xf32>
    %dot_general3A_11 = arith.constant dense<0.000000e+00> : vector<256x128xf32>
    %dot_general3A_12 = tpu.matmul %dot_general3A_7, %get3A_10, %dot_general3A_11 {dimension_numbers = #tpu.dot_dimension_numbers<[1], [0], [0], [1], [0, 0, 1, 1], [], []>, transpose_lhs_hint = false} : vector<256x768xf32>, vector<768x128xf32>, vector<256x128xf32> -> vector<256x128xf32>
    %get3A_13 = arith.constant 0 : index
    %get3A_14 = arith.constant 0 : index
    %get3A_15 = vector.load %arg4[%get3A_13, %get3A_14] : memref<1x128xf32, #tpu.memory_space<vmem>>, vector<1x128xf32>
    %add3A = vector.broadcast %get3A_15 : vector<1x128xf32> to vector<256x128xf32>
    %add3A_16 = arith.addf %dot_general3A_12, %add3A : vector<256x128xf32>
    %iota3A_17 = tpu.iota {dimensions = array<i32: 1>} : vector<256x128xi32>
    %lt3A = arith.constant 8 : i32
    %lt3A_18 = vector.broadcast %lt3A : i32 to vector<256x128xi32>
    %lt3A_19 = arith.cmpi slt, %iota3A_17, %lt3A_18 : vector<256x128xi32>
    %jit3A = arith.constant -1.000000e+30 : f32
    %broadcast_in_dim3A = vector.broadcast %jit3A : f32 to vector<256x128xf32>
    %select_n3A = arith.select %lt3A_19, %add3A_16, %broadcast_in_dim3A : vector<256x128xi1>, vector<256x128xf32>
    %argmax3A = tpu.reduce_index %select_n3A {axis = 1 : i32, kind = #tpu.reduction_kind<arg_max>} : vector<256x128xf32> -> vector<256xi32>
    %broadcast_in_dim3A_20 = vector.shape_cast %argmax3A : vector<256xi32> to vector<256x1xi32>
    %reduce_max3A = arith.constant dense<0xFF800000> : vector<256xf32>
    %reduce_max3A_21 = vector.multi_reduction <maximumf>, %select_n3A, %reduce_max3A [1] : vector<256x128xf32> to vector<256xf32>
    %broadcast_in_dim3A_22 = vector.shape_cast %reduce_max3A_21 : vector<256xf32> to vector<256x1xf32>
    %eq3A_23 = vector.broadcast %broadcast_in_dim3A_20 : vector<256x1xi32> to vector<256x128xi32>
    %eq3A_24 = arith.cmpi eq, %iota3A_17, %eq3A_23 : vector<256x128xi32>
    %jit3A_25 = arith.constant -1.000000e+30 : f32
    %broadcast_in_dim3A_26 = vector.broadcast %jit3A_25 : f32 to vector<256x128xf32>
    %select_n3A_27 = arith.select %eq3A_24, %broadcast_in_dim3A_26, %select_n3A : vector<256x128xi1>, vector<256x128xf32>
    %argmax3A_28 = tpu.reduce_index %select_n3A_27 {axis = 1 : i32, kind = #tpu.reduction_kind<arg_max>} : vector<256x128xf32> -> vector<256xi32>
    %broadcast_in_dim3A_29 = vector.shape_cast %argmax3A_28 : vector<256xi32> to vector<256x1xi32>
    %reduce_max3A_30 = arith.constant dense<0xFF800000> : vector<256xf32>
    %reduce_max3A_31 = vector.multi_reduction <maximumf>, %select_n3A_27, %reduce_max3A_30 [1] : vector<256x128xf32> to vector<256xf32>
    %broadcast_in_dim3A_32 = vector.shape_cast %reduce_max3A_31 : vector<256xf32> to vector<256x1xf32>
    %sub3A = arith.subf %broadcast_in_dim3A_22, %broadcast_in_dim3A_32 : vector<256x1xf32>
    %logistic3A = arith.negf %sub3A : vector<256x1xf32>
    %logistic3A_33 = math.exp %logistic3A : vector<256x1xf32>
    %logistic3A_34 = arith.constant 1.000000e+00 : f32
    %logistic3A_35 = vector.broadcast %logistic3A_34 : f32 to vector<256x1xf32>
    %logistic3A_36 = arith.addf %logistic3A_35, %logistic3A_33 : vector<256x1xf32>
    %logistic3A_37 = arith.divf %logistic3A_35, %logistic3A_36 : vector<256x1xf32>
    %eq3A_38 = vector.broadcast %broadcast_in_dim3A_20 : vector<256x1xi32> to vector<256x128xi32>
    %eq3A_39 = arith.cmpi eq, %iota3A_17, %eq3A_38 : vector<256x128xi32>
    %convert_element_type3A_40 = arith.extui %eq3A_39 : vector<256x128xi1> to vector<256x128xi32>
    %convert_element_type3A_41 = arith.sitofp %convert_element_type3A_40 : vector<256x128xi32> to vector<256x128xf32>
    %eq3A_42 = vector.broadcast %broadcast_in_dim3A_29 : vector<256x1xi32> to vector<256x128xi32>
    %eq3A_43 = arith.cmpi eq, %iota3A_17, %eq3A_42 : vector<256x128xi32>
    %convert_element_type3A_44 = arith.extui %eq3A_43 : vector<256x128xi1> to vector<256x128xi32>
    %convert_element_type3A_45 = arith.sitofp %convert_element_type3A_44 : vector<256x128xi32> to vector<256x128xf32>
    %sub3A_46 = arith.constant 1.000000e+00 : f32
    %sub3A_47 = vector.broadcast %sub3A_46 : f32 to vector<256x1xf32>
    %sub3A_48 = arith.subf %sub3A_47, %logistic3A_37 : vector<256x1xf32>
    %mul3A = vector.broadcast %logistic3A_37 : vector<256x1xf32> to vector<256x128xf32>
    %mul3A_49 = arith.mulf %convert_element_type3A_41, %mul3A : vector<256x128xf32>
    %mul3A_50 = vector.broadcast %sub3A_48 : vector<256x1xf32> to vector<256x128xf32>
    %mul3A_51 = arith.mulf %convert_element_type3A_45, %mul3A_50 : vector<256x128xf32>
    %add3A_52 = arith.addf %mul3A_49, %mul3A_51 : vector<256x128xf32>
    %broadcast_in_dim3A_53 = arith.constant 0.000000e+00 : f32
    %broadcast_in_dim3A_54 = vector.broadcast %broadcast_in_dim3A_53 : f32 to vector<256x768xf32>
    %get3A_55 = arith.constant 0 : index
    %get3A_56 = arith.constant 0 : index
    %get3A_57 = arith.constant 0 : index
    %get3A_58 = vector.load %arg5[%get3A_55, %get3A_56, %get3A_57] : memref<8x768x768xf32, #tpu.memory_space<vmem>>, vector<1x768x768xf32>
    %get3A_59 = vector.shape_cast %get3A_58 : vector<1x768x768xf32> to vector<768x768xf32>
    %dot_general3A_60 = arith.constant dense<0.000000e+00> : vector<256x768xf32>
    %dot_general3A_61 = tpu.matmul %dot_general3A_7, %get3A_59, %dot_general3A_60 {dimension_numbers = #tpu.dot_dimension_numbers<[1], [1], [0], [0], [0, 0, 1, 0], [], []>, transpose_lhs_hint = false} : vector<256x768xf32>, vector<768x768xf32>, vector<256x768xf32> -> vector<256x768xf32>
    %slice3A = vector.extract_strided_slice %add3A_52 {offsets = [0, 0], sizes = [256, 1], strides = [1, 1]} : vector<256x128xf32> to vector<256x1xf32>
    %mul3A_62 = vector.broadcast %slice3A : vector<256x1xf32> to vector<256x768xf32>
    %mul3A_63 = arith.mulf %mul3A_62, %dot_general3A_61 : vector<256x768xf32>
    %add3A_64 = arith.addf %broadcast_in_dim3A_54, %mul3A_63 : vector<256x768xf32>
    %get3A_65 = arith.constant 1 : index
    %get3A_66 = arith.constant 0 : index
    %get3A_67 = arith.constant 0 : index
    %get3A_68 = vector.load %arg5[%get3A_65, %get3A_66, %get3A_67] : memref<8x768x768xf32, #tpu.memory_space<vmem>>, vector<1x768x768xf32>
    %get3A_69 = vector.shape_cast %get3A_68 : vector<1x768x768xf32> to vector<768x768xf32>
    %dot_general3A_70 = arith.constant dense<0.000000e+00> : vector<256x768xf32>
    %dot_general3A_71 = tpu.matmul %dot_general3A_7, %get3A_69, %dot_general3A_70 {dimension_numbers = #tpu.dot_dimension_numbers<[1], [1], [0], [0], [0, 0, 1, 0], [], []>, transpose_lhs_hint = false} : vector<256x768xf32>, vector<768x768xf32>, vector<256x768xf32> -> vector<256x768xf32>
    %slice3A_72 = vector.extract_strided_slice %add3A_52 {offsets = [0, 1], sizes = [256, 1], strides = [1, 1]} : vector<256x128xf32> to vector<256x1xf32>
    %mul3A_73 = vector.broadcast %slice3A_72 : vector<256x1xf32> to vector<256x768xf32>
    %mul3A_74 = arith.mulf %mul3A_73, %dot_general3A_71 : vector<256x768xf32>
    %add3A_75 = arith.addf %add3A_64, %mul3A_74 : vector<256x768xf32>
    %get3A_76 = arith.constant 2 : index
    %get3A_77 = arith.constant 0 : index
    %get3A_78 = arith.constant 0 : index
    %get3A_79 = vector.load %arg5[%get3A_76, %get3A_77, %get3A_78] : memref<8x768x768xf32, #tpu.memory_space<vmem>>, vector<1x768x768xf32>
    %get3A_80 = vector.shape_cast %get3A_79 : vector<1x768x768xf32> to vector<768x768xf32>
    %dot_general3A_81 = arith.constant dense<0.000000e+00> : vector<256x768xf32>
    %dot_general3A_82 = tpu.matmul %dot_general3A_7, %get3A_80, %dot_general3A_81 {dimension_numbers = #tpu.dot_dimension_numbers<[1], [1], [0], [0], [0, 0, 1, 0], [], []>, transpose_lhs_hint = false} : vector<256x768xf32>, vector<768x768xf32>, vector<256x768xf32> -> vector<256x768xf32>
    %slice3A_83 = vector.extract_strided_slice %add3A_52 {offsets = [0, 2], sizes = [256, 1], strides = [1, 1]} : vector<256x128xf32> to vector<256x1xf32>
    %mul3A_84 = vector.broadcast %slice3A_83 : vector<256x1xf32> to vector<256x768xf32>
    %mul3A_85 = arith.mulf %mul3A_84, %dot_general3A_82 : vector<256x768xf32>
    %add3A_86 = arith.addf %add3A_75, %mul3A_85 : vector<256x768xf32>
    %get3A_87 = arith.constant 3 : index
    %get3A_88 = arith.constant 0 : index
    %get3A_89 = arith.constant 0 : index
    %get3A_90 = vector.load %arg5[%get3A_87, %get3A_88, %get3A_89] : memref<8x768x768xf32, #tpu.memory_space<vmem>>, vector<1x768x768xf32>
    %get3A_91 = vector.shape_cast %get3A_90 : vector<1x768x768xf32> to vector<768x768xf32>
    %dot_general3A_92 = arith.constant dense<0.000000e+00> : vector<256x768xf32>
    %dot_general3A_93 = tpu.matmul %dot_general3A_7, %get3A_91, %dot_general3A_92 {dimension_numbers = #tpu.dot_dimension_numbers<[1], [1], [0], [0], [0, 0, 1, 0], [], []>, transpose_lhs_hint = false} : vector<256x768xf32>, vector<768x768xf32>, vector<256x768xf32> -> vector<256x768xf32>
    %slice3A_94 = vector.extract_strided_slice %add3A_52 {offsets = [0, 3], sizes = [256, 1], strides = [1, 1]} : vector<256x128xf32> to vector<256x1xf32>
    %mul3A_95 = vector.broadcast %slice3A_94 : vector<256x1xf32> to vector<256x768xf32>
    %mul3A_96 = arith.mulf %mul3A_95, %dot_general3A_93 : vector<256x768xf32>
    %add3A_97 = arith.addf %add3A_86, %mul3A_96 : vector<256x768xf32>
    %get3A_98 = arith.constant 4 : index
    %get3A_99 = arith.constant 0 : index
    %get3A_100 = arith.constant 0 : index
    %get3A_101 = vector.load %arg5[%get3A_98, %get3A_99, %get3A_100] : memref<8x768x768xf32, #tpu.memory_space<vmem>>, vector<1x768x768xf32>
    %get3A_102 = vector.shape_cast %get3A_101 : vector<1x768x768xf32> to vector<768x768xf32>
    %dot_general3A_103 = arith.constant dense<0.000000e+00> : vector<256x768xf32>
    %dot_general3A_104 = tpu.matmul %dot_general3A_7, %get3A_102, %dot_general3A_103 {dimension_numbers = #tpu.dot_dimension_numbers<[1], [1], [0], [0], [0, 0, 1, 0], [], []>, transpose_lhs_hint = false} : vector<256x768xf32>, vector<768x768xf32>, vector<256x768xf32> -> vector<256x768xf32>
    %slice3A_105 = vector.extract_strided_slice %add3A_52 {offsets = [0, 4], sizes = [256, 1], strides = [1, 1]} : vector<256x128xf32> to vector<256x1xf32>
    %mul3A_106 = vector.broadcast %slice3A_105 : vector<256x1xf32> to vector<256x768xf32>
    %mul3A_107 = arith.mulf %mul3A_106, %dot_general3A_104 : vector<256x768xf32>
    %add3A_108 = arith.addf %add3A_97, %mul3A_107 : vector<256x768xf32>
    %get3A_109 = arith.constant 5 : index
    %get3A_110 = arith.constant 0 : index
    %get3A_111 = arith.constant 0 : index
    %get3A_112 = vector.load %arg5[%get3A_109, %get3A_110, %get3A_111] : memref<8x768x768xf32, #tpu.memory_space<vmem>>, vector<1x768x768xf32>
    %get3A_113 = vector.shape_cast %get3A_112 : vector<1x768x768xf32> to vector<768x768xf32>
    %dot_general3A_114 = arith.constant dense<0.000000e+00> : vector<256x768xf32>
    %dot_general3A_115 = tpu.matmul %dot_general3A_7, %get3A_113, %dot_general3A_114 {dimension_numbers = #tpu.dot_dimension_numbers<[1], [1], [0], [0], [0, 0, 1, 0], [], []>, transpose_lhs_hint = false} : vector<256x768xf32>, vector<768x768xf32>, vector<256x768xf32> -> vector<256x768xf32>
    %slice3A_116 = vector.extract_strided_slice %add3A_52 {offsets = [0, 5], sizes = [256, 1], strides = [1, 1]} : vector<256x128xf32> to vector<256x1xf32>
    %mul3A_117 = vector.broadcast %slice3A_116 : vector<256x1xf32> to vector<256x768xf32>
    %mul3A_118 = arith.mulf %mul3A_117, %dot_general3A_115 : vector<256x768xf32>
    %add3A_119 = arith.addf %add3A_108, %mul3A_118 : vector<256x768xf32>
    %get3A_120 = arith.constant 6 : index
    %get3A_121 = arith.constant 0 : index
    %get3A_122 = arith.constant 0 : index
    %get3A_123 = vector.load %arg5[%get3A_120, %get3A_121, %get3A_122] : memref<8x768x768xf32, #tpu.memory_space<vmem>>, vector<1x768x768xf32>
    %get3A_124 = vector.shape_cast %get3A_123 : vector<1x768x768xf32> to vector<768x768xf32>
    %dot_general3A_125 = arith.constant dense<0.000000e+00> : vector<256x768xf32>
    %dot_general3A_126 = tpu.matmul %dot_general3A_7, %get3A_124, %dot_general3A_125 {dimension_numbers = #tpu.dot_dimension_numbers<[1], [1], [0], [0], [0, 0, 1, 0], [], []>, transpose_lhs_hint = false} : vector<256x768xf32>, vector<768x768xf32>, vector<256x768xf32> -> vector<256x768xf32>
    %slice3A_127 = vector.extract_strided_slice %add3A_52 {offsets = [0, 6], sizes = [256, 1], strides = [1, 1]} : vector<256x128xf32> to vector<256x1xf32>
    %mul3A_128 = vector.broadcast %slice3A_127 : vector<256x1xf32> to vector<256x768xf32>
    %mul3A_129 = arith.mulf %mul3A_128, %dot_general3A_126 : vector<256x768xf32>
    %add3A_130 = arith.addf %add3A_119, %mul3A_129 : vector<256x768xf32>
    %get3A_131 = arith.constant 7 : index
    %get3A_132 = arith.constant 0 : index
    %get3A_133 = arith.constant 0 : index
    %get3A_134 = vector.load %arg5[%get3A_131, %get3A_132, %get3A_133] : memref<8x768x768xf32, #tpu.memory_space<vmem>>, vector<1x768x768xf32>
    %get3A_135 = vector.shape_cast %get3A_134 : vector<1x768x768xf32> to vector<768x768xf32>
    %dot_general3A_136 = arith.constant dense<0.000000e+00> : vector<256x768xf32>
    %dot_general3A_137 = tpu.matmul %dot_general3A_7, %get3A_135, %dot_general3A_136 {dimension_numbers = #tpu.dot_dimension_numbers<[1], [1], [0], [0], [0, 0, 1, 0], [], []>, transpose_lhs_hint = false} : vector<256x768xf32>, vector<768x768xf32>, vector<256x768xf32> -> vector<256x768xf32>
    %slice3A_138 = vector.extract_strided_slice %add3A_52 {offsets = [0, 7], sizes = [256, 1], strides = [1, 1]} : vector<256x128xf32> to vector<256x1xf32>
    %mul3A_139 = vector.broadcast %slice3A_138 : vector<256x1xf32> to vector<256x768xf32>
    %mul3A_140 = arith.mulf %mul3A_139, %dot_general3A_137 : vector<256x768xf32>
    %add3A_141 = arith.addf %add3A_130, %mul3A_140 : vector<256x768xf32>
    %max3A = arith.constant 0.000000e+00 : f32
    %max3A_142 = vector.broadcast %max3A : f32 to vector<256x768xf32>
    %max3A_143 = arith.maximumf %add3A_141, %max3A_142 : vector<256x768xf32>
    %swap3A = arith.constant 0 : index
    %swap3A_144 = arith.constant 0 : index
    %swap3A_145 = vector.load %arg6[%swap3A, %swap3A_144] : memref<256x768xf32, #tpu.memory_space<vmem>>, vector<256x768xf32>
    tpu.vector_store %arg6[%swap3A, %swap3A_144], %max3A_143 {strides = array<i32>} : memref<256x768xf32, #tpu.memory_space<vmem>>, vector<256x768xf32>,
    return
  }
  func.func @transform_0(%arg0: i32) -> (i32, i32) {
    %c0_i32 = arith.constant 0 : i32
    %c0_i32_0 = arith.constant 0 : i32
    return %arg0, %c0_i32 : i32, i32
  }
  func.func @transform_1(%arg0: i32) -> (i32, i32) {
    %c0_i32 = arith.constant 0 : i32
    %c0_i32_0 = arith.constant 0 : i32
    %c0_i32_1 = arith.constant 0 : i32
    return %c0_i32, %c0_i32_0 : i32, i32
  }
  func.func @transform_2(%arg0: i32) -> (i32, i32) {
    %c0_i32 = arith.constant 0 : i32
    %c0_i32_0 = arith.constant 0 : i32
    %c0_i32_1 = arith.constant 0 : i32
    return %c0_i32, %c0_i32_0 : i32, i32
  }
  func.func @transform_3(%arg0: i32) -> (i32, i32) {
    %c0_i32 = arith.constant 0 : i32
    %c0_i32_0 = arith.constant 0 : i32
    %c0_i32_1 = arith.constant 0 : i32
    return %c0_i32, %c0_i32_0 : i32, i32
  }
  func.func @transform_4(%arg0: i32) -> (i32, i32, i32) {
    %c0_i32 = arith.constant 0 : i32
    %c0_i32_0 = arith.constant 0 : i32
    %c0_i32_1 = arith.constant 0 : i32
    %c0_i32_2 = arith.constant 0 : i32
    return %c0_i32, %c0_i32_0, %c0_i32_1 : i32, i32, i32
  }
  func.func @transform_5(%arg0: i32) -> (i32, i32) {
    %c0_i32 = arith.constant 0 : i32
    %c0_i32_0 = arith.constant 0 : i32
    return %arg0, %c0_i32 : i32, i32
  }
}

module attributes {stable_mosaic.version = 14 : i64} {
  func.func @_conv_kernel(%arg0: i32, %arg1: memref<2056x768xf32, #tpu.memory_space<vmem>>, %arg2: memref<5x768x768xf32, #tpu.memory_space<vmem>>, %arg3: memref<768x128xf32, #tpu.memory_space<vmem>>, %arg4: memref<1x128xf32, #tpu.memory_space<vmem>>, %arg5: memref<256x768xf32, #tpu.memory_space<vmem>>, %arg6: memref<256x768xf32, #tpu.memory_space<vmem>>, %arg7: memref<4096x1xi32, #tpu.memory_space<vmem>>, %arg8: memref<8x128xi32, #tpu.memory_space<vmem>>, %arg9: memref<4096x128xf32, #tpu.memory_space<vmem>>, %arg10: memref<4096x128xf32, #tpu.memory_space<vmem>>) attributes {dimension_semantics = [#tpu.dimension_semantics<arbitrary>], iteration_bounds = array<i64: 9>, scalar_prefetch = 0 : i64, scratch_operands = 2 : i64, tpu.core_type = #tpu.core_type<tc>, window_params = [{pipeline_mode = #tpu.pipeline_mode<synchronous>, transform_indices = @transform_0, window_bounds = array<i64: 2056, 768>}, {pipeline_mode = #tpu.pipeline_mode<synchronous>, transform_indices = @transform_1, window_bounds = array<i64: 5, 768, 768>}, {pipeline_mode = #tpu.pipeline_mode<synchronous>, transform_indices = @transform_2, window_bounds = array<i64: 768, 128>}, {pipeline_mode = #tpu.pipeline_mode<synchronous>, transform_indices = @transform_3, window_bounds = array<i64: 1, 128>}, {transform_indices = @transform_4, window_bounds = array<i64: 256, 768>}, {transform_indices = @transform_5, window_bounds = array<i64: 256, 768>}, {pipeline_mode = #tpu.pipeline_mode<synchronous>, transform_indices = @transform_6, window_bounds = array<i64: 4096, 1>}, {pipeline_mode = #tpu.pipeline_mode<synchronous>, transform_indices = @transform_7, window_bounds = array<i64: 8, 128>}]} {
    %lt3A = arith.constant 8 : i32
    %lt3A_0 = arith.cmpi slt, %arg0, %lt3A : i32
    %convert_element_type3A = arith.extui %lt3A_0 : i1 to i32
    %cond3A = arith.constant 0 : i32
    %cond3A_1 = arith.cmpi ne, %convert_element_type3A, %cond3A : i32
    scf.if %cond3A_1 {
      %min3A = arith.constant 7 : i32
      %min3A_6 = arith.minsi %arg0, %min3A : i32
      %mul3A = arith.constant 256 : i32
      %mul3A_7 = arith.muli %min3A_6, %mul3A : i32
      %get3A = arith.index_cast %mul3A_7 : i32 to index
      %get3A_8 = arith.constant 0 : index
      %get3A_9 = vector.load %arg1[%get3A, %get3A_8] : memref<2056x768xf32, #tpu.memory_space<vmem>>, vector<264x768xf32>
      %broadcast_in_dim3A = arith.constant 0.000000e+00 : f32
      %broadcast_in_dim3A_10 = vector.broadcast %broadcast_in_dim3A : f32 to vector<256x768xf32>
      %slice3A = vector.extract_strided_slice %get3A_9 {offsets = [4, 0], sizes = [256, 768], strides = [1, 1]} : vector<264x768xf32> to vector<256x768xf32>
      %get3A_11 = arith.constant 0 : index
      %get3A_12 = arith.constant 0 : index
      %get3A_13 = arith.constant 0 : index
      %get3A_14 = vector.load %arg2[%get3A_11, %get3A_12, %get3A_13] : memref<5x768x768xf32, #tpu.memory_space<vmem>>, vector<1x768x768xf32>
      %get3A_15 = vector.shape_cast %get3A_14 : vector<1x768x768xf32> to vector<768x768xf32>
      %dot_general3A = arith.constant dense<0.000000e+00> : vector<256x768xf32>
      %dot_general3A_16 = tpu.matmul %slice3A, %get3A_15, %dot_general3A {dimension_numbers = #tpu.dot_dimension_numbers<[1], [1], [0], [0], [0, 0, 1, 0], [], []>, transpose_lhs_hint = false} : vector<256x768xf32>, vector<768x768xf32>, vector<256x768xf32> -> vector<256x768xf32>
      %add3A = arith.addf %broadcast_in_dim3A_10, %dot_general3A_16 : vector<256x768xf32>
      %slice3A_17 = vector.extract_strided_slice %get3A_9 {offsets = [5, 0], sizes = [256, 768], strides = [1, 1]} : vector<264x768xf32> to vector<256x768xf32>
      %get3A_18 = arith.constant 1 : index
      %get3A_19 = arith.constant 0 : index
      %get3A_20 = arith.constant 0 : index
      %get3A_21 = vector.load %arg2[%get3A_18, %get3A_19, %get3A_20] : memref<5x768x768xf32, #tpu.memory_space<vmem>>, vector<1x768x768xf32>
      %get3A_22 = vector.shape_cast %get3A_21 : vector<1x768x768xf32> to vector<768x768xf32>
      %dot_general3A_23 = arith.constant dense<0.000000e+00> : vector<256x768xf32>
      %dot_general3A_24 = tpu.matmul %slice3A_17, %get3A_22, %dot_general3A_23 {dimension_numbers = #tpu.dot_dimension_numbers<[1], [1], [0], [0], [0, 0, 1, 0], [], []>, transpose_lhs_hint = false} : vector<256x768xf32>, vector<768x768xf32>, vector<256x768xf32> -> vector<256x768xf32>
      %add3A_25 = arith.addf %add3A, %dot_general3A_24 : vector<256x768xf32>
      %slice3A_26 = vector.extract_strided_slice %get3A_9 {offsets = [6, 0], sizes = [256, 768], strides = [1, 1]} : vector<264x768xf32> to vector<256x768xf32>
      %get3A_27 = arith.constant 2 : index
      %get3A_28 = arith.constant 0 : index
      %get3A_29 = arith.constant 0 : index
      %get3A_30 = vector.load %arg2[%get3A_27, %get3A_28, %get3A_29] : memref<5x768x768xf32, #tpu.memory_space<vmem>>, vector<1x768x768xf32>
      %get3A_31 = vector.shape_cast %get3A_30 : vector<1x768x768xf32> to vector<768x768xf32>
      %dot_general3A_32 = arith.constant dense<0.000000e+00> : vector<256x768xf32>
      %dot_general3A_33 = tpu.matmul %slice3A_26, %get3A_31, %dot_general3A_32 {dimension_numbers = #tpu.dot_dimension_numbers<[1], [1], [0], [0], [0, 0, 1, 0], [], []>, transpose_lhs_hint = false} : vector<256x768xf32>, vector<768x768xf32>, vector<256x768xf32> -> vector<256x768xf32>
      %add3A_34 = arith.addf %add3A_25, %dot_general3A_33 : vector<256x768xf32>
      %slice3A_35 = vector.extract_strided_slice %get3A_9 {offsets = [7, 0], sizes = [256, 768], strides = [1, 1]} : vector<264x768xf32> to vector<256x768xf32>
      %get3A_36 = arith.constant 3 : index
      %get3A_37 = arith.constant 0 : index
      %get3A_38 = arith.constant 0 : index
      %get3A_39 = vector.load %arg2[%get3A_36, %get3A_37, %get3A_38] : memref<5x768x768xf32, #tpu.memory_space<vmem>>, vector<1x768x768xf32>
      %get3A_40 = vector.shape_cast %get3A_39 : vector<1x768x768xf32> to vector<768x768xf32>
      %dot_general3A_41 = arith.constant dense<0.000000e+00> : vector<256x768xf32>
      %dot_general3A_42 = tpu.matmul %slice3A_35, %get3A_40, %dot_general3A_41 {dimension_numbers = #tpu.dot_dimension_numbers<[1], [1], [0], [0], [0, 0, 1, 0], [], []>, transpose_lhs_hint = false} : vector<256x768xf32>, vector<768x768xf32>, vector<256x768xf32> -> vector<256x768xf32>
      %add3A_43 = arith.addf %add3A_34, %dot_general3A_42 : vector<256x768xf32>
      %slice3A_44 = vector.extract_strided_slice %get3A_9 {offsets = [8, 0], sizes = [256, 768], strides = [1, 1]} : vector<264x768xf32> to vector<256x768xf32>
      %get3A_45 = arith.constant 4 : index
      %get3A_46 = arith.constant 0 : index
      %get3A_47 = arith.constant 0 : index
      %get3A_48 = vector.load %arg2[%get3A_45, %get3A_46, %get3A_47] : memref<5x768x768xf32, #tpu.memory_space<vmem>>, vector<1x768x768xf32>
      %get3A_49 = vector.shape_cast %get3A_48 : vector<1x768x768xf32> to vector<768x768xf32>
      %dot_general3A_50 = arith.constant dense<0.000000e+00> : vector<256x768xf32>
      %dot_general3A_51 = tpu.matmul %slice3A_44, %get3A_49, %dot_general3A_50 {dimension_numbers = #tpu.dot_dimension_numbers<[1], [1], [0], [0], [0, 0, 1, 0], [], []>, transpose_lhs_hint = false} : vector<256x768xf32>, vector<768x768xf32>, vector<256x768xf32> -> vector<256x768xf32>
      %add3A_52 = arith.addf %add3A_43, %dot_general3A_51 : vector<256x768xf32>
      %max3A = arith.constant 0.000000e+00 : f32
      %max3A_53 = vector.broadcast %max3A : f32 to vector<256x768xf32>
      %max3A_54 = arith.maximumf %add3A_52, %max3A_53 : vector<256x768xf32>
      %get3A_55 = arith.constant 0 : index
      %get3A_56 = arith.constant 0 : index
      %get3A_57 = vector.load %arg3[%get3A_55, %get3A_56] : memref<768x128xf32, #tpu.memory_space<vmem>>, vector<768x128xf32>
      %dot_general3A_58 = arith.constant dense<0.000000e+00> : vector<256x128xf32>
      %dot_general3A_59 = tpu.matmul %max3A_54, %get3A_57, %dot_general3A_58 {dimension_numbers = #tpu.dot_dimension_numbers<[1], [0], [0], [1], [0, 0, 1, 1], [], []>, transpose_lhs_hint = false} : vector<256x768xf32>, vector<768x128xf32>, vector<256x128xf32> -> vector<256x128xf32>
      %get3A_60 = arith.constant 0 : index
      %get3A_61 = arith.constant 0 : index
      %get3A_62 = vector.load %arg4[%get3A_60, %get3A_61] : memref<1x128xf32, #tpu.memory_space<vmem>>, vector<1x128xf32>
      %add3A_63 = vector.broadcast %get3A_62 : vector<1x128xf32> to vector<256x128xf32>
      %add3A_64 = arith.addf %dot_general3A_59, %add3A_63 : vector<256x128xf32>
      %iota3A = tpu.iota {dimensions = array<i32: 1>} : vector<256x128xi32>
      %lt3A_65 = arith.constant 8 : i32
      %lt3A_66 = vector.broadcast %lt3A_65 : i32 to vector<256x128xi32>
      %lt3A_67 = arith.cmpi slt, %iota3A, %lt3A_66 : vector<256x128xi32>
      %jit3A = arith.constant -1.000000e+30 : f32
      %broadcast_in_dim3A_68 = vector.broadcast %jit3A : f32 to vector<256x128xf32>
      %select_n3A = arith.select %lt3A_67, %add3A_64, %broadcast_in_dim3A_68 : vector<256x128xi1>, vector<256x128xf32>
      %argmax3A = tpu.reduce_index %select_n3A {axis = 1 : i32, kind = #tpu.reduction_kind<arg_max>} : vector<256x128xf32> -> vector<256xi32>
      %broadcast_in_dim3A_69 = vector.shape_cast %argmax3A : vector<256xi32> to vector<256x1xi32>
      %reduce_max3A = arith.constant dense<0xFF800000> : vector<256xf32>
      %reduce_max3A_70 = vector.multi_reduction <maximumf>, %select_n3A, %reduce_max3A [1] : vector<256x128xf32> to vector<256xf32>
      %broadcast_in_dim3A_71 = vector.shape_cast %reduce_max3A_70 : vector<256xf32> to vector<256x1xf32>
      %eq3A_72 = vector.broadcast %broadcast_in_dim3A_69 : vector<256x1xi32> to vector<256x128xi32>
      %eq3A_73 = arith.cmpi eq, %iota3A, %eq3A_72 : vector<256x128xi32>
      %jit3A_74 = arith.constant -1.000000e+30 : f32
      %broadcast_in_dim3A_75 = vector.broadcast %jit3A_74 : f32 to vector<256x128xf32>
      %select_n3A_76 = arith.select %eq3A_73, %broadcast_in_dim3A_75, %select_n3A : vector<256x128xi1>, vector<256x128xf32>
      %argmax3A_77 = tpu.reduce_index %select_n3A_76 {axis = 1 : i32, kind = #tpu.reduction_kind<arg_max>} : vector<256x128xf32> -> vector<256xi32>
      %broadcast_in_dim3A_78 = vector.shape_cast %argmax3A_77 : vector<256xi32> to vector<256x1xi32>
      %reduce_max3A_79 = arith.constant dense<0xFF800000> : vector<256xf32>
      %reduce_max3A_80 = vector.multi_reduction <maximumf>, %select_n3A_76, %reduce_max3A_79 [1] : vector<256x128xf32> to vector<256xf32>
      %broadcast_in_dim3A_81 = vector.shape_cast %reduce_max3A_80 : vector<256xf32> to vector<256x1xf32>
      %sub3A = arith.subf %broadcast_in_dim3A_71, %broadcast_in_dim3A_81 : vector<256x1xf32>
      %logistic3A = arith.negf %sub3A : vector<256x1xf32>
      %logistic3A_82 = math.exp %logistic3A : vector<256x1xf32>
      %logistic3A_83 = arith.constant 1.000000e+00 : f32
      %logistic3A_84 = vector.broadcast %logistic3A_83 : f32 to vector<256x1xf32>
      %logistic3A_85 = arith.addf %logistic3A_84, %logistic3A_82 : vector<256x1xf32>
      %logistic3A_86 = arith.divf %logistic3A_84, %logistic3A_85 : vector<256x1xf32>
      %eq3A_87 = vector.broadcast %broadcast_in_dim3A_69 : vector<256x1xi32> to vector<256x128xi32>
      %eq3A_88 = arith.cmpi eq, %iota3A, %eq3A_87 : vector<256x128xi32>
      %convert_element_type3A_89 = arith.extui %eq3A_88 : vector<256x128xi1> to vector<256x128xi32>
      %convert_element_type3A_90 = arith.sitofp %convert_element_type3A_89 : vector<256x128xi32> to vector<256x128xf32>
      %eq3A_91 = vector.broadcast %broadcast_in_dim3A_78 : vector<256x1xi32> to vector<256x128xi32>
      %eq3A_92 = arith.cmpi eq, %iota3A, %eq3A_91 : vector<256x128xi32>
      %convert_element_type3A_93 = arith.extui %eq3A_92 : vector<256x128xi1> to vector<256x128xi32>
      %convert_element_type3A_94 = arith.sitofp %convert_element_type3A_93 : vector<256x128xi32> to vector<256x128xf32>
      %sub3A_95 = arith.constant 1.000000e+00 : f32
      %sub3A_96 = vector.broadcast %sub3A_95 : f32 to vector<256x1xf32>
      %sub3A_97 = arith.subf %sub3A_96, %logistic3A_86 : vector<256x1xf32>
      %mul3A_98 = vector.broadcast %logistic3A_86 : vector<256x1xf32> to vector<256x768xf32>
      %mul3A_99 = arith.mulf %max3A_54, %mul3A_98 : vector<256x768xf32>
      %swap3A = arith.constant 0 : index
      %swap3A_100 = arith.constant 0 : index
      %swap3A_101 = vector.load %arg5[%swap3A, %swap3A_100] : memref<256x768xf32, #tpu.memory_space<vmem>>, vector<256x768xf32>
      tpu.vector_store %arg5[%swap3A, %swap3A_100], %mul3A_99 {strides = array<i32>} : memref<256x768xf32, #tpu.memory_space<vmem>>, vector<256x768xf32>,
      %mul3A_102 = vector.broadcast %sub3A_97 : vector<256x1xf32> to vector<256x768xf32>
      %mul3A_103 = arith.mulf %max3A_54, %mul3A_102 : vector<256x768xf32>
      %swap3A_104 = arith.constant 0 : index
      %swap3A_105 = arith.constant 0 : index
      %swap3A_106 = vector.load %arg6[%swap3A_104, %swap3A_105] : memref<256x768xf32, #tpu.memory_space<vmem>>, vector<256x768xf32>
      tpu.vector_store %arg6[%swap3A_104, %swap3A_105], %mul3A_103 {strides = array<i32>} : memref<256x768xf32, #tpu.memory_space<vmem>>, vector<256x768xf32>,
      %mul3A_107 = arith.constant 256 : i32
      %mul3A_108 = arith.muli %min3A_6, %mul3A_107 : i32
      %swap3A_109 = arith.index_cast %mul3A_108 : i32 to index
      %swap3A_110 = arith.constant 0 : index
      %swap3A_111 = vector.load %arg9[%swap3A_109, %swap3A_110] : memref<4096x128xf32, #tpu.memory_space<vmem>>, vector<256x128xf32>
      tpu.vector_store %arg9[%swap3A_109, %swap3A_110], %convert_element_type3A_90 {strides = array<i32>} : memref<4096x128xf32, #tpu.memory_space<vmem>>, vector<256x128xf32>,
      %mul3A_112 = arith.constant 256 : i32
      %mul3A_113 = arith.muli %min3A_6, %mul3A_112 : i32
      %add3A_114 = arith.constant 2048 : i32
      %add3A_115 = arith.addi %add3A_114, %mul3A_113 : i32
      %swap3A_116 = arith.index_cast %add3A_115 : i32 to index
      %swap3A_117 = arith.constant 0 : index
      %swap3A_118 = vector.load %arg9[%swap3A_116, %swap3A_117] : memref<4096x128xf32, #tpu.memory_space<vmem>>, vector<256x128xf32>
      tpu.vector_store %arg9[%swap3A_116, %swap3A_117], %convert_element_type3A_94 {strides = array<i32>} : memref<4096x128xf32, #tpu.memory_space<vmem>>, vector<256x128xf32>,
    } else {
    }
    %eq3A = arith.constant 8 : i32
    %eq3A_2 = arith.cmpi eq, %arg0, %eq3A : i32
    %convert_element_type3A_3 = arith.extui %eq3A_2 : i1 to i32
    %cond3A_4 = arith.constant 0 : i32
    %cond3A_5 = arith.cmpi ne, %convert_element_type3A_3, %cond3A_4 : i32
    scf.if %cond3A_5 {
      %iota3A = tpu.iota {dimensions = array<i32: 0>} : vector<256x256xi32>
      %iota3A_6 = tpu.iota {dimensions = array<i32: 1>} : vector<256x256xi32>
      %lt3A_7 = arith.cmpi slt, %iota3A_6, %iota3A : vector<256x256xi32>
      %convert_element_type3A_8 = arith.extui %lt3A_7 : vector<256x256xi1> to vector<256x256xi32>
      %convert_element_type3A_9 = arith.sitofp %convert_element_type3A_8 : vector<256x256xi32> to vector<256x256xf32>
      %broadcast_in_dim3A = arith.constant 0.000000e+00 : f32
      %broadcast_in_dim3A_10 = vector.broadcast %broadcast_in_dim3A : f32 to vector<1x128xf32>
      %get3A = arith.constant 0 : index
      %get3A_11 = arith.constant 0 : index
      %get3A_12 = vector.load %arg9[%get3A, %get3A_11] : memref<4096x128xf32, #tpu.memory_space<vmem>>, vector<256x128xf32>
      %dot_general3A = arith.constant dense<0.000000e+00> : vector<256x128xf32>
      %dot_general3A_13 = tpu.matmul %convert_element_type3A_9, %get3A_12, %dot_general3A {dimension_numbers = #tpu.dot_dimension_numbers<[1], [0], [0], [1], [0, 0, 1, 1], [], []>, transpose_lhs_hint = false} : vector<256x256xf32>, vector<256x128xf32>, vector<256x128xf32> -> vector<256x128xf32>
      %add3A = vector.broadcast %broadcast_in_dim3A_10 : vector<1x128xf32> to vector<256x128xf32>
      %add3A_14 = arith.addf %dot_general3A_13, %add3A : vector<256x128xf32>
      %swap3A = arith.constant 0 : index
      %swap3A_15 = arith.constant 0 : index
      %swap3A_16 = vector.load %arg10[%swap3A, %swap3A_15] : memref<4096x128xf32, #tpu.memory_space<vmem>>, vector<256x128xf32>
      tpu.vector_store %arg10[%swap3A, %swap3A_15], %add3A_14 {strides = array<i32>} : memref<4096x128xf32, #tpu.memory_space<vmem>>, vector<256x128xf32>,
      %reduce_sum3A = arith.constant dense<0.000000e+00> : vector<128xf32>
      %reduce_sum3A_17 = vector.multi_reduction <add>, %get3A_12, %reduce_sum3A [0] : vector<256x128xf32> to vector<128xf32>
      %broadcast_in_dim3A_18 = vector.shape_cast %reduce_sum3A_17 : vector<128xf32> to vector<1x128xf32>
      %add3A_19 = arith.addf %broadcast_in_dim3A_10, %broadcast_in_dim3A_18 : vector<1x128xf32>
      %get3A_20 = arith.constant 256 : index
      %get3A_21 = arith.constant 0 : index
      %get3A_22 = vector.load %arg9[%get3A_20, %get3A_21] : memref<4096x128xf32, #tpu.memory_space<vmem>>, vector<256x128xf32>
      %dot_general3A_23 = arith.constant dense<0.000000e+00> : vector<256x128xf32>
      %dot_general3A_24 = tpu.matmul %convert_element_type3A_9, %get3A_22, %dot_general3A_23 {dimension_numbers = #tpu.dot_dimension_numbers<[1], [0], [0], [1], [0, 0, 1, 1], [], []>, transpose_lhs_hint = false} : vector<256x256xf32>, vector<256x128xf32>, vector<256x128xf32> -> vector<256x128xf32>
      %add3A_25 = vector.broadcast %add3A_19 : vector<1x128xf32> to vector<256x128xf32>
      %add3A_26 = arith.addf %dot_general3A_24, %add3A_25 : vector<256x128xf32>
      %swap3A_27 = arith.constant 256 : index
      %swap3A_28 = arith.constant 0 : index
      %swap3A_29 = vector.load %arg10[%swap3A_27, %swap3A_28] : memref<4096x128xf32, #tpu.memory_space<vmem>>, vector<256x128xf32>
      tpu.vector_store %arg10[%swap3A_27, %swap3A_28], %add3A_26 {strides = array<i32>} : memref<4096x128xf32, #tpu.memory_space<vmem>>, vector<256x128xf32>,
      %reduce_sum3A_30 = arith.constant dense<0.000000e+00> : vector<128xf32>
      %reduce_sum3A_31 = vector.multi_reduction <add>, %get3A_22, %reduce_sum3A_30 [0] : vector<256x128xf32> to vector<128xf32>
      %broadcast_in_dim3A_32 = vector.shape_cast %reduce_sum3A_31 : vector<128xf32> to vector<1x128xf32>
      %add3A_33 = arith.addf %add3A_19, %broadcast_in_dim3A_32 : vector<1x128xf32>
      %get3A_34 = arith.constant 512 : index
      %get3A_35 = arith.constant 0 : index
      %get3A_36 = vector.load %arg9[%get3A_34, %get3A_35] : memref<4096x128xf32, #tpu.memory_space<vmem>>, vector<256x128xf32>
      %dot_general3A_37 = arith.constant dense<0.000000e+00> : vector<256x128xf32>
      %dot_general3A_38 = tpu.matmul %convert_element_type3A_9, %get3A_36, %dot_general3A_37 {dimension_numbers = #tpu.dot_dimension_numbers<[1], [0], [0], [1], [0, 0, 1, 1], [], []>, transpose_lhs_hint = false} : vector<256x256xf32>, vector<256x128xf32>, vector<256x128xf32> -> vector<256x128xf32>
      %add3A_39 = vector.broadcast %add3A_33 : vector<1x128xf32> to vector<256x128xf32>
      %add3A_40 = arith.addf %dot_general3A_38, %add3A_39 : vector<256x128xf32>
      %swap3A_41 = arith.constant 512 : index
      %swap3A_42 = arith.constant 0 : index
      %swap3A_43 = vector.load %arg10[%swap3A_41, %swap3A_42] : memref<4096x128xf32, #tpu.memory_space<vmem>>, vector<256x128xf32>
      tpu.vector_store %arg10[%swap3A_41, %swap3A_42], %add3A_40 {strides = array<i32>} : memref<4096x128xf32, #tpu.memory_space<vmem>>, vector<256x128xf32>,
      %reduce_sum3A_44 = arith.constant dense<0.000000e+00> : vector<128xf32>
      %reduce_sum3A_45 = vector.multi_reduction <add>, %get3A_36, %reduce_sum3A_44 [0] : vector<256x128xf32> to vector<128xf32>
      %broadcast_in_dim3A_46 = vector.shape_cast %reduce_sum3A_45 : vector<128xf32> to vector<1x128xf32>
      %add3A_47 = arith.addf %add3A_33, %broadcast_in_dim3A_46 : vector<1x128xf32>
      %get3A_48 = arith.constant 768 : index
      %get3A_49 = arith.constant 0 : index
      %get3A_50 = vector.load %arg9[%get3A_48, %get3A_49] : memref<4096x128xf32, #tpu.memory_space<vmem>>, vector<256x128xf32>
      %dot_general3A_51 = arith.constant dense<0.000000e+00> : vector<256x128xf32>
      %dot_general3A_52 = tpu.matmul %convert_element_type3A_9, %get3A_50, %dot_general3A_51 {dimension_numbers = #tpu.dot_dimension_numbers<[1], [0], [0], [1], [0, 0, 1, 1], [], []>, transpose_lhs_hint = false} : vector<256x256xf32>, vector<256x128xf32>, vector<256x128xf32> -> vector<256x128xf32>
      %add3A_53 = vector.broadcast %add3A_47 : vector<1x128xf32> to vector<256x128xf32>
      %add3A_54 = arith.addf %dot_general3A_52, %add3A_53 : vector<256x128xf32>
      %swap3A_55 = arith.constant 768 : index
      %swap3A_56 = arith.constant 0 : index
      %swap3A_57 = vector.load %arg10[%swap3A_55, %swap3A_56] : memref<4096x128xf32, #tpu.memory_space<vmem>>, vector<256x128xf32>
      tpu.vector_store %arg10[%swap3A_55, %swap3A_56], %add3A_54 {strides = array<i32>} : memref<4096x128xf32, #tpu.memory_space<vmem>>, vector<256x128xf32>,
      %reduce_sum3A_58 = arith.constant dense<0.000000e+00> : vector<128xf32>
      %reduce_sum3A_59 = vector.multi_reduction <add>, %get3A_50, %reduce_sum3A_58 [0] : vector<256x128xf32> to vector<128xf32>
      %broadcast_in_dim3A_60 = vector.shape_cast %reduce_sum3A_59 : vector<128xf32> to vector<1x128xf32>
      %add3A_61 = arith.addf %add3A_47, %broadcast_in_dim3A_60 : vector<1x128xf32>
      %get3A_62 = arith.constant 1024 : index
      %get3A_63 = arith.constant 0 : index
      %get3A_64 = vector.load %arg9[%get3A_62, %get3A_63] : memref<4096x128xf32, #tpu.memory_space<vmem>>, vector<256x128xf32>
      %dot_general3A_65 = arith.constant dense<0.000000e+00> : vector<256x128xf32>
      %dot_general3A_66 = tpu.matmul %convert_element_type3A_9, %get3A_64, %dot_general3A_65 {dimension_numbers = #tpu.dot_dimension_numbers<[1], [0], [0], [1], [0, 0, 1, 1], [], []>, transpose_lhs_hint = false} : vector<256x256xf32>, vector<256x128xf32>, vector<256x128xf32> -> vector<256x128xf32>
      %add3A_67 = vector.broadcast %add3A_61 : vector<1x128xf32> to vector<256x128xf32>
      %add3A_68 = arith.addf %dot_general3A_66, %add3A_67 : vector<256x128xf32>
      %swap3A_69 = arith.constant 1024 : index
      %swap3A_70 = arith.constant 0 : index
      %swap3A_71 = vector.load %arg10[%swap3A_69, %swap3A_70] : memref<4096x128xf32, #tpu.memory_space<vmem>>, vector<256x128xf32>
      tpu.vector_store %arg10[%swap3A_69, %swap3A_70], %add3A_68 {strides = array<i32>} : memref<4096x128xf32, #tpu.memory_space<vmem>>, vector<256x128xf32>,
      %reduce_sum3A_72 = arith.constant dense<0.000000e+00> : vector<128xf32>
      %reduce_sum3A_73 = vector.multi_reduction <add>, %get3A_64, %reduce_sum3A_72 [0] : vector<256x128xf32> to vector<128xf32>
      %broadcast_in_dim3A_74 = vector.shape_cast %reduce_sum3A_73 : vector<128xf32> to vector<1x128xf32>
      %add3A_75 = arith.addf %add3A_61, %broadcast_in_dim3A_74 : vector<1x128xf32>
      %get3A_76 = arith.constant 1280 : index
      %get3A_77 = arith.constant 0 : index
      %get3A_78 = vector.load %arg9[%get3A_76, %get3A_77] : memref<4096x128xf32, #tpu.memory_space<vmem>>, vector<256x128xf32>
      %dot_general3A_79 = arith.constant dense<0.000000e+00> : vector<256x128xf32>
      %dot_general3A_80 = tpu.matmul %convert_element_type3A_9, %get3A_78, %dot_general3A_79 {dimension_numbers = #tpu.dot_dimension_numbers<[1], [0], [0], [1], [0, 0, 1, 1], [], []>, transpose_lhs_hint = false} : vector<256x256xf32>, vector<256x128xf32>, vector<256x128xf32> -> vector<256x128xf32>
      %add3A_81 = vector.broadcast %add3A_75 : vector<1x128xf32> to vector<256x128xf32>
      %add3A_82 = arith.addf %dot_general3A_80, %add3A_81 : vector<256x128xf32>
      %swap3A_83 = arith.constant 1280 : index
      %swap3A_84 = arith.constant 0 : index
      %swap3A_85 = vector.load %arg10[%swap3A_83, %swap3A_84] : memref<4096x128xf32, #tpu.memory_space<vmem>>, vector<256x128xf32>
      tpu.vector_store %arg10[%swap3A_83, %swap3A_84], %add3A_82 {strides = array<i32>} : memref<4096x128xf32, #tpu.memory_space<vmem>>, vector<256x128xf32>,
      %reduce_sum3A_86 = arith.constant dense<0.000000e+00> : vector<128xf32>
      %reduce_sum3A_87 = vector.multi_reduction <add>, %get3A_78, %reduce_sum3A_86 [0] : vector<256x128xf32> to vector<128xf32>
      %broadcast_in_dim3A_88 = vector.shape_cast %reduce_sum3A_87 : vector<128xf32> to vector<1x128xf32>
      %add3A_89 = arith.addf %add3A_75, %broadcast_in_dim3A_88 : vector<1x128xf32>
      %get3A_90 = arith.constant 1536 : index
      %get3A_91 = arith.constant 0 : index
      %get3A_92 = vector.load %arg9[%get3A_90, %get3A_91] : memref<4096x128xf32, #tpu.memory_space<vmem>>, vector<256x128xf32>
      %dot_general3A_93 = arith.constant dense<0.000000e+00> : vector<256x128xf32>
      %dot_general3A_94 = tpu.matmul %convert_element_type3A_9, %get3A_92, %dot_general3A_93 {dimension_numbers = #tpu.dot_dimension_numbers<[1], [0], [0], [1], [0, 0, 1, 1], [], []>, transpose_lhs_hint = false} : vector<256x256xf32>, vector<256x128xf32>, vector<256x128xf32> -> vector<256x128xf32>
      %add3A_95 = vector.broadcast %add3A_89 : vector<1x128xf32> to vector<256x128xf32>
      %add3A_96 = arith.addf %dot_general3A_94, %add3A_95 : vector<256x128xf32>
      %swap3A_97 = arith.constant 1536 : index
      %swap3A_98 = arith.constant 0 : index
      %swap3A_99 = vector.load %arg10[%swap3A_97, %swap3A_98] : memref<4096x128xf32, #tpu.memory_space<vmem>>, vector<256x128xf32>
      tpu.vector_store %arg10[%swap3A_97, %swap3A_98], %add3A_96 {strides = array<i32>} : memref<4096x128xf32, #tpu.memory_space<vmem>>, vector<256x128xf32>,
      %reduce_sum3A_100 = arith.constant dense<0.000000e+00> : vector<128xf32>
      %reduce_sum3A_101 = vector.multi_reduction <add>, %get3A_92, %reduce_sum3A_100 [0] : vector<256x128xf32> to vector<128xf32>
      %broadcast_in_dim3A_102 = vector.shape_cast %reduce_sum3A_101 : vector<128xf32> to vector<1x128xf32>
      %add3A_103 = arith.addf %add3A_89, %broadcast_in_dim3A_102 : vector<1x128xf32>
      %get3A_104 = arith.constant 1792 : index
      %get3A_105 = arith.constant 0 : index
      %get3A_106 = vector.load %arg9[%get3A_104, %get3A_105] : memref<4096x128xf32, #tpu.memory_space<vmem>>, vector<256x128xf32>
      %dot_general3A_107 = arith.constant dense<0.000000e+00> : vector<256x128xf32>
      %dot_general3A_108 = tpu.matmul %convert_element_type3A_9, %get3A_106, %dot_general3A_107 {dimension_numbers = #tpu.dot_dimension_numbers<[1], [0], [0], [1], [0, 0, 1, 1], [], []>, transpose_lhs_hint = false} : vector<256x256xf32>, vector<256x128xf32>, vector<256x128xf32> -> vector<256x128xf32>
      %add3A_109 = vector.broadcast %add3A_103 : vector<1x128xf32> to vector<256x128xf32>
      %add3A_110 = arith.addf %dot_general3A_108, %add3A_109 : vector<256x128xf32>
      %swap3A_111 = arith.constant 1792 : index
      %swap3A_112 = arith.constant 0 : index
      %swap3A_113 = vector.load %arg10[%swap3A_111, %swap3A_112] : memref<4096x128xf32, #tpu.memory_space<vmem>>, vector<256x128xf32>
      tpu.vector_store %arg10[%swap3A_111, %swap3A_112], %add3A_110 {strides = array<i32>} : memref<4096x128xf32, #tpu.memory_space<vmem>>, vector<256x128xf32>,
      %reduce_sum3A_114 = arith.constant dense<0.000000e+00> : vector<128xf32>
      %reduce_sum3A_115 = vector.multi_reduction <add>, %get3A_106, %reduce_sum3A_114 [0] : vector<256x128xf32> to vector<128xf32>
      %broadcast_in_dim3A_116 = vector.shape_cast %reduce_sum3A_115 : vector<128xf32> to vector<1x128xf32>
      %add3A_117 = arith.addf %add3A_103, %broadcast_in_dim3A_116 : vector<1x128xf32>
      %get3A_118 = arith.constant 2048 : index
      %get3A_119 = arith.constant 0 : index
      %get3A_120 = vector.load %arg9[%get3A_118, %get3A_119] : memref<4096x128xf32, #tpu.memory_space<vmem>>, vector<256x128xf32>
      %dot_general3A_121 = arith.constant dense<0.000000e+00> : vector<256x128xf32>
      %dot_general3A_122 = tpu.matmul %convert_element_type3A_9, %get3A_120, %dot_general3A_121 {dimension_numbers = #tpu.dot_dimension_numbers<[1], [0], [0], [1], [0, 0, 1, 1], [], []>, transpose_lhs_hint = false} : vector<256x256xf32>, vector<256x128xf32>, vector<256x128xf32> -> vector<256x128xf32>
      %add3A_123 = vector.broadcast %add3A_117 : vector<1x128xf32> to vector<256x128xf32>
      %add3A_124 = arith.addf %dot_general3A_122, %add3A_123 : vector<256x128xf32>
      %swap3A_125 = arith.constant 2048 : index
      %swap3A_126 = arith.constant 0 : index
      %swap3A_127 = vector.load %arg10[%swap3A_125, %swap3A_126] : memref<4096x128xf32, #tpu.memory_space<vmem>>, vector<256x128xf32>
      tpu.vector_store %arg10[%swap3A_125, %swap3A_126], %add3A_124 {strides = array<i32>} : memref<4096x128xf32, #tpu.memory_space<vmem>>, vector<256x128xf32>,
      %reduce_sum3A_128 = arith.constant dense<0.000000e+00> : vector<128xf32>
      %reduce_sum3A_129 = vector.multi_reduction <add>, %get3A_120, %reduce_sum3A_128 [0] : vector<256x128xf32> to vector<128xf32>
      %broadcast_in_dim3A_130 = vector.shape_cast %reduce_sum3A_129 : vector<128xf32> to vector<1x128xf32>
      %add3A_131 = arith.addf %add3A_117, %broadcast_in_dim3A_130 : vector<1x128xf32>
      %get3A_132 = arith.constant 2304 : index
      %get3A_133 = arith.constant 0 : index
      %get3A_134 = vector.load %arg9[%get3A_132, %get3A_133] : memref<4096x128xf32, #tpu.memory_space<vmem>>, vector<256x128xf32>
      %dot_general3A_135 = arith.constant dense<0.000000e+00> : vector<256x128xf32>
      %dot_general3A_136 = tpu.matmul %convert_element_type3A_9, %get3A_134, %dot_general3A_135 {dimension_numbers = #tpu.dot_dimension_numbers<[1], [0], [0], [1], [0, 0, 1, 1], [], []>, transpose_lhs_hint = false} : vector<256x256xf32>, vector<256x128xf32>, vector<256x128xf32> -> vector<256x128xf32>
      %add3A_137 = vector.broadcast %add3A_131 : vector<1x128xf32> to vector<256x128xf32>
      %add3A_138 = arith.addf %dot_general3A_136, %add3A_137 : vector<256x128xf32>
      %swap3A_139 = arith.constant 2304 : index
      %swap3A_140 = arith.constant 0 : index
      %swap3A_141 = vector.load %arg10[%swap3A_139, %swap3A_140] : memref<4096x128xf32, #tpu.memory_space<vmem>>, vector<256x128xf32>
      tpu.vector_store %arg10[%swap3A_139, %swap3A_140], %add3A_138 {strides = array<i32>} : memref<4096x128xf32, #tpu.memory_space<vmem>>, vector<256x128xf32>,
      %reduce_sum3A_142 = arith.constant dense<0.000000e+00> : vector<128xf32>
      %reduce_sum3A_143 = vector.multi_reduction <add>, %get3A_134, %reduce_sum3A_142 [0] : vector<256x128xf32> to vector<128xf32>
      %broadcast_in_dim3A_144 = vector.shape_cast %reduce_sum3A_143 : vector<128xf32> to vector<1x128xf32>
      %add3A_145 = arith.addf %add3A_131, %broadcast_in_dim3A_144 : vector<1x128xf32>
      %get3A_146 = arith.constant 2560 : index
      %get3A_147 = arith.constant 0 : index
      %get3A_148 = vector.load %arg9[%get3A_146, %get3A_147] : memref<4096x128xf32, #tpu.memory_space<vmem>>, vector<256x128xf32>
      %dot_general3A_149 = arith.constant dense<0.000000e+00> : vector<256x128xf32>
      %dot_general3A_150 = tpu.matmul %convert_element_type3A_9, %get3A_148, %dot_general3A_149 {dimension_numbers = #tpu.dot_dimension_numbers<[1], [0], [0], [1], [0, 0, 1, 1], [], []>, transpose_lhs_hint = false} : vector<256x256xf32>, vector<256x128xf32>, vector<256x128xf32> -> vector<256x128xf32>
      %add3A_151 = vector.broadcast %add3A_145 : vector<1x128xf32> to vector<256x128xf32>
      %add3A_152 = arith.addf %dot_general3A_150, %add3A_151 : vector<256x128xf32>
      %swap3A_153 = arith.constant 2560 : index
      %swap3A_154 = arith.constant 0 : index
      %swap3A_155 = vector.load %arg10[%swap3A_153, %swap3A_154] : memref<4096x128xf32, #tpu.memory_space<vmem>>, vector<256x128xf32>
      tpu.vector_store %arg10[%swap3A_153, %swap3A_154], %add3A_152 {strides = array<i32>} : memref<4096x128xf32, #tpu.memory_space<vmem>>, vector<256x128xf32>,
      %reduce_sum3A_156 = arith.constant dense<0.000000e+00> : vector<128xf32>
      %reduce_sum3A_157 = vector.multi_reduction <add>, %get3A_148, %reduce_sum3A_156 [0] : vector<256x128xf32> to vector<128xf32>
      %broadcast_in_dim3A_158 = vector.shape_cast %reduce_sum3A_157 : vector<128xf32> to vector<1x128xf32>
      %add3A_159 = arith.addf %add3A_145, %broadcast_in_dim3A_158 : vector<1x128xf32>
      %get3A_160 = arith.constant 2816 : index
      %get3A_161 = arith.constant 0 : index
      %get3A_162 = vector.load %arg9[%get3A_160, %get3A_161] : memref<4096x128xf32, #tpu.memory_space<vmem>>, vector<256x128xf32>
      %dot_general3A_163 = arith.constant dense<0.000000e+00> : vector<256x128xf32>
      %dot_general3A_164 = tpu.matmul %convert_element_type3A_9, %get3A_162, %dot_general3A_163 {dimension_numbers = #tpu.dot_dimension_numbers<[1], [0], [0], [1], [0, 0, 1, 1], [], []>, transpose_lhs_hint = false} : vector<256x256xf32>, vector<256x128xf32>, vector<256x128xf32> -> vector<256x128xf32>
      %add3A_165 = vector.broadcast %add3A_159 : vector<1x128xf32> to vector<256x128xf32>
      %add3A_166 = arith.addf %dot_general3A_164, %add3A_165 : vector<256x128xf32>
      %swap3A_167 = arith.constant 2816 : index
      %swap3A_168 = arith.constant 0 : index
      %swap3A_169 = vector.load %arg10[%swap3A_167, %swap3A_168] : memref<4096x128xf32, #tpu.memory_space<vmem>>, vector<256x128xf32>
      tpu.vector_store %arg10[%swap3A_167, %swap3A_168], %add3A_166 {strides = array<i32>} : memref<4096x128xf32, #tpu.memory_space<vmem>>, vector<256x128xf32>,
      %reduce_sum3A_170 = arith.constant dense<0.000000e+00> : vector<128xf32>
      %reduce_sum3A_171 = vector.multi_reduction <add>, %get3A_162, %reduce_sum3A_170 [0] : vector<256x128xf32> to vector<128xf32>
      %broadcast_in_dim3A_172 = vector.shape_cast %reduce_sum3A_171 : vector<128xf32> to vector<1x128xf32>
      %add3A_173 = arith.addf %add3A_159, %broadcast_in_dim3A_172 : vector<1x128xf32>
      %get3A_174 = arith.constant 3072 : index
      %get3A_175 = arith.constant 0 : index
      %get3A_176 = vector.load %arg9[%get3A_174, %get3A_175] : memref<4096x128xf32, #tpu.memory_space<vmem>>, vector<256x128xf32>
      %dot_general3A_177 = arith.constant dense<0.000000e+00> : vector<256x128xf32>
      %dot_general3A_178 = tpu.matmul %convert_element_type3A_9, %get3A_176, %dot_general3A_177 {dimension_numbers = #tpu.dot_dimension_numbers<[1], [0], [0], [1], [0, 0, 1, 1], [], []>, transpose_lhs_hint = false} : vector<256x256xf32>, vector<256x128xf32>, vector<256x128xf32> -> vector<256x128xf32>
      %add3A_179 = vector.broadcast %add3A_173 : vector<1x128xf32> to vector<256x128xf32>
      %add3A_180 = arith.addf %dot_general3A_178, %add3A_179 : vector<256x128xf32>
      %swap3A_181 = arith.constant 3072 : index
      %swap3A_182 = arith.constant 0 : index
      %swap3A_183 = vector.load %arg10[%swap3A_181, %swap3A_182] : memref<4096x128xf32, #tpu.memory_space<vmem>>, vector<256x128xf32>
      tpu.vector_store %arg10[%swap3A_181, %swap3A_182], %add3A_180 {strides = array<i32>} : memref<4096x128xf32, #tpu.memory_space<vmem>>, vector<256x128xf32>,
      %reduce_sum3A_184 = arith.constant dense<0.000000e+00> : vector<128xf32>
      %reduce_sum3A_185 = vector.multi_reduction <add>, %get3A_176, %reduce_sum3A_184 [0] : vector<256x128xf32> to vector<128xf32>
      %broadcast_in_dim3A_186 = vector.shape_cast %reduce_sum3A_185 : vector<128xf32> to vector<1x128xf32>
      %add3A_187 = arith.addf %add3A_173, %broadcast_in_dim3A_186 : vector<1x128xf32>
      %get3A_188 = arith.constant 3328 : index
      %get3A_189 = arith.constant 0 : index
      %get3A_190 = vector.load %arg9[%get3A_188, %get3A_189] : memref<4096x128xf32, #tpu.memory_space<vmem>>, vector<256x128xf32>
      %dot_general3A_191 = arith.constant dense<0.000000e+00> : vector<256x128xf32>
      %dot_general3A_192 = tpu.matmul %convert_element_type3A_9, %get3A_190, %dot_general3A_191 {dimension_numbers = #tpu.dot_dimension_numbers<[1], [0], [0], [1], [0, 0, 1, 1], [], []>, transpose_lhs_hint = false} : vector<256x256xf32>, vector<256x128xf32>, vector<256x128xf32> -> vector<256x128xf32>
      %add3A_193 = vector.broadcast %add3A_187 : vector<1x128xf32> to vector<256x128xf32>
      %add3A_194 = arith.addf %dot_general3A_192, %add3A_193 : vector<256x128xf32>
      %swap3A_195 = arith.constant 3328 : index
      %swap3A_196 = arith.constant 0 : index
      %swap3A_197 = vector.load %arg10[%swap3A_195, %swap3A_196] : memref<4096x128xf32, #tpu.memory_space<vmem>>, vector<256x128xf32>
      tpu.vector_store %arg10[%swap3A_195, %swap3A_196], %add3A_194 {strides = array<i32>} : memref<4096x128xf32, #tpu.memory_space<vmem>>, vector<256x128xf32>,
      %reduce_sum3A_198 = arith.constant dense<0.000000e+00> : vector<128xf32>
      %reduce_sum3A_199 = vector.multi_reduction <add>, %get3A_190, %reduce_sum3A_198 [0] : vector<256x128xf32> to vector<128xf32>
      %broadcast_in_dim3A_200 = vector.shape_cast %reduce_sum3A_199 : vector<128xf32> to vector<1x128xf32>
      %add3A_201 = arith.addf %add3A_187, %broadcast_in_dim3A_200 : vector<1x128xf32>
      %get3A_202 = arith.constant 3584 : index
      %get3A_203 = arith.constant 0 : index
      %get3A_204 = vector.load %arg9[%get3A_202, %get3A_203] : memref<4096x128xf32, #tpu.memory_space<vmem>>, vector<256x128xf32>
      %dot_general3A_205 = arith.constant dense<0.000000e+00> : vector<256x128xf32>
      %dot_general3A_206 = tpu.matmul %convert_element_type3A_9, %get3A_204, %dot_general3A_205 {dimension_numbers = #tpu.dot_dimension_numbers<[1], [0], [0], [1], [0, 0, 1, 1], [], []>, transpose_lhs_hint = false} : vector<256x256xf32>, vector<256x128xf32>, vector<256x128xf32> -> vector<256x128xf32>
      %add3A_207 = vector.broadcast %add3A_201 : vector<1x128xf32> to vector<256x128xf32>
      %add3A_208 = arith.addf %dot_general3A_206, %add3A_207 : vector<256x128xf32>
      %swap3A_209 = arith.constant 3584 : index
      %swap3A_210 = arith.constant 0 : index
      %swap3A_211 = vector.load %arg10[%swap3A_209, %swap3A_210] : memref<4096x128xf32, #tpu.memory_space<vmem>>, vector<256x128xf32>
      tpu.vector_store %arg10[%swap3A_209, %swap3A_210], %add3A_208 {strides = array<i32>} : memref<4096x128xf32, #tpu.memory_space<vmem>>, vector<256x128xf32>,
      %reduce_sum3A_212 = arith.constant dense<0.000000e+00> : vector<128xf32>
      %reduce_sum3A_213 = vector.multi_reduction <add>, %get3A_204, %reduce_sum3A_212 [0] : vector<256x128xf32> to vector<128xf32>
      %broadcast_in_dim3A_214 = vector.shape_cast %reduce_sum3A_213 : vector<128xf32> to vector<1x128xf32>
      %add3A_215 = arith.addf %add3A_201, %broadcast_in_dim3A_214 : vector<1x128xf32>
      %get3A_216 = arith.constant 3840 : index
      %get3A_217 = arith.constant 0 : index
      %get3A_218 = vector.load %arg9[%get3A_216, %get3A_217] : memref<4096x128xf32, #tpu.memory_space<vmem>>, vector<256x128xf32>
      %dot_general3A_219 = arith.constant dense<0.000000e+00> : vector<256x128xf32>
      %dot_general3A_220 = tpu.matmul %convert_element_type3A_9, %get3A_218, %dot_general3A_219 {dimension_numbers = #tpu.dot_dimension_numbers<[1], [0], [0], [1], [0, 0, 1, 1], [], []>, transpose_lhs_hint = false} : vector<256x256xf32>, vector<256x128xf32>, vector<256x128xf32> -> vector<256x128xf32>
      %add3A_221 = vector.broadcast %add3A_215 : vector<1x128xf32> to vector<256x128xf32>
      %add3A_222 = arith.addf %dot_general3A_220, %add3A_221 : vector<256x128xf32>
      %swap3A_223 = arith.constant 3840 : index
      %swap3A_224 = arith.constant 0 : index
      %swap3A_225 = vector.load %arg10[%swap3A_223, %swap3A_224] : memref<4096x128xf32, #tpu.memory_space<vmem>>, vector<256x128xf32>
      tpu.vector_store %arg10[%swap3A_223, %swap3A_224], %add3A_222 {strides = array<i32>} : memref<4096x128xf32, #tpu.memory_space<vmem>>, vector<256x128xf32>,
      %reduce_sum3A_226 = arith.constant dense<0.000000e+00> : vector<128xf32>
      %reduce_sum3A_227 = vector.multi_reduction <add>, %get3A_218, %reduce_sum3A_226 [0] : vector<256x128xf32> to vector<128xf32>
      %broadcast_in_dim3A_228 = vector.shape_cast %reduce_sum3A_227 : vector<128xf32> to vector<1x128xf32>
      %add3A_229 = arith.addf %add3A_215, %broadcast_in_dim3A_228 : vector<1x128xf32>
      %iota3A_230 = tpu.iota {dimensions = array<i32: 0>} : vector<128x128xi32>
      %iota3A_231 = tpu.iota {dimensions = array<i32: 1>} : vector<128x128xi32>
      %lt3A_232 = arith.cmpi slt, %iota3A_230, %iota3A_231 : vector<128x128xi32>
      %convert_element_type3A_233 = arith.extui %lt3A_232 : vector<128x128xi1> to vector<128x128xi32>
      %convert_element_type3A_234 = arith.sitofp %convert_element_type3A_233 : vector<128x128xi32> to vector<128x128xf32>
      %dot_general3A_235 = arith.constant dense<0.000000e+00> : vector<1x128xf32>
      %dot_general3A_236 = tpu.matmul %add3A_229, %convert_element_type3A_234, %dot_general3A_235 {dimension_numbers = #tpu.dot_dimension_numbers<[1], [0], [0], [1], [0, 0, 1, 1], [], []>, transpose_lhs_hint = false} : vector<1x128xf32>, vector<128x128xf32>, vector<1x128xf32> -> vector<1x128xf32>
      %get3A_237 = arith.constant 0 : index
      %get3A_238 = arith.constant 0 : index
      %get3A_239 = vector.load %arg9[%get3A_237, %get3A_238] : memref<4096x128xf32, #tpu.memory_space<vmem>>, vector<256x128xf32>
      %get3A_240 = arith.constant 0 : index
      %get3A_241 = arith.constant 0 : index
      %get3A_242 = vector.load %arg10[%get3A_240, %get3A_241] : memref<4096x128xf32, #tpu.memory_space<vmem>>, vector<256x128xf32>
      %add3A_243 = vector.broadcast %dot_general3A_236 : vector<1x128xf32> to vector<256x128xf32>
      %add3A_244 = arith.addf %get3A_242, %add3A_243 : vector<256x128xf32>
      %mul3A = arith.mulf %get3A_239, %add3A_244 : vector<256x128xf32>
      %reduce_sum3A_245 = arith.constant dense<0.000000e+00> : vector<256xf32>
      %reduce_sum3A_246 = vector.multi_reduction <add>, %mul3A, %reduce_sum3A_245 [1] : vector<256x128xf32> to vector<256xf32>
      %broadcast_in_dim3A_247 = vector.shape_cast %reduce_sum3A_246 : vector<256xf32> to vector<256x1xf32>
      %convert_element_type3A_248 = arith.fptosi %broadcast_in_dim3A_247 : vector<256x1xf32> to vector<256x1xi32>
      %swap3A_249 = arith.constant 0 : index
      %swap3A_250 = arith.constant 0 : index
      %swap3A_251 = vector.load %arg7[%swap3A_249, %swap3A_250] : memref<4096x1xi32, #tpu.memory_space<vmem>>, vector<256x1xi32>
      tpu.vector_store %arg7[%swap3A_249, %swap3A_250], %convert_element_type3A_248 {strides = array<i32>} : memref<4096x1xi32, #tpu.memory_space<vmem>>, vector<256x1xi32>,
      %get3A_252 = arith.constant 256 : index
      %get3A_253 = arith.constant 0 : index
      %get3A_254 = vector.load %arg9[%get3A_252, %get3A_253] : memref<4096x128xf32, #tpu.memory_space<vmem>>, vector<256x128xf32>
      %get3A_255 = arith.constant 256 : index
      %get3A_256 = arith.constant 0 : index
      %get3A_257 = vector.load %arg10[%get3A_255, %get3A_256] : memref<4096x128xf32, #tpu.memory_space<vmem>>, vector<256x128xf32>
      %add3A_258 = vector.broadcast %dot_general3A_236 : vector<1x128xf32> to vector<256x128xf32>
      %add3A_259 = arith.addf %get3A_257, %add3A_258 : vector<256x128xf32>
      %mul3A_260 = arith.mulf %get3A_254, %add3A_259 : vector<256x128xf32>
      %reduce_sum3A_261 = arith.constant dense<0.000000e+00> : vector<256xf32>
      %reduce_sum3A_262 = vector.multi_reduction <add>, %mul3A_260, %reduce_sum3A_261 [1] : vector<256x128xf32> to vector<256xf32>
      %broadcast_in_dim3A_263 = vector.shape_cast %reduce_sum3A_262 : vector<256xf32> to vector<256x1xf32>
      %convert_element_type3A_264 = arith.fptosi %broadcast_in_dim3A_263 : vector<256x1xf32> to vector<256x1xi32>
      %swap3A_265 = arith.constant 256 : index
      %swap3A_266 = arith.constant 0 : index
      %swap3A_267 = vector.load %arg7[%swap3A_265, %swap3A_266] : memref<4096x1xi32, #tpu.memory_space<vmem>>, vector<256x1xi32>
      tpu.vector_store %arg7[%swap3A_265, %swap3A_266], %convert_element_type3A_264 {strides = array<i32>} : memref<4096x1xi32, #tpu.memory_space<vmem>>, vector<256x1xi32>,
      %get3A_268 = arith.constant 512 : index
      %get3A_269 = arith.constant 0 : index
      %get3A_270 = vector.load %arg9[%get3A_268, %get3A_269] : memref<4096x128xf32, #tpu.memory_space<vmem>>, vector<256x128xf32>
      %get3A_271 = arith.constant 512 : index
      %get3A_272 = arith.constant 0 : index
      %get3A_273 = vector.load %arg10[%get3A_271, %get3A_272] : memref<4096x128xf32, #tpu.memory_space<vmem>>, vector<256x128xf32>
      %add3A_274 = vector.broadcast %dot_general3A_236 : vector<1x128xf32> to vector<256x128xf32>
      %add3A_275 = arith.addf %get3A_273, %add3A_274 : vector<256x128xf32>
      %mul3A_276 = arith.mulf %get3A_270, %add3A_275 : vector<256x128xf32>
      %reduce_sum3A_277 = arith.constant dense<0.000000e+00> : vector<256xf32>
      %reduce_sum3A_278 = vector.multi_reduction <add>, %mul3A_276, %reduce_sum3A_277 [1] : vector<256x128xf32> to vector<256xf32>
      %broadcast_in_dim3A_279 = vector.shape_cast %reduce_sum3A_278 : vector<256xf32> to vector<256x1xf32>
      %convert_element_type3A_280 = arith.fptosi %broadcast_in_dim3A_279 : vector<256x1xf32> to vector<256x1xi32>
      %swap3A_281 = arith.constant 512 : index
      %swap3A_282 = arith.constant 0 : index
      %swap3A_283 = vector.load %arg7[%swap3A_281, %swap3A_282] : memref<4096x1xi32, #tpu.memory_space<vmem>>, vector<256x1xi32>
      tpu.vector_store %arg7[%swap3A_281, %swap3A_282], %convert_element_type3A_280 {strides = array<i32>} : memref<4096x1xi32, #tpu.memory_space<vmem>>, vector<256x1xi32>,
      %get3A_284 = arith.constant 768 : index
      %get3A_285 = arith.constant 0 : index
      %get3A_286 = vector.load %arg9[%get3A_284, %get3A_285] : memref<4096x128xf32, #tpu.memory_space<vmem>>, vector<256x128xf32>
      %get3A_287 = arith.constant 768 : index
      %get3A_288 = arith.constant 0 : index
      %get3A_289 = vector.load %arg10[%get3A_287, %get3A_288] : memref<4096x128xf32, #tpu.memory_space<vmem>>, vector<256x128xf32>
      %add3A_290 = vector.broadcast %dot_general3A_236 : vector<1x128xf32> to vector<256x128xf32>
      %add3A_291 = arith.addf %get3A_289, %add3A_290 : vector<256x128xf32>
      %mul3A_292 = arith.mulf %get3A_286, %add3A_291 : vector<256x128xf32>
      %reduce_sum3A_293 = arith.constant dense<0.000000e+00> : vector<256xf32>
      %reduce_sum3A_294 = vector.multi_reduction <add>, %mul3A_292, %reduce_sum3A_293 [1] : vector<256x128xf32> to vector<256xf32>
      %broadcast_in_dim3A_295 = vector.shape_cast %reduce_sum3A_294 : vector<256xf32> to vector<256x1xf32>
      %convert_element_type3A_296 = arith.fptosi %broadcast_in_dim3A_295 : vector<256x1xf32> to vector<256x1xi32>
      %swap3A_297 = arith.constant 768 : index
      %swap3A_298 = arith.constant 0 : index
      %swap3A_299 = vector.load %arg7[%swap3A_297, %swap3A_298] : memref<4096x1xi32, #tpu.memory_space<vmem>>, vector<256x1xi32>
      tpu.vector_store %arg7[%swap3A_297, %swap3A_298], %convert_element_type3A_296 {strides = array<i32>} : memref<4096x1xi32, #tpu.memory_space<vmem>>, vector<256x1xi32>,
      %get3A_300 = arith.constant 1024 : index
      %get3A_301 = arith.constant 0 : index
      %get3A_302 = vector.load %arg9[%get3A_300, %get3A_301] : memref<4096x128xf32, #tpu.memory_space<vmem>>, vector<256x128xf32>
      %get3A_303 = arith.constant 1024 : index
      %get3A_304 = arith.constant 0 : index
      %get3A_305 = vector.load %arg10[%get3A_303, %get3A_304] : memref<4096x128xf32, #tpu.memory_space<vmem>>, vector<256x128xf32>
      %add3A_306 = vector.broadcast %dot_general3A_236 : vector<1x128xf32> to vector<256x128xf32>
      %add3A_307 = arith.addf %get3A_305, %add3A_306 : vector<256x128xf32>
      %mul3A_308 = arith.mulf %get3A_302, %add3A_307 : vector<256x128xf32>
      %reduce_sum3A_309 = arith.constant dense<0.000000e+00> : vector<256xf32>
      %reduce_sum3A_310 = vector.multi_reduction <add>, %mul3A_308, %reduce_sum3A_309 [1] : vector<256x128xf32> to vector<256xf32>
      %broadcast_in_dim3A_311 = vector.shape_cast %reduce_sum3A_310 : vector<256xf32> to vector<256x1xf32>
      %convert_element_type3A_312 = arith.fptosi %broadcast_in_dim3A_311 : vector<256x1xf32> to vector<256x1xi32>
      %swap3A_313 = arith.constant 1024 : index
      %swap3A_314 = arith.constant 0 : index
      %swap3A_315 = vector.load %arg7[%swap3A_313, %swap3A_314] : memref<4096x1xi32, #tpu.memory_space<vmem>>, vector<256x1xi32>
      tpu.vector_store %arg7[%swap3A_313, %swap3A_314], %convert_element_type3A_312 {strides = array<i32>} : memref<4096x1xi32, #tpu.memory_space<vmem>>, vector<256x1xi32>,
      %get3A_316 = arith.constant 1280 : index
      %get3A_317 = arith.constant 0 : index
      %get3A_318 = vector.load %arg9[%get3A_316, %get3A_317] : memref<4096x128xf32, #tpu.memory_space<vmem>>, vector<256x128xf32>
      %get3A_319 = arith.constant 1280 : index
      %get3A_320 = arith.constant 0 : index
      %get3A_321 = vector.load %arg10[%get3A_319, %get3A_320] : memref<4096x128xf32, #tpu.memory_space<vmem>>, vector<256x128xf32>
      %add3A_322 = vector.broadcast %dot_general3A_236 : vector<1x128xf32> to vector<256x128xf32>
      %add3A_323 = arith.addf %get3A_321, %add3A_322 : vector<256x128xf32>
      %mul3A_324 = arith.mulf %get3A_318, %add3A_323 : vector<256x128xf32>
      %reduce_sum3A_325 = arith.constant dense<0.000000e+00> : vector<256xf32>
      %reduce_sum3A_326 = vector.multi_reduction <add>, %mul3A_324, %reduce_sum3A_325 [1] : vector<256x128xf32> to vector<256xf32>
      %broadcast_in_dim3A_327 = vector.shape_cast %reduce_sum3A_326 : vector<256xf32> to vector<256x1xf32>
      %convert_element_type3A_328 = arith.fptosi %broadcast_in_dim3A_327 : vector<256x1xf32> to vector<256x1xi32>
      %swap3A_329 = arith.constant 1280 : index
      %swap3A_330 = arith.constant 0 : index
      %swap3A_331 = vector.load %arg7[%swap3A_329, %swap3A_330] : memref<4096x1xi32, #tpu.memory_space<vmem>>, vector<256x1xi32>
      tpu.vector_store %arg7[%swap3A_329, %swap3A_330], %convert_element_type3A_328 {strides = array<i32>} : memref<4096x1xi32, #tpu.memory_space<vmem>>, vector<256x1xi32>,
      %get3A_332 = arith.constant 1536 : index
      %get3A_333 = arith.constant 0 : index
      %get3A_334 = vector.load %arg9[%get3A_332, %get3A_333] : memref<4096x128xf32, #tpu.memory_space<vmem>>, vector<256x128xf32>
      %get3A_335 = arith.constant 1536 : index
      %get3A_336 = arith.constant 0 : index
      %get3A_337 = vector.load %arg10[%get3A_335, %get3A_336] : memref<4096x128xf32, #tpu.memory_space<vmem>>, vector<256x128xf32>
      %add3A_338 = vector.broadcast %dot_general3A_236 : vector<1x128xf32> to vector<256x128xf32>
      %add3A_339 = arith.addf %get3A_337, %add3A_338 : vector<256x128xf32>
      %mul3A_340 = arith.mulf %get3A_334, %add3A_339 : vector<256x128xf32>
      %reduce_sum3A_341 = arith.constant dense<0.000000e+00> : vector<256xf32>
      %reduce_sum3A_342 = vector.multi_reduction <add>, %mul3A_340, %reduce_sum3A_341 [1] : vector<256x128xf32> to vector<256xf32>
      %broadcast_in_dim3A_343 = vector.shape_cast %reduce_sum3A_342 : vector<256xf32> to vector<256x1xf32>
      %convert_element_type3A_344 = arith.fptosi %broadcast_in_dim3A_343 : vector<256x1xf32> to vector<256x1xi32>
      %swap3A_345 = arith.constant 1536 : index
      %swap3A_346 = arith.constant 0 : index
      %swap3A_347 = vector.load %arg7[%swap3A_345, %swap3A_346] : memref<4096x1xi32, #tpu.memory_space<vmem>>, vector<256x1xi32>
      tpu.vector_store %arg7[%swap3A_345, %swap3A_346], %convert_element_type3A_344 {strides = array<i32>} : memref<4096x1xi32, #tpu.memory_space<vmem>>, vector<256x1xi32>,
      %get3A_348 = arith.constant 1792 : index
      %get3A_349 = arith.constant 0 : index
      %get3A_350 = vector.load %arg9[%get3A_348, %get3A_349] : memref<4096x128xf32, #tpu.memory_space<vmem>>, vector<256x128xf32>
      %get3A_351 = arith.constant 1792 : index
      %get3A_352 = arith.constant 0 : index
      %get3A_353 = vector.load %arg10[%get3A_351, %get3A_352] : memref<4096x128xf32, #tpu.memory_space<vmem>>, vector<256x128xf32>
      %add3A_354 = vector.broadcast %dot_general3A_236 : vector<1x128xf32> to vector<256x128xf32>
      %add3A_355 = arith.addf %get3A_353, %add3A_354 : vector<256x128xf32>
      %mul3A_356 = arith.mulf %get3A_350, %add3A_355 : vector<256x128xf32>
      %reduce_sum3A_357 = arith.constant dense<0.000000e+00> : vector<256xf32>
      %reduce_sum3A_358 = vector.multi_reduction <add>, %mul3A_356, %reduce_sum3A_357 [1] : vector<256x128xf32> to vector<256xf32>
      %broadcast_in_dim3A_359 = vector.shape_cast %reduce_sum3A_358 : vector<256xf32> to vector<256x1xf32>
      %convert_element_type3A_360 = arith.fptosi %broadcast_in_dim3A_359 : vector<256x1xf32> to vector<256x1xi32>
      %swap3A_361 = arith.constant 1792 : index
      %swap3A_362 = arith.constant 0 : index
      %swap3A_363 = vector.load %arg7[%swap3A_361, %swap3A_362] : memref<4096x1xi32, #tpu.memory_space<vmem>>, vector<256x1xi32>
      tpu.vector_store %arg7[%swap3A_361, %swap3A_362], %convert_element_type3A_360 {strides = array<i32>} : memref<4096x1xi32, #tpu.memory_space<vmem>>, vector<256x1xi32>,
      %get3A_364 = arith.constant 2048 : index
      %get3A_365 = arith.constant 0 : index
      %get3A_366 = vector.load %arg9[%get3A_364, %get3A_365] : memref<4096x128xf32, #tpu.memory_space<vmem>>, vector<256x128xf32>
      %get3A_367 = arith.constant 2048 : index
      %get3A_368 = arith.constant 0 : index
      %get3A_369 = vector.load %arg10[%get3A_367, %get3A_368] : memref<4096x128xf32, #tpu.memory_space<vmem>>, vector<256x128xf32>
      %add3A_370 = vector.broadcast %dot_general3A_236 : vector<1x128xf32> to vector<256x128xf32>
      %add3A_371 = arith.addf %get3A_369, %add3A_370 : vector<256x128xf32>
      %mul3A_372 = arith.mulf %get3A_366, %add3A_371 : vector<256x128xf32>
      %reduce_sum3A_373 = arith.constant dense<0.000000e+00> : vector<256xf32>
      %reduce_sum3A_374 = vector.multi_reduction <add>, %mul3A_372, %reduce_sum3A_373 [1] : vector<256x128xf32> to vector<256xf32>
      %broadcast_in_dim3A_375 = vector.shape_cast %reduce_sum3A_374 : vector<256xf32> to vector<256x1xf32>
      %convert_element_type3A_376 = arith.fptosi %broadcast_in_dim3A_375 : vector<256x1xf32> to vector<256x1xi32>
      %swap3A_377 = arith.constant 2048 : index
      %swap3A_378 = arith.constant 0 : index
      %swap3A_379 = vector.load %arg7[%swap3A_377, %swap3A_378] : memref<4096x1xi32, #tpu.memory_space<vmem>>, vector<256x1xi32>
      tpu.vector_store %arg7[%swap3A_377, %swap3A_378], %convert_element_type3A_376 {strides = array<i32>} : memref<4096x1xi32, #tpu.memory_space<vmem>>, vector<256x1xi32>,
      %get3A_380 = arith.constant 2304 : index
      %get3A_381 = arith.constant 0 : index
      %get3A_382 = vector.load %arg9[%get3A_380, %get3A_381] : memref<4096x128xf32, #tpu.memory_space<vmem>>, vector<256x128xf32>
      %get3A_383 = arith.constant 2304 : index
      %get3A_384 = arith.constant 0 : index
      %get3A_385 = vector.load %arg10[%get3A_383, %get3A_384] : memref<4096x128xf32, #tpu.memory_space<vmem>>, vector<256x128xf32>
      %add3A_386 = vector.broadcast %dot_general3A_236 : vector<1x128xf32> to vector<256x128xf32>
      %add3A_387 = arith.addf %get3A_385, %add3A_386 : vector<256x128xf32>
      %mul3A_388 = arith.mulf %get3A_382, %add3A_387 : vector<256x128xf32>
      %reduce_sum3A_389 = arith.constant dense<0.000000e+00> : vector<256xf32>
      %reduce_sum3A_390 = vector.multi_reduction <add>, %mul3A_388, %reduce_sum3A_389 [1] : vector<256x128xf32> to vector<256xf32>
      %broadcast_in_dim3A_391 = vector.shape_cast %reduce_sum3A_390 : vector<256xf32> to vector<256x1xf32>
      %convert_element_type3A_392 = arith.fptosi %broadcast_in_dim3A_391 : vector<256x1xf32> to vector<256x1xi32>
      %swap3A_393 = arith.constant 2304 : index
      %swap3A_394 = arith.constant 0 : index
      %swap3A_395 = vector.load %arg7[%swap3A_393, %swap3A_394] : memref<4096x1xi32, #tpu.memory_space<vmem>>, vector<256x1xi32>
      tpu.vector_store %arg7[%swap3A_393, %swap3A_394], %convert_element_type3A_392 {strides = array<i32>} : memref<4096x1xi32, #tpu.memory_space<vmem>>, vector<256x1xi32>,
      %get3A_396 = arith.constant 2560 : index
      %get3A_397 = arith.constant 0 : index
      %get3A_398 = vector.load %arg9[%get3A_396, %get3A_397] : memref<4096x128xf32, #tpu.memory_space<vmem>>, vector<256x128xf32>
      %get3A_399 = arith.constant 2560 : index
      %get3A_400 = arith.constant 0 : index
      %get3A_401 = vector.load %arg10[%get3A_399, %get3A_400] : memref<4096x128xf32, #tpu.memory_space<vmem>>, vector<256x128xf32>
      %add3A_402 = vector.broadcast %dot_general3A_236 : vector<1x128xf32> to vector<256x128xf32>
      %add3A_403 = arith.addf %get3A_401, %add3A_402 : vector<256x128xf32>
      %mul3A_404 = arith.mulf %get3A_398, %add3A_403 : vector<256x128xf32>
      %reduce_sum3A_405 = arith.constant dense<0.000000e+00> : vector<256xf32>
      %reduce_sum3A_406 = vector.multi_reduction <add>, %mul3A_404, %reduce_sum3A_405 [1] : vector<256x128xf32> to vector<256xf32>
      %broadcast_in_dim3A_407 = vector.shape_cast %reduce_sum3A_406 : vector<256xf32> to vector<256x1xf32>
      %convert_element_type3A_408 = arith.fptosi %broadcast_in_dim3A_407 : vector<256x1xf32> to vector<256x1xi32>
      %swap3A_409 = arith.constant 2560 : index
      %swap3A_410 = arith.constant 0 : index
      %swap3A_411 = vector.load %arg7[%swap3A_409, %swap3A_410] : memref<4096x1xi32, #tpu.memory_space<vmem>>, vector<256x1xi32>
      tpu.vector_store %arg7[%swap3A_409, %swap3A_410], %convert_element_type3A_408 {strides = array<i32>} : memref<4096x1xi32, #tpu.memory_space<vmem>>, vector<256x1xi32>,
      %get3A_412 = arith.constant 2816 : index
      %get3A_413 = arith.constant 0 : index
      %get3A_414 = vector.load %arg9[%get3A_412, %get3A_413] : memref<4096x128xf32, #tpu.memory_space<vmem>>, vector<256x128xf32>
      %get3A_415 = arith.constant 2816 : index
      %get3A_416 = arith.constant 0 : index
      %get3A_417 = vector.load %arg10[%get3A_415, %get3A_416] : memref<4096x128xf32, #tpu.memory_space<vmem>>, vector<256x128xf32>
      %add3A_418 = vector.broadcast %dot_general3A_236 : vector<1x128xf32> to vector<256x128xf32>
      %add3A_419 = arith.addf %get3A_417, %add3A_418 : vector<256x128xf32>
      %mul3A_420 = arith.mulf %get3A_414, %add3A_419 : vector<256x128xf32>
      %reduce_sum3A_421 = arith.constant dense<0.000000e+00> : vector<256xf32>
      %reduce_sum3A_422 = vector.multi_reduction <add>, %mul3A_420, %reduce_sum3A_421 [1] : vector<256x128xf32> to vector<256xf32>
      %broadcast_in_dim3A_423 = vector.shape_cast %reduce_sum3A_422 : vector<256xf32> to vector<256x1xf32>
      %convert_element_type3A_424 = arith.fptosi %broadcast_in_dim3A_423 : vector<256x1xf32> to vector<256x1xi32>
      %swap3A_425 = arith.constant 2816 : index
      %swap3A_426 = arith.constant 0 : index
      %swap3A_427 = vector.load %arg7[%swap3A_425, %swap3A_426] : memref<4096x1xi32, #tpu.memory_space<vmem>>, vector<256x1xi32>
      tpu.vector_store %arg7[%swap3A_425, %swap3A_426], %convert_element_type3A_424 {strides = array<i32>} : memref<4096x1xi32, #tpu.memory_space<vmem>>, vector<256x1xi32>,
      %get3A_428 = arith.constant 3072 : index
      %get3A_429 = arith.constant 0 : index
      %get3A_430 = vector.load %arg9[%get3A_428, %get3A_429] : memref<4096x128xf32, #tpu.memory_space<vmem>>, vector<256x128xf32>
      %get3A_431 = arith.constant 3072 : index
      %get3A_432 = arith.constant 0 : index
      %get3A_433 = vector.load %arg10[%get3A_431, %get3A_432] : memref<4096x128xf32, #tpu.memory_space<vmem>>, vector<256x128xf32>
      %add3A_434 = vector.broadcast %dot_general3A_236 : vector<1x128xf32> to vector<256x128xf32>
      %add3A_435 = arith.addf %get3A_433, %add3A_434 : vector<256x128xf32>
      %mul3A_436 = arith.mulf %get3A_430, %add3A_435 : vector<256x128xf32>
      %reduce_sum3A_437 = arith.constant dense<0.000000e+00> : vector<256xf32>
      %reduce_sum3A_438 = vector.multi_reduction <add>, %mul3A_436, %reduce_sum3A_437 [1] : vector<256x128xf32> to vector<256xf32>
      %broadcast_in_dim3A_439 = vector.shape_cast %reduce_sum3A_438 : vector<256xf32> to vector<256x1xf32>
      %convert_element_type3A_440 = arith.fptosi %broadcast_in_dim3A_439 : vector<256x1xf32> to vector<256x1xi32>
      %swap3A_441 = arith.constant 3072 : index
      %swap3A_442 = arith.constant 0 : index
      %swap3A_443 = vector.load %arg7[%swap3A_441, %swap3A_442] : memref<4096x1xi32, #tpu.memory_space<vmem>>, vector<256x1xi32>
      tpu.vector_store %arg7[%swap3A_441, %swap3A_442], %convert_element_type3A_440 {strides = array<i32>} : memref<4096x1xi32, #tpu.memory_space<vmem>>, vector<256x1xi32>,
      %get3A_444 = arith.constant 3328 : index
      %get3A_445 = arith.constant 0 : index
      %get3A_446 = vector.load %arg9[%get3A_444, %get3A_445] : memref<4096x128xf32, #tpu.memory_space<vmem>>, vector<256x128xf32>
      %get3A_447 = arith.constant 3328 : index
      %get3A_448 = arith.constant 0 : index
      %get3A_449 = vector.load %arg10[%get3A_447, %get3A_448] : memref<4096x128xf32, #tpu.memory_space<vmem>>, vector<256x128xf32>
      %add3A_450 = vector.broadcast %dot_general3A_236 : vector<1x128xf32> to vector<256x128xf32>
      %add3A_451 = arith.addf %get3A_449, %add3A_450 : vector<256x128xf32>
      %mul3A_452 = arith.mulf %get3A_446, %add3A_451 : vector<256x128xf32>
      %reduce_sum3A_453 = arith.constant dense<0.000000e+00> : vector<256xf32>
      %reduce_sum3A_454 = vector.multi_reduction <add>, %mul3A_452, %reduce_sum3A_453 [1] : vector<256x128xf32> to vector<256xf32>
      %broadcast_in_dim3A_455 = vector.shape_cast %reduce_sum3A_454 : vector<256xf32> to vector<256x1xf32>
      %convert_element_type3A_456 = arith.fptosi %broadcast_in_dim3A_455 : vector<256x1xf32> to vector<256x1xi32>
      %swap3A_457 = arith.constant 3328 : index
      %swap3A_458 = arith.constant 0 : index
      %swap3A_459 = vector.load %arg7[%swap3A_457, %swap3A_458] : memref<4096x1xi32, #tpu.memory_space<vmem>>, vector<256x1xi32>
      tpu.vector_store %arg7[%swap3A_457, %swap3A_458], %convert_element_type3A_456 {strides = array<i32>} : memref<4096x1xi32, #tpu.memory_space<vmem>>, vector<256x1xi32>,
      %get3A_460 = arith.constant 3584 : index
      %get3A_461 = arith.constant 0 : index
      %get3A_462 = vector.load %arg9[%get3A_460, %get3A_461] : memref<4096x128xf32, #tpu.memory_space<vmem>>, vector<256x128xf32>
      %get3A_463 = arith.constant 3584 : index
      %get3A_464 = arith.constant 0 : index
      %get3A_465 = vector.load %arg10[%get3A_463, %get3A_464] : memref<4096x128xf32, #tpu.memory_space<vmem>>, vector<256x128xf32>
      %add3A_466 = vector.broadcast %dot_general3A_236 : vector<1x128xf32> to vector<256x128xf32>
      %add3A_467 = arith.addf %get3A_465, %add3A_466 : vector<256x128xf32>
      %mul3A_468 = arith.mulf %get3A_462, %add3A_467 : vector<256x128xf32>
      %reduce_sum3A_469 = arith.constant dense<0.000000e+00> : vector<256xf32>
      %reduce_sum3A_470 = vector.multi_reduction <add>, %mul3A_468, %reduce_sum3A_469 [1] : vector<256x128xf32> to vector<256xf32>
      %broadcast_in_dim3A_471 = vector.shape_cast %reduce_sum3A_470 : vector<256xf32> to vector<256x1xf32>
      %convert_element_type3A_472 = arith.fptosi %broadcast_in_dim3A_471 : vector<256x1xf32> to vector<256x1xi32>
      %swap3A_473 = arith.constant 3584 : index
      %swap3A_474 = arith.constant 0 : index
      %swap3A_475 = vector.load %arg7[%swap3A_473, %swap3A_474] : memref<4096x1xi32, #tpu.memory_space<vmem>>, vector<256x1xi32>
      tpu.vector_store %arg7[%swap3A_473, %swap3A_474], %convert_element_type3A_472 {strides = array<i32>} : memref<4096x1xi32, #tpu.memory_space<vmem>>, vector<256x1xi32>,
      %get3A_476 = arith.constant 3840 : index
      %get3A_477 = arith.constant 0 : index
      %get3A_478 = vector.load %arg9[%get3A_476, %get3A_477] : memref<4096x128xf32, #tpu.memory_space<vmem>>, vector<256x128xf32>
      %get3A_479 = arith.constant 3840 : index
      %get3A_480 = arith.constant 0 : index
      %get3A_481 = vector.load %arg10[%get3A_479, %get3A_480] : memref<4096x128xf32, #tpu.memory_space<vmem>>, vector<256x128xf32>
      %add3A_482 = vector.broadcast %dot_general3A_236 : vector<1x128xf32> to vector<256x128xf32>
      %add3A_483 = arith.addf %get3A_481, %add3A_482 : vector<256x128xf32>
      %mul3A_484 = arith.mulf %get3A_478, %add3A_483 : vector<256x128xf32>
      %reduce_sum3A_485 = arith.constant dense<0.000000e+00> : vector<256xf32>
      %reduce_sum3A_486 = vector.multi_reduction <add>, %mul3A_484, %reduce_sum3A_485 [1] : vector<256x128xf32> to vector<256xf32>
      %broadcast_in_dim3A_487 = vector.shape_cast %reduce_sum3A_486 : vector<256xf32> to vector<256x1xf32>
      %convert_element_type3A_488 = arith.fptosi %broadcast_in_dim3A_487 : vector<256x1xf32> to vector<256x1xi32>
      %swap3A_489 = arith.constant 3840 : index
      %swap3A_490 = arith.constant 0 : index
      %swap3A_491 = vector.load %arg7[%swap3A_489, %swap3A_490] : memref<4096x1xi32, #tpu.memory_space<vmem>>, vector<256x1xi32>
      tpu.vector_store %arg7[%swap3A_489, %swap3A_490], %convert_element_type3A_488 {strides = array<i32>} : memref<4096x1xi32, #tpu.memory_space<vmem>>, vector<256x1xi32>,
      %iota3A_492 = tpu.iota {dimensions = array<i32: 0>} : vector<16x1xi32>
      %convert_element_type3A_493 = arith.sitofp %iota3A_492 : vector<16x1xi32> to vector<16x1xf32>
      %mul3A_494 = arith.constant 2.560000e+02 : f32
      %mul3A_495 = vector.broadcast %mul3A_494 : f32 to vector<16x1xf32>
      %mul3A_496 = arith.mulf %convert_element_type3A_493, %mul3A_495 : vector<16x1xf32>
      %add3A_497 = arith.constant 2.560000e+02 : f32
      %add3A_498 = vector.broadcast %add3A_497 : f32 to vector<16x1xf32>
      %add3A_499 = arith.addf %mul3A_496, %add3A_498 : vector<16x1xf32>
      %add3A_500 = arith.addf %dot_general3A_236, %add3A_229 : vector<1x128xf32>
      %lt3A_501 = vector.broadcast %dot_general3A_236 : vector<1x128xf32> to vector<16x128xf32>
      %lt3A_502 = vector.broadcast %add3A_499 : vector<16x1xf32> to vector<16x128xf32>
      %lt3A_503 = arith.cmpf olt, %lt3A_501, %lt3A_502 : vector<16x128xf32>
      %gt3A = vector.broadcast %add3A_500 : vector<1x128xf32> to vector<16x128xf32>
      %gt3A_504 = vector.broadcast %mul3A_496 : vector<16x1xf32> to vector<16x128xf32>
      %gt3A_505 = arith.cmpf ogt, %gt3A, %gt3A_504 : vector<16x128xf32>
      %and3A = arith.andi %lt3A_503, %gt3A_505 : vector<16x128xi1>
      %gt3A_506 = arith.constant 0.000000e+00 : f32
      %gt3A_507 = vector.broadcast %gt3A_506 : f32 to vector<1x128xf32>
      %gt3A_508 = arith.cmpf ogt, %add3A_229, %gt3A_507 : vector<1x128xf32>
      %and3A_509 = vector.broadcast %gt3A_508 : vector<1x128xi1> to vector<16x128xi1>
      %and3A_510 = arith.andi %and3A, %and3A_509 : vector<16x128xi1>
      %convert_element_type3A_511 = arith.extui %and3A_510 : vector<16x128xi1> to vector<16x128xi32>
      %convert_element_type3A_512 = arith.sitofp %convert_element_type3A_511 : vector<16x128xi32> to vector<16x128xf32>
      %reduce_sum3A_513 = arith.constant dense<0.000000e+00> : vector<16xf32>
      %reduce_sum3A_514 = vector.multi_reduction <add>, %convert_element_type3A_512, %reduce_sum3A_513 [1] : vector<16x128xf32> to vector<16xf32>
      %broadcast_in_dim3A_515 = vector.shape_cast %reduce_sum3A_514 : vector<16xf32> to vector<16x1xf32>
      %iota3A_516 = tpu.iota {dimensions = array<i32: 0>} : vector<16x16xi32>
      %iota3A_517 = tpu.iota {dimensions = array<i32: 1>} : vector<16x16xi32>
      %lt3A_518 = arith.cmpi slt, %iota3A_517, %iota3A_516 : vector<16x16xi32>
      %convert_element_type3A_519 = arith.extui %lt3A_518 : vector<16x16xi1> to vector<16x16xi32>
      %convert_element_type3A_520 = arith.sitofp %convert_element_type3A_519 : vector<16x16xi32> to vector<16x16xf32>
      %dot_general3A_521 = arith.constant dense<0.000000e+00> : vector<16x1xf32>
      %dot_general3A_522 = tpu.matmul %convert_element_type3A_520, %broadcast_in_dim3A_515, %dot_general3A_521 {dimension_numbers = #tpu.dot_dimension_numbers<[1], [0], [0], [1], [0, 0, 1, 1], [], []>, transpose_lhs_hint = false} : vector<16x16xf32>, vector<16x1xf32>, vector<16x1xf32> -> vector<16x1xf32>
      %dot_general3A_523 = arith.constant dense<0.000000e+00> : vector<16x128xf32>
      %dot_general3A_524 = tpu.matmul %convert_element_type3A_512, %convert_element_type3A_234, %dot_general3A_523 {dimension_numbers = #tpu.dot_dimension_numbers<[1], [0], [0], [1], [0, 0, 1, 1], [], []>, transpose_lhs_hint = false} : vector<16x128xf32>, vector<128x128xf32>, vector<16x128xf32> -> vector<16x128xf32>
      %add3A_525 = vector.broadcast %dot_general3A_522 : vector<16x1xf32> to vector<16x128xf32>
      %add3A_526 = arith.addf %add3A_525, %dot_general3A_524 : vector<16x128xf32>
      %eq3A_527 = arith.constant 0.000000e+00 : f32
      %eq3A_528 = vector.broadcast %eq3A_527 : f32 to vector<16x128xf32>
      %eq3A_529 = arith.cmpf oeq, %dot_general3A_524, %eq3A_528 : vector<16x128xf32>
      %convert_element_type3A_530 = arith.extui %eq3A_529 : vector<16x128xi1> to vector<16x128xi32>
      %convert_element_type3A_531 = arith.sitofp %convert_element_type3A_530 : vector<16x128xi32> to vector<16x128xf32>
      %mul3A_532 = arith.mulf %convert_element_type3A_512, %convert_element_type3A_531 : vector<16x128xf32>
      %iota3A_533 = tpu.iota {dimensions = array<i32: 1>} : vector<1x128xi32>
      %convert_element_type3A_534 = arith.sitofp %iota3A_533 : vector<1x128xi32> to vector<1x128xf32>
      %iota3A_535 = tpu.iota {dimensions = array<i32: 1>} : vector<1x128xi32>
      %broadcast_in_dim3A_536 = arith.constant 0.000000e+00 : f32
      %broadcast_in_dim3A_537 = vector.broadcast %broadcast_in_dim3A_536 : f32 to vector<1x128xf32>
      %broadcast_in_dim3A_538 = arith.constant 0.000000e+00 : f32
      %broadcast_in_dim3A_539 = vector.broadcast %broadcast_in_dim3A_538 : f32 to vector<1x128xf32>
      %broadcast_in_dim3A_540 = arith.constant 0.000000e+00 : f32
      %broadcast_in_dim3A_541 = vector.broadcast %broadcast_in_dim3A_540 : f32 to vector<1x128xf32>
      %broadcast_in_dim3A_542 = arith.constant 0.000000e+00 : f32
      %broadcast_in_dim3A_543 = vector.broadcast %broadcast_in_dim3A_542 : f32 to vector<1x128xf32>
      %broadcast_in_dim3A_544 = arith.constant 0.000000e+00 : f32
      %broadcast_in_dim3A_545 = vector.broadcast %broadcast_in_dim3A_544 : f32 to vector<1x128xf32>
      %eq3A_546 = arith.constant 0.000000e+00 : f32
      %eq3A_547 = vector.broadcast %eq3A_546 : f32 to vector<16x128xf32>
      %eq3A_548 = arith.cmpf oeq, %add3A_526, %eq3A_547 : vector<16x128xf32>
      %convert_element_type3A_549 = arith.extui %eq3A_548 : vector<16x128xi1> to vector<16x128xi32>
      %convert_element_type3A_550 = arith.sitofp %convert_element_type3A_549 : vector<16x128xi32> to vector<16x128xf32>
      %mul3A_551 = arith.mulf %convert_element_type3A_512, %convert_element_type3A_550 : vector<16x128xf32>
      %reduce_sum3A_552 = vector.shape_cast %mul3A_551 : vector<16x128xf32> to vector<1x16x128xf32>
      %reduce_sum3A_553 = arith.constant dense<0.000000e+00> : vector<1xf32>
      %reduce_sum3A_554 = vector.multi_reduction <add>, %reduce_sum3A_552, %reduce_sum3A_553 [1, 2] : vector<1x16x128xf32> to vector<1xf32>
      %reduce_sum3A_555 = vector.shape_cast %reduce_sum3A_554 : vector<1xf32> to vector<1x1x1xf32>
      %reduce_sum3A_556 = vector.extract %reduce_sum3A_555[0, 0, 0] : f32 from vector<1x1x1xf32>
      %mul3A_557 = vector.broadcast %convert_element_type3A_493 : vector<16x1xf32> to vector<16x128xf32>
      %mul3A_558 = arith.mulf %mul3A_551, %mul3A_557 : vector<16x128xf32>
      %reduce_sum3A_559 = vector.shape_cast %mul3A_558 : vector<16x128xf32> to vector<1x16x128xf32>
      %reduce_sum3A_560 = arith.constant dense<0.000000e+00> : vector<1xf32>
      %reduce_sum3A_561 = vector.multi_reduction <add>, %reduce_sum3A_559, %reduce_sum3A_560 [1, 2] : vector<1x16x128xf32> to vector<1xf32>
      %reduce_sum3A_562 = vector.shape_cast %reduce_sum3A_561 : vector<1xf32> to vector<1x1x1xf32>
      %reduce_sum3A_563 = vector.extract %reduce_sum3A_562[0, 0, 0] : f32 from vector<1x1x1xf32>
      %sub3A = arith.constant 1.000000e+00 : f32
      %sub3A_564 = arith.subf %sub3A, %reduce_sum3A_556 : f32
      %mul3A_565 = arith.constant 1.500000e+01 : f32
      %mul3A_566 = arith.mulf %sub3A_564, %mul3A_565 : f32
      %add3A_567 = arith.addf %reduce_sum3A_563, %mul3A_566 : f32
      %mul3A_568 = vector.broadcast %convert_element_type3A_534 : vector<1x128xf32> to vector<16x128xf32>
      %mul3A_569 = arith.mulf %mul3A_551, %mul3A_568 : vector<16x128xf32>
      %reduce_sum3A_570 = vector.shape_cast %mul3A_569 : vector<16x128xf32> to vector<1x16x128xf32>
      %reduce_sum3A_571 = arith.constant dense<0.000000e+00> : vector<1xf32>
      %reduce_sum3A_572 = vector.multi_reduction <add>, %reduce_sum3A_570, %reduce_sum3A_571 [1, 2] : vector<1x16x128xf32> to vector<1xf32>
      %reduce_sum3A_573 = vector.shape_cast %reduce_sum3A_572 : vector<1xf32> to vector<1x1x1xf32>
      %reduce_sum3A_574 = vector.extract %reduce_sum3A_573[0, 0, 0] : f32 from vector<1x1x1xf32>
      %max3A = vector.broadcast %dot_general3A_236 : vector<1x128xf32> to vector<16x128xf32>
      %max3A_575 = vector.broadcast %mul3A_496 : vector<16x1xf32> to vector<16x128xf32>
      %max3A_576 = arith.maximumf %max3A, %max3A_575 : vector<16x128xf32>
      %mul3A_577 = arith.mulf %mul3A_551, %max3A_576 : vector<16x128xf32>
      %reduce_sum3A_578 = vector.shape_cast %mul3A_577 : vector<16x128xf32> to vector<1x16x128xf32>
      %reduce_sum3A_579 = arith.constant dense<0.000000e+00> : vector<1xf32>
      %reduce_sum3A_580 = vector.multi_reduction <add>, %reduce_sum3A_578, %reduce_sum3A_579 [1, 2] : vector<1x16x128xf32> to vector<1xf32>
      %reduce_sum3A_581 = vector.shape_cast %reduce_sum3A_580 : vector<1xf32> to vector<1x1x1xf32>
      %reduce_sum3A_582 = vector.extract %reduce_sum3A_581[0, 0, 0] : f32 from vector<1x1x1xf32>
      %min3A = vector.broadcast %add3A_500 : vector<1x128xf32> to vector<16x128xf32>
      %min3A_583 = vector.broadcast %add3A_499 : vector<16x1xf32> to vector<16x128xf32>
      %min3A_584 = arith.minimumf %min3A, %min3A_583 : vector<16x128xf32>
      %mul3A_585 = arith.mulf %mul3A_551, %min3A_584 : vector<16x128xf32>
      %reduce_sum3A_586 = vector.shape_cast %mul3A_585 : vector<16x128xf32> to vector<1x16x128xf32>
      %reduce_sum3A_587 = arith.constant dense<0.000000e+00> : vector<1xf32>
      %reduce_sum3A_588 = vector.multi_reduction <add>, %reduce_sum3A_586, %reduce_sum3A_587 [1, 2] : vector<1x16x128xf32> to vector<1xf32>
      %reduce_sum3A_589 = vector.shape_cast %reduce_sum3A_588 : vector<1xf32> to vector<1x1x1xf32>
      %reduce_sum3A_590 = vector.extract %reduce_sum3A_589[0, 0, 0] : f32 from vector<1x1x1xf32>
      %mul3A_591 = arith.mulf %mul3A_551, %mul3A_532 : vector<16x128xf32>
      %reduce_sum3A_592 = vector.shape_cast %mul3A_591 : vector<16x128xf32> to vector<1x16x128xf32>
      %reduce_sum3A_593 = arith.constant dense<0.000000e+00> : vector<1xf32>
      %reduce_sum3A_594 = vector.multi_reduction <add>, %reduce_sum3A_592, %reduce_sum3A_593 [1, 2] : vector<1x16x128xf32> to vector<1xf32>
      %reduce_sum3A_595 = vector.shape_cast %reduce_sum3A_594 : vector<1xf32> to vector<1x1x1xf32>
      %reduce_sum3A_596 = vector.extract %reduce_sum3A_595[0, 0, 0] : f32 from vector<1x1x1xf32>
      %eq3A_597 = arith.constant 0 : i32
      %eq3A_598 = vector.broadcast %eq3A_597 : i32 to vector<1x128xi32>
      %eq3A_599 = arith.cmpi eq, %iota3A_535, %eq3A_598 : vector<1x128xi32>
      %convert_element_type3A_600 = arith.extui %eq3A_599 : vector<1x128xi1> to vector<1x128xi32>
      %convert_element_type3A_601 = arith.sitofp %convert_element_type3A_600 : vector<1x128xi32> to vector<1x128xf32>
      %mul3A_602 = vector.broadcast %add3A_567 : f32 to vector<1x128xf32>
      %mul3A_603 = arith.mulf %convert_element_type3A_601, %mul3A_602 : vector<1x128xf32>
      %add3A_604 = arith.addf %broadcast_in_dim3A_537, %mul3A_603 : vector<1x128xf32>
      %mul3A_605 = vector.broadcast %reduce_sum3A_574 : f32 to vector<1x128xf32>
      %mul3A_606 = arith.mulf %convert_element_type3A_601, %mul3A_605 : vector<1x128xf32>
      %add3A_607 = arith.addf %broadcast_in_dim3A_539, %mul3A_606 : vector<1x128xf32>
      %mul3A_608 = vector.broadcast %reduce_sum3A_582 : f32 to vector<1x128xf32>
      %mul3A_609 = arith.mulf %convert_element_type3A_601, %mul3A_608 : vector<1x128xf32>
      %add3A_610 = arith.addf %broadcast_in_dim3A_541, %mul3A_609 : vector<1x128xf32>
      %mul3A_611 = vector.broadcast %reduce_sum3A_590 : f32 to vector<1x128xf32>
      %mul3A_612 = arith.mulf %convert_element_type3A_601, %mul3A_611 : vector<1x128xf32>
      %add3A_613 = arith.addf %broadcast_in_dim3A_543, %mul3A_612 : vector<1x128xf32>
      %mul3A_614 = vector.broadcast %reduce_sum3A_596 : f32 to vector<1x128xf32>
      %mul3A_615 = arith.mulf %convert_element_type3A_601, %mul3A_614 : vector<1x128xf32>
      %add3A_616 = arith.addf %broadcast_in_dim3A_545, %mul3A_615 : vector<1x128xf32>
      %eq3A_617 = arith.constant 1.000000e+00 : f32
      %eq3A_618 = vector.broadcast %eq3A_617 : f32 to vector<16x128xf32>
      %eq3A_619 = arith.cmpf oeq, %add3A_526, %eq3A_618 : vector<16x128xf32>
      %convert_element_type3A_620 = arith.extui %eq3A_619 : vector<16x128xi1> to vector<16x128xi32>
      %convert_element_type3A_621 = arith.sitofp %convert_element_type3A_620 : vector<16x128xi32> to vector<16x128xf32>
      %mul3A_622 = arith.mulf %convert_element_type3A_512, %convert_element_type3A_621 : vector<16x128xf32>
      %reduce_sum3A_623 = vector.shape_cast %mul3A_622 : vector<16x128xf32> to vector<1x16x128xf32>
      %reduce_sum3A_624 = arith.constant dense<0.000000e+00> : vector<1xf32>
      %reduce_sum3A_625 = vector.multi_reduction <add>, %reduce_sum3A_623, %reduce_sum3A_624 [1, 2] : vector<1x16x128xf32> to vector<1xf32>
      %reduce_sum3A_626 = vector.shape_cast %reduce_sum3A_625 : vector<1xf32> to vector<1x1x1xf32>
      %reduce_sum3A_627 = vector.extract %reduce_sum3A_626[0, 0, 0] : f32 from vector<1x1x1xf32>
      %mul3A_628 = vector.broadcast %convert_element_type3A_493 : vector<16x1xf32> to vector<16x128xf32>
      %mul3A_629 = arith.mulf %mul3A_622, %mul3A_628 : vector<16x128xf32>
      %reduce_sum3A_630 = vector.shape_cast %mul3A_629 : vector<16x128xf32> to vector<1x16x128xf32>
      %reduce_sum3A_631 = arith.constant dense<0.000000e+00> : vector<1xf32>
      %reduce_sum3A_632 = vector.multi_reduction <add>, %reduce_sum3A_630, %reduce_sum3A_631 [1, 2] : vector<1x16x128xf32> to vector<1xf32>
      %reduce_sum3A_633 = vector.shape_cast %reduce_sum3A_632 : vector<1xf32> to vector<1x1x1xf32>
      %reduce_sum3A_634 = vector.extract %reduce_sum3A_633[0, 0, 0] : f32 from vector<1x1x1xf32>
      %sub3A_635 = arith.constant 1.000000e+00 : f32
      %sub3A_636 = arith.subf %sub3A_635, %reduce_sum3A_627 : f32
      %mul3A_637 = arith.constant 1.500000e+01 : f32
      %mul3A_638 = arith.mulf %sub3A_636, %mul3A_637 : f32
      %add3A_639 = arith.addf %reduce_sum3A_634, %mul3A_638 : f32
      %mul3A_640 = vector.broadcast %convert_element_type3A_534 : vector<1x128xf32> to vector<16x128xf32>
      %mul3A_641 = arith.mulf %mul3A_622, %mul3A_640 : vector<16x128xf32>
      %reduce_sum3A_642 = vector.shape_cast %mul3A_641 : vector<16x128xf32> to vector<1x16x128xf32>
      %reduce_sum3A_643 = arith.constant dense<0.000000e+00> : vector<1xf32>
      %reduce_sum3A_644 = vector.multi_reduction <add>, %reduce_sum3A_642, %reduce_sum3A_643 [1, 2] : vector<1x16x128xf32> to vector<1xf32>
      %reduce_sum3A_645 = vector.shape_cast %reduce_sum3A_644 : vector<1xf32> to vector<1x1x1xf32>
      %reduce_sum3A_646 = vector.extract %reduce_sum3A_645[0, 0, 0] : f32 from vector<1x1x1xf32>
      %max3A_647 = vector.broadcast %dot_general3A_236 : vector<1x128xf32> to vector<16x128xf32>
      %max3A_648 = vector.broadcast %mul3A_496 : vector<16x1xf32> to vector<16x128xf32>
      %max3A_649 = arith.maximumf %max3A_647, %max3A_648 : vector<16x128xf32>
      %mul3A_650 = arith.mulf %mul3A_622, %max3A_649 : vector<16x128xf32>
      %reduce_sum3A_651 = vector.shape_cast %mul3A_650 : vector<16x128xf32> to vector<1x16x128xf32>
      %reduce_sum3A_652 = arith.constant dense<0.000000e+00> : vector<1xf32>
      %reduce_sum3A_653 = vector.multi_reduction <add>, %reduce_sum3A_651, %reduce_sum3A_652 [1, 2] : vector<1x16x128xf32> to vector<1xf32>
      %reduce_sum3A_654 = vector.shape_cast %reduce_sum3A_653 : vector<1xf32> to vector<1x1x1xf32>
      %reduce_sum3A_655 = vector.extract %reduce_sum3A_654[0, 0, 0] : f32 from vector<1x1x1xf32>
      %min3A_656 = vector.broadcast %add3A_500 : vector<1x128xf32> to vector<16x128xf32>
      %min3A_657 = vector.broadcast %add3A_499 : vector<16x1xf32> to vector<16x128xf32>
      %min3A_658 = arith.minimumf %min3A_656, %min3A_657 : vector<16x128xf32>
      %mul3A_659 = arith.mulf %mul3A_622, %min3A_658 : vector<16x128xf32>
      %reduce_sum3A_660 = vector.shape_cast %mul3A_659 : vector<16x128xf32> to vector<1x16x128xf32>
      %reduce_sum3A_661 = arith.constant dense<0.000000e+00> : vector<1xf32>
      %reduce_sum3A_662 = vector.multi_reduction <add>, %reduce_sum3A_660, %reduce_sum3A_661 [1, 2] : vector<1x16x128xf32> to vector<1xf32>
      %reduce_sum3A_663 = vector.shape_cast %reduce_sum3A_662 : vector<1xf32> to vector<1x1x1xf32>
      %reduce_sum3A_664 = vector.extract %reduce_sum3A_663[0, 0, 0] : f32 from vector<1x1x1xf32>
      %mul3A_665 = arith.mulf %mul3A_622, %mul3A_532 : vector<16x128xf32>
      %reduce_sum3A_666 = vector.shape_cast %mul3A_665 : vector<16x128xf32> to vector<1x16x128xf32>
      %reduce_sum3A_667 = arith.constant dense<0.000000e+00> : vector<1xf32>
      %reduce_sum3A_668 = vector.multi_reduction <add>, %reduce_sum3A_666, %reduce_sum3A_667 [1, 2] : vector<1x16x128xf32> to vector<1xf32>
      %reduce_sum3A_669 = vector.shape_cast %reduce_sum3A_668 : vector<1xf32> to vector<1x1x1xf32>
      %reduce_sum3A_670 = vector.extract %reduce_sum3A_669[0, 0, 0] : f32 from vector<1x1x1xf32>
      %eq3A_671 = arith.constant 1 : i32
      %eq3A_672 = vector.broadcast %eq3A_671 : i32 to vector<1x128xi32>
      %eq3A_673 = arith.cmpi eq, %iota3A_535, %eq3A_672 : vector<1x128xi32>
      %convert_element_type3A_674 = arith.extui %eq3A_673 : vector<1x128xi1> to vector<1x128xi32>
      %convert_element_type3A_675 = arith.sitofp %convert_element_type3A_674 : vector<1x128xi32> to vector<1x128xf32>
      %mul3A_676 = vector.broadcast %add3A_639 : f32 to vector<1x128xf32>
      %mul3A_677 = arith.mulf %convert_element_type3A_675, %mul3A_676 : vector<1x128xf32>
      %add3A_678 = arith.addf %add3A_604, %mul3A_677 : vector<1x128xf32>
      %mul3A_679 = vector.broadcast %reduce_sum3A_646 : f32 to vector<1x128xf32>
      %mul3A_680 = arith.mulf %convert_element_type3A_675, %mul3A_679 : vector<1x128xf32>
      %add3A_681 = arith.addf %add3A_607, %mul3A_680 : vector<1x128xf32>
      %mul3A_682 = vector.broadcast %reduce_sum3A_655 : f32 to vector<1x128xf32>
      %mul3A_683 = arith.mulf %convert_element_type3A_675, %mul3A_682 : vector<1x128xf32>
      %add3A_684 = arith.addf %add3A_610, %mul3A_683 : vector<1x128xf32>
      %mul3A_685 = vector.broadcast %reduce_sum3A_664 : f32 to vector<1x128xf32>
      %mul3A_686 = arith.mulf %convert_element_type3A_675, %mul3A_685 : vector<1x128xf32>
      %add3A_687 = arith.addf %add3A_613, %mul3A_686 : vector<1x128xf32>
      %mul3A_688 = vector.broadcast %reduce_sum3A_670 : f32 to vector<1x128xf32>
      %mul3A_689 = arith.mulf %convert_element_type3A_675, %mul3A_688 : vector<1x128xf32>
      %add3A_690 = arith.addf %add3A_616, %mul3A_689 : vector<1x128xf32>
      %eq3A_691 = arith.constant 2.000000e+00 : f32
      %eq3A_692 = vector.broadcast %eq3A_691 : f32 to vector<16x128xf32>
      %eq3A_693 = arith.cmpf oeq, %add3A_526, %eq3A_692 : vector<16x128xf32>
      %convert_element_type3A_694 = arith.extui %eq3A_693 : vector<16x128xi1> to vector<16x128xi32>
      %convert_element_type3A_695 = arith.sitofp %convert_element_type3A_694 : vector<16x128xi32> to vector<16x128xf32>
      %mul3A_696 = arith.mulf %convert_element_type3A_512, %convert_element_type3A_695 : vector<16x128xf32>
      %reduce_sum3A_697 = vector.shape_cast %mul3A_696 : vector<16x128xf32> to vector<1x16x128xf32>
      %reduce_sum3A_698 = arith.constant dense<0.000000e+00> : vector<1xf32>
      %reduce_sum3A_699 = vector.multi_reduction <add>, %reduce_sum3A_697, %reduce_sum3A_698 [1, 2] : vector<1x16x128xf32> to vector<1xf32>
      %reduce_sum3A_700 = vector.shape_cast %reduce_sum3A_699 : vector<1xf32> to vector<1x1x1xf32>
      %reduce_sum3A_701 = vector.extract %reduce_sum3A_700[0, 0, 0] : f32 from vector<1x1x1xf32>
      %mul3A_702 = vector.broadcast %convert_element_type3A_493 : vector<16x1xf32> to vector<16x128xf32>
      %mul3A_703 = arith.mulf %mul3A_696, %mul3A_702 : vector<16x128xf32>
      %reduce_sum3A_704 = vector.shape_cast %mul3A_703 : vector<16x128xf32> to vector<1x16x128xf32>
      %reduce_sum3A_705 = arith.constant dense<0.000000e+00> : vector<1xf32>
      %reduce_sum3A_706 = vector.multi_reduction <add>, %reduce_sum3A_704, %reduce_sum3A_705 [1, 2] : vector<1x16x128xf32> to vector<1xf32>
      %reduce_sum3A_707 = vector.shape_cast %reduce_sum3A_706 : vector<1xf32> to vector<1x1x1xf32>
      %reduce_sum3A_708 = vector.extract %reduce_sum3A_707[0, 0, 0] : f32 from vector<1x1x1xf32>
      %sub3A_709 = arith.constant 1.000000e+00 : f32
      %sub3A_710 = arith.subf %sub3A_709, %reduce_sum3A_701 : f32
      %mul3A_711 = arith.constant 1.500000e+01 : f32
      %mul3A_712 = arith.mulf %sub3A_710, %mul3A_711 : f32
      %add3A_713 = arith.addf %reduce_sum3A_708, %mul3A_712 : f32
      %mul3A_714 = vector.broadcast %convert_element_type3A_534 : vector<1x128xf32> to vector<16x128xf32>
      %mul3A_715 = arith.mulf %mul3A_696, %mul3A_714 : vector<16x128xf32>
      %reduce_sum3A_716 = vector.shape_cast %mul3A_715 : vector<16x128xf32> to vector<1x16x128xf32>
      %reduce_sum3A_717 = arith.constant dense<0.000000e+00> : vector<1xf32>
      %reduce_sum3A_718 = vector.multi_reduction <add>, %reduce_sum3A_716, %reduce_sum3A_717 [1, 2] : vector<1x16x128xf32> to vector<1xf32>
      %reduce_sum3A_719 = vector.shape_cast %reduce_sum3A_718 : vector<1xf32> to vector<1x1x1xf32>
      %reduce_sum3A_720 = vector.extract %reduce_sum3A_719[0, 0, 0] : f32 from vector<1x1x1xf32>
      %max3A_721 = vector.broadcast %dot_general3A_236 : vector<1x128xf32> to vector<16x128xf32>
      %max3A_722 = vector.broadcast %mul3A_496 : vector<16x1xf32> to vector<16x128xf32>
      %max3A_723 = arith.maximumf %max3A_721, %max3A_722 : vector<16x128xf32>
      %mul3A_724 = arith.mulf %mul3A_696, %max3A_723 : vector<16x128xf32>
      %reduce_sum3A_725 = vector.shape_cast %mul3A_724 : vector<16x128xf32> to vector<1x16x128xf32>
      %reduce_sum3A_726 = arith.constant dense<0.000000e+00> : vector<1xf32>
      %reduce_sum3A_727 = vector.multi_reduction <add>, %reduce_sum3A_725, %reduce_sum3A_726 [1, 2] : vector<1x16x128xf32> to vector<1xf32>
      %reduce_sum3A_728 = vector.shape_cast %reduce_sum3A_727 : vector<1xf32> to vector<1x1x1xf32>
      %reduce_sum3A_729 = vector.extract %reduce_sum3A_728[0, 0, 0] : f32 from vector<1x1x1xf32>
      %min3A_730 = vector.broadcast %add3A_500 : vector<1x128xf32> to vector<16x128xf32>
      %min3A_731 = vector.broadcast %add3A_499 : vector<16x1xf32> to vector<16x128xf32>
      %min3A_732 = arith.minimumf %min3A_730, %min3A_731 : vector<16x128xf32>
      %mul3A_733 = arith.mulf %mul3A_696, %min3A_732 : vector<16x128xf32>
      %reduce_sum3A_734 = vector.shape_cast %mul3A_733 : vector<16x128xf32> to vector<1x16x128xf32>
      %reduce_sum3A_735 = arith.constant dense<0.000000e+00> : vector<1xf32>
      %reduce_sum3A_736 = vector.multi_reduction <add>, %reduce_sum3A_734, %reduce_sum3A_735 [1, 2] : vector<1x16x128xf32> to vector<1xf32>
      %reduce_sum3A_737 = vector.shape_cast %reduce_sum3A_736 : vector<1xf32> to vector<1x1x1xf32>
      %reduce_sum3A_738 = vector.extract %reduce_sum3A_737[0, 0, 0] : f32 from vector<1x1x1xf32>
      %mul3A_739 = arith.mulf %mul3A_696, %mul3A_532 : vector<16x128xf32>
      %reduce_sum3A_740 = vector.shape_cast %mul3A_739 : vector<16x128xf32> to vector<1x16x128xf32>
      %reduce_sum3A_741 = arith.constant dense<0.000000e+00> : vector<1xf32>
      %reduce_sum3A_742 = vector.multi_reduction <add>, %reduce_sum3A_740, %reduce_sum3A_741 [1, 2] : vector<1x16x128xf32> to vector<1xf32>
      %reduce_sum3A_743 = vector.shape_cast %reduce_sum3A_742 : vector<1xf32> to vector<1x1x1xf32>
      %reduce_sum3A_744 = vector.extract %reduce_sum3A_743[0, 0, 0] : f32 from vector<1x1x1xf32>
      %eq3A_745 = arith.constant 2 : i32
      %eq3A_746 = vector.broadcast %eq3A_745 : i32 to vector<1x128xi32>
      %eq3A_747 = arith.cmpi eq, %iota3A_535, %eq3A_746 : vector<1x128xi32>
      %convert_element_type3A_748 = arith.extui %eq3A_747 : vector<1x128xi1> to vector<1x128xi32>
      %convert_element_type3A_749 = arith.sitofp %convert_element_type3A_748 : vector<1x128xi32> to vector<1x128xf32>
      %mul3A_750 = vector.broadcast %add3A_713 : f32 to vector<1x128xf32>
      %mul3A_751 = arith.mulf %convert_element_type3A_749, %mul3A_750 : vector<1x128xf32>
      %add3A_752 = arith.addf %add3A_678, %mul3A_751 : vector<1x128xf32>
      %mul3A_753 = vector.broadcast %reduce_sum3A_720 : f32 to vector<1x128xf32>
      %mul3A_754 = arith.mulf %convert_element_type3A_749, %mul3A_753 : vector<1x128xf32>
      %add3A_755 = arith.addf %add3A_681, %mul3A_754 : vector<1x128xf32>
      %mul3A_756 = vector.broadcast %reduce_sum3A_729 : f32 to vector<1x128xf32>
      %mul3A_757 = arith.mulf %convert_element_type3A_749, %mul3A_756 : vector<1x128xf32>
      %add3A_758 = arith.addf %add3A_684, %mul3A_757 : vector<1x128xf32>
      %mul3A_759 = vector.broadcast %reduce_sum3A_738 : f32 to vector<1x128xf32>
      %mul3A_760 = arith.mulf %convert_element_type3A_749, %mul3A_759 : vector<1x128xf32>
      %add3A_761 = arith.addf %add3A_687, %mul3A_760 : vector<1x128xf32>
      %mul3A_762 = vector.broadcast %reduce_sum3A_744 : f32 to vector<1x128xf32>
      %mul3A_763 = arith.mulf %convert_element_type3A_749, %mul3A_762 : vector<1x128xf32>
      %add3A_764 = arith.addf %add3A_690, %mul3A_763 : vector<1x128xf32>
      %eq3A_765 = arith.constant 3.000000e+00 : f32
      %eq3A_766 = vector.broadcast %eq3A_765 : f32 to vector<16x128xf32>
      %eq3A_767 = arith.cmpf oeq, %add3A_526, %eq3A_766 : vector<16x128xf32>
      %convert_element_type3A_768 = arith.extui %eq3A_767 : vector<16x128xi1> to vector<16x128xi32>
      %convert_element_type3A_769 = arith.sitofp %convert_element_type3A_768 : vector<16x128xi32> to vector<16x128xf32>
      %mul3A_770 = arith.mulf %convert_element_type3A_512, %convert_element_type3A_769 : vector<16x128xf32>
      %reduce_sum3A_771 = vector.shape_cast %mul3A_770 : vector<16x128xf32> to vector<1x16x128xf32>
      %reduce_sum3A_772 = arith.constant dense<0.000000e+00> : vector<1xf32>
      %reduce_sum3A_773 = vector.multi_reduction <add>, %reduce_sum3A_771, %reduce_sum3A_772 [1, 2] : vector<1x16x128xf32> to vector<1xf32>
      %reduce_sum3A_774 = vector.shape_cast %reduce_sum3A_773 : vector<1xf32> to vector<1x1x1xf32>
      %reduce_sum3A_775 = vector.extract %reduce_sum3A_774[0, 0, 0] : f32 from vector<1x1x1xf32>
      %mul3A_776 = vector.broadcast %convert_element_type3A_493 : vector<16x1xf32> to vector<16x128xf32>
      %mul3A_777 = arith.mulf %mul3A_770, %mul3A_776 : vector<16x128xf32>
      %reduce_sum3A_778 = vector.shape_cast %mul3A_777 : vector<16x128xf32> to vector<1x16x128xf32>
      %reduce_sum3A_779 = arith.constant dense<0.000000e+00> : vector<1xf32>
      %reduce_sum3A_780 = vector.multi_reduction <add>, %reduce_sum3A_778, %reduce_sum3A_779 [1, 2] : vector<1x16x128xf32> to vector<1xf32>
      %reduce_sum3A_781 = vector.shape_cast %reduce_sum3A_780 : vector<1xf32> to vector<1x1x1xf32>
      %reduce_sum3A_782 = vector.extract %reduce_sum3A_781[0, 0, 0] : f32 from vector<1x1x1xf32>
      %sub3A_783 = arith.constant 1.000000e+00 : f32
      %sub3A_784 = arith.subf %sub3A_783, %reduce_sum3A_775 : f32
      %mul3A_785 = arith.constant 1.500000e+01 : f32
      %mul3A_786 = arith.mulf %sub3A_784, %mul3A_785 : f32
      %add3A_787 = arith.addf %reduce_sum3A_782, %mul3A_786 : f32
      %mul3A_788 = vector.broadcast %convert_element_type3A_534 : vector<1x128xf32> to vector<16x128xf32>
      %mul3A_789 = arith.mulf %mul3A_770, %mul3A_788 : vector<16x128xf32>
      %reduce_sum3A_790 = vector.shape_cast %mul3A_789 : vector<16x128xf32> to vector<1x16x128xf32>
      %reduce_sum3A_791 = arith.constant dense<0.000000e+00> : vector<1xf32>
      %reduce_sum3A_792 = vector.multi_reduction <add>, %reduce_sum3A_790, %reduce_sum3A_791 [1, 2] : vector<1x16x128xf32> to vector<1xf32>
      %reduce_sum3A_793 = vector.shape_cast %reduce_sum3A_792 : vector<1xf32> to vector<1x1x1xf32>
      %reduce_sum3A_794 = vector.extract %reduce_sum3A_793[0, 0, 0] : f32 from vector<1x1x1xf32>
      %max3A_795 = vector.broadcast %dot_general3A_236 : vector<1x128xf32> to vector<16x128xf32>
      %max3A_796 = vector.broadcast %mul3A_496 : vector<16x1xf32> to vector<16x128xf32>
      %max3A_797 = arith.maximumf %max3A_795, %max3A_796 : vector<16x128xf32>
      %mul3A_798 = arith.mulf %mul3A_770, %max3A_797 : vector<16x128xf32>
      %reduce_sum3A_799 = vector.shape_cast %mul3A_798 : vector<16x128xf32> to vector<1x16x128xf32>
      %reduce_sum3A_800 = arith.constant dense<0.000000e+00> : vector<1xf32>
      %reduce_sum3A_801 = vector.multi_reduction <add>, %reduce_sum3A_799, %reduce_sum3A_800 [1, 2] : vector<1x16x128xf32> to vector<1xf32>
      %reduce_sum3A_802 = vector.shape_cast %reduce_sum3A_801 : vector<1xf32> to vector<1x1x1xf32>
      %reduce_sum3A_803 = vector.extract %reduce_sum3A_802[0, 0, 0] : f32 from vector<1x1x1xf32>
      %min3A_804 = vector.broadcast %add3A_500 : vector<1x128xf32> to vector<16x128xf32>
      %min3A_805 = vector.broadcast %add3A_499 : vector<16x1xf32> to vector<16x128xf32>
      %min3A_806 = arith.minimumf %min3A_804, %min3A_805 : vector<16x128xf32>
      %mul3A_807 = arith.mulf %mul3A_770, %min3A_806 : vector<16x128xf32>
      %reduce_sum3A_808 = vector.shape_cast %mul3A_807 : vector<16x128xf32> to vector<1x16x128xf32>
      %reduce_sum3A_809 = arith.constant dense<0.000000e+00> : vector<1xf32>
      %reduce_sum3A_810 = vector.multi_reduction <add>, %reduce_sum3A_808, %reduce_sum3A_809 [1, 2] : vector<1x16x128xf32> to vector<1xf32>
      %reduce_sum3A_811 = vector.shape_cast %reduce_sum3A_810 : vector<1xf32> to vector<1x1x1xf32>
      %reduce_sum3A_812 = vector.extract %reduce_sum3A_811[0, 0, 0] : f32 from vector<1x1x1xf32>
      %mul3A_813 = arith.mulf %mul3A_770, %mul3A_532 : vector<16x128xf32>
      %reduce_sum3A_814 = vector.shape_cast %mul3A_813 : vector<16x128xf32> to vector<1x16x128xf32>
      %reduce_sum3A_815 = arith.constant dense<0.000000e+00> : vector<1xf32>
      %reduce_sum3A_816 = vector.multi_reduction <add>, %reduce_sum3A_814, %reduce_sum3A_815 [1, 2] : vector<1x16x128xf32> to vector<1xf32>
      %reduce_sum3A_817 = vector.shape_cast %reduce_sum3A_816 : vector<1xf32> to vector<1x1x1xf32>
      %reduce_sum3A_818 = vector.extract %reduce_sum3A_817[0, 0, 0] : f32 from vector<1x1x1xf32>
      %eq3A_819 = arith.constant 3 : i32
      %eq3A_820 = vector.broadcast %eq3A_819 : i32 to vector<1x128xi32>
      %eq3A_821 = arith.cmpi eq, %iota3A_535, %eq3A_820 : vector<1x128xi32>
      %convert_element_type3A_822 = arith.extui %eq3A_821 : vector<1x128xi1> to vector<1x128xi32>
      %convert_element_type3A_823 = arith.sitofp %convert_element_type3A_822 : vector<1x128xi32> to vector<1x128xf32>
      %mul3A_824 = vector.broadcast %add3A_787 : f32 to vector<1x128xf32>
      %mul3A_825 = arith.mulf %convert_element_type3A_823, %mul3A_824 : vector<1x128xf32>
      %add3A_826 = arith.addf %add3A_752, %mul3A_825 : vector<1x128xf32>
      %mul3A_827 = vector.broadcast %reduce_sum3A_794 : f32 to vector<1x128xf32>
      %mul3A_828 = arith.mulf %convert_element_type3A_823, %mul3A_827 : vector<1x128xf32>
      %add3A_829 = arith.addf %add3A_755, %mul3A_828 : vector<1x128xf32>
      %mul3A_830 = vector.broadcast %reduce_sum3A_803 : f32 to vector<1x128xf32>
      %mul3A_831 = arith.mulf %convert_element_type3A_823, %mul3A_830 : vector<1x128xf32>
      %add3A_832 = arith.addf %add3A_758, %mul3A_831 : vector<1x128xf32>
      %mul3A_833 = vector.broadcast %reduce_sum3A_812 : f32 to vector<1x128xf32>
      %mul3A_834 = arith.mulf %convert_element_type3A_823, %mul3A_833 : vector<1x128xf32>
      %add3A_835 = arith.addf %add3A_761, %mul3A_834 : vector<1x128xf32>
      %mul3A_836 = vector.broadcast %reduce_sum3A_818 : f32 to vector<1x128xf32>
      %mul3A_837 = arith.mulf %convert_element_type3A_823, %mul3A_836 : vector<1x128xf32>
      %add3A_838 = arith.addf %add3A_764, %mul3A_837 : vector<1x128xf32>
      %eq3A_839 = arith.constant 4.000000e+00 : f32
      %eq3A_840 = vector.broadcast %eq3A_839 : f32 to vector<16x128xf32>
      %eq3A_841 = arith.cmpf oeq, %add3A_526, %eq3A_840 : vector<16x128xf32>
      %convert_element_type3A_842 = arith.extui %eq3A_841 : vector<16x128xi1> to vector<16x128xi32>
      %convert_element_type3A_843 = arith.sitofp %convert_element_type3A_842 : vector<16x128xi32> to vector<16x128xf32>
      %mul3A_844 = arith.mulf %convert_element_type3A_512, %convert_element_type3A_843 : vector<16x128xf32>
      %reduce_sum3A_845 = vector.shape_cast %mul3A_844 : vector<16x128xf32> to vector<1x16x128xf32>
      %reduce_sum3A_846 = arith.constant dense<0.000000e+00> : vector<1xf32>
      %reduce_sum3A_847 = vector.multi_reduction <add>, %reduce_sum3A_845, %reduce_sum3A_846 [1, 2] : vector<1x16x128xf32> to vector<1xf32>
      %reduce_sum3A_848 = vector.shape_cast %reduce_sum3A_847 : vector<1xf32> to vector<1x1x1xf32>
      %reduce_sum3A_849 = vector.extract %reduce_sum3A_848[0, 0, 0] : f32 from vector<1x1x1xf32>
      %mul3A_850 = vector.broadcast %convert_element_type3A_493 : vector<16x1xf32> to vector<16x128xf32>
      %mul3A_851 = arith.mulf %mul3A_844, %mul3A_850 : vector<16x128xf32>
      %reduce_sum3A_852 = vector.shape_cast %mul3A_851 : vector<16x128xf32> to vector<1x16x128xf32>
      %reduce_sum3A_853 = arith.constant dense<0.000000e+00> : vector<1xf32>
      %reduce_sum3A_854 = vector.multi_reduction <add>, %reduce_sum3A_852, %reduce_sum3A_853 [1, 2] : vector<1x16x128xf32> to vector<1xf32>
      %reduce_sum3A_855 = vector.shape_cast %reduce_sum3A_854 : vector<1xf32> to vector<1x1x1xf32>
      %reduce_sum3A_856 = vector.extract %reduce_sum3A_855[0, 0, 0] : f32 from vector<1x1x1xf32>
      %sub3A_857 = arith.constant 1.000000e+00 : f32
      %sub3A_858 = arith.subf %sub3A_857, %reduce_sum3A_849 : f32
      %mul3A_859 = arith.constant 1.500000e+01 : f32
      %mul3A_860 = arith.mulf %sub3A_858, %mul3A_859 : f32
      %add3A_861 = arith.addf %reduce_sum3A_856, %mul3A_860 : f32
      %mul3A_862 = vector.broadcast %convert_element_type3A_534 : vector<1x128xf32> to vector<16x128xf32>
      %mul3A_863 = arith.mulf %mul3A_844, %mul3A_862 : vector<16x128xf32>
      %reduce_sum3A_864 = vector.shape_cast %mul3A_863 : vector<16x128xf32> to vector<1x16x128xf32>
      %reduce_sum3A_865 = arith.constant dense<0.000000e+00> : vector<1xf32>
      %reduce_sum3A_866 = vector.multi_reduction <add>, %reduce_sum3A_864, %reduce_sum3A_865 [1, 2] : vector<1x16x128xf32> to vector<1xf32>
      %reduce_sum3A_867 = vector.shape_cast %reduce_sum3A_866 : vector<1xf32> to vector<1x1x1xf32>
      %reduce_sum3A_868 = vector.extract %reduce_sum3A_867[0, 0, 0] : f32 from vector<1x1x1xf32>
      %max3A_869 = vector.broadcast %dot_general3A_236 : vector<1x128xf32> to vector<16x128xf32>
      %max3A_870 = vector.broadcast %mul3A_496 : vector<16x1xf32> to vector<16x128xf32>
      %max3A_871 = arith.maximumf %max3A_869, %max3A_870 : vector<16x128xf32>
      %mul3A_872 = arith.mulf %mul3A_844, %max3A_871 : vector<16x128xf32>
      %reduce_sum3A_873 = vector.shape_cast %mul3A_872 : vector<16x128xf32> to vector<1x16x128xf32>
      %reduce_sum3A_874 = arith.constant dense<0.000000e+00> : vector<1xf32>
      %reduce_sum3A_875 = vector.multi_reduction <add>, %reduce_sum3A_873, %reduce_sum3A_874 [1, 2] : vector<1x16x128xf32> to vector<1xf32>
      %reduce_sum3A_876 = vector.shape_cast %reduce_sum3A_875 : vector<1xf32> to vector<1x1x1xf32>
      %reduce_sum3A_877 = vector.extract %reduce_sum3A_876[0, 0, 0] : f32 from vector<1x1x1xf32>
      %min3A_878 = vector.broadcast %add3A_500 : vector<1x128xf32> to vector<16x128xf32>
      %min3A_879 = vector.broadcast %add3A_499 : vector<16x1xf32> to vector<16x128xf32>
      %min3A_880 = arith.minimumf %min3A_878, %min3A_879 : vector<16x128xf32>
      %mul3A_881 = arith.mulf %mul3A_844, %min3A_880 : vector<16x128xf32>
      %reduce_sum3A_882 = vector.shape_cast %mul3A_881 : vector<16x128xf32> to vector<1x16x128xf32>
      %reduce_sum3A_883 = arith.constant dense<0.000000e+00> : vector<1xf32>
      %reduce_sum3A_884 = vector.multi_reduction <add>, %reduce_sum3A_882, %reduce_sum3A_883 [1, 2] : vector<1x16x128xf32> to vector<1xf32>
      %reduce_sum3A_885 = vector.shape_cast %reduce_sum3A_884 : vector<1xf32> to vector<1x1x1xf32>
      %reduce_sum3A_886 = vector.extract %reduce_sum3A_885[0, 0, 0] : f32 from vector<1x1x1xf32>
      %mul3A_887 = arith.mulf %mul3A_844, %mul3A_532 : vector<16x128xf32>
      %reduce_sum3A_888 = vector.shape_cast %mul3A_887 : vector<16x128xf32> to vector<1x16x128xf32>
      %reduce_sum3A_889 = arith.constant dense<0.000000e+00> : vector<1xf32>
      %reduce_sum3A_890 = vector.multi_reduction <add>, %reduce_sum3A_888, %reduce_sum3A_889 [1, 2] : vector<1x16x128xf32> to vector<1xf32>
      %reduce_sum3A_891 = vector.shape_cast %reduce_sum3A_890 : vector<1xf32> to vector<1x1x1xf32>
      %reduce_sum3A_892 = vector.extract %reduce_sum3A_891[0, 0, 0] : f32 from vector<1x1x1xf32>
      %eq3A_893 = arith.constant 4 : i32
      %eq3A_894 = vector.broadcast %eq3A_893 : i32 to vector<1x128xi32>
      %eq3A_895 = arith.cmpi eq, %iota3A_535, %eq3A_894 : vector<1x128xi32>
      %convert_element_type3A_896 = arith.extui %eq3A_895 : vector<1x128xi1> to vector<1x128xi32>
      %convert_element_type3A_897 = arith.sitofp %convert_element_type3A_896 : vector<1x128xi32> to vector<1x128xf32>
      %mul3A_898 = vector.broadcast %add3A_861 : f32 to vector<1x128xf32>
      %mul3A_899 = arith.mulf %convert_element_type3A_897, %mul3A_898 : vector<1x128xf32>
      %add3A_900 = arith.addf %add3A_826, %mul3A_899 : vector<1x128xf32>
      %mul3A_901 = vector.broadcast %reduce_sum3A_868 : f32 to vector<1x128xf32>
      %mul3A_902 = arith.mulf %convert_element_type3A_897, %mul3A_901 : vector<1x128xf32>
      %add3A_903 = arith.addf %add3A_829, %mul3A_902 : vector<1x128xf32>
      %mul3A_904 = vector.broadcast %reduce_sum3A_877 : f32 to vector<1x128xf32>
      %mul3A_905 = arith.mulf %convert_element_type3A_897, %mul3A_904 : vector<1x128xf32>
      %add3A_906 = arith.addf %add3A_832, %mul3A_905 : vector<1x128xf32>
      %mul3A_907 = vector.broadcast %reduce_sum3A_886 : f32 to vector<1x128xf32>
      %mul3A_908 = arith.mulf %convert_element_type3A_897, %mul3A_907 : vector<1x128xf32>
      %add3A_909 = arith.addf %add3A_835, %mul3A_908 : vector<1x128xf32>
      %mul3A_910 = vector.broadcast %reduce_sum3A_892 : f32 to vector<1x128xf32>
      %mul3A_911 = arith.mulf %convert_element_type3A_897, %mul3A_910 : vector<1x128xf32>
      %add3A_912 = arith.addf %add3A_838, %mul3A_911 : vector<1x128xf32>
      %eq3A_913 = arith.constant 5.000000e+00 : f32
      %eq3A_914 = vector.broadcast %eq3A_913 : f32 to vector<16x128xf32>
      %eq3A_915 = arith.cmpf oeq, %add3A_526, %eq3A_914 : vector<16x128xf32>
      %convert_element_type3A_916 = arith.extui %eq3A_915 : vector<16x128xi1> to vector<16x128xi32>
      %convert_element_type3A_917 = arith.sitofp %convert_element_type3A_916 : vector<16x128xi32> to vector<16x128xf32>
      %mul3A_918 = arith.mulf %convert_element_type3A_512, %convert_element_type3A_917 : vector<16x128xf32>
      %reduce_sum3A_919 = vector.shape_cast %mul3A_918 : vector<16x128xf32> to vector<1x16x128xf32>
      %reduce_sum3A_920 = arith.constant dense<0.000000e+00> : vector<1xf32>
      %reduce_sum3A_921 = vector.multi_reduction <add>, %reduce_sum3A_919, %reduce_sum3A_920 [1, 2] : vector<1x16x128xf32> to vector<1xf32>
      %reduce_sum3A_922 = vector.shape_cast %reduce_sum3A_921 : vector<1xf32> to vector<1x1x1xf32>
      %reduce_sum3A_923 = vector.extract %reduce_sum3A_922[0, 0, 0] : f32 from vector<1x1x1xf32>
      %mul3A_924 = vector.broadcast %convert_element_type3A_493 : vector<16x1xf32> to vector<16x128xf32>
      %mul3A_925 = arith.mulf %mul3A_918, %mul3A_924 : vector<16x128xf32>
      %reduce_sum3A_926 = vector.shape_cast %mul3A_925 : vector<16x128xf32> to vector<1x16x128xf32>
      %reduce_sum3A_927 = arith.constant dense<0.000000e+00> : vector<1xf32>
      %reduce_sum3A_928 = vector.multi_reduction <add>, %reduce_sum3A_926, %reduce_sum3A_927 [1, 2] : vector<1x16x128xf32> to vector<1xf32>
      %reduce_sum3A_929 = vector.shape_cast %reduce_sum3A_928 : vector<1xf32> to vector<1x1x1xf32>
      %reduce_sum3A_930 = vector.extract %reduce_sum3A_929[0, 0, 0] : f32 from vector<1x1x1xf32>
      %sub3A_931 = arith.constant 1.000000e+00 : f32
      %sub3A_932 = arith.subf %sub3A_931, %reduce_sum3A_923 : f32
      %mul3A_933 = arith.constant 1.500000e+01 : f32
      %mul3A_934 = arith.mulf %sub3A_932, %mul3A_933 : f32
      %add3A_935 = arith.addf %reduce_sum3A_930, %mul3A_934 : f32
      %mul3A_936 = vector.broadcast %convert_element_type3A_534 : vector<1x128xf32> to vector<16x128xf32>
      %mul3A_937 = arith.mulf %mul3A_918, %mul3A_936 : vector<16x128xf32>
      %reduce_sum3A_938 = vector.shape_cast %mul3A_937 : vector<16x128xf32> to vector<1x16x128xf32>
      %reduce_sum3A_939 = arith.constant dense<0.000000e+00> : vector<1xf32>
      %reduce_sum3A_940 = vector.multi_reduction <add>, %reduce_sum3A_938, %reduce_sum3A_939 [1, 2] : vector<1x16x128xf32> to vector<1xf32>
      %reduce_sum3A_941 = vector.shape_cast %reduce_sum3A_940 : vector<1xf32> to vector<1x1x1xf32>
      %reduce_sum3A_942 = vector.extract %reduce_sum3A_941[0, 0, 0] : f32 from vector<1x1x1xf32>
      %max3A_943 = vector.broadcast %dot_general3A_236 : vector<1x128xf32> to vector<16x128xf32>
      %max3A_944 = vector.broadcast %mul3A_496 : vector<16x1xf32> to vector<16x128xf32>
      %max3A_945 = arith.maximumf %max3A_943, %max3A_944 : vector<16x128xf32>
      %mul3A_946 = arith.mulf %mul3A_918, %max3A_945 : vector<16x128xf32>
      %reduce_sum3A_947 = vector.shape_cast %mul3A_946 : vector<16x128xf32> to vector<1x16x128xf32>
      %reduce_sum3A_948 = arith.constant dense<0.000000e+00> : vector<1xf32>
      %reduce_sum3A_949 = vector.multi_reduction <add>, %reduce_sum3A_947, %reduce_sum3A_948 [1, 2] : vector<1x16x128xf32> to vector<1xf32>
      %reduce_sum3A_950 = vector.shape_cast %reduce_sum3A_949 : vector<1xf32> to vector<1x1x1xf32>
      %reduce_sum3A_951 = vector.extract %reduce_sum3A_950[0, 0, 0] : f32 from vector<1x1x1xf32>
      %min3A_952 = vector.broadcast %add3A_500 : vector<1x128xf32> to vector<16x128xf32>
      %min3A_953 = vector.broadcast %add3A_499 : vector<16x1xf32> to vector<16x128xf32>
      %min3A_954 = arith.minimumf %min3A_952, %min3A_953 : vector<16x128xf32>
      %mul3A_955 = arith.mulf %mul3A_918, %min3A_954 : vector<16x128xf32>
      %reduce_sum3A_956 = vector.shape_cast %mul3A_955 : vector<16x128xf32> to vector<1x16x128xf32>
      %reduce_sum3A_957 = arith.constant dense<0.000000e+00> : vector<1xf32>
      %reduce_sum3A_958 = vector.multi_reduction <add>, %reduce_sum3A_956, %reduce_sum3A_957 [1, 2] : vector<1x16x128xf32> to vector<1xf32>
      %reduce_sum3A_959 = vector.shape_cast %reduce_sum3A_958 : vector<1xf32> to vector<1x1x1xf32>
      %reduce_sum3A_960 = vector.extract %reduce_sum3A_959[0, 0, 0] : f32 from vector<1x1x1xf32>
      %mul3A_961 = arith.mulf %mul3A_918, %mul3A_532 : vector<16x128xf32>
      %reduce_sum3A_962 = vector.shape_cast %mul3A_961 : vector<16x128xf32> to vector<1x16x128xf32>
      %reduce_sum3A_963 = arith.constant dense<0.000000e+00> : vector<1xf32>
      %reduce_sum3A_964 = vector.multi_reduction <add>, %reduce_sum3A_962, %reduce_sum3A_963 [1, 2] : vector<1x16x128xf32> to vector<1xf32>
      %reduce_sum3A_965 = vector.shape_cast %reduce_sum3A_964 : vector<1xf32> to vector<1x1x1xf32>
      %reduce_sum3A_966 = vector.extract %reduce_sum3A_965[0, 0, 0] : f32 from vector<1x1x1xf32>
      %eq3A_967 = arith.constant 5 : i32
      %eq3A_968 = vector.broadcast %eq3A_967 : i32 to vector<1x128xi32>
      %eq3A_969 = arith.cmpi eq, %iota3A_535, %eq3A_968 : vector<1x128xi32>
      %convert_element_type3A_970 = arith.extui %eq3A_969 : vector<1x128xi1> to vector<1x128xi32>
      %convert_element_type3A_971 = arith.sitofp %convert_element_type3A_970 : vector<1x128xi32> to vector<1x128xf32>
      %mul3A_972 = vector.broadcast %add3A_935 : f32 to vector<1x128xf32>
      %mul3A_973 = arith.mulf %convert_element_type3A_971, %mul3A_972 : vector<1x128xf32>
      %add3A_974 = arith.addf %add3A_900, %mul3A_973 : vector<1x128xf32>
      %mul3A_975 = vector.broadcast %reduce_sum3A_942 : f32 to vector<1x128xf32>
      %mul3A_976 = arith.mulf %convert_element_type3A_971, %mul3A_975 : vector<1x128xf32>
      %add3A_977 = arith.addf %add3A_903, %mul3A_976 : vector<1x128xf32>
      %mul3A_978 = vector.broadcast %reduce_sum3A_951 : f32 to vector<1x128xf32>
      %mul3A_979 = arith.mulf %convert_element_type3A_971, %mul3A_978 : vector<1x128xf32>
      %add3A_980 = arith.addf %add3A_906, %mul3A_979 : vector<1x128xf32>
      %mul3A_981 = vector.broadcast %reduce_sum3A_960 : f32 to vector<1x128xf32>
      %mul3A_982 = arith.mulf %convert_element_type3A_971, %mul3A_981 : vector<1x128xf32>
      %add3A_983 = arith.addf %add3A_909, %mul3A_982 : vector<1x128xf32>
      %mul3A_984 = vector.broadcast %reduce_sum3A_966 : f32 to vector<1x128xf32>
      %mul3A_985 = arith.mulf %convert_element_type3A_971, %mul3A_984 : vector<1x128xf32>
      %add3A_986 = arith.addf %add3A_912, %mul3A_985 : vector<1x128xf32>
      %eq3A_987 = arith.constant 6.000000e+00 : f32
      %eq3A_988 = vector.broadcast %eq3A_987 : f32 to vector<16x128xf32>
      %eq3A_989 = arith.cmpf oeq, %add3A_526, %eq3A_988 : vector<16x128xf32>
      %convert_element_type3A_990 = arith.extui %eq3A_989 : vector<16x128xi1> to vector<16x128xi32>
      %convert_element_type3A_991 = arith.sitofp %convert_element_type3A_990 : vector<16x128xi32> to vector<16x128xf32>
      %mul3A_992 = arith.mulf %convert_element_type3A_512, %convert_element_type3A_991 : vector<16x128xf32>
      %reduce_sum3A_993 = vector.shape_cast %mul3A_992 : vector<16x128xf32> to vector<1x16x128xf32>
      %reduce_sum3A_994 = arith.constant dense<0.000000e+00> : vector<1xf32>
      %reduce_sum3A_995 = vector.multi_reduction <add>, %reduce_sum3A_993, %reduce_sum3A_994 [1, 2] : vector<1x16x128xf32> to vector<1xf32>
      %reduce_sum3A_996 = vector.shape_cast %reduce_sum3A_995 : vector<1xf32> to vector<1x1x1xf32>
      %reduce_sum3A_997 = vector.extract %reduce_sum3A_996[0, 0, 0] : f32 from vector<1x1x1xf32>
      %mul3A_998 = vector.broadcast %convert_element_type3A_493 : vector<16x1xf32> to vector<16x128xf32>
      %mul3A_999 = arith.mulf %mul3A_992, %mul3A_998 : vector<16x128xf32>
      %reduce_sum3A_1000 = vector.shape_cast %mul3A_999 : vector<16x128xf32> to vector<1x16x128xf32>
      %reduce_sum3A_1001 = arith.constant dense<0.000000e+00> : vector<1xf32>
      %reduce_sum3A_1002 = vector.multi_reduction <add>, %reduce_sum3A_1000, %reduce_sum3A_1001 [1, 2] : vector<1x16x128xf32> to vector<1xf32>
      %reduce_sum3A_1003 = vector.shape_cast %reduce_sum3A_1002 : vector<1xf32> to vector<1x1x1xf32>
      %reduce_sum3A_1004 = vector.extract %reduce_sum3A_1003[0, 0, 0] : f32 from vector<1x1x1xf32>
      %sub3A_1005 = arith.constant 1.000000e+00 : f32
      %sub3A_1006 = arith.subf %sub3A_1005, %reduce_sum3A_997 : f32
      %mul3A_1007 = arith.constant 1.500000e+01 : f32
      %mul3A_1008 = arith.mulf %sub3A_1006, %mul3A_1007 : f32
      %add3A_1009 = arith.addf %reduce_sum3A_1004, %mul3A_1008 : f32
      %mul3A_1010 = vector.broadcast %convert_element_type3A_534 : vector<1x128xf32> to vector<16x128xf32>
      %mul3A_1011 = arith.mulf %mul3A_992, %mul3A_1010 : vector<16x128xf32>
      %reduce_sum3A_1012 = vector.shape_cast %mul3A_1011 : vector<16x128xf32> to vector<1x16x128xf32>
      %reduce_sum3A_1013 = arith.constant dense<0.000000e+00> : vector<1xf32>
      %reduce_sum3A_1014 = vector.multi_reduction <add>, %reduce_sum3A_1012, %reduce_sum3A_1013 [1, 2] : vector<1x16x128xf32> to vector<1xf32>
      %reduce_sum3A_1015 = vector.shape_cast %reduce_sum3A_1014 : vector<1xf32> to vector<1x1x1xf32>
      %reduce_sum3A_1016 = vector.extract %reduce_sum3A_1015[0, 0, 0] : f32 from vector<1x1x1xf32>
      %max3A_1017 = vector.broadcast %dot_general3A_236 : vector<1x128xf32> to vector<16x128xf32>
      %max3A_1018 = vector.broadcast %mul3A_496 : vector<16x1xf32> to vector<16x128xf32>
      %max3A_1019 = arith.maximumf %max3A_1017, %max3A_1018 : vector<16x128xf32>
      %mul3A_1020 = arith.mulf %mul3A_992, %max3A_1019 : vector<16x128xf32>
      %reduce_sum3A_1021 = vector.shape_cast %mul3A_1020 : vector<16x128xf32> to vector<1x16x128xf32>
      %reduce_sum3A_1022 = arith.constant dense<0.000000e+00> : vector<1xf32>
      %reduce_sum3A_1023 = vector.multi_reduction <add>, %reduce_sum3A_1021, %reduce_sum3A_1022 [1, 2] : vector<1x16x128xf32> to vector<1xf32>
      %reduce_sum3A_1024 = vector.shape_cast %reduce_sum3A_1023 : vector<1xf32> to vector<1x1x1xf32>
      %reduce_sum3A_1025 = vector.extract %reduce_sum3A_1024[0, 0, 0] : f32 from vector<1x1x1xf32>
      %min3A_1026 = vector.broadcast %add3A_500 : vector<1x128xf32> to vector<16x128xf32>
      %min3A_1027 = vector.broadcast %add3A_499 : vector<16x1xf32> to vector<16x128xf32>
      %min3A_1028 = arith.minimumf %min3A_1026, %min3A_1027 : vector<16x128xf32>
      %mul3A_1029 = arith.mulf %mul3A_992, %min3A_1028 : vector<16x128xf32>
      %reduce_sum3A_1030 = vector.shape_cast %mul3A_1029 : vector<16x128xf32> to vector<1x16x128xf32>
      %reduce_sum3A_1031 = arith.constant dense<0.000000e+00> : vector<1xf32>
      %reduce_sum3A_1032 = vector.multi_reduction <add>, %reduce_sum3A_1030, %reduce_sum3A_1031 [1, 2] : vector<1x16x128xf32> to vector<1xf32>
      %reduce_sum3A_1033 = vector.shape_cast %reduce_sum3A_1032 : vector<1xf32> to vector<1x1x1xf32>
      %reduce_sum3A_1034 = vector.extract %reduce_sum3A_1033[0, 0, 0] : f32 from vector<1x1x1xf32>
      %mul3A_1035 = arith.mulf %mul3A_992, %mul3A_532 : vector<16x128xf32>
      %reduce_sum3A_1036 = vector.shape_cast %mul3A_1035 : vector<16x128xf32> to vector<1x16x128xf32>
      %reduce_sum3A_1037 = arith.constant dense<0.000000e+00> : vector<1xf32>
      %reduce_sum3A_1038 = vector.multi_reduction <add>, %reduce_sum3A_1036, %reduce_sum3A_1037 [1, 2] : vector<1x16x128xf32> to vector<1xf32>
      %reduce_sum3A_1039 = vector.shape_cast %reduce_sum3A_1038 : vector<1xf32> to vector<1x1x1xf32>
      %reduce_sum3A_1040 = vector.extract %reduce_sum3A_1039[0, 0, 0] : f32 from vector<1x1x1xf32>
      %eq3A_1041 = arith.constant 6 : i32
      %eq3A_1042 = vector.broadcast %eq3A_1041 : i32 to vector<1x128xi32>
      %eq3A_1043 = arith.cmpi eq, %iota3A_535, %eq3A_1042 : vector<1x128xi32>
      %convert_element_type3A_1044 = arith.extui %eq3A_1043 : vector<1x128xi1> to vector<1x128xi32>
      %convert_element_type3A_1045 = arith.sitofp %convert_element_type3A_1044 : vector<1x128xi32> to vector<1x128xf32>
      %mul3A_1046 = vector.broadcast %add3A_1009 : f32 to vector<1x128xf32>
      %mul3A_1047 = arith.mulf %convert_element_type3A_1045, %mul3A_1046 : vector<1x128xf32>
      %add3A_1048 = arith.addf %add3A_974, %mul3A_1047 : vector<1x128xf32>
      %mul3A_1049 = vector.broadcast %reduce_sum3A_1016 : f32 to vector<1x128xf32>
      %mul3A_1050 = arith.mulf %convert_element_type3A_1045, %mul3A_1049 : vector<1x128xf32>
      %add3A_1051 = arith.addf %add3A_977, %mul3A_1050 : vector<1x128xf32>
      %mul3A_1052 = vector.broadcast %reduce_sum3A_1025 : f32 to vector<1x128xf32>
      %mul3A_1053 = arith.mulf %convert_element_type3A_1045, %mul3A_1052 : vector<1x128xf32>
      %add3A_1054 = arith.addf %add3A_980, %mul3A_1053 : vector<1x128xf32>
      %mul3A_1055 = vector.broadcast %reduce_sum3A_1034 : f32 to vector<1x128xf32>
      %mul3A_1056 = arith.mulf %convert_element_type3A_1045, %mul3A_1055 : vector<1x128xf32>
      %add3A_1057 = arith.addf %add3A_983, %mul3A_1056 : vector<1x128xf32>
      %mul3A_1058 = vector.broadcast %reduce_sum3A_1040 : f32 to vector<1x128xf32>
      %mul3A_1059 = arith.mulf %convert_element_type3A_1045, %mul3A_1058 : vector<1x128xf32>
      %add3A_1060 = arith.addf %add3A_986, %mul3A_1059 : vector<1x128xf32>
      %eq3A_1061 = arith.constant 7.000000e+00 : f32
      %eq3A_1062 = vector.broadcast %eq3A_1061 : f32 to vector<16x128xf32>
      %eq3A_1063 = arith.cmpf oeq, %add3A_526, %eq3A_1062 : vector<16x128xf32>
      %convert_element_type3A_1064 = arith.extui %eq3A_1063 : vector<16x128xi1> to vector<16x128xi32>
      %convert_element_type3A_1065 = arith.sitofp %convert_element_type3A_1064 : vector<16x128xi32> to vector<16x128xf32>
      %mul3A_1066 = arith.mulf %convert_element_type3A_512, %convert_element_type3A_1065 : vector<16x128xf32>
      %reduce_sum3A_1067 = vector.shape_cast %mul3A_1066 : vector<16x128xf32> to vector<1x16x128xf32>
      %reduce_sum3A_1068 = arith.constant dense<0.000000e+00> : vector<1xf32>
      %reduce_sum3A_1069 = vector.multi_reduction <add>, %reduce_sum3A_1067, %reduce_sum3A_1068 [1, 2] : vector<1x16x128xf32> to vector<1xf32>
      %reduce_sum3A_1070 = vector.shape_cast %reduce_sum3A_1069 : vector<1xf32> to vector<1x1x1xf32>
      %reduce_sum3A_1071 = vector.extract %reduce_sum3A_1070[0, 0, 0] : f32 from vector<1x1x1xf32>
      %mul3A_1072 = vector.broadcast %convert_element_type3A_493 : vector<16x1xf32> to vector<16x128xf32>
      %mul3A_1073 = arith.mulf %mul3A_1066, %mul3A_1072 : vector<16x128xf32>
      %reduce_sum3A_1074 = vector.shape_cast %mul3A_1073 : vector<16x128xf32> to vector<1x16x128xf32>
      %reduce_sum3A_1075 = arith.constant dense<0.000000e+00> : vector<1xf32>
      %reduce_sum3A_1076 = vector.multi_reduction <add>, %reduce_sum3A_1074, %reduce_sum3A_1075 [1, 2] : vector<1x16x128xf32> to vector<1xf32>
      %reduce_sum3A_1077 = vector.shape_cast %reduce_sum3A_1076 : vector<1xf32> to vector<1x1x1xf32>
      %reduce_sum3A_1078 = vector.extract %reduce_sum3A_1077[0, 0, 0] : f32 from vector<1x1x1xf32>
      %sub3A_1079 = arith.constant 1.000000e+00 : f32
      %sub3A_1080 = arith.subf %sub3A_1079, %reduce_sum3A_1071 : f32
      %mul3A_1081 = arith.constant 1.500000e+01 : f32
      %mul3A_1082 = arith.mulf %sub3A_1080, %mul3A_1081 : f32
      %add3A_1083 = arith.addf %reduce_sum3A_1078, %mul3A_1082 : f32
      %mul3A_1084 = vector.broadcast %convert_element_type3A_534 : vector<1x128xf32> to vector<16x128xf32>
      %mul3A_1085 = arith.mulf %mul3A_1066, %mul3A_1084 : vector<16x128xf32>
      %reduce_sum3A_1086 = vector.shape_cast %mul3A_1085 : vector<16x128xf32> to vector<1x16x128xf32>
      %reduce_sum3A_1087 = arith.constant dense<0.000000e+00> : vector<1xf32>
      %reduce_sum3A_1088 = vector.multi_reduction <add>, %reduce_sum3A_1086, %reduce_sum3A_1087 [1, 2] : vector<1x16x128xf32> to vector<1xf32>
      %reduce_sum3A_1089 = vector.shape_cast %reduce_sum3A_1088 : vector<1xf32> to vector<1x1x1xf32>
      %reduce_sum3A_1090 = vector.extract %reduce_sum3A_1089[0, 0, 0] : f32 from vector<1x1x1xf32>
      %max3A_1091 = vector.broadcast %dot_general3A_236 : vector<1x128xf32> to vector<16x128xf32>
      %max3A_1092 = vector.broadcast %mul3A_496 : vector<16x1xf32> to vector<16x128xf32>
      %max3A_1093 = arith.maximumf %max3A_1091, %max3A_1092 : vector<16x128xf32>
      %mul3A_1094 = arith.mulf %mul3A_1066, %max3A_1093 : vector<16x128xf32>
      %reduce_sum3A_1095 = vector.shape_cast %mul3A_1094 : vector<16x128xf32> to vector<1x16x128xf32>
      %reduce_sum3A_1096 = arith.constant dense<0.000000e+00> : vector<1xf32>
      %reduce_sum3A_1097 = vector.multi_reduction <add>, %reduce_sum3A_1095, %reduce_sum3A_1096 [1, 2] : vector<1x16x128xf32> to vector<1xf32>
      %reduce_sum3A_1098 = vector.shape_cast %reduce_sum3A_1097 : vector<1xf32> to vector<1x1x1xf32>
      %reduce_sum3A_1099 = vector.extract %reduce_sum3A_1098[0, 0, 0] : f32 from vector<1x1x1xf32>
      %min3A_1100 = vector.broadcast %add3A_500 : vector<1x128xf32> to vector<16x128xf32>
      %min3A_1101 = vector.broadcast %add3A_499 : vector<16x1xf32> to vector<16x128xf32>
      %min3A_1102 = arith.minimumf %min3A_1100, %min3A_1101 : vector<16x128xf32>
      %mul3A_1103 = arith.mulf %mul3A_1066, %min3A_1102 : vector<16x128xf32>
      %reduce_sum3A_1104 = vector.shape_cast %mul3A_1103 : vector<16x128xf32> to vector<1x16x128xf32>
      %reduce_sum3A_1105 = arith.constant dense<0.000000e+00> : vector<1xf32>
      %reduce_sum3A_1106 = vector.multi_reduction <add>, %reduce_sum3A_1104, %reduce_sum3A_1105 [1, 2] : vector<1x16x128xf32> to vector<1xf32>
      %reduce_sum3A_1107 = vector.shape_cast %reduce_sum3A_1106 : vector<1xf32> to vector<1x1x1xf32>
      %reduce_sum3A_1108 = vector.extract %reduce_sum3A_1107[0, 0, 0] : f32 from vector<1x1x1xf32>
      %mul3A_1109 = arith.mulf %mul3A_1066, %mul3A_532 : vector<16x128xf32>
      %reduce_sum3A_1110 = vector.shape_cast %mul3A_1109 : vector<16x128xf32> to vector<1x16x128xf32>
      %reduce_sum3A_1111 = arith.constant dense<0.000000e+00> : vector<1xf32>
      %reduce_sum3A_1112 = vector.multi_reduction <add>, %reduce_sum3A_1110, %reduce_sum3A_1111 [1, 2] : vector<1x16x128xf32> to vector<1xf32>
      %reduce_sum3A_1113 = vector.shape_cast %reduce_sum3A_1112 : vector<1xf32> to vector<1x1x1xf32>
      %reduce_sum3A_1114 = vector.extract %reduce_sum3A_1113[0, 0, 0] : f32 from vector<1x1x1xf32>
      %eq3A_1115 = arith.constant 7 : i32
      %eq3A_1116 = vector.broadcast %eq3A_1115 : i32 to vector<1x128xi32>
      %eq3A_1117 = arith.cmpi eq, %iota3A_535, %eq3A_1116 : vector<1x128xi32>
      %convert_element_type3A_1118 = arith.extui %eq3A_1117 : vector<1x128xi1> to vector<1x128xi32>
      %convert_element_type3A_1119 = arith.sitofp %convert_element_type3A_1118 : vector<1x128xi32> to vector<1x128xf32>
      %mul3A_1120 = vector.broadcast %add3A_1083 : f32 to vector<1x128xf32>
      %mul3A_1121 = arith.mulf %convert_element_type3A_1119, %mul3A_1120 : vector<1x128xf32>
      %add3A_1122 = arith.addf %add3A_1048, %mul3A_1121 : vector<1x128xf32>
      %mul3A_1123 = vector.broadcast %reduce_sum3A_1090 : f32 to vector<1x128xf32>
      %mul3A_1124 = arith.mulf %convert_element_type3A_1119, %mul3A_1123 : vector<1x128xf32>
      %add3A_1125 = arith.addf %add3A_1051, %mul3A_1124 : vector<1x128xf32>
      %mul3A_1126 = vector.broadcast %reduce_sum3A_1099 : f32 to vector<1x128xf32>
      %mul3A_1127 = arith.mulf %convert_element_type3A_1119, %mul3A_1126 : vector<1x128xf32>
      %add3A_1128 = arith.addf %add3A_1054, %mul3A_1127 : vector<1x128xf32>
      %mul3A_1129 = vector.broadcast %reduce_sum3A_1108 : f32 to vector<1x128xf32>
      %mul3A_1130 = arith.mulf %convert_element_type3A_1119, %mul3A_1129 : vector<1x128xf32>
      %add3A_1131 = arith.addf %add3A_1057, %mul3A_1130 : vector<1x128xf32>
      %mul3A_1132 = vector.broadcast %reduce_sum3A_1114 : f32 to vector<1x128xf32>
      %mul3A_1133 = arith.mulf %convert_element_type3A_1119, %mul3A_1132 : vector<1x128xf32>
      %add3A_1134 = arith.addf %add3A_1060, %mul3A_1133 : vector<1x128xf32>
      %eq3A_1135 = arith.constant 8.000000e+00 : f32
      %eq3A_1136 = vector.broadcast %eq3A_1135 : f32 to vector<16x128xf32>
      %eq3A_1137 = arith.cmpf oeq, %add3A_526, %eq3A_1136 : vector<16x128xf32>
      %convert_element_type3A_1138 = arith.extui %eq3A_1137 : vector<16x128xi1> to vector<16x128xi32>
      %convert_element_type3A_1139 = arith.sitofp %convert_element_type3A_1138 : vector<16x128xi32> to vector<16x128xf32>
      %mul3A_1140 = arith.mulf %convert_element_type3A_512, %convert_element_type3A_1139 : vector<16x128xf32>
      %reduce_sum3A_1141 = vector.shape_cast %mul3A_1140 : vector<16x128xf32> to vector<1x16x128xf32>
      %reduce_sum3A_1142 = arith.constant dense<0.000000e+00> : vector<1xf32>
      %reduce_sum3A_1143 = vector.multi_reduction <add>, %reduce_sum3A_1141, %reduce_sum3A_1142 [1, 2] : vector<1x16x128xf32> to vector<1xf32>
      %reduce_sum3A_1144 = vector.shape_cast %reduce_sum3A_1143 : vector<1xf32> to vector<1x1x1xf32>
      %reduce_sum3A_1145 = vector.extract %reduce_sum3A_1144[0, 0, 0] : f32 from vector<1x1x1xf32>
      %mul3A_1146 = vector.broadcast %convert_element_type3A_493 : vector<16x1xf32> to vector<16x128xf32>
      %mul3A_1147 = arith.mulf %mul3A_1140, %mul3A_1146 : vector<16x128xf32>
      %reduce_sum3A_1148 = vector.shape_cast %mul3A_1147 : vector<16x128xf32> to vector<1x16x128xf32>
      %reduce_sum3A_1149 = arith.constant dense<0.000000e+00> : vector<1xf32>
      %reduce_sum3A_1150 = vector.multi_reduction <add>, %reduce_sum3A_1148, %reduce_sum3A_1149 [1, 2] : vector<1x16x128xf32> to vector<1xf32>
      %reduce_sum3A_1151 = vector.shape_cast %reduce_sum3A_1150 : vector<1xf32> to vector<1x1x1xf32>
      %reduce_sum3A_1152 = vector.extract %reduce_sum3A_1151[0, 0, 0] : f32 from vector<1x1x1xf32>
      %sub3A_1153 = arith.constant 1.000000e+00 : f32
      %sub3A_1154 = arith.subf %sub3A_1153, %reduce_sum3A_1145 : f32
      %mul3A_1155 = arith.constant 1.500000e+01 : f32
      %mul3A_1156 = arith.mulf %sub3A_1154, %mul3A_1155 : f32
      %add3A_1157 = arith.addf %reduce_sum3A_1152, %mul3A_1156 : f32
      %mul3A_1158 = vector.broadcast %convert_element_type3A_534 : vector<1x128xf32> to vector<16x128xf32>
      %mul3A_1159 = arith.mulf %mul3A_1140, %mul3A_1158 : vector<16x128xf32>
      %reduce_sum3A_1160 = vector.shape_cast %mul3A_1159 : vector<16x128xf32> to vector<1x16x128xf32>
      %reduce_sum3A_1161 = arith.constant dense<0.000000e+00> : vector<1xf32>
      %reduce_sum3A_1162 = vector.multi_reduction <add>, %reduce_sum3A_1160, %reduce_sum3A_1161 [1, 2] : vector<1x16x128xf32> to vector<1xf32>
      %reduce_sum3A_1163 = vector.shape_cast %reduce_sum3A_1162 : vector<1xf32> to vector<1x1x1xf32>
      %reduce_sum3A_1164 = vector.extract %reduce_sum3A_1163[0, 0, 0] : f32 from vector<1x1x1xf32>
      %max3A_1165 = vector.broadcast %dot_general3A_236 : vector<1x128xf32> to vector<16x128xf32>
      %max3A_1166 = vector.broadcast %mul3A_496 : vector<16x1xf32> to vector<16x128xf32>
      %max3A_1167 = arith.maximumf %max3A_1165, %max3A_1166 : vector<16x128xf32>
      %mul3A_1168 = arith.mulf %mul3A_1140, %max3A_1167 : vector<16x128xf32>
      %reduce_sum3A_1169 = vector.shape_cast %mul3A_1168 : vector<16x128xf32> to vector<1x16x128xf32>
      %reduce_sum3A_1170 = arith.constant dense<0.000000e+00> : vector<1xf32>
      %reduce_sum3A_1171 = vector.multi_reduction <add>, %reduce_sum3A_1169, %reduce_sum3A_1170 [1, 2] : vector<1x16x128xf32> to vector<1xf32>
      %reduce_sum3A_1172 = vector.shape_cast %reduce_sum3A_1171 : vector<1xf32> to vector<1x1x1xf32>
      %reduce_sum3A_1173 = vector.extract %reduce_sum3A_1172[0, 0, 0] : f32 from vector<1x1x1xf32>
      %min3A_1174 = vector.broadcast %add3A_500 : vector<1x128xf32> to vector<16x128xf32>
      %min3A_1175 = vector.broadcast %add3A_499 : vector<16x1xf32> to vector<16x128xf32>
      %min3A_1176 = arith.minimumf %min3A_1174, %min3A_1175 : vector<16x128xf32>
      %mul3A_1177 = arith.mulf %mul3A_1140, %min3A_1176 : vector<16x128xf32>
      %reduce_sum3A_1178 = vector.shape_cast %mul3A_1177 : vector<16x128xf32> to vector<1x16x128xf32>
      %reduce_sum3A_1179 = arith.constant dense<0.000000e+00> : vector<1xf32>
      %reduce_sum3A_1180 = vector.multi_reduction <add>, %reduce_sum3A_1178, %reduce_sum3A_1179 [1, 2] : vector<1x16x128xf32> to vector<1xf32>
      %reduce_sum3A_1181 = vector.shape_cast %reduce_sum3A_1180 : vector<1xf32> to vector<1x1x1xf32>
      %reduce_sum3A_1182 = vector.extract %reduce_sum3A_1181[0, 0, 0] : f32 from vector<1x1x1xf32>
      %mul3A_1183 = arith.mulf %mul3A_1140, %mul3A_532 : vector<16x128xf32>
      %reduce_sum3A_1184 = vector.shape_cast %mul3A_1183 : vector<16x128xf32> to vector<1x16x128xf32>
      %reduce_sum3A_1185 = arith.constant dense<0.000000e+00> : vector<1xf32>
      %reduce_sum3A_1186 = vector.multi_reduction <add>, %reduce_sum3A_1184, %reduce_sum3A_1185 [1, 2] : vector<1x16x128xf32> to vector<1xf32>
      %reduce_sum3A_1187 = vector.shape_cast %reduce_sum3A_1186 : vector<1xf32> to vector<1x1x1xf32>
      %reduce_sum3A_1188 = vector.extract %reduce_sum3A_1187[0, 0, 0] : f32 from vector<1x1x1xf32>
      %eq3A_1189 = arith.constant 8 : i32
      %eq3A_1190 = vector.broadcast %eq3A_1189 : i32 to vector<1x128xi32>
      %eq3A_1191 = arith.cmpi eq, %iota3A_535, %eq3A_1190 : vector<1x128xi32>
      %convert_element_type3A_1192 = arith.extui %eq3A_1191 : vector<1x128xi1> to vector<1x128xi32>
      %convert_element_type3A_1193 = arith.sitofp %convert_element_type3A_1192 : vector<1x128xi32> to vector<1x128xf32>
      %mul3A_1194 = vector.broadcast %add3A_1157 : f32 to vector<1x128xf32>
      %mul3A_1195 = arith.mulf %convert_element_type3A_1193, %mul3A_1194 : vector<1x128xf32>
      %add3A_1196 = arith.addf %add3A_1122, %mul3A_1195 : vector<1x128xf32>
      %mul3A_1197 = vector.broadcast %reduce_sum3A_1164 : f32 to vector<1x128xf32>
      %mul3A_1198 = arith.mulf %convert_element_type3A_1193, %mul3A_1197 : vector<1x128xf32>
      %add3A_1199 = arith.addf %add3A_1125, %mul3A_1198 : vector<1x128xf32>
      %mul3A_1200 = vector.broadcast %reduce_sum3A_1173 : f32 to vector<1x128xf32>
      %mul3A_1201 = arith.mulf %convert_element_type3A_1193, %mul3A_1200 : vector<1x128xf32>
      %add3A_1202 = arith.addf %add3A_1128, %mul3A_1201 : vector<1x128xf32>
      %mul3A_1203 = vector.broadcast %reduce_sum3A_1182 : f32 to vector<1x128xf32>
      %mul3A_1204 = arith.mulf %convert_element_type3A_1193, %mul3A_1203 : vector<1x128xf32>
      %add3A_1205 = arith.addf %add3A_1131, %mul3A_1204 : vector<1x128xf32>
      %mul3A_1206 = vector.broadcast %reduce_sum3A_1188 : f32 to vector<1x128xf32>
      %mul3A_1207 = arith.mulf %convert_element_type3A_1193, %mul3A_1206 : vector<1x128xf32>
      %add3A_1208 = arith.addf %add3A_1134, %mul3A_1207 : vector<1x128xf32>
      %eq3A_1209 = arith.constant 9.000000e+00 : f32
      %eq3A_1210 = vector.broadcast %eq3A_1209 : f32 to vector<16x128xf32>
      %eq3A_1211 = arith.cmpf oeq, %add3A_526, %eq3A_1210 : vector<16x128xf32>
      %convert_element_type3A_1212 = arith.extui %eq3A_1211 : vector<16x128xi1> to vector<16x128xi32>
      %convert_element_type3A_1213 = arith.sitofp %convert_element_type3A_1212 : vector<16x128xi32> to vector<16x128xf32>
      %mul3A_1214 = arith.mulf %convert_element_type3A_512, %convert_element_type3A_1213 : vector<16x128xf32>
      %reduce_sum3A_1215 = vector.shape_cast %mul3A_1214 : vector<16x128xf32> to vector<1x16x128xf32>
      %reduce_sum3A_1216 = arith.constant dense<0.000000e+00> : vector<1xf32>
      %reduce_sum3A_1217 = vector.multi_reduction <add>, %reduce_sum3A_1215, %reduce_sum3A_1216 [1, 2] : vector<1x16x128xf32> to vector<1xf32>
      %reduce_sum3A_1218 = vector.shape_cast %reduce_sum3A_1217 : vector<1xf32> to vector<1x1x1xf32>
      %reduce_sum3A_1219 = vector.extract %reduce_sum3A_1218[0, 0, 0] : f32 from vector<1x1x1xf32>
      %mul3A_1220 = vector.broadcast %convert_element_type3A_493 : vector<16x1xf32> to vector<16x128xf32>
      %mul3A_1221 = arith.mulf %mul3A_1214, %mul3A_1220 : vector<16x128xf32>
      %reduce_sum3A_1222 = vector.shape_cast %mul3A_1221 : vector<16x128xf32> to vector<1x16x128xf32>
      %reduce_sum3A_1223 = arith.constant dense<0.000000e+00> : vector<1xf32>
      %reduce_sum3A_1224 = vector.multi_reduction <add>, %reduce_sum3A_1222, %reduce_sum3A_1223 [1, 2] : vector<1x16x128xf32> to vector<1xf32>
      %reduce_sum3A_1225 = vector.shape_cast %reduce_sum3A_1224 : vector<1xf32> to vector<1x1x1xf32>
      %reduce_sum3A_1226 = vector.extract %reduce_sum3A_1225[0, 0, 0] : f32 from vector<1x1x1xf32>
      %sub3A_1227 = arith.constant 1.000000e+00 : f32
      %sub3A_1228 = arith.subf %sub3A_1227, %reduce_sum3A_1219 : f32
      %mul3A_1229 = arith.constant 1.500000e+01 : f32
      %mul3A_1230 = arith.mulf %sub3A_1228, %mul3A_1229 : f32
      %add3A_1231 = arith.addf %reduce_sum3A_1226, %mul3A_1230 : f32
      %mul3A_1232 = vector.broadcast %convert_element_type3A_534 : vector<1x128xf32> to vector<16x128xf32>
      %mul3A_1233 = arith.mulf %mul3A_1214, %mul3A_1232 : vector<16x128xf32>
      %reduce_sum3A_1234 = vector.shape_cast %mul3A_1233 : vector<16x128xf32> to vector<1x16x128xf32>
      %reduce_sum3A_1235 = arith.constant dense<0.000000e+00> : vector<1xf32>
      %reduce_sum3A_1236 = vector.multi_reduction <add>, %reduce_sum3A_1234, %reduce_sum3A_1235 [1, 2] : vector<1x16x128xf32> to vector<1xf32>
      %reduce_sum3A_1237 = vector.shape_cast %reduce_sum3A_1236 : vector<1xf32> to vector<1x1x1xf32>
      %reduce_sum3A_1238 = vector.extract %reduce_sum3A_1237[0, 0, 0] : f32 from vector<1x1x1xf32>
      %max3A_1239 = vector.broadcast %dot_general3A_236 : vector<1x128xf32> to vector<16x128xf32>
      %max3A_1240 = vector.broadcast %mul3A_496 : vector<16x1xf32> to vector<16x128xf32>
      %max3A_1241 = arith.maximumf %max3A_1239, %max3A_1240 : vector<16x128xf32>
      %mul3A_1242 = arith.mulf %mul3A_1214, %max3A_1241 : vector<16x128xf32>
      %reduce_sum3A_1243 = vector.shape_cast %mul3A_1242 : vector<16x128xf32> to vector<1x16x128xf32>
      %reduce_sum3A_1244 = arith.constant dense<0.000000e+00> : vector<1xf32>
      %reduce_sum3A_1245 = vector.multi_reduction <add>, %reduce_sum3A_1243, %reduce_sum3A_1244 [1, 2] : vector<1x16x128xf32> to vector<1xf32>
      %reduce_sum3A_1246 = vector.shape_cast %reduce_sum3A_1245 : vector<1xf32> to vector<1x1x1xf32>
      %reduce_sum3A_1247 = vector.extract %reduce_sum3A_1246[0, 0, 0] : f32 from vector<1x1x1xf32>
      %min3A_1248 = vector.broadcast %add3A_500 : vector<1x128xf32> to vector<16x128xf32>
      %min3A_1249 = vector.broadcast %add3A_499 : vector<16x1xf32> to vector<16x128xf32>
      %min3A_1250 = arith.minimumf %min3A_1248, %min3A_1249 : vector<16x128xf32>
      %mul3A_1251 = arith.mulf %mul3A_1214, %min3A_1250 : vector<16x128xf32>
      %reduce_sum3A_1252 = vector.shape_cast %mul3A_1251 : vector<16x128xf32> to vector<1x16x128xf32>
      %reduce_sum3A_1253 = arith.constant dense<0.000000e+00> : vector<1xf32>
      %reduce_sum3A_1254 = vector.multi_reduction <add>, %reduce_sum3A_1252, %reduce_sum3A_1253 [1, 2] : vector<1x16x128xf32> to vector<1xf32>
      %reduce_sum3A_1255 = vector.shape_cast %reduce_sum3A_1254 : vector<1xf32> to vector<1x1x1xf32>
      %reduce_sum3A_1256 = vector.extract %reduce_sum3A_1255[0, 0, 0] : f32 from vector<1x1x1xf32>
      %mul3A_1257 = arith.mulf %mul3A_1214, %mul3A_532 : vector<16x128xf32>
      %reduce_sum3A_1258 = vector.shape_cast %mul3A_1257 : vector<16x128xf32> to vector<1x16x128xf32>
      %reduce_sum3A_1259 = arith.constant dense<0.000000e+00> : vector<1xf32>
      %reduce_sum3A_1260 = vector.multi_reduction <add>, %reduce_sum3A_1258, %reduce_sum3A_1259 [1, 2] : vector<1x16x128xf32> to vector<1xf32>
      %reduce_sum3A_1261 = vector.shape_cast %reduce_sum3A_1260 : vector<1xf32> to vector<1x1x1xf32>
      %reduce_sum3A_1262 = vector.extract %reduce_sum3A_1261[0, 0, 0] : f32 from vector<1x1x1xf32>
      %eq3A_1263 = arith.constant 9 : i32
      %eq3A_1264 = vector.broadcast %eq3A_1263 : i32 to vector<1x128xi32>
      %eq3A_1265 = arith.cmpi eq, %iota3A_535, %eq3A_1264 : vector<1x128xi32>
      %convert_element_type3A_1266 = arith.extui %eq3A_1265 : vector<1x128xi1> to vector<1x128xi32>
      %convert_element_type3A_1267 = arith.sitofp %convert_element_type3A_1266 : vector<1x128xi32> to vector<1x128xf32>
      %mul3A_1268 = vector.broadcast %add3A_1231 : f32 to vector<1x128xf32>
      %mul3A_1269 = arith.mulf %convert_element_type3A_1267, %mul3A_1268 : vector<1x128xf32>
      %add3A_1270 = arith.addf %add3A_1196, %mul3A_1269 : vector<1x128xf32>
      %mul3A_1271 = vector.broadcast %reduce_sum3A_1238 : f32 to vector<1x128xf32>
      %mul3A_1272 = arith.mulf %convert_element_type3A_1267, %mul3A_1271 : vector<1x128xf32>
      %add3A_1273 = arith.addf %add3A_1199, %mul3A_1272 : vector<1x128xf32>
      %mul3A_1274 = vector.broadcast %reduce_sum3A_1247 : f32 to vector<1x128xf32>
      %mul3A_1275 = arith.mulf %convert_element_type3A_1267, %mul3A_1274 : vector<1x128xf32>
      %add3A_1276 = arith.addf %add3A_1202, %mul3A_1275 : vector<1x128xf32>
      %mul3A_1277 = vector.broadcast %reduce_sum3A_1256 : f32 to vector<1x128xf32>
      %mul3A_1278 = arith.mulf %convert_element_type3A_1267, %mul3A_1277 : vector<1x128xf32>
      %add3A_1279 = arith.addf %add3A_1205, %mul3A_1278 : vector<1x128xf32>
      %mul3A_1280 = vector.broadcast %reduce_sum3A_1262 : f32 to vector<1x128xf32>
      %mul3A_1281 = arith.mulf %convert_element_type3A_1267, %mul3A_1280 : vector<1x128xf32>
      %add3A_1282 = arith.addf %add3A_1208, %mul3A_1281 : vector<1x128xf32>
      %eq3A_1283 = arith.constant 1.000000e+01 : f32
      %eq3A_1284 = vector.broadcast %eq3A_1283 : f32 to vector<16x128xf32>
      %eq3A_1285 = arith.cmpf oeq, %add3A_526, %eq3A_1284 : vector<16x128xf32>
      %convert_element_type3A_1286 = arith.extui %eq3A_1285 : vector<16x128xi1> to vector<16x128xi32>
      %convert_element_type3A_1287 = arith.sitofp %convert_element_type3A_1286 : vector<16x128xi32> to vector<16x128xf32>
      %mul3A_1288 = arith.mulf %convert_element_type3A_512, %convert_element_type3A_1287 : vector<16x128xf32>
      %reduce_sum3A_1289 = vector.shape_cast %mul3A_1288 : vector<16x128xf32> to vector<1x16x128xf32>
      %reduce_sum3A_1290 = arith.constant dense<0.000000e+00> : vector<1xf32>
      %reduce_sum3A_1291 = vector.multi_reduction <add>, %reduce_sum3A_1289, %reduce_sum3A_1290 [1, 2] : vector<1x16x128xf32> to vector<1xf32>
      %reduce_sum3A_1292 = vector.shape_cast %reduce_sum3A_1291 : vector<1xf32> to vector<1x1x1xf32>
      %reduce_sum3A_1293 = vector.extract %reduce_sum3A_1292[0, 0, 0] : f32 from vector<1x1x1xf32>
      %mul3A_1294 = vector.broadcast %convert_element_type3A_493 : vector<16x1xf32> to vector<16x128xf32>
      %mul3A_1295 = arith.mulf %mul3A_1288, %mul3A_1294 : vector<16x128xf32>
      %reduce_sum3A_1296 = vector.shape_cast %mul3A_1295 : vector<16x128xf32> to vector<1x16x128xf32>
      %reduce_sum3A_1297 = arith.constant dense<0.000000e+00> : vector<1xf32>
      %reduce_sum3A_1298 = vector.multi_reduction <add>, %reduce_sum3A_1296, %reduce_sum3A_1297 [1, 2] : vector<1x16x128xf32> to vector<1xf32>
      %reduce_sum3A_1299 = vector.shape_cast %reduce_sum3A_1298 : vector<1xf32> to vector<1x1x1xf32>
      %reduce_sum3A_1300 = vector.extract %reduce_sum3A_1299[0, 0, 0] : f32 from vector<1x1x1xf32>
      %sub3A_1301 = arith.constant 1.000000e+00 : f32
      %sub3A_1302 = arith.subf %sub3A_1301, %reduce_sum3A_1293 : f32
      %mul3A_1303 = arith.constant 1.500000e+01 : f32
      %mul3A_1304 = arith.mulf %sub3A_1302, %mul3A_1303 : f32
      %add3A_1305 = arith.addf %reduce_sum3A_1300, %mul3A_1304 : f32
      %mul3A_1306 = vector.broadcast %convert_element_type3A_534 : vector<1x128xf32> to vector<16x128xf32>
      %mul3A_1307 = arith.mulf %mul3A_1288, %mul3A_1306 : vector<16x128xf32>
      %reduce_sum3A_1308 = vector.shape_cast %mul3A_1307 : vector<16x128xf32> to vector<1x16x128xf32>
      %reduce_sum3A_1309 = arith.constant dense<0.000000e+00> : vector<1xf32>
      %reduce_sum3A_1310 = vector.multi_reduction <add>, %reduce_sum3A_1308, %reduce_sum3A_1309 [1, 2] : vector<1x16x128xf32> to vector<1xf32>
      %reduce_sum3A_1311 = vector.shape_cast %reduce_sum3A_1310 : vector<1xf32> to vector<1x1x1xf32>
      %reduce_sum3A_1312 = vector.extract %reduce_sum3A_1311[0, 0, 0] : f32 from vector<1x1x1xf32>
      %max3A_1313 = vector.broadcast %dot_general3A_236 : vector<1x128xf32> to vector<16x128xf32>
      %max3A_1314 = vector.broadcast %mul3A_496 : vector<16x1xf32> to vector<16x128xf32>
      %max3A_1315 = arith.maximumf %max3A_1313, %max3A_1314 : vector<16x128xf32>
      %mul3A_1316 = arith.mulf %mul3A_1288, %max3A_1315 : vector<16x128xf32>
      %reduce_sum3A_1317 = vector.shape_cast %mul3A_1316 : vector<16x128xf32> to vector<1x16x128xf32>
      %reduce_sum3A_1318 = arith.constant dense<0.000000e+00> : vector<1xf32>
      %reduce_sum3A_1319 = vector.multi_reduction <add>, %reduce_sum3A_1317, %reduce_sum3A_1318 [1, 2] : vector<1x16x128xf32> to vector<1xf32>
      %reduce_sum3A_1320 = vector.shape_cast %reduce_sum3A_1319 : vector<1xf32> to vector<1x1x1xf32>
      %reduce_sum3A_1321 = vector.extract %reduce_sum3A_1320[0, 0, 0] : f32 from vector<1x1x1xf32>
      %min3A_1322 = vector.broadcast %add3A_500 : vector<1x128xf32> to vector<16x128xf32>
      %min3A_1323 = vector.broadcast %add3A_499 : vector<16x1xf32> to vector<16x128xf32>
      %min3A_1324 = arith.minimumf %min3A_1322, %min3A_1323 : vector<16x128xf32>
      %mul3A_1325 = arith.mulf %mul3A_1288, %min3A_1324 : vector<16x128xf32>
      %reduce_sum3A_1326 = vector.shape_cast %mul3A_1325 : vector<16x128xf32> to vector<1x16x128xf32>
      %reduce_sum3A_1327 = arith.constant dense<0.000000e+00> : vector<1xf32>
      %reduce_sum3A_1328 = vector.multi_reduction <add>, %reduce_sum3A_1326, %reduce_sum3A_1327 [1, 2] : vector<1x16x128xf32> to vector<1xf32>
      %reduce_sum3A_1329 = vector.shape_cast %reduce_sum3A_1328 : vector<1xf32> to vector<1x1x1xf32>
      %reduce_sum3A_1330 = vector.extract %reduce_sum3A_1329[0, 0, 0] : f32 from vector<1x1x1xf32>
      %mul3A_1331 = arith.mulf %mul3A_1288, %mul3A_532 : vector<16x128xf32>
      %reduce_sum3A_1332 = vector.shape_cast %mul3A_1331 : vector<16x128xf32> to vector<1x16x128xf32>
      %reduce_sum3A_1333 = arith.constant dense<0.000000e+00> : vector<1xf32>
      %reduce_sum3A_1334 = vector.multi_reduction <add>, %reduce_sum3A_1332, %reduce_sum3A_1333 [1, 2] : vector<1x16x128xf32> to vector<1xf32>
      %reduce_sum3A_1335 = vector.shape_cast %reduce_sum3A_1334 : vector<1xf32> to vector<1x1x1xf32>
      %reduce_sum3A_1336 = vector.extract %reduce_sum3A_1335[0, 0, 0] : f32 from vector<1x1x1xf32>
      %eq3A_1337 = arith.constant 10 : i32
      %eq3A_1338 = vector.broadcast %eq3A_1337 : i32 to vector<1x128xi32>
      %eq3A_1339 = arith.cmpi eq, %iota3A_535, %eq3A_1338 : vector<1x128xi32>
      %convert_element_type3A_1340 = arith.extui %eq3A_1339 : vector<1x128xi1> to vector<1x128xi32>
      %convert_element_type3A_1341 = arith.sitofp %convert_element_type3A_1340 : vector<1x128xi32> to vector<1x128xf32>
      %mul3A_1342 = vector.broadcast %add3A_1305 : f32 to vector<1x128xf32>
      %mul3A_1343 = arith.mulf %convert_element_type3A_1341, %mul3A_1342 : vector<1x128xf32>
      %add3A_1344 = arith.addf %add3A_1270, %mul3A_1343 : vector<1x128xf32>
      %mul3A_1345 = vector.broadcast %reduce_sum3A_1312 : f32 to vector<1x128xf32>
      %mul3A_1346 = arith.mulf %convert_element_type3A_1341, %mul3A_1345 : vector<1x128xf32>
      %add3A_1347 = arith.addf %add3A_1273, %mul3A_1346 : vector<1x128xf32>
      %mul3A_1348 = vector.broadcast %reduce_sum3A_1321 : f32 to vector<1x128xf32>
      %mul3A_1349 = arith.mulf %convert_element_type3A_1341, %mul3A_1348 : vector<1x128xf32>
      %add3A_1350 = arith.addf %add3A_1276, %mul3A_1349 : vector<1x128xf32>
      %mul3A_1351 = vector.broadcast %reduce_sum3A_1330 : f32 to vector<1x128xf32>
      %mul3A_1352 = arith.mulf %convert_element_type3A_1341, %mul3A_1351 : vector<1x128xf32>
      %add3A_1353 = arith.addf %add3A_1279, %mul3A_1352 : vector<1x128xf32>
      %mul3A_1354 = vector.broadcast %reduce_sum3A_1336 : f32 to vector<1x128xf32>
      %mul3A_1355 = arith.mulf %convert_element_type3A_1341, %mul3A_1354 : vector<1x128xf32>
      %add3A_1356 = arith.addf %add3A_1282, %mul3A_1355 : vector<1x128xf32>
      %eq3A_1357 = arith.constant 1.100000e+01 : f32
      %eq3A_1358 = vector.broadcast %eq3A_1357 : f32 to vector<16x128xf32>
      %eq3A_1359 = arith.cmpf oeq, %add3A_526, %eq3A_1358 : vector<16x128xf32>
      %convert_element_type3A_1360 = arith.extui %eq3A_1359 : vector<16x128xi1> to vector<16x128xi32>
      %convert_element_type3A_1361 = arith.sitofp %convert_element_type3A_1360 : vector<16x128xi32> to vector<16x128xf32>
      %mul3A_1362 = arith.mulf %convert_element_type3A_512, %convert_element_type3A_1361 : vector<16x128xf32>
      %reduce_sum3A_1363 = vector.shape_cast %mul3A_1362 : vector<16x128xf32> to vector<1x16x128xf32>
      %reduce_sum3A_1364 = arith.constant dense<0.000000e+00> : vector<1xf32>
      %reduce_sum3A_1365 = vector.multi_reduction <add>, %reduce_sum3A_1363, %reduce_sum3A_1364 [1, 2] : vector<1x16x128xf32> to vector<1xf32>
      %reduce_sum3A_1366 = vector.shape_cast %reduce_sum3A_1365 : vector<1xf32> to vector<1x1x1xf32>
      %reduce_sum3A_1367 = vector.extract %reduce_sum3A_1366[0, 0, 0] : f32 from vector<1x1x1xf32>
      %mul3A_1368 = vector.broadcast %convert_element_type3A_493 : vector<16x1xf32> to vector<16x128xf32>
      %mul3A_1369 = arith.mulf %mul3A_1362, %mul3A_1368 : vector<16x128xf32>
      %reduce_sum3A_1370 = vector.shape_cast %mul3A_1369 : vector<16x128xf32> to vector<1x16x128xf32>
      %reduce_sum3A_1371 = arith.constant dense<0.000000e+00> : vector<1xf32>
      %reduce_sum3A_1372 = vector.multi_reduction <add>, %reduce_sum3A_1370, %reduce_sum3A_1371 [1, 2] : vector<1x16x128xf32> to vector<1xf32>
      %reduce_sum3A_1373 = vector.shape_cast %reduce_sum3A_1372 : vector<1xf32> to vector<1x1x1xf32>
      %reduce_sum3A_1374 = vector.extract %reduce_sum3A_1373[0, 0, 0] : f32 from vector<1x1x1xf32>
      %sub3A_1375 = arith.constant 1.000000e+00 : f32
      %sub3A_1376 = arith.subf %sub3A_1375, %reduce_sum3A_1367 : f32
      %mul3A_1377 = arith.constant 1.500000e+01 : f32
      %mul3A_1378 = arith.mulf %sub3A_1376, %mul3A_1377 : f32
      %add3A_1379 = arith.addf %reduce_sum3A_1374, %mul3A_1378 : f32
      %mul3A_1380 = vector.broadcast %convert_element_type3A_534 : vector<1x128xf32> to vector<16x128xf32>
      %mul3A_1381 = arith.mulf %mul3A_1362, %mul3A_1380 : vector<16x128xf32>
      %reduce_sum3A_1382 = vector.shape_cast %mul3A_1381 : vector<16x128xf32> to vector<1x16x128xf32>
      %reduce_sum3A_1383 = arith.constant dense<0.000000e+00> : vector<1xf32>
      %reduce_sum3A_1384 = vector.multi_reduction <add>, %reduce_sum3A_1382, %reduce_sum3A_1383 [1, 2] : vector<1x16x128xf32> to vector<1xf32>
      %reduce_sum3A_1385 = vector.shape_cast %reduce_sum3A_1384 : vector<1xf32> to vector<1x1x1xf32>
      %reduce_sum3A_1386 = vector.extract %reduce_sum3A_1385[0, 0, 0] : f32 from vector<1x1x1xf32>
      %max3A_1387 = vector.broadcast %dot_general3A_236 : vector<1x128xf32> to vector<16x128xf32>
      %max3A_1388 = vector.broadcast %mul3A_496 : vector<16x1xf32> to vector<16x128xf32>
      %max3A_1389 = arith.maximumf %max3A_1387, %max3A_1388 : vector<16x128xf32>
      %mul3A_1390 = arith.mulf %mul3A_1362, %max3A_1389 : vector<16x128xf32>
      %reduce_sum3A_1391 = vector.shape_cast %mul3A_1390 : vector<16x128xf32> to vector<1x16x128xf32>
      %reduce_sum3A_1392 = arith.constant dense<0.000000e+00> : vector<1xf32>
      %reduce_sum3A_1393 = vector.multi_reduction <add>, %reduce_sum3A_1391, %reduce_sum3A_1392 [1, 2] : vector<1x16x128xf32> to vector<1xf32>
      %reduce_sum3A_1394 = vector.shape_cast %reduce_sum3A_1393 : vector<1xf32> to vector<1x1x1xf32>
      %reduce_sum3A_1395 = vector.extract %reduce_sum3A_1394[0, 0, 0] : f32 from vector<1x1x1xf32>
      %min3A_1396 = vector.broadcast %add3A_500 : vector<1x128xf32> to vector<16x128xf32>
      %min3A_1397 = vector.broadcast %add3A_499 : vector<16x1xf32> to vector<16x128xf32>
      %min3A_1398 = arith.minimumf %min3A_1396, %min3A_1397 : vector<16x128xf32>
      %mul3A_1399 = arith.mulf %mul3A_1362, %min3A_1398 : vector<16x128xf32>
      %reduce_sum3A_1400 = vector.shape_cast %mul3A_1399 : vector<16x128xf32> to vector<1x16x128xf32>
      %reduce_sum3A_1401 = arith.constant dense<0.000000e+00> : vector<1xf32>
      %reduce_sum3A_1402 = vector.multi_reduction <add>, %reduce_sum3A_1400, %reduce_sum3A_1401 [1, 2] : vector<1x16x128xf32> to vector<1xf32>
      %reduce_sum3A_1403 = vector.shape_cast %reduce_sum3A_1402 : vector<1xf32> to vector<1x1x1xf32>
      %reduce_sum3A_1404 = vector.extract %reduce_sum3A_1403[0, 0, 0] : f32 from vector<1x1x1xf32>
      %mul3A_1405 = arith.mulf %mul3A_1362, %mul3A_532 : vector<16x128xf32>
      %reduce_sum3A_1406 = vector.shape_cast %mul3A_1405 : vector<16x128xf32> to vector<1x16x128xf32>
      %reduce_sum3A_1407 = arith.constant dense<0.000000e+00> : vector<1xf32>
      %reduce_sum3A_1408 = vector.multi_reduction <add>, %reduce_sum3A_1406, %reduce_sum3A_1407 [1, 2] : vector<1x16x128xf32> to vector<1xf32>
      %reduce_sum3A_1409 = vector.shape_cast %reduce_sum3A_1408 : vector<1xf32> to vector<1x1x1xf32>
      %reduce_sum3A_1410 = vector.extract %reduce_sum3A_1409[0, 0, 0] : f32 from vector<1x1x1xf32>
      %eq3A_1411 = arith.constant 11 : i32
      %eq3A_1412 = vector.broadcast %eq3A_1411 : i32 to vector<1x128xi32>
      %eq3A_1413 = arith.cmpi eq, %iota3A_535, %eq3A_1412 : vector<1x128xi32>
      %convert_element_type3A_1414 = arith.extui %eq3A_1413 : vector<1x128xi1> to vector<1x128xi32>
      %convert_element_type3A_1415 = arith.sitofp %convert_element_type3A_1414 : vector<1x128xi32> to vector<1x128xf32>
      %mul3A_1416 = vector.broadcast %add3A_1379 : f32 to vector<1x128xf32>
      %mul3A_1417 = arith.mulf %convert_element_type3A_1415, %mul3A_1416 : vector<1x128xf32>
      %add3A_1418 = arith.addf %add3A_1344, %mul3A_1417 : vector<1x128xf32>
      %mul3A_1419 = vector.broadcast %reduce_sum3A_1386 : f32 to vector<1x128xf32>
      %mul3A_1420 = arith.mulf %convert_element_type3A_1415, %mul3A_1419 : vector<1x128xf32>
      %add3A_1421 = arith.addf %add3A_1347, %mul3A_1420 : vector<1x128xf32>
      %mul3A_1422 = vector.broadcast %reduce_sum3A_1395 : f32 to vector<1x128xf32>
      %mul3A_1423 = arith.mulf %convert_element_type3A_1415, %mul3A_1422 : vector<1x128xf32>
      %add3A_1424 = arith.addf %add3A_1350, %mul3A_1423 : vector<1x128xf32>
      %mul3A_1425 = vector.broadcast %reduce_sum3A_1404 : f32 to vector<1x128xf32>
      %mul3A_1426 = arith.mulf %convert_element_type3A_1415, %mul3A_1425 : vector<1x128xf32>
      %add3A_1427 = arith.addf %add3A_1353, %mul3A_1426 : vector<1x128xf32>
      %mul3A_1428 = vector.broadcast %reduce_sum3A_1410 : f32 to vector<1x128xf32>
      %mul3A_1429 = arith.mulf %convert_element_type3A_1415, %mul3A_1428 : vector<1x128xf32>
      %add3A_1430 = arith.addf %add3A_1356, %mul3A_1429 : vector<1x128xf32>
      %eq3A_1431 = arith.constant 1.200000e+01 : f32
      %eq3A_1432 = vector.broadcast %eq3A_1431 : f32 to vector<16x128xf32>
      %eq3A_1433 = arith.cmpf oeq, %add3A_526, %eq3A_1432 : vector<16x128xf32>
      %convert_element_type3A_1434 = arith.extui %eq3A_1433 : vector<16x128xi1> to vector<16x128xi32>
      %convert_element_type3A_1435 = arith.sitofp %convert_element_type3A_1434 : vector<16x128xi32> to vector<16x128xf32>
      %mul3A_1436 = arith.mulf %convert_element_type3A_512, %convert_element_type3A_1435 : vector<16x128xf32>
      %reduce_sum3A_1437 = vector.shape_cast %mul3A_1436 : vector<16x128xf32> to vector<1x16x128xf32>
      %reduce_sum3A_1438 = arith.constant dense<0.000000e+00> : vector<1xf32>
      %reduce_sum3A_1439 = vector.multi_reduction <add>, %reduce_sum3A_1437, %reduce_sum3A_1438 [1, 2] : vector<1x16x128xf32> to vector<1xf32>
      %reduce_sum3A_1440 = vector.shape_cast %reduce_sum3A_1439 : vector<1xf32> to vector<1x1x1xf32>
      %reduce_sum3A_1441 = vector.extract %reduce_sum3A_1440[0, 0, 0] : f32 from vector<1x1x1xf32>
      %mul3A_1442 = vector.broadcast %convert_element_type3A_493 : vector<16x1xf32> to vector<16x128xf32>
      %mul3A_1443 = arith.mulf %mul3A_1436, %mul3A_1442 : vector<16x128xf32>
      %reduce_sum3A_1444 = vector.shape_cast %mul3A_1443 : vector<16x128xf32> to vector<1x16x128xf32>
      %reduce_sum3A_1445 = arith.constant dense<0.000000e+00> : vector<1xf32>
      %reduce_sum3A_1446 = vector.multi_reduction <add>, %reduce_sum3A_1444, %reduce_sum3A_1445 [1, 2] : vector<1x16x128xf32> to vector<1xf32>
      %reduce_sum3A_1447 = vector.shape_cast %reduce_sum3A_1446 : vector<1xf32> to vector<1x1x1xf32>
      %reduce_sum3A_1448 = vector.extract %reduce_sum3A_1447[0, 0, 0] : f32 from vector<1x1x1xf32>
      %sub3A_1449 = arith.constant 1.000000e+00 : f32
      %sub3A_1450 = arith.subf %sub3A_1449, %reduce_sum3A_1441 : f32
      %mul3A_1451 = arith.constant 1.500000e+01 : f32
      %mul3A_1452 = arith.mulf %sub3A_1450, %mul3A_1451 : f32
      %add3A_1453 = arith.addf %reduce_sum3A_1448, %mul3A_1452 : f32
      %mul3A_1454 = vector.broadcast %convert_element_type3A_534 : vector<1x128xf32> to vector<16x128xf32>
      %mul3A_1455 = arith.mulf %mul3A_1436, %mul3A_1454 : vector<16x128xf32>
      %reduce_sum3A_1456 = vector.shape_cast %mul3A_1455 : vector<16x128xf32> to vector<1x16x128xf32>
      %reduce_sum3A_1457 = arith.constant dense<0.000000e+00> : vector<1xf32>
      %reduce_sum3A_1458 = vector.multi_reduction <add>, %reduce_sum3A_1456, %reduce_sum3A_1457 [1, 2] : vector<1x16x128xf32> to vector<1xf32>
      %reduce_sum3A_1459 = vector.shape_cast %reduce_sum3A_1458 : vector<1xf32> to vector<1x1x1xf32>
      %reduce_sum3A_1460 = vector.extract %reduce_sum3A_1459[0, 0, 0] : f32 from vector<1x1x1xf32>
      %max3A_1461 = vector.broadcast %dot_general3A_236 : vector<1x128xf32> to vector<16x128xf32>
      %max3A_1462 = vector.broadcast %mul3A_496 : vector<16x1xf32> to vector<16x128xf32>
      %max3A_1463 = arith.maximumf %max3A_1461, %max3A_1462 : vector<16x128xf32>
      %mul3A_1464 = arith.mulf %mul3A_1436, %max3A_1463 : vector<16x128xf32>
      %reduce_sum3A_1465 = vector.shape_cast %mul3A_1464 : vector<16x128xf32> to vector<1x16x128xf32>
      %reduce_sum3A_1466 = arith.constant dense<0.000000e+00> : vector<1xf32>
      %reduce_sum3A_1467 = vector.multi_reduction <add>, %reduce_sum3A_1465, %reduce_sum3A_1466 [1, 2] : vector<1x16x128xf32> to vector<1xf32>
      %reduce_sum3A_1468 = vector.shape_cast %reduce_sum3A_1467 : vector<1xf32> to vector<1x1x1xf32>
      %reduce_sum3A_1469 = vector.extract %reduce_sum3A_1468[0, 0, 0] : f32 from vector<1x1x1xf32>
      %min3A_1470 = vector.broadcast %add3A_500 : vector<1x128xf32> to vector<16x128xf32>
      %min3A_1471 = vector.broadcast %add3A_499 : vector<16x1xf32> to vector<16x128xf32>
      %min3A_1472 = arith.minimumf %min3A_1470, %min3A_1471 : vector<16x128xf32>
      %mul3A_1473 = arith.mulf %mul3A_1436, %min3A_1472 : vector<16x128xf32>
      %reduce_sum3A_1474 = vector.shape_cast %mul3A_1473 : vector<16x128xf32> to vector<1x16x128xf32>
      %reduce_sum3A_1475 = arith.constant dense<0.000000e+00> : vector<1xf32>
      %reduce_sum3A_1476 = vector.multi_reduction <add>, %reduce_sum3A_1474, %reduce_sum3A_1475 [1, 2] : vector<1x16x128xf32> to vector<1xf32>
      %reduce_sum3A_1477 = vector.shape_cast %reduce_sum3A_1476 : vector<1xf32> to vector<1x1x1xf32>
      %reduce_sum3A_1478 = vector.extract %reduce_sum3A_1477[0, 0, 0] : f32 from vector<1x1x1xf32>
      %mul3A_1479 = arith.mulf %mul3A_1436, %mul3A_532 : vector<16x128xf32>
      %reduce_sum3A_1480 = vector.shape_cast %mul3A_1479 : vector<16x128xf32> to vector<1x16x128xf32>
      %reduce_sum3A_1481 = arith.constant dense<0.000000e+00> : vector<1xf32>
      %reduce_sum3A_1482 = vector.multi_reduction <add>, %reduce_sum3A_1480, %reduce_sum3A_1481 [1, 2] : vector<1x16x128xf32> to vector<1xf32>
      %reduce_sum3A_1483 = vector.shape_cast %reduce_sum3A_1482 : vector<1xf32> to vector<1x1x1xf32>
      %reduce_sum3A_1484 = vector.extract %reduce_sum3A_1483[0, 0, 0] : f32 from vector<1x1x1xf32>
      %eq3A_1485 = arith.constant 12 : i32
      %eq3A_1486 = vector.broadcast %eq3A_1485 : i32 to vector<1x128xi32>
      %eq3A_1487 = arith.cmpi eq, %iota3A_535, %eq3A_1486 : vector<1x128xi32>
      %convert_element_type3A_1488 = arith.extui %eq3A_1487 : vector<1x128xi1> to vector<1x128xi32>
      %convert_element_type3A_1489 = arith.sitofp %convert_element_type3A_1488 : vector<1x128xi32> to vector<1x128xf32>
      %mul3A_1490 = vector.broadcast %add3A_1453 : f32 to vector<1x128xf32>
      %mul3A_1491 = arith.mulf %convert_element_type3A_1489, %mul3A_1490 : vector<1x128xf32>
      %add3A_1492 = arith.addf %add3A_1418, %mul3A_1491 : vector<1x128xf32>
      %mul3A_1493 = vector.broadcast %reduce_sum3A_1460 : f32 to vector<1x128xf32>
      %mul3A_1494 = arith.mulf %convert_element_type3A_1489, %mul3A_1493 : vector<1x128xf32>
      %add3A_1495 = arith.addf %add3A_1421, %mul3A_1494 : vector<1x128xf32>
      %mul3A_1496 = vector.broadcast %reduce_sum3A_1469 : f32 to vector<1x128xf32>
      %mul3A_1497 = arith.mulf %convert_element_type3A_1489, %mul3A_1496 : vector<1x128xf32>
      %add3A_1498 = arith.addf %add3A_1424, %mul3A_1497 : vector<1x128xf32>
      %mul3A_1499 = vector.broadcast %reduce_sum3A_1478 : f32 to vector<1x128xf32>
      %mul3A_1500 = arith.mulf %convert_element_type3A_1489, %mul3A_1499 : vector<1x128xf32>
      %add3A_1501 = arith.addf %add3A_1427, %mul3A_1500 : vector<1x128xf32>
      %mul3A_1502 = vector.broadcast %reduce_sum3A_1484 : f32 to vector<1x128xf32>
      %mul3A_1503 = arith.mulf %convert_element_type3A_1489, %mul3A_1502 : vector<1x128xf32>
      %add3A_1504 = arith.addf %add3A_1430, %mul3A_1503 : vector<1x128xf32>
      %eq3A_1505 = arith.constant 1.300000e+01 : f32
      %eq3A_1506 = vector.broadcast %eq3A_1505 : f32 to vector<16x128xf32>
      %eq3A_1507 = arith.cmpf oeq, %add3A_526, %eq3A_1506 : vector<16x128xf32>
      %convert_element_type3A_1508 = arith.extui %eq3A_1507 : vector<16x128xi1> to vector<16x128xi32>
      %convert_element_type3A_1509 = arith.sitofp %convert_element_type3A_1508 : vector<16x128xi32> to vector<16x128xf32>
      %mul3A_1510 = arith.mulf %convert_element_type3A_512, %convert_element_type3A_1509 : vector<16x128xf32>
      %reduce_sum3A_1511 = vector.shape_cast %mul3A_1510 : vector<16x128xf32> to vector<1x16x128xf32>
      %reduce_sum3A_1512 = arith.constant dense<0.000000e+00> : vector<1xf32>
      %reduce_sum3A_1513 = vector.multi_reduction <add>, %reduce_sum3A_1511, %reduce_sum3A_1512 [1, 2] : vector<1x16x128xf32> to vector<1xf32>
      %reduce_sum3A_1514 = vector.shape_cast %reduce_sum3A_1513 : vector<1xf32> to vector<1x1x1xf32>
      %reduce_sum3A_1515 = vector.extract %reduce_sum3A_1514[0, 0, 0] : f32 from vector<1x1x1xf32>
      %mul3A_1516 = vector.broadcast %convert_element_type3A_493 : vector<16x1xf32> to vector<16x128xf32>
      %mul3A_1517 = arith.mulf %mul3A_1510, %mul3A_1516 : vector<16x128xf32>
      %reduce_sum3A_1518 = vector.shape_cast %mul3A_1517 : vector<16x128xf32> to vector<1x16x128xf32>
      %reduce_sum3A_1519 = arith.constant dense<0.000000e+00> : vector<1xf32>
      %reduce_sum3A_1520 = vector.multi_reduction <add>, %reduce_sum3A_1518, %reduce_sum3A_1519 [1, 2] : vector<1x16x128xf32> to vector<1xf32>
      %reduce_sum3A_1521 = vector.shape_cast %reduce_sum3A_1520 : vector<1xf32> to vector<1x1x1xf32>
      %reduce_sum3A_1522 = vector.extract %reduce_sum3A_1521[0, 0, 0] : f32 from vector<1x1x1xf32>
      %sub3A_1523 = arith.constant 1.000000e+00 : f32
      %sub3A_1524 = arith.subf %sub3A_1523, %reduce_sum3A_1515 : f32
      %mul3A_1525 = arith.constant 1.500000e+01 : f32
      %mul3A_1526 = arith.mulf %sub3A_1524, %mul3A_1525 : f32
      %add3A_1527 = arith.addf %reduce_sum3A_1522, %mul3A_1526 : f32
      %mul3A_1528 = vector.broadcast %convert_element_type3A_534 : vector<1x128xf32> to vector<16x128xf32>
      %mul3A_1529 = arith.mulf %mul3A_1510, %mul3A_1528 : vector<16x128xf32>
      %reduce_sum3A_1530 = vector.shape_cast %mul3A_1529 : vector<16x128xf32> to vector<1x16x128xf32>
      %reduce_sum3A_1531 = arith.constant dense<0.000000e+00> : vector<1xf32>
      %reduce_sum3A_1532 = vector.multi_reduction <add>, %reduce_sum3A_1530, %reduce_sum3A_1531 [1, 2] : vector<1x16x128xf32> to vector<1xf32>
      %reduce_sum3A_1533 = vector.shape_cast %reduce_sum3A_1532 : vector<1xf32> to vector<1x1x1xf32>
      %reduce_sum3A_1534 = vector.extract %reduce_sum3A_1533[0, 0, 0] : f32 from vector<1x1x1xf32>
      %max3A_1535 = vector.broadcast %dot_general3A_236 : vector<1x128xf32> to vector<16x128xf32>
      %max3A_1536 = vector.broadcast %mul3A_496 : vector<16x1xf32> to vector<16x128xf32>
      %max3A_1537 = arith.maximumf %max3A_1535, %max3A_1536 : vector<16x128xf32>
      %mul3A_1538 = arith.mulf %mul3A_1510, %max3A_1537 : vector<16x128xf32>
      %reduce_sum3A_1539 = vector.shape_cast %mul3A_1538 : vector<16x128xf32> to vector<1x16x128xf32>
      %reduce_sum3A_1540 = arith.constant dense<0.000000e+00> : vector<1xf32>
      %reduce_sum3A_1541 = vector.multi_reduction <add>, %reduce_sum3A_1539, %reduce_sum3A_1540 [1, 2] : vector<1x16x128xf32> to vector<1xf32>
      %reduce_sum3A_1542 = vector.shape_cast %reduce_sum3A_1541 : vector<1xf32> to vector<1x1x1xf32>
      %reduce_sum3A_1543 = vector.extract %reduce_sum3A_1542[0, 0, 0] : f32 from vector<1x1x1xf32>
      %min3A_1544 = vector.broadcast %add3A_500 : vector<1x128xf32> to vector<16x128xf32>
      %min3A_1545 = vector.broadcast %add3A_499 : vector<16x1xf32> to vector<16x128xf32>
      %min3A_1546 = arith.minimumf %min3A_1544, %min3A_1545 : vector<16x128xf32>
      %mul3A_1547 = arith.mulf %mul3A_1510, %min3A_1546 : vector<16x128xf32>
      %reduce_sum3A_1548 = vector.shape_cast %mul3A_1547 : vector<16x128xf32> to vector<1x16x128xf32>
      %reduce_sum3A_1549 = arith.constant dense<0.000000e+00> : vector<1xf32>
      %reduce_sum3A_1550 = vector.multi_reduction <add>, %reduce_sum3A_1548, %reduce_sum3A_1549 [1, 2] : vector<1x16x128xf32> to vector<1xf32>
      %reduce_sum3A_1551 = vector.shape_cast %reduce_sum3A_1550 : vector<1xf32> to vector<1x1x1xf32>
      %reduce_sum3A_1552 = vector.extract %reduce_sum3A_1551[0, 0, 0] : f32 from vector<1x1x1xf32>
      %mul3A_1553 = arith.mulf %mul3A_1510, %mul3A_532 : vector<16x128xf32>
      %reduce_sum3A_1554 = vector.shape_cast %mul3A_1553 : vector<16x128xf32> to vector<1x16x128xf32>
      %reduce_sum3A_1555 = arith.constant dense<0.000000e+00> : vector<1xf32>
      %reduce_sum3A_1556 = vector.multi_reduction <add>, %reduce_sum3A_1554, %reduce_sum3A_1555 [1, 2] : vector<1x16x128xf32> to vector<1xf32>
      %reduce_sum3A_1557 = vector.shape_cast %reduce_sum3A_1556 : vector<1xf32> to vector<1x1x1xf32>
      %reduce_sum3A_1558 = vector.extract %reduce_sum3A_1557[0, 0, 0] : f32 from vector<1x1x1xf32>
      %eq3A_1559 = arith.constant 13 : i32
      %eq3A_1560 = vector.broadcast %eq3A_1559 : i32 to vector<1x128xi32>
      %eq3A_1561 = arith.cmpi eq, %iota3A_535, %eq3A_1560 : vector<1x128xi32>
      %convert_element_type3A_1562 = arith.extui %eq3A_1561 : vector<1x128xi1> to vector<1x128xi32>
      %convert_element_type3A_1563 = arith.sitofp %convert_element_type3A_1562 : vector<1x128xi32> to vector<1x128xf32>
      %mul3A_1564 = vector.broadcast %add3A_1527 : f32 to vector<1x128xf32>
      %mul3A_1565 = arith.mulf %convert_element_type3A_1563, %mul3A_1564 : vector<1x128xf32>
      %add3A_1566 = arith.addf %add3A_1492, %mul3A_1565 : vector<1x128xf32>
      %mul3A_1567 = vector.broadcast %reduce_sum3A_1534 : f32 to vector<1x128xf32>
      %mul3A_1568 = arith.mulf %convert_element_type3A_1563, %mul3A_1567 : vector<1x128xf32>
      %add3A_1569 = arith.addf %add3A_1495, %mul3A_1568 : vector<1x128xf32>
      %mul3A_1570 = vector.broadcast %reduce_sum3A_1543 : f32 to vector<1x128xf32>
      %mul3A_1571 = arith.mulf %convert_element_type3A_1563, %mul3A_1570 : vector<1x128xf32>
      %add3A_1572 = arith.addf %add3A_1498, %mul3A_1571 : vector<1x128xf32>
      %mul3A_1573 = vector.broadcast %reduce_sum3A_1552 : f32 to vector<1x128xf32>
      %mul3A_1574 = arith.mulf %convert_element_type3A_1563, %mul3A_1573 : vector<1x128xf32>
      %add3A_1575 = arith.addf %add3A_1501, %mul3A_1574 : vector<1x128xf32>
      %mul3A_1576 = vector.broadcast %reduce_sum3A_1558 : f32 to vector<1x128xf32>
      %mul3A_1577 = arith.mulf %convert_element_type3A_1563, %mul3A_1576 : vector<1x128xf32>
      %add3A_1578 = arith.addf %add3A_1504, %mul3A_1577 : vector<1x128xf32>
      %eq3A_1579 = arith.constant 1.400000e+01 : f32
      %eq3A_1580 = vector.broadcast %eq3A_1579 : f32 to vector<16x128xf32>
      %eq3A_1581 = arith.cmpf oeq, %add3A_526, %eq3A_1580 : vector<16x128xf32>
      %convert_element_type3A_1582 = arith.extui %eq3A_1581 : vector<16x128xi1> to vector<16x128xi32>
      %convert_element_type3A_1583 = arith.sitofp %convert_element_type3A_1582 : vector<16x128xi32> to vector<16x128xf32>
      %mul3A_1584 = arith.mulf %convert_element_type3A_512, %convert_element_type3A_1583 : vector<16x128xf32>
      %reduce_sum3A_1585 = vector.shape_cast %mul3A_1584 : vector<16x128xf32> to vector<1x16x128xf32>
      %reduce_sum3A_1586 = arith.constant dense<0.000000e+00> : vector<1xf32>
      %reduce_sum3A_1587 = vector.multi_reduction <add>, %reduce_sum3A_1585, %reduce_sum3A_1586 [1, 2] : vector<1x16x128xf32> to vector<1xf32>
      %reduce_sum3A_1588 = vector.shape_cast %reduce_sum3A_1587 : vector<1xf32> to vector<1x1x1xf32>
      %reduce_sum3A_1589 = vector.extract %reduce_sum3A_1588[0, 0, 0] : f32 from vector<1x1x1xf32>
      %mul3A_1590 = vector.broadcast %convert_element_type3A_493 : vector<16x1xf32> to vector<16x128xf32>
      %mul3A_1591 = arith.mulf %mul3A_1584, %mul3A_1590 : vector<16x128xf32>
      %reduce_sum3A_1592 = vector.shape_cast %mul3A_1591 : vector<16x128xf32> to vector<1x16x128xf32>
      %reduce_sum3A_1593 = arith.constant dense<0.000000e+00> : vector<1xf32>
      %reduce_sum3A_1594 = vector.multi_reduction <add>, %reduce_sum3A_1592, %reduce_sum3A_1593 [1, 2] : vector<1x16x128xf32> to vector<1xf32>
      %reduce_sum3A_1595 = vector.shape_cast %reduce_sum3A_1594 : vector<1xf32> to vector<1x1x1xf32>
      %reduce_sum3A_1596 = vector.extract %reduce_sum3A_1595[0, 0, 0] : f32 from vector<1x1x1xf32>
      %sub3A_1597 = arith.constant 1.000000e+00 : f32
      %sub3A_1598 = arith.subf %sub3A_1597, %reduce_sum3A_1589 : f32
      %mul3A_1599 = arith.constant 1.500000e+01 : f32
      %mul3A_1600 = arith.mulf %sub3A_1598, %mul3A_1599 : f32
      %add3A_1601 = arith.addf %reduce_sum3A_1596, %mul3A_1600 : f32
      %mul3A_1602 = vector.broadcast %convert_element_type3A_534 : vector<1x128xf32> to vector<16x128xf32>
      %mul3A_1603 = arith.mulf %mul3A_1584, %mul3A_1602 : vector<16x128xf32>
      %reduce_sum3A_1604 = vector.shape_cast %mul3A_1603 : vector<16x128xf32> to vector<1x16x128xf32>
      %reduce_sum3A_1605 = arith.constant dense<0.000000e+00> : vector<1xf32>
      %reduce_sum3A_1606 = vector.multi_reduction <add>, %reduce_sum3A_1604, %reduce_sum3A_1605 [1, 2] : vector<1x16x128xf32> to vector<1xf32>
      %reduce_sum3A_1607 = vector.shape_cast %reduce_sum3A_1606 : vector<1xf32> to vector<1x1x1xf32>
      %reduce_sum3A_1608 = vector.extract %reduce_sum3A_1607[0, 0, 0] : f32 from vector<1x1x1xf32>
      %max3A_1609 = vector.broadcast %dot_general3A_236 : vector<1x128xf32> to vector<16x128xf32>
      %max3A_1610 = vector.broadcast %mul3A_496 : vector<16x1xf32> to vector<16x128xf32>
      %max3A_1611 = arith.maximumf %max3A_1609, %max3A_1610 : vector<16x128xf32>
      %mul3A_1612 = arith.mulf %mul3A_1584, %max3A_1611 : vector<16x128xf32>
      %reduce_sum3A_1613 = vector.shape_cast %mul3A_1612 : vector<16x128xf32> to vector<1x16x128xf32>
      %reduce_sum3A_1614 = arith.constant dense<0.000000e+00> : vector<1xf32>
      %reduce_sum3A_1615 = vector.multi_reduction <add>, %reduce_sum3A_1613, %reduce_sum3A_1614 [1, 2] : vector<1x16x128xf32> to vector<1xf32>
      %reduce_sum3A_1616 = vector.shape_cast %reduce_sum3A_1615 : vector<1xf32> to vector<1x1x1xf32>
      %reduce_sum3A_1617 = vector.extract %reduce_sum3A_1616[0, 0, 0] : f32 from vector<1x1x1xf32>
      %min3A_1618 = vector.broadcast %add3A_500 : vector<1x128xf32> to vector<16x128xf32>
      %min3A_1619 = vector.broadcast %add3A_499 : vector<16x1xf32> to vector<16x128xf32>
      %min3A_1620 = arith.minimumf %min3A_1618, %min3A_1619 : vector<16x128xf32>
      %mul3A_1621 = arith.mulf %mul3A_1584, %min3A_1620 : vector<16x128xf32>
      %reduce_sum3A_1622 = vector.shape_cast %mul3A_1621 : vector<16x128xf32> to vector<1x16x128xf32>
      %reduce_sum3A_1623 = arith.constant dense<0.000000e+00> : vector<1xf32>
      %reduce_sum3A_1624 = vector.multi_reduction <add>, %reduce_sum3A_1622, %reduce_sum3A_1623 [1, 2] : vector<1x16x128xf32> to vector<1xf32>
      %reduce_sum3A_1625 = vector.shape_cast %reduce_sum3A_1624 : vector<1xf32> to vector<1x1x1xf32>
      %reduce_sum3A_1626 = vector.extract %reduce_sum3A_1625[0, 0, 0] : f32 from vector<1x1x1xf32>
      %mul3A_1627 = arith.mulf %mul3A_1584, %mul3A_532 : vector<16x128xf32>
      %reduce_sum3A_1628 = vector.shape_cast %mul3A_1627 : vector<16x128xf32> to vector<1x16x128xf32>
      %reduce_sum3A_1629 = arith.constant dense<0.000000e+00> : vector<1xf32>
      %reduce_sum3A_1630 = vector.multi_reduction <add>, %reduce_sum3A_1628, %reduce_sum3A_1629 [1, 2] : vector<1x16x128xf32> to vector<1xf32>
      %reduce_sum3A_1631 = vector.shape_cast %reduce_sum3A_1630 : vector<1xf32> to vector<1x1x1xf32>
      %reduce_sum3A_1632 = vector.extract %reduce_sum3A_1631[0, 0, 0] : f32 from vector<1x1x1xf32>
      %eq3A_1633 = arith.constant 14 : i32
      %eq3A_1634 = vector.broadcast %eq3A_1633 : i32 to vector<1x128xi32>
      %eq3A_1635 = arith.cmpi eq, %iota3A_535, %eq3A_1634 : vector<1x128xi32>
      %convert_element_type3A_1636 = arith.extui %eq3A_1635 : vector<1x128xi1> to vector<1x128xi32>
      %convert_element_type3A_1637 = arith.sitofp %convert_element_type3A_1636 : vector<1x128xi32> to vector<1x128xf32>
      %mul3A_1638 = vector.broadcast %add3A_1601 : f32 to vector<1x128xf32>
      %mul3A_1639 = arith.mulf %convert_element_type3A_1637, %mul3A_1638 : vector<1x128xf32>
      %add3A_1640 = arith.addf %add3A_1566, %mul3A_1639 : vector<1x128xf32>
      %mul3A_1641 = vector.broadcast %reduce_sum3A_1608 : f32 to vector<1x128xf32>
      %mul3A_1642 = arith.mulf %convert_element_type3A_1637, %mul3A_1641 : vector<1x128xf32>
      %add3A_1643 = arith.addf %add3A_1569, %mul3A_1642 : vector<1x128xf32>
      %mul3A_1644 = vector.broadcast %reduce_sum3A_1617 : f32 to vector<1x128xf32>
      %mul3A_1645 = arith.mulf %convert_element_type3A_1637, %mul3A_1644 : vector<1x128xf32>
      %add3A_1646 = arith.addf %add3A_1572, %mul3A_1645 : vector<1x128xf32>
      %mul3A_1647 = vector.broadcast %reduce_sum3A_1626 : f32 to vector<1x128xf32>
      %mul3A_1648 = arith.mulf %convert_element_type3A_1637, %mul3A_1647 : vector<1x128xf32>
      %add3A_1649 = arith.addf %add3A_1575, %mul3A_1648 : vector<1x128xf32>
      %mul3A_1650 = vector.broadcast %reduce_sum3A_1632 : f32 to vector<1x128xf32>
      %mul3A_1651 = arith.mulf %convert_element_type3A_1637, %mul3A_1650 : vector<1x128xf32>
      %add3A_1652 = arith.addf %add3A_1578, %mul3A_1651 : vector<1x128xf32>
      %eq3A_1653 = arith.constant 1.500000e+01 : f32
      %eq3A_1654 = vector.broadcast %eq3A_1653 : f32 to vector<16x128xf32>
      %eq3A_1655 = arith.cmpf oeq, %add3A_526, %eq3A_1654 : vector<16x128xf32>
      %convert_element_type3A_1656 = arith.extui %eq3A_1655 : vector<16x128xi1> to vector<16x128xi32>
      %convert_element_type3A_1657 = arith.sitofp %convert_element_type3A_1656 : vector<16x128xi32> to vector<16x128xf32>
      %mul3A_1658 = arith.mulf %convert_element_type3A_512, %convert_element_type3A_1657 : vector<16x128xf32>
      %reduce_sum3A_1659 = vector.shape_cast %mul3A_1658 : vector<16x128xf32> to vector<1x16x128xf32>
      %reduce_sum3A_1660 = arith.constant dense<0.000000e+00> : vector<1xf32>
      %reduce_sum3A_1661 = vector.multi_reduction <add>, %reduce_sum3A_1659, %reduce_sum3A_1660 [1, 2] : vector<1x16x128xf32> to vector<1xf32>
      %reduce_sum3A_1662 = vector.shape_cast %reduce_sum3A_1661 : vector<1xf32> to vector<1x1x1xf32>
      %reduce_sum3A_1663 = vector.extract %reduce_sum3A_1662[0, 0, 0] : f32 from vector<1x1x1xf32>
      %mul3A_1664 = vector.broadcast %convert_element_type3A_493 : vector<16x1xf32> to vector<16x128xf32>
      %mul3A_1665 = arith.mulf %mul3A_1658, %mul3A_1664 : vector<16x128xf32>
      %reduce_sum3A_1666 = vector.shape_cast %mul3A_1665 : vector<16x128xf32> to vector<1x16x128xf32>
      %reduce_sum3A_1667 = arith.constant dense<0.000000e+00> : vector<1xf32>
      %reduce_sum3A_1668 = vector.multi_reduction <add>, %reduce_sum3A_1666, %reduce_sum3A_1667 [1, 2] : vector<1x16x128xf32> to vector<1xf32>
      %reduce_sum3A_1669 = vector.shape_cast %reduce_sum3A_1668 : vector<1xf32> to vector<1x1x1xf32>
      %reduce_sum3A_1670 = vector.extract %reduce_sum3A_1669[0, 0, 0] : f32 from vector<1x1x1xf32>
      %sub3A_1671 = arith.constant 1.000000e+00 : f32
      %sub3A_1672 = arith.subf %sub3A_1671, %reduce_sum3A_1663 : f32
      %mul3A_1673 = arith.constant 1.500000e+01 : f32
      %mul3A_1674 = arith.mulf %sub3A_1672, %mul3A_1673 : f32
      %add3A_1675 = arith.addf %reduce_sum3A_1670, %mul3A_1674 : f32
      %mul3A_1676 = vector.broadcast %convert_element_type3A_534 : vector<1x128xf32> to vector<16x128xf32>
      %mul3A_1677 = arith.mulf %mul3A_1658, %mul3A_1676 : vector<16x128xf32>
      %reduce_sum3A_1678 = vector.shape_cast %mul3A_1677 : vector<16x128xf32> to vector<1x16x128xf32>
      %reduce_sum3A_1679 = arith.constant dense<0.000000e+00> : vector<1xf32>
      %reduce_sum3A_1680 = vector.multi_reduction <add>, %reduce_sum3A_1678, %reduce_sum3A_1679 [1, 2] : vector<1x16x128xf32> to vector<1xf32>
      %reduce_sum3A_1681 = vector.shape_cast %reduce_sum3A_1680 : vector<1xf32> to vector<1x1x1xf32>
      %reduce_sum3A_1682 = vector.extract %reduce_sum3A_1681[0, 0, 0] : f32 from vector<1x1x1xf32>
      %max3A_1683 = vector.broadcast %dot_general3A_236 : vector<1x128xf32> to vector<16x128xf32>
      %max3A_1684 = vector.broadcast %mul3A_496 : vector<16x1xf32> to vector<16x128xf32>
      %max3A_1685 = arith.maximumf %max3A_1683, %max3A_1684 : vector<16x128xf32>
      %mul3A_1686 = arith.mulf %mul3A_1658, %max3A_1685 : vector<16x128xf32>
      %reduce_sum3A_1687 = vector.shape_cast %mul3A_1686 : vector<16x128xf32> to vector<1x16x128xf32>
      %reduce_sum3A_1688 = arith.constant dense<0.000000e+00> : vector<1xf32>
      %reduce_sum3A_1689 = vector.multi_reduction <add>, %reduce_sum3A_1687, %reduce_sum3A_1688 [1, 2] : vector<1x16x128xf32> to vector<1xf32>
      %reduce_sum3A_1690 = vector.shape_cast %reduce_sum3A_1689 : vector<1xf32> to vector<1x1x1xf32>
      %reduce_sum3A_1691 = vector.extract %reduce_sum3A_1690[0, 0, 0] : f32 from vector<1x1x1xf32>
      %min3A_1692 = vector.broadcast %add3A_500 : vector<1x128xf32> to vector<16x128xf32>
      %min3A_1693 = vector.broadcast %add3A_499 : vector<16x1xf32> to vector<16x128xf32>
      %min3A_1694 = arith.minimumf %min3A_1692, %min3A_1693 : vector<16x128xf32>
      %mul3A_1695 = arith.mulf %mul3A_1658, %min3A_1694 : vector<16x128xf32>
      %reduce_sum3A_1696 = vector.shape_cast %mul3A_1695 : vector<16x128xf32> to vector<1x16x128xf32>
      %reduce_sum3A_1697 = arith.constant dense<0.000000e+00> : vector<1xf32>
      %reduce_sum3A_1698 = vector.multi_reduction <add>, %reduce_sum3A_1696, %reduce_sum3A_1697 [1, 2] : vector<1x16x128xf32> to vector<1xf32>
      %reduce_sum3A_1699 = vector.shape_cast %reduce_sum3A_1698 : vector<1xf32> to vector<1x1x1xf32>
      %reduce_sum3A_1700 = vector.extract %reduce_sum3A_1699[0, 0, 0] : f32 from vector<1x1x1xf32>
      %mul3A_1701 = arith.mulf %mul3A_1658, %mul3A_532 : vector<16x128xf32>
      %reduce_sum3A_1702 = vector.shape_cast %mul3A_1701 : vector<16x128xf32> to vector<1x16x128xf32>
      %reduce_sum3A_1703 = arith.constant dense<0.000000e+00> : vector<1xf32>
      %reduce_sum3A_1704 = vector.multi_reduction <add>, %reduce_sum3A_1702, %reduce_sum3A_1703 [1, 2] : vector<1x16x128xf32> to vector<1xf32>
      %reduce_sum3A_1705 = vector.shape_cast %reduce_sum3A_1704 : vector<1xf32> to vector<1x1x1xf32>
      %reduce_sum3A_1706 = vector.extract %reduce_sum3A_1705[0, 0, 0] : f32 from vector<1x1x1xf32>
      %eq3A_1707 = arith.constant 15 : i32
      %eq3A_1708 = vector.broadcast %eq3A_1707 : i32 to vector<1x128xi32>
      %eq3A_1709 = arith.cmpi eq, %iota3A_535, %eq3A_1708 : vector<1x128xi32>
      %convert_element_type3A_1710 = arith.extui %eq3A_1709 : vector<1x128xi1> to vector<1x128xi32>
      %convert_element_type3A_1711 = arith.sitofp %convert_element_type3A_1710 : vector<1x128xi32> to vector<1x128xf32>
      %mul3A_1712 = vector.broadcast %add3A_1675 : f32 to vector<1x128xf32>
      %mul3A_1713 = arith.mulf %convert_element_type3A_1711, %mul3A_1712 : vector<1x128xf32>
      %add3A_1714 = arith.addf %add3A_1640, %mul3A_1713 : vector<1x128xf32>
      %mul3A_1715 = vector.broadcast %reduce_sum3A_1682 : f32 to vector<1x128xf32>
      %mul3A_1716 = arith.mulf %convert_element_type3A_1711, %mul3A_1715 : vector<1x128xf32>
      %add3A_1717 = arith.addf %add3A_1643, %mul3A_1716 : vector<1x128xf32>
      %mul3A_1718 = vector.broadcast %reduce_sum3A_1691 : f32 to vector<1x128xf32>
      %mul3A_1719 = arith.mulf %convert_element_type3A_1711, %mul3A_1718 : vector<1x128xf32>
      %add3A_1720 = arith.addf %add3A_1646, %mul3A_1719 : vector<1x128xf32>
      %mul3A_1721 = vector.broadcast %reduce_sum3A_1700 : f32 to vector<1x128xf32>
      %mul3A_1722 = arith.mulf %convert_element_type3A_1711, %mul3A_1721 : vector<1x128xf32>
      %add3A_1723 = arith.addf %add3A_1649, %mul3A_1722 : vector<1x128xf32>
      %mul3A_1724 = vector.broadcast %reduce_sum3A_1706 : f32 to vector<1x128xf32>
      %mul3A_1725 = arith.mulf %convert_element_type3A_1711, %mul3A_1724 : vector<1x128xf32>
      %add3A_1726 = arith.addf %add3A_1652, %mul3A_1725 : vector<1x128xf32>
      %eq3A_1727 = arith.constant 1.600000e+01 : f32
      %eq3A_1728 = vector.broadcast %eq3A_1727 : f32 to vector<16x128xf32>
      %eq3A_1729 = arith.cmpf oeq, %add3A_526, %eq3A_1728 : vector<16x128xf32>
      %convert_element_type3A_1730 = arith.extui %eq3A_1729 : vector<16x128xi1> to vector<16x128xi32>
      %convert_element_type3A_1731 = arith.sitofp %convert_element_type3A_1730 : vector<16x128xi32> to vector<16x128xf32>
      %mul3A_1732 = arith.mulf %convert_element_type3A_512, %convert_element_type3A_1731 : vector<16x128xf32>
      %reduce_sum3A_1733 = vector.shape_cast %mul3A_1732 : vector<16x128xf32> to vector<1x16x128xf32>
      %reduce_sum3A_1734 = arith.constant dense<0.000000e+00> : vector<1xf32>
      %reduce_sum3A_1735 = vector.multi_reduction <add>, %reduce_sum3A_1733, %reduce_sum3A_1734 [1, 2] : vector<1x16x128xf32> to vector<1xf32>
      %reduce_sum3A_1736 = vector.shape_cast %reduce_sum3A_1735 : vector<1xf32> to vector<1x1x1xf32>
      %reduce_sum3A_1737 = vector.extract %reduce_sum3A_1736[0, 0, 0] : f32 from vector<1x1x1xf32>
      %mul3A_1738 = vector.broadcast %convert_element_type3A_493 : vector<16x1xf32> to vector<16x128xf32>
      %mul3A_1739 = arith.mulf %mul3A_1732, %mul3A_1738 : vector<16x128xf32>
      %reduce_sum3A_1740 = vector.shape_cast %mul3A_1739 : vector<16x128xf32> to vector<1x16x128xf32>
      %reduce_sum3A_1741 = arith.constant dense<0.000000e+00> : vector<1xf32>
      %reduce_sum3A_1742 = vector.multi_reduction <add>, %reduce_sum3A_1740, %reduce_sum3A_1741 [1, 2] : vector<1x16x128xf32> to vector<1xf32>
      %reduce_sum3A_1743 = vector.shape_cast %reduce_sum3A_1742 : vector<1xf32> to vector<1x1x1xf32>
      %reduce_sum3A_1744 = vector.extract %reduce_sum3A_1743[0, 0, 0] : f32 from vector<1x1x1xf32>
      %sub3A_1745 = arith.constant 1.000000e+00 : f32
      %sub3A_1746 = arith.subf %sub3A_1745, %reduce_sum3A_1737 : f32
      %mul3A_1747 = arith.constant 1.500000e+01 : f32
      %mul3A_1748 = arith.mulf %sub3A_1746, %mul3A_1747 : f32
      %add3A_1749 = arith.addf %reduce_sum3A_1744, %mul3A_1748 : f32
      %mul3A_1750 = vector.broadcast %convert_element_type3A_534 : vector<1x128xf32> to vector<16x128xf32>
      %mul3A_1751 = arith.mulf %mul3A_1732, %mul3A_1750 : vector<16x128xf32>
      %reduce_sum3A_1752 = vector.shape_cast %mul3A_1751 : vector<16x128xf32> to vector<1x16x128xf32>
      %reduce_sum3A_1753 = arith.constant dense<0.000000e+00> : vector<1xf32>
      %reduce_sum3A_1754 = vector.multi_reduction <add>, %reduce_sum3A_1752, %reduce_sum3A_1753 [1, 2] : vector<1x16x128xf32> to vector<1xf32>
      %reduce_sum3A_1755 = vector.shape_cast %reduce_sum3A_1754 : vector<1xf32> to vector<1x1x1xf32>
      %reduce_sum3A_1756 = vector.extract %reduce_sum3A_1755[0, 0, 0] : f32 from vector<1x1x1xf32>
      %max3A_1757 = vector.broadcast %dot_general3A_236 : vector<1x128xf32> to vector<16x128xf32>
      %max3A_1758 = vector.broadcast %mul3A_496 : vector<16x1xf32> to vector<16x128xf32>
      %max3A_1759 = arith.maximumf %max3A_1757, %max3A_1758 : vector<16x128xf32>
      %mul3A_1760 = arith.mulf %mul3A_1732, %max3A_1759 : vector<16x128xf32>
      %reduce_sum3A_1761 = vector.shape_cast %mul3A_1760 : vector<16x128xf32> to vector<1x16x128xf32>
      %reduce_sum3A_1762 = arith.constant dense<0.000000e+00> : vector<1xf32>
      %reduce_sum3A_1763 = vector.multi_reduction <add>, %reduce_sum3A_1761, %reduce_sum3A_1762 [1, 2] : vector<1x16x128xf32> to vector<1xf32>
      %reduce_sum3A_1764 = vector.shape_cast %reduce_sum3A_1763 : vector<1xf32> to vector<1x1x1xf32>
      %reduce_sum3A_1765 = vector.extract %reduce_sum3A_1764[0, 0, 0] : f32 from vector<1x1x1xf32>
      %min3A_1766 = vector.broadcast %add3A_500 : vector<1x128xf32> to vector<16x128xf32>
      %min3A_1767 = vector.broadcast %add3A_499 : vector<16x1xf32> to vector<16x128xf32>
      %min3A_1768 = arith.minimumf %min3A_1766, %min3A_1767 : vector<16x128xf32>
      %mul3A_1769 = arith.mulf %mul3A_1732, %min3A_1768 : vector<16x128xf32>
      %reduce_sum3A_1770 = vector.shape_cast %mul3A_1769 : vector<16x128xf32> to vector<1x16x128xf32>
      %reduce_sum3A_1771 = arith.constant dense<0.000000e+00> : vector<1xf32>
      %reduce_sum3A_1772 = vector.multi_reduction <add>, %reduce_sum3A_1770, %reduce_sum3A_1771 [1, 2] : vector<1x16x128xf32> to vector<1xf32>
      %reduce_sum3A_1773 = vector.shape_cast %reduce_sum3A_1772 : vector<1xf32> to vector<1x1x1xf32>
      %reduce_sum3A_1774 = vector.extract %reduce_sum3A_1773[0, 0, 0] : f32 from vector<1x1x1xf32>
      %mul3A_1775 = arith.mulf %mul3A_1732, %mul3A_532 : vector<16x128xf32>
      %reduce_sum3A_1776 = vector.shape_cast %mul3A_1775 : vector<16x128xf32> to vector<1x16x128xf32>
      %reduce_sum3A_1777 = arith.constant dense<0.000000e+00> : vector<1xf32>
      %reduce_sum3A_1778 = vector.multi_reduction <add>, %reduce_sum3A_1776, %reduce_sum3A_1777 [1, 2] : vector<1x16x128xf32> to vector<1xf32>
      %reduce_sum3A_1779 = vector.shape_cast %reduce_sum3A_1778 : vector<1xf32> to vector<1x1x1xf32>
      %reduce_sum3A_1780 = vector.extract %reduce_sum3A_1779[0, 0, 0] : f32 from vector<1x1x1xf32>
      %eq3A_1781 = arith.constant 16 : i32
      %eq3A_1782 = vector.broadcast %eq3A_1781 : i32 to vector<1x128xi32>
      %eq3A_1783 = arith.cmpi eq, %iota3A_535, %eq3A_1782 : vector<1x128xi32>
      %convert_element_type3A_1784 = arith.extui %eq3A_1783 : vector<1x128xi1> to vector<1x128xi32>
      %convert_element_type3A_1785 = arith.sitofp %convert_element_type3A_1784 : vector<1x128xi32> to vector<1x128xf32>
      %mul3A_1786 = vector.broadcast %add3A_1749 : f32 to vector<1x128xf32>
      %mul3A_1787 = arith.mulf %convert_element_type3A_1785, %mul3A_1786 : vector<1x128xf32>
      %add3A_1788 = arith.addf %add3A_1714, %mul3A_1787 : vector<1x128xf32>
      %mul3A_1789 = vector.broadcast %reduce_sum3A_1756 : f32 to vector<1x128xf32>
      %mul3A_1790 = arith.mulf %convert_element_type3A_1785, %mul3A_1789 : vector<1x128xf32>
      %add3A_1791 = arith.addf %add3A_1717, %mul3A_1790 : vector<1x128xf32>
      %mul3A_1792 = vector.broadcast %reduce_sum3A_1765 : f32 to vector<1x128xf32>
      %mul3A_1793 = arith.mulf %convert_element_type3A_1785, %mul3A_1792 : vector<1x128xf32>
      %add3A_1794 = arith.addf %add3A_1720, %mul3A_1793 : vector<1x128xf32>
      %mul3A_1795 = vector.broadcast %reduce_sum3A_1774 : f32 to vector<1x128xf32>
      %mul3A_1796 = arith.mulf %convert_element_type3A_1785, %mul3A_1795 : vector<1x128xf32>
      %add3A_1797 = arith.addf %add3A_1723, %mul3A_1796 : vector<1x128xf32>
      %mul3A_1798 = vector.broadcast %reduce_sum3A_1780 : f32 to vector<1x128xf32>
      %mul3A_1799 = arith.mulf %convert_element_type3A_1785, %mul3A_1798 : vector<1x128xf32>
      %add3A_1800 = arith.addf %add3A_1726, %mul3A_1799 : vector<1x128xf32>
      %eq3A_1801 = arith.constant 1.700000e+01 : f32
      %eq3A_1802 = vector.broadcast %eq3A_1801 : f32 to vector<16x128xf32>
      %eq3A_1803 = arith.cmpf oeq, %add3A_526, %eq3A_1802 : vector<16x128xf32>
      %convert_element_type3A_1804 = arith.extui %eq3A_1803 : vector<16x128xi1> to vector<16x128xi32>
      %convert_element_type3A_1805 = arith.sitofp %convert_element_type3A_1804 : vector<16x128xi32> to vector<16x128xf32>
      %mul3A_1806 = arith.mulf %convert_element_type3A_512, %convert_element_type3A_1805 : vector<16x128xf32>
      %reduce_sum3A_1807 = vector.shape_cast %mul3A_1806 : vector<16x128xf32> to vector<1x16x128xf32>
      %reduce_sum3A_1808 = arith.constant dense<0.000000e+00> : vector<1xf32>
      %reduce_sum3A_1809 = vector.multi_reduction <add>, %reduce_sum3A_1807, %reduce_sum3A_1808 [1, 2] : vector<1x16x128xf32> to vector<1xf32>
      %reduce_sum3A_1810 = vector.shape_cast %reduce_sum3A_1809 : vector<1xf32> to vector<1x1x1xf32>
      %reduce_sum3A_1811 = vector.extract %reduce_sum3A_1810[0, 0, 0] : f32 from vector<1x1x1xf32>
      %mul3A_1812 = vector.broadcast %convert_element_type3A_493 : vector<16x1xf32> to vector<16x128xf32>
      %mul3A_1813 = arith.mulf %mul3A_1806, %mul3A_1812 : vector<16x128xf32>
      %reduce_sum3A_1814 = vector.shape_cast %mul3A_1813 : vector<16x128xf32> to vector<1x16x128xf32>
      %reduce_sum3A_1815 = arith.constant dense<0.000000e+00> : vector<1xf32>
      %reduce_sum3A_1816 = vector.multi_reduction <add>, %reduce_sum3A_1814, %reduce_sum3A_1815 [1, 2] : vector<1x16x128xf32> to vector<1xf32>
      %reduce_sum3A_1817 = vector.shape_cast %reduce_sum3A_1816 : vector<1xf32> to vector<1x1x1xf32>
      %reduce_sum3A_1818 = vector.extract %reduce_sum3A_1817[0, 0, 0] : f32 from vector<1x1x1xf32>
      %sub3A_1819 = arith.constant 1.000000e+00 : f32
      %sub3A_1820 = arith.subf %sub3A_1819, %reduce_sum3A_1811 : f32
      %mul3A_1821 = arith.constant 1.500000e+01 : f32
      %mul3A_1822 = arith.mulf %sub3A_1820, %mul3A_1821 : f32
      %add3A_1823 = arith.addf %reduce_sum3A_1818, %mul3A_1822 : f32
      %mul3A_1824 = vector.broadcast %convert_element_type3A_534 : vector<1x128xf32> to vector<16x128xf32>
      %mul3A_1825 = arith.mulf %mul3A_1806, %mul3A_1824 : vector<16x128xf32>
      %reduce_sum3A_1826 = vector.shape_cast %mul3A_1825 : vector<16x128xf32> to vector<1x16x128xf32>
      %reduce_sum3A_1827 = arith.constant dense<0.000000e+00> : vector<1xf32>
      %reduce_sum3A_1828 = vector.multi_reduction <add>, %reduce_sum3A_1826, %reduce_sum3A_1827 [1, 2] : vector<1x16x128xf32> to vector<1xf32>
      %reduce_sum3A_1829 = vector.shape_cast %reduce_sum3A_1828 : vector<1xf32> to vector<1x1x1xf32>
      %reduce_sum3A_1830 = vector.extract %reduce_sum3A_1829[0, 0, 0] : f32 from vector<1x1x1xf32>
      %max3A_1831 = vector.broadcast %dot_general3A_236 : vector<1x128xf32> to vector<16x128xf32>
      %max3A_1832 = vector.broadcast %mul3A_496 : vector<16x1xf32> to vector<16x128xf32>
      %max3A_1833 = arith.maximumf %max3A_1831, %max3A_1832 : vector<16x128xf32>
      %mul3A_1834 = arith.mulf %mul3A_1806, %max3A_1833 : vector<16x128xf32>
      %reduce_sum3A_1835 = vector.shape_cast %mul3A_1834 : vector<16x128xf32> to vector<1x16x128xf32>
      %reduce_sum3A_1836 = arith.constant dense<0.000000e+00> : vector<1xf32>
      %reduce_sum3A_1837 = vector.multi_reduction <add>, %reduce_sum3A_1835, %reduce_sum3A_1836 [1, 2] : vector<1x16x128xf32> to vector<1xf32>
      %reduce_sum3A_1838 = vector.shape_cast %reduce_sum3A_1837 : vector<1xf32> to vector<1x1x1xf32>
      %reduce_sum3A_1839 = vector.extract %reduce_sum3A_1838[0, 0, 0] : f32 from vector<1x1x1xf32>
      %min3A_1840 = vector.broadcast %add3A_500 : vector<1x128xf32> to vector<16x128xf32>
      %min3A_1841 = vector.broadcast %add3A_499 : vector<16x1xf32> to vector<16x128xf32>
      %min3A_1842 = arith.minimumf %min3A_1840, %min3A_1841 : vector<16x128xf32>
      %mul3A_1843 = arith.mulf %mul3A_1806, %min3A_1842 : vector<16x128xf32>
      %reduce_sum3A_1844 = vector.shape_cast %mul3A_1843 : vector<16x128xf32> to vector<1x16x128xf32>
      %reduce_sum3A_1845 = arith.constant dense<0.000000e+00> : vector<1xf32>
      %reduce_sum3A_1846 = vector.multi_reduction <add>, %reduce_sum3A_1844, %reduce_sum3A_1845 [1, 2] : vector<1x16x128xf32> to vector<1xf32>
      %reduce_sum3A_1847 = vector.shape_cast %reduce_sum3A_1846 : vector<1xf32> to vector<1x1x1xf32>
      %reduce_sum3A_1848 = vector.extract %reduce_sum3A_1847[0, 0, 0] : f32 from vector<1x1x1xf32>
      %mul3A_1849 = arith.mulf %mul3A_1806, %mul3A_532 : vector<16x128xf32>
      %reduce_sum3A_1850 = vector.shape_cast %mul3A_1849 : vector<16x128xf32> to vector<1x16x128xf32>
      %reduce_sum3A_1851 = arith.constant dense<0.000000e+00> : vector<1xf32>
      %reduce_sum3A_1852 = vector.multi_reduction <add>, %reduce_sum3A_1850, %reduce_sum3A_1851 [1, 2] : vector<1x16x128xf32> to vector<1xf32>
      %reduce_sum3A_1853 = vector.shape_cast %reduce_sum3A_1852 : vector<1xf32> to vector<1x1x1xf32>
      %reduce_sum3A_1854 = vector.extract %reduce_sum3A_1853[0, 0, 0] : f32 from vector<1x1x1xf32>
      %eq3A_1855 = arith.constant 17 : i32
      %eq3A_1856 = vector.broadcast %eq3A_1855 : i32 to vector<1x128xi32>
      %eq3A_1857 = arith.cmpi eq, %iota3A_535, %eq3A_1856 : vector<1x128xi32>
      %convert_element_type3A_1858 = arith.extui %eq3A_1857 : vector<1x128xi1> to vector<1x128xi32>
      %convert_element_type3A_1859 = arith.sitofp %convert_element_type3A_1858 : vector<1x128xi32> to vector<1x128xf32>
      %mul3A_1860 = vector.broadcast %add3A_1823 : f32 to vector<1x128xf32>
      %mul3A_1861 = arith.mulf %convert_element_type3A_1859, %mul3A_1860 : vector<1x128xf32>
      %add3A_1862 = arith.addf %add3A_1788, %mul3A_1861 : vector<1x128xf32>
      %mul3A_1863 = vector.broadcast %reduce_sum3A_1830 : f32 to vector<1x128xf32>
      %mul3A_1864 = arith.mulf %convert_element_type3A_1859, %mul3A_1863 : vector<1x128xf32>
      %add3A_1865 = arith.addf %add3A_1791, %mul3A_1864 : vector<1x128xf32>
      %mul3A_1866 = vector.broadcast %reduce_sum3A_1839 : f32 to vector<1x128xf32>
      %mul3A_1867 = arith.mulf %convert_element_type3A_1859, %mul3A_1866 : vector<1x128xf32>
      %add3A_1868 = arith.addf %add3A_1794, %mul3A_1867 : vector<1x128xf32>
      %mul3A_1869 = vector.broadcast %reduce_sum3A_1848 : f32 to vector<1x128xf32>
      %mul3A_1870 = arith.mulf %convert_element_type3A_1859, %mul3A_1869 : vector<1x128xf32>
      %add3A_1871 = arith.addf %add3A_1797, %mul3A_1870 : vector<1x128xf32>
      %mul3A_1872 = vector.broadcast %reduce_sum3A_1854 : f32 to vector<1x128xf32>
      %mul3A_1873 = arith.mulf %convert_element_type3A_1859, %mul3A_1872 : vector<1x128xf32>
      %add3A_1874 = arith.addf %add3A_1800, %mul3A_1873 : vector<1x128xf32>
      %eq3A_1875 = arith.constant 1.800000e+01 : f32
      %eq3A_1876 = vector.broadcast %eq3A_1875 : f32 to vector<16x128xf32>
      %eq3A_1877 = arith.cmpf oeq, %add3A_526, %eq3A_1876 : vector<16x128xf32>
      %convert_element_type3A_1878 = arith.extui %eq3A_1877 : vector<16x128xi1> to vector<16x128xi32>
      %convert_element_type3A_1879 = arith.sitofp %convert_element_type3A_1878 : vector<16x128xi32> to vector<16x128xf32>
      %mul3A_1880 = arith.mulf %convert_element_type3A_512, %convert_element_type3A_1879 : vector<16x128xf32>
      %reduce_sum3A_1881 = vector.shape_cast %mul3A_1880 : vector<16x128xf32> to vector<1x16x128xf32>
      %reduce_sum3A_1882 = arith.constant dense<0.000000e+00> : vector<1xf32>
      %reduce_sum3A_1883 = vector.multi_reduction <add>, %reduce_sum3A_1881, %reduce_sum3A_1882 [1, 2] : vector<1x16x128xf32> to vector<1xf32>
      %reduce_sum3A_1884 = vector.shape_cast %reduce_sum3A_1883 : vector<1xf32> to vector<1x1x1xf32>
      %reduce_sum3A_1885 = vector.extract %reduce_sum3A_1884[0, 0, 0] : f32 from vector<1x1x1xf32>
      %mul3A_1886 = vector.broadcast %convert_element_type3A_493 : vector<16x1xf32> to vector<16x128xf32>
      %mul3A_1887 = arith.mulf %mul3A_1880, %mul3A_1886 : vector<16x128xf32>
      %reduce_sum3A_1888 = vector.shape_cast %mul3A_1887 : vector<16x128xf32> to vector<1x16x128xf32>
      %reduce_sum3A_1889 = arith.constant dense<0.000000e+00> : vector<1xf32>
      %reduce_sum3A_1890 = vector.multi_reduction <add>, %reduce_sum3A_1888, %reduce_sum3A_1889 [1, 2] : vector<1x16x128xf32> to vector<1xf32>
      %reduce_sum3A_1891 = vector.shape_cast %reduce_sum3A_1890 : vector<1xf32> to vector<1x1x1xf32>
      %reduce_sum3A_1892 = vector.extract %reduce_sum3A_1891[0, 0, 0] : f32 from vector<1x1x1xf32>
      %sub3A_1893 = arith.constant 1.000000e+00 : f32
      %sub3A_1894 = arith.subf %sub3A_1893, %reduce_sum3A_1885 : f32
      %mul3A_1895 = arith.constant 1.500000e+01 : f32
      %mul3A_1896 = arith.mulf %sub3A_1894, %mul3A_1895 : f32
      %add3A_1897 = arith.addf %reduce_sum3A_1892, %mul3A_1896 : f32
      %mul3A_1898 = vector.broadcast %convert_element_type3A_534 : vector<1x128xf32> to vector<16x128xf32>
      %mul3A_1899 = arith.mulf %mul3A_1880, %mul3A_1898 : vector<16x128xf32>
      %reduce_sum3A_1900 = vector.shape_cast %mul3A_1899 : vector<16x128xf32> to vector<1x16x128xf32>
      %reduce_sum3A_1901 = arith.constant dense<0.000000e+00> : vector<1xf32>
      %reduce_sum3A_1902 = vector.multi_reduction <add>, %reduce_sum3A_1900, %reduce_sum3A_1901 [1, 2] : vector<1x16x128xf32> to vector<1xf32>
      %reduce_sum3A_1903 = vector.shape_cast %reduce_sum3A_1902 : vector<1xf32> to vector<1x1x1xf32>
      %reduce_sum3A_1904 = vector.extract %reduce_sum3A_1903[0, 0, 0] : f32 from vector<1x1x1xf32>
      %max3A_1905 = vector.broadcast %dot_general3A_236 : vector<1x128xf32> to vector<16x128xf32>
      %max3A_1906 = vector.broadcast %mul3A_496 : vector<16x1xf32> to vector<16x128xf32>
      %max3A_1907 = arith.maximumf %max3A_1905, %max3A_1906 : vector<16x128xf32>
      %mul3A_1908 = arith.mulf %mul3A_1880, %max3A_1907 : vector<16x128xf32>
      %reduce_sum3A_1909 = vector.shape_cast %mul3A_1908 : vector<16x128xf32> to vector<1x16x128xf32>
      %reduce_sum3A_1910 = arith.constant dense<0.000000e+00> : vector<1xf32>
      %reduce_sum3A_1911 = vector.multi_reduction <add>, %reduce_sum3A_1909, %reduce_sum3A_1910 [1, 2] : vector<1x16x128xf32> to vector<1xf32>
      %reduce_sum3A_1912 = vector.shape_cast %reduce_sum3A_1911 : vector<1xf32> to vector<1x1x1xf32>
      %reduce_sum3A_1913 = vector.extract %reduce_sum3A_1912[0, 0, 0] : f32 from vector<1x1x1xf32>
      %min3A_1914 = vector.broadcast %add3A_500 : vector<1x128xf32> to vector<16x128xf32>
      %min3A_1915 = vector.broadcast %add3A_499 : vector<16x1xf32> to vector<16x128xf32>
      %min3A_1916 = arith.minimumf %min3A_1914, %min3A_1915 : vector<16x128xf32>
      %mul3A_1917 = arith.mulf %mul3A_1880, %min3A_1916 : vector<16x128xf32>
      %reduce_sum3A_1918 = vector.shape_cast %mul3A_1917 : vector<16x128xf32> to vector<1x16x128xf32>
      %reduce_sum3A_1919 = arith.constant dense<0.000000e+00> : vector<1xf32>
      %reduce_sum3A_1920 = vector.multi_reduction <add>, %reduce_sum3A_1918, %reduce_sum3A_1919 [1, 2] : vector<1x16x128xf32> to vector<1xf32>
      %reduce_sum3A_1921 = vector.shape_cast %reduce_sum3A_1920 : vector<1xf32> to vector<1x1x1xf32>
      %reduce_sum3A_1922 = vector.extract %reduce_sum3A_1921[0, 0, 0] : f32 from vector<1x1x1xf32>
      %mul3A_1923 = arith.mulf %mul3A_1880, %mul3A_532 : vector<16x128xf32>
      %reduce_sum3A_1924 = vector.shape_cast %mul3A_1923 : vector<16x128xf32> to vector<1x16x128xf32>
      %reduce_sum3A_1925 = arith.constant dense<0.000000e+00> : vector<1xf32>
      %reduce_sum3A_1926 = vector.multi_reduction <add>, %reduce_sum3A_1924, %reduce_sum3A_1925 [1, 2] : vector<1x16x128xf32> to vector<1xf32>
      %reduce_sum3A_1927 = vector.shape_cast %reduce_sum3A_1926 : vector<1xf32> to vector<1x1x1xf32>
      %reduce_sum3A_1928 = vector.extract %reduce_sum3A_1927[0, 0, 0] : f32 from vector<1x1x1xf32>
      %eq3A_1929 = arith.constant 18 : i32
      %eq3A_1930 = vector.broadcast %eq3A_1929 : i32 to vector<1x128xi32>
      %eq3A_1931 = arith.cmpi eq, %iota3A_535, %eq3A_1930 : vector<1x128xi32>
      %convert_element_type3A_1932 = arith.extui %eq3A_1931 : vector<1x128xi1> to vector<1x128xi32>
      %convert_element_type3A_1933 = arith.sitofp %convert_element_type3A_1932 : vector<1x128xi32> to vector<1x128xf32>
      %mul3A_1934 = vector.broadcast %add3A_1897 : f32 to vector<1x128xf32>
      %mul3A_1935 = arith.mulf %convert_element_type3A_1933, %mul3A_1934 : vector<1x128xf32>
      %add3A_1936 = arith.addf %add3A_1862, %mul3A_1935 : vector<1x128xf32>
      %mul3A_1937 = vector.broadcast %reduce_sum3A_1904 : f32 to vector<1x128xf32>
      %mul3A_1938 = arith.mulf %convert_element_type3A_1933, %mul3A_1937 : vector<1x128xf32>
      %add3A_1939 = arith.addf %add3A_1865, %mul3A_1938 : vector<1x128xf32>
      %mul3A_1940 = vector.broadcast %reduce_sum3A_1913 : f32 to vector<1x128xf32>
      %mul3A_1941 = arith.mulf %convert_element_type3A_1933, %mul3A_1940 : vector<1x128xf32>
      %add3A_1942 = arith.addf %add3A_1868, %mul3A_1941 : vector<1x128xf32>
      %mul3A_1943 = vector.broadcast %reduce_sum3A_1922 : f32 to vector<1x128xf32>
      %mul3A_1944 = arith.mulf %convert_element_type3A_1933, %mul3A_1943 : vector<1x128xf32>
      %add3A_1945 = arith.addf %add3A_1871, %mul3A_1944 : vector<1x128xf32>
      %mul3A_1946 = vector.broadcast %reduce_sum3A_1928 : f32 to vector<1x128xf32>
      %mul3A_1947 = arith.mulf %convert_element_type3A_1933, %mul3A_1946 : vector<1x128xf32>
      %add3A_1948 = arith.addf %add3A_1874, %mul3A_1947 : vector<1x128xf32>
      %eq3A_1949 = arith.constant 1.900000e+01 : f32
      %eq3A_1950 = vector.broadcast %eq3A_1949 : f32 to vector<16x128xf32>
      %eq3A_1951 = arith.cmpf oeq, %add3A_526, %eq3A_1950 : vector<16x128xf32>
      %convert_element_type3A_1952 = arith.extui %eq3A_1951 : vector<16x128xi1> to vector<16x128xi32>
      %convert_element_type3A_1953 = arith.sitofp %convert_element_type3A_1952 : vector<16x128xi32> to vector<16x128xf32>
      %mul3A_1954 = arith.mulf %convert_element_type3A_512, %convert_element_type3A_1953 : vector<16x128xf32>
      %reduce_sum3A_1955 = vector.shape_cast %mul3A_1954 : vector<16x128xf32> to vector<1x16x128xf32>
      %reduce_sum3A_1956 = arith.constant dense<0.000000e+00> : vector<1xf32>
      %reduce_sum3A_1957 = vector.multi_reduction <add>, %reduce_sum3A_1955, %reduce_sum3A_1956 [1, 2] : vector<1x16x128xf32> to vector<1xf32>
      %reduce_sum3A_1958 = vector.shape_cast %reduce_sum3A_1957 : vector<1xf32> to vector<1x1x1xf32>
      %reduce_sum3A_1959 = vector.extract %reduce_sum3A_1958[0, 0, 0] : f32 from vector<1x1x1xf32>
      %mul3A_1960 = vector.broadcast %convert_element_type3A_493 : vector<16x1xf32> to vector<16x128xf32>
      %mul3A_1961 = arith.mulf %mul3A_1954, %mul3A_1960 : vector<16x128xf32>
      %reduce_sum3A_1962 = vector.shape_cast %mul3A_1961 : vector<16x128xf32> to vector<1x16x128xf32>
      %reduce_sum3A_1963 = arith.constant dense<0.000000e+00> : vector<1xf32>
      %reduce_sum3A_1964 = vector.multi_reduction <add>, %reduce_sum3A_1962, %reduce_sum3A_1963 [1, 2] : vector<1x16x128xf32> to vector<1xf32>
      %reduce_sum3A_1965 = vector.shape_cast %reduce_sum3A_1964 : vector<1xf32> to vector<1x1x1xf32>
      %reduce_sum3A_1966 = vector.extract %reduce_sum3A_1965[0, 0, 0] : f32 from vector<1x1x1xf32>
      %sub3A_1967 = arith.constant 1.000000e+00 : f32
      %sub3A_1968 = arith.subf %sub3A_1967, %reduce_sum3A_1959 : f32
      %mul3A_1969 = arith.constant 1.500000e+01 : f32
      %mul3A_1970 = arith.mulf %sub3A_1968, %mul3A_1969 : f32
      %add3A_1971 = arith.addf %reduce_sum3A_1966, %mul3A_1970 : f32
      %mul3A_1972 = vector.broadcast %convert_element_type3A_534 : vector<1x128xf32> to vector<16x128xf32>
      %mul3A_1973 = arith.mulf %mul3A_1954, %mul3A_1972 : vector<16x128xf32>
      %reduce_sum3A_1974 = vector.shape_cast %mul3A_1973 : vector<16x128xf32> to vector<1x16x128xf32>
      %reduce_sum3A_1975 = arith.constant dense<0.000000e+00> : vector<1xf32>
      %reduce_sum3A_1976 = vector.multi_reduction <add>, %reduce_sum3A_1974, %reduce_sum3A_1975 [1, 2] : vector<1x16x128xf32> to vector<1xf32>
      %reduce_sum3A_1977 = vector.shape_cast %reduce_sum3A_1976 : vector<1xf32> to vector<1x1x1xf32>
      %reduce_sum3A_1978 = vector.extract %reduce_sum3A_1977[0, 0, 0] : f32 from vector<1x1x1xf32>
      %max3A_1979 = vector.broadcast %dot_general3A_236 : vector<1x128xf32> to vector<16x128xf32>
      %max3A_1980 = vector.broadcast %mul3A_496 : vector<16x1xf32> to vector<16x128xf32>
      %max3A_1981 = arith.maximumf %max3A_1979, %max3A_1980 : vector<16x128xf32>
      %mul3A_1982 = arith.mulf %mul3A_1954, %max3A_1981 : vector<16x128xf32>
      %reduce_sum3A_1983 = vector.shape_cast %mul3A_1982 : vector<16x128xf32> to vector<1x16x128xf32>
      %reduce_sum3A_1984 = arith.constant dense<0.000000e+00> : vector<1xf32>
      %reduce_sum3A_1985 = vector.multi_reduction <add>, %reduce_sum3A_1983, %reduce_sum3A_1984 [1, 2] : vector<1x16x128xf32> to vector<1xf32>
      %reduce_sum3A_1986 = vector.shape_cast %reduce_sum3A_1985 : vector<1xf32> to vector<1x1x1xf32>
      %reduce_sum3A_1987 = vector.extract %reduce_sum3A_1986[0, 0, 0] : f32 from vector<1x1x1xf32>
      %min3A_1988 = vector.broadcast %add3A_500 : vector<1x128xf32> to vector<16x128xf32>
      %min3A_1989 = vector.broadcast %add3A_499 : vector<16x1xf32> to vector<16x128xf32>
      %min3A_1990 = arith.minimumf %min3A_1988, %min3A_1989 : vector<16x128xf32>
      %mul3A_1991 = arith.mulf %mul3A_1954, %min3A_1990 : vector<16x128xf32>
      %reduce_sum3A_1992 = vector.shape_cast %mul3A_1991 : vector<16x128xf32> to vector<1x16x128xf32>
      %reduce_sum3A_1993 = arith.constant dense<0.000000e+00> : vector<1xf32>
      %reduce_sum3A_1994 = vector.multi_reduction <add>, %reduce_sum3A_1992, %reduce_sum3A_1993 [1, 2] : vector<1x16x128xf32> to vector<1xf32>
      %reduce_sum3A_1995 = vector.shape_cast %reduce_sum3A_1994 : vector<1xf32> to vector<1x1x1xf32>
      %reduce_sum3A_1996 = vector.extract %reduce_sum3A_1995[0, 0, 0] : f32 from vector<1x1x1xf32>
      %mul3A_1997 = arith.mulf %mul3A_1954, %mul3A_532 : vector<16x128xf32>
      %reduce_sum3A_1998 = vector.shape_cast %mul3A_1997 : vector<16x128xf32> to vector<1x16x128xf32>
      %reduce_sum3A_1999 = arith.constant dense<0.000000e+00> : vector<1xf32>
      %reduce_sum3A_2000 = vector.multi_reduction <add>, %reduce_sum3A_1998, %reduce_sum3A_1999 [1, 2] : vector<1x16x128xf32> to vector<1xf32>
      %reduce_sum3A_2001 = vector.shape_cast %reduce_sum3A_2000 : vector<1xf32> to vector<1x1x1xf32>
      %reduce_sum3A_2002 = vector.extract %reduce_sum3A_2001[0, 0, 0] : f32 from vector<1x1x1xf32>
      %eq3A_2003 = arith.constant 19 : i32
      %eq3A_2004 = vector.broadcast %eq3A_2003 : i32 to vector<1x128xi32>
      %eq3A_2005 = arith.cmpi eq, %iota3A_535, %eq3A_2004 : vector<1x128xi32>
      %convert_element_type3A_2006 = arith.extui %eq3A_2005 : vector<1x128xi1> to vector<1x128xi32>
      %convert_element_type3A_2007 = arith.sitofp %convert_element_type3A_2006 : vector<1x128xi32> to vector<1x128xf32>
      %mul3A_2008 = vector.broadcast %add3A_1971 : f32 to vector<1x128xf32>
      %mul3A_2009 = arith.mulf %convert_element_type3A_2007, %mul3A_2008 : vector<1x128xf32>
      %add3A_2010 = arith.addf %add3A_1936, %mul3A_2009 : vector<1x128xf32>
      %mul3A_2011 = vector.broadcast %reduce_sum3A_1978 : f32 to vector<1x128xf32>
      %mul3A_2012 = arith.mulf %convert_element_type3A_2007, %mul3A_2011 : vector<1x128xf32>
      %add3A_2013 = arith.addf %add3A_1939, %mul3A_2012 : vector<1x128xf32>
      %mul3A_2014 = vector.broadcast %reduce_sum3A_1987 : f32 to vector<1x128xf32>
      %mul3A_2015 = arith.mulf %convert_element_type3A_2007, %mul3A_2014 : vector<1x128xf32>
      %add3A_2016 = arith.addf %add3A_1942, %mul3A_2015 : vector<1x128xf32>
      %mul3A_2017 = vector.broadcast %reduce_sum3A_1996 : f32 to vector<1x128xf32>
      %mul3A_2018 = arith.mulf %convert_element_type3A_2007, %mul3A_2017 : vector<1x128xf32>
      %add3A_2019 = arith.addf %add3A_1945, %mul3A_2018 : vector<1x128xf32>
      %mul3A_2020 = vector.broadcast %reduce_sum3A_2002 : f32 to vector<1x128xf32>
      %mul3A_2021 = arith.mulf %convert_element_type3A_2007, %mul3A_2020 : vector<1x128xf32>
      %add3A_2022 = arith.addf %add3A_1948, %mul3A_2021 : vector<1x128xf32>
      %eq3A_2023 = arith.constant 2.000000e+01 : f32
      %eq3A_2024 = vector.broadcast %eq3A_2023 : f32 to vector<16x128xf32>
      %eq3A_2025 = arith.cmpf oeq, %add3A_526, %eq3A_2024 : vector<16x128xf32>
      %convert_element_type3A_2026 = arith.extui %eq3A_2025 : vector<16x128xi1> to vector<16x128xi32>
      %convert_element_type3A_2027 = arith.sitofp %convert_element_type3A_2026 : vector<16x128xi32> to vector<16x128xf32>
      %mul3A_2028 = arith.mulf %convert_element_type3A_512, %convert_element_type3A_2027 : vector<16x128xf32>
      %reduce_sum3A_2029 = vector.shape_cast %mul3A_2028 : vector<16x128xf32> to vector<1x16x128xf32>
      %reduce_sum3A_2030 = arith.constant dense<0.000000e+00> : vector<1xf32>
      %reduce_sum3A_2031 = vector.multi_reduction <add>, %reduce_sum3A_2029, %reduce_sum3A_2030 [1, 2] : vector<1x16x128xf32> to vector<1xf32>
      %reduce_sum3A_2032 = vector.shape_cast %reduce_sum3A_2031 : vector<1xf32> to vector<1x1x1xf32>
      %reduce_sum3A_2033 = vector.extract %reduce_sum3A_2032[0, 0, 0] : f32 from vector<1x1x1xf32>
      %mul3A_2034 = vector.broadcast %convert_element_type3A_493 : vector<16x1xf32> to vector<16x128xf32>
      %mul3A_2035 = arith.mulf %mul3A_2028, %mul3A_2034 : vector<16x128xf32>
      %reduce_sum3A_2036 = vector.shape_cast %mul3A_2035 : vector<16x128xf32> to vector<1x16x128xf32>
      %reduce_sum3A_2037 = arith.constant dense<0.000000e+00> : vector<1xf32>
      %reduce_sum3A_2038 = vector.multi_reduction <add>, %reduce_sum3A_2036, %reduce_sum3A_2037 [1, 2] : vector<1x16x128xf32> to vector<1xf32>
      %reduce_sum3A_2039 = vector.shape_cast %reduce_sum3A_2038 : vector<1xf32> to vector<1x1x1xf32>
      %reduce_sum3A_2040 = vector.extract %reduce_sum3A_2039[0, 0, 0] : f32 from vector<1x1x1xf32>
      %sub3A_2041 = arith.constant 1.000000e+00 : f32
      %sub3A_2042 = arith.subf %sub3A_2041, %reduce_sum3A_2033 : f32
      %mul3A_2043 = arith.constant 1.500000e+01 : f32
      %mul3A_2044 = arith.mulf %sub3A_2042, %mul3A_2043 : f32
      %add3A_2045 = arith.addf %reduce_sum3A_2040, %mul3A_2044 : f32
      %mul3A_2046 = vector.broadcast %convert_element_type3A_534 : vector<1x128xf32> to vector<16x128xf32>
      %mul3A_2047 = arith.mulf %mul3A_2028, %mul3A_2046 : vector<16x128xf32>
      %reduce_sum3A_2048 = vector.shape_cast %mul3A_2047 : vector<16x128xf32> to vector<1x16x128xf32>
      %reduce_sum3A_2049 = arith.constant dense<0.000000e+00> : vector<1xf32>
      %reduce_sum3A_2050 = vector.multi_reduction <add>, %reduce_sum3A_2048, %reduce_sum3A_2049 [1, 2] : vector<1x16x128xf32> to vector<1xf32>
      %reduce_sum3A_2051 = vector.shape_cast %reduce_sum3A_2050 : vector<1xf32> to vector<1x1x1xf32>
      %reduce_sum3A_2052 = vector.extract %reduce_sum3A_2051[0, 0, 0] : f32 from vector<1x1x1xf32>
      %max3A_2053 = vector.broadcast %dot_general3A_236 : vector<1x128xf32> to vector<16x128xf32>
      %max3A_2054 = vector.broadcast %mul3A_496 : vector<16x1xf32> to vector<16x128xf32>
      %max3A_2055 = arith.maximumf %max3A_2053, %max3A_2054 : vector<16x128xf32>
      %mul3A_2056 = arith.mulf %mul3A_2028, %max3A_2055 : vector<16x128xf32>
      %reduce_sum3A_2057 = vector.shape_cast %mul3A_2056 : vector<16x128xf32> to vector<1x16x128xf32>
      %reduce_sum3A_2058 = arith.constant dense<0.000000e+00> : vector<1xf32>
      %reduce_sum3A_2059 = vector.multi_reduction <add>, %reduce_sum3A_2057, %reduce_sum3A_2058 [1, 2] : vector<1x16x128xf32> to vector<1xf32>
      %reduce_sum3A_2060 = vector.shape_cast %reduce_sum3A_2059 : vector<1xf32> to vector<1x1x1xf32>
      %reduce_sum3A_2061 = vector.extract %reduce_sum3A_2060[0, 0, 0] : f32 from vector<1x1x1xf32>
      %min3A_2062 = vector.broadcast %add3A_500 : vector<1x128xf32> to vector<16x128xf32>
      %min3A_2063 = vector.broadcast %add3A_499 : vector<16x1xf32> to vector<16x128xf32>
      %min3A_2064 = arith.minimumf %min3A_2062, %min3A_2063 : vector<16x128xf32>
      %mul3A_2065 = arith.mulf %mul3A_2028, %min3A_2064 : vector<16x128xf32>
      %reduce_sum3A_2066 = vector.shape_cast %mul3A_2065 : vector<16x128xf32> to vector<1x16x128xf32>
      %reduce_sum3A_2067 = arith.constant dense<0.000000e+00> : vector<1xf32>
      %reduce_sum3A_2068 = vector.multi_reduction <add>, %reduce_sum3A_2066, %reduce_sum3A_2067 [1, 2] : vector<1x16x128xf32> to vector<1xf32>
      %reduce_sum3A_2069 = vector.shape_cast %reduce_sum3A_2068 : vector<1xf32> to vector<1x1x1xf32>
      %reduce_sum3A_2070 = vector.extract %reduce_sum3A_2069[0, 0, 0] : f32 from vector<1x1x1xf32>
      %mul3A_2071 = arith.mulf %mul3A_2028, %mul3A_532 : vector<16x128xf32>
      %reduce_sum3A_2072 = vector.shape_cast %mul3A_2071 : vector<16x128xf32> to vector<1x16x128xf32>
      %reduce_sum3A_2073 = arith.constant dense<0.000000e+00> : vector<1xf32>
      %reduce_sum3A_2074 = vector.multi_reduction <add>, %reduce_sum3A_2072, %reduce_sum3A_2073 [1, 2] : vector<1x16x128xf32> to vector<1xf32>
      %reduce_sum3A_2075 = vector.shape_cast %reduce_sum3A_2074 : vector<1xf32> to vector<1x1x1xf32>
      %reduce_sum3A_2076 = vector.extract %reduce_sum3A_2075[0, 0, 0] : f32 from vector<1x1x1xf32>
      %eq3A_2077 = arith.constant 20 : i32
      %eq3A_2078 = vector.broadcast %eq3A_2077 : i32 to vector<1x128xi32>
      %eq3A_2079 = arith.cmpi eq, %iota3A_535, %eq3A_2078 : vector<1x128xi32>
      %convert_element_type3A_2080 = arith.extui %eq3A_2079 : vector<1x128xi1> to vector<1x128xi32>
      %convert_element_type3A_2081 = arith.sitofp %convert_element_type3A_2080 : vector<1x128xi32> to vector<1x128xf32>
      %mul3A_2082 = vector.broadcast %add3A_2045 : f32 to vector<1x128xf32>
      %mul3A_2083 = arith.mulf %convert_element_type3A_2081, %mul3A_2082 : vector<1x128xf32>
      %add3A_2084 = arith.addf %add3A_2010, %mul3A_2083 : vector<1x128xf32>
      %mul3A_2085 = vector.broadcast %reduce_sum3A_2052 : f32 to vector<1x128xf32>
      %mul3A_2086 = arith.mulf %convert_element_type3A_2081, %mul3A_2085 : vector<1x128xf32>
      %add3A_2087 = arith.addf %add3A_2013, %mul3A_2086 : vector<1x128xf32>
      %mul3A_2088 = vector.broadcast %reduce_sum3A_2061 : f32 to vector<1x128xf32>
      %mul3A_2089 = arith.mulf %convert_element_type3A_2081, %mul3A_2088 : vector<1x128xf32>
      %add3A_2090 = arith.addf %add3A_2016, %mul3A_2089 : vector<1x128xf32>
      %mul3A_2091 = vector.broadcast %reduce_sum3A_2070 : f32 to vector<1x128xf32>
      %mul3A_2092 = arith.mulf %convert_element_type3A_2081, %mul3A_2091 : vector<1x128xf32>
      %add3A_2093 = arith.addf %add3A_2019, %mul3A_2092 : vector<1x128xf32>
      %mul3A_2094 = vector.broadcast %reduce_sum3A_2076 : f32 to vector<1x128xf32>
      %mul3A_2095 = arith.mulf %convert_element_type3A_2081, %mul3A_2094 : vector<1x128xf32>
      %add3A_2096 = arith.addf %add3A_2022, %mul3A_2095 : vector<1x128xf32>
      %eq3A_2097 = arith.constant 2.100000e+01 : f32
      %eq3A_2098 = vector.broadcast %eq3A_2097 : f32 to vector<16x128xf32>
      %eq3A_2099 = arith.cmpf oeq, %add3A_526, %eq3A_2098 : vector<16x128xf32>
      %convert_element_type3A_2100 = arith.extui %eq3A_2099 : vector<16x128xi1> to vector<16x128xi32>
      %convert_element_type3A_2101 = arith.sitofp %convert_element_type3A_2100 : vector<16x128xi32> to vector<16x128xf32>
      %mul3A_2102 = arith.mulf %convert_element_type3A_512, %convert_element_type3A_2101 : vector<16x128xf32>
      %reduce_sum3A_2103 = vector.shape_cast %mul3A_2102 : vector<16x128xf32> to vector<1x16x128xf32>
      %reduce_sum3A_2104 = arith.constant dense<0.000000e+00> : vector<1xf32>
      %reduce_sum3A_2105 = vector.multi_reduction <add>, %reduce_sum3A_2103, %reduce_sum3A_2104 [1, 2] : vector<1x16x128xf32> to vector<1xf32>
      %reduce_sum3A_2106 = vector.shape_cast %reduce_sum3A_2105 : vector<1xf32> to vector<1x1x1xf32>
      %reduce_sum3A_2107 = vector.extract %reduce_sum3A_2106[0, 0, 0] : f32 from vector<1x1x1xf32>
      %mul3A_2108 = vector.broadcast %convert_element_type3A_493 : vector<16x1xf32> to vector<16x128xf32>
      %mul3A_2109 = arith.mulf %mul3A_2102, %mul3A_2108 : vector<16x128xf32>
      %reduce_sum3A_2110 = vector.shape_cast %mul3A_2109 : vector<16x128xf32> to vector<1x16x128xf32>
      %reduce_sum3A_2111 = arith.constant dense<0.000000e+00> : vector<1xf32>
      %reduce_sum3A_2112 = vector.multi_reduction <add>, %reduce_sum3A_2110, %reduce_sum3A_2111 [1, 2] : vector<1x16x128xf32> to vector<1xf32>
      %reduce_sum3A_2113 = vector.shape_cast %reduce_sum3A_2112 : vector<1xf32> to vector<1x1x1xf32>
      %reduce_sum3A_2114 = vector.extract %reduce_sum3A_2113[0, 0, 0] : f32 from vector<1x1x1xf32>
      %sub3A_2115 = arith.constant 1.000000e+00 : f32
      %sub3A_2116 = arith.subf %sub3A_2115, %reduce_sum3A_2107 : f32
      %mul3A_2117 = arith.constant 1.500000e+01 : f32
      %mul3A_2118 = arith.mulf %sub3A_2116, %mul3A_2117 : f32
      %add3A_2119 = arith.addf %reduce_sum3A_2114, %mul3A_2118 : f32
      %mul3A_2120 = vector.broadcast %convert_element_type3A_534 : vector<1x128xf32> to vector<16x128xf32>
      %mul3A_2121 = arith.mulf %mul3A_2102, %mul3A_2120 : vector<16x128xf32>
      %reduce_sum3A_2122 = vector.shape_cast %mul3A_2121 : vector<16x128xf32> to vector<1x16x128xf32>
      %reduce_sum3A_2123 = arith.constant dense<0.000000e+00> : vector<1xf32>
      %reduce_sum3A_2124 = vector.multi_reduction <add>, %reduce_sum3A_2122, %reduce_sum3A_2123 [1, 2] : vector<1x16x128xf32> to vector<1xf32>
      %reduce_sum3A_2125 = vector.shape_cast %reduce_sum3A_2124 : vector<1xf32> to vector<1x1x1xf32>
      %reduce_sum3A_2126 = vector.extract %reduce_sum3A_2125[0, 0, 0] : f32 from vector<1x1x1xf32>
      %max3A_2127 = vector.broadcast %dot_general3A_236 : vector<1x128xf32> to vector<16x128xf32>
      %max3A_2128 = vector.broadcast %mul3A_496 : vector<16x1xf32> to vector<16x128xf32>
      %max3A_2129 = arith.maximumf %max3A_2127, %max3A_2128 : vector<16x128xf32>
      %mul3A_2130 = arith.mulf %mul3A_2102, %max3A_2129 : vector<16x128xf32>
      %reduce_sum3A_2131 = vector.shape_cast %mul3A_2130 : vector<16x128xf32> to vector<1x16x128xf32>
      %reduce_sum3A_2132 = arith.constant dense<0.000000e+00> : vector<1xf32>
      %reduce_sum3A_2133 = vector.multi_reduction <add>, %reduce_sum3A_2131, %reduce_sum3A_2132 [1, 2] : vector<1x16x128xf32> to vector<1xf32>
      %reduce_sum3A_2134 = vector.shape_cast %reduce_sum3A_2133 : vector<1xf32> to vector<1x1x1xf32>
      %reduce_sum3A_2135 = vector.extract %reduce_sum3A_2134[0, 0, 0] : f32 from vector<1x1x1xf32>
      %min3A_2136 = vector.broadcast %add3A_500 : vector<1x128xf32> to vector<16x128xf32>
      %min3A_2137 = vector.broadcast %add3A_499 : vector<16x1xf32> to vector<16x128xf32>
      %min3A_2138 = arith.minimumf %min3A_2136, %min3A_2137 : vector<16x128xf32>
      %mul3A_2139 = arith.mulf %mul3A_2102, %min3A_2138 : vector<16x128xf32>
      %reduce_sum3A_2140 = vector.shape_cast %mul3A_2139 : vector<16x128xf32> to vector<1x16x128xf32>
      %reduce_sum3A_2141 = arith.constant dense<0.000000e+00> : vector<1xf32>
      %reduce_sum3A_2142 = vector.multi_reduction <add>, %reduce_sum3A_2140, %reduce_sum3A_2141 [1, 2] : vector<1x16x128xf32> to vector<1xf32>
      %reduce_sum3A_2143 = vector.shape_cast %reduce_sum3A_2142 : vector<1xf32> to vector<1x1x1xf32>
      %reduce_sum3A_2144 = vector.extract %reduce_sum3A_2143[0, 0, 0] : f32 from vector<1x1x1xf32>
      %mul3A_2145 = arith.mulf %mul3A_2102, %mul3A_532 : vector<16x128xf32>
      %reduce_sum3A_2146 = vector.shape_cast %mul3A_2145 : vector<16x128xf32> to vector<1x16x128xf32>
      %reduce_sum3A_2147 = arith.constant dense<0.000000e+00> : vector<1xf32>
      %reduce_sum3A_2148 = vector.multi_reduction <add>, %reduce_sum3A_2146, %reduce_sum3A_2147 [1, 2] : vector<1x16x128xf32> to vector<1xf32>
      %reduce_sum3A_2149 = vector.shape_cast %reduce_sum3A_2148 : vector<1xf32> to vector<1x1x1xf32>
      %reduce_sum3A_2150 = vector.extract %reduce_sum3A_2149[0, 0, 0] : f32 from vector<1x1x1xf32>
      %eq3A_2151 = arith.constant 21 : i32
      %eq3A_2152 = vector.broadcast %eq3A_2151 : i32 to vector<1x128xi32>
      %eq3A_2153 = arith.cmpi eq, %iota3A_535, %eq3A_2152 : vector<1x128xi32>
      %convert_element_type3A_2154 = arith.extui %eq3A_2153 : vector<1x128xi1> to vector<1x128xi32>
      %convert_element_type3A_2155 = arith.sitofp %convert_element_type3A_2154 : vector<1x128xi32> to vector<1x128xf32>
      %mul3A_2156 = vector.broadcast %add3A_2119 : f32 to vector<1x128xf32>
      %mul3A_2157 = arith.mulf %convert_element_type3A_2155, %mul3A_2156 : vector<1x128xf32>
      %add3A_2158 = arith.addf %add3A_2084, %mul3A_2157 : vector<1x128xf32>
      %mul3A_2159 = vector.broadcast %reduce_sum3A_2126 : f32 to vector<1x128xf32>
      %mul3A_2160 = arith.mulf %convert_element_type3A_2155, %mul3A_2159 : vector<1x128xf32>
      %add3A_2161 = arith.addf %add3A_2087, %mul3A_2160 : vector<1x128xf32>
      %mul3A_2162 = vector.broadcast %reduce_sum3A_2135 : f32 to vector<1x128xf32>
      %mul3A_2163 = arith.mulf %convert_element_type3A_2155, %mul3A_2162 : vector<1x128xf32>
      %add3A_2164 = arith.addf %add3A_2090, %mul3A_2163 : vector<1x128xf32>
      %mul3A_2165 = vector.broadcast %reduce_sum3A_2144 : f32 to vector<1x128xf32>
      %mul3A_2166 = arith.mulf %convert_element_type3A_2155, %mul3A_2165 : vector<1x128xf32>
      %add3A_2167 = arith.addf %add3A_2093, %mul3A_2166 : vector<1x128xf32>
      %mul3A_2168 = vector.broadcast %reduce_sum3A_2150 : f32 to vector<1x128xf32>
      %mul3A_2169 = arith.mulf %convert_element_type3A_2155, %mul3A_2168 : vector<1x128xf32>
      %add3A_2170 = arith.addf %add3A_2096, %mul3A_2169 : vector<1x128xf32>
      %eq3A_2171 = arith.constant 2.200000e+01 : f32
      %eq3A_2172 = vector.broadcast %eq3A_2171 : f32 to vector<16x128xf32>
      %eq3A_2173 = arith.cmpf oeq, %add3A_526, %eq3A_2172 : vector<16x128xf32>
      %convert_element_type3A_2174 = arith.extui %eq3A_2173 : vector<16x128xi1> to vector<16x128xi32>
      %convert_element_type3A_2175 = arith.sitofp %convert_element_type3A_2174 : vector<16x128xi32> to vector<16x128xf32>
      %mul3A_2176 = arith.mulf %convert_element_type3A_512, %convert_element_type3A_2175 : vector<16x128xf32>
      %reduce_sum3A_2177 = vector.shape_cast %mul3A_2176 : vector<16x128xf32> to vector<1x16x128xf32>
      %reduce_sum3A_2178 = arith.constant dense<0.000000e+00> : vector<1xf32>
      %reduce_sum3A_2179 = vector.multi_reduction <add>, %reduce_sum3A_2177, %reduce_sum3A_2178 [1, 2] : vector<1x16x128xf32> to vector<1xf32>
      %reduce_sum3A_2180 = vector.shape_cast %reduce_sum3A_2179 : vector<1xf32> to vector<1x1x1xf32>
      %reduce_sum3A_2181 = vector.extract %reduce_sum3A_2180[0, 0, 0] : f32 from vector<1x1x1xf32>
      %mul3A_2182 = vector.broadcast %convert_element_type3A_493 : vector<16x1xf32> to vector<16x128xf32>
      %mul3A_2183 = arith.mulf %mul3A_2176, %mul3A_2182 : vector<16x128xf32>
      %reduce_sum3A_2184 = vector.shape_cast %mul3A_2183 : vector<16x128xf32> to vector<1x16x128xf32>
      %reduce_sum3A_2185 = arith.constant dense<0.000000e+00> : vector<1xf32>
      %reduce_sum3A_2186 = vector.multi_reduction <add>, %reduce_sum3A_2184, %reduce_sum3A_2185 [1, 2] : vector<1x16x128xf32> to vector<1xf32>
      %reduce_sum3A_2187 = vector.shape_cast %reduce_sum3A_2186 : vector<1xf32> to vector<1x1x1xf32>
      %reduce_sum3A_2188 = vector.extract %reduce_sum3A_2187[0, 0, 0] : f32 from vector<1x1x1xf32>
      %sub3A_2189 = arith.constant 1.000000e+00 : f32
      %sub3A_2190 = arith.subf %sub3A_2189, %reduce_sum3A_2181 : f32
      %mul3A_2191 = arith.constant 1.500000e+01 : f32
      %mul3A_2192 = arith.mulf %sub3A_2190, %mul3A_2191 : f32
      %add3A_2193 = arith.addf %reduce_sum3A_2188, %mul3A_2192 : f32
      %mul3A_2194 = vector.broadcast %convert_element_type3A_534 : vector<1x128xf32> to vector<16x128xf32>
      %mul3A_2195 = arith.mulf %mul3A_2176, %mul3A_2194 : vector<16x128xf32>
      %reduce_sum3A_2196 = vector.shape_cast %mul3A_2195 : vector<16x128xf32> to vector<1x16x128xf32>
      %reduce_sum3A_2197 = arith.constant dense<0.000000e+00> : vector<1xf32>
      %reduce_sum3A_2198 = vector.multi_reduction <add>, %reduce_sum3A_2196, %reduce_sum3A_2197 [1, 2] : vector<1x16x128xf32> to vector<1xf32>
      %reduce_sum3A_2199 = vector.shape_cast %reduce_sum3A_2198 : vector<1xf32> to vector<1x1x1xf32>
      %reduce_sum3A_2200 = vector.extract %reduce_sum3A_2199[0, 0, 0] : f32 from vector<1x1x1xf32>
      %max3A_2201 = vector.broadcast %dot_general3A_236 : vector<1x128xf32> to vector<16x128xf32>
      %max3A_2202 = vector.broadcast %mul3A_496 : vector<16x1xf32> to vector<16x128xf32>
      %max3A_2203 = arith.maximumf %max3A_2201, %max3A_2202 : vector<16x128xf32>
      %mul3A_2204 = arith.mulf %mul3A_2176, %max3A_2203 : vector<16x128xf32>
      %reduce_sum3A_2205 = vector.shape_cast %mul3A_2204 : vector<16x128xf32> to vector<1x16x128xf32>
      %reduce_sum3A_2206 = arith.constant dense<0.000000e+00> : vector<1xf32>
      %reduce_sum3A_2207 = vector.multi_reduction <add>, %reduce_sum3A_2205, %reduce_sum3A_2206 [1, 2] : vector<1x16x128xf32> to vector<1xf32>
      %reduce_sum3A_2208 = vector.shape_cast %reduce_sum3A_2207 : vector<1xf32> to vector<1x1x1xf32>
      %reduce_sum3A_2209 = vector.extract %reduce_sum3A_2208[0, 0, 0] : f32 from vector<1x1x1xf32>
      %min3A_2210 = vector.broadcast %add3A_500 : vector<1x128xf32> to vector<16x128xf32>
      %min3A_2211 = vector.broadcast %add3A_499 : vector<16x1xf32> to vector<16x128xf32>
      %min3A_2212 = arith.minimumf %min3A_2210, %min3A_2211 : vector<16x128xf32>
      %mul3A_2213 = arith.mulf %mul3A_2176, %min3A_2212 : vector<16x128xf32>
      %reduce_sum3A_2214 = vector.shape_cast %mul3A_2213 : vector<16x128xf32> to vector<1x16x128xf32>
      %reduce_sum3A_2215 = arith.constant dense<0.000000e+00> : vector<1xf32>
      %reduce_sum3A_2216 = vector.multi_reduction <add>, %reduce_sum3A_2214, %reduce_sum3A_2215 [1, 2] : vector<1x16x128xf32> to vector<1xf32>
      %reduce_sum3A_2217 = vector.shape_cast %reduce_sum3A_2216 : vector<1xf32> to vector<1x1x1xf32>
      %reduce_sum3A_2218 = vector.extract %reduce_sum3A_2217[0, 0, 0] : f32 from vector<1x1x1xf32>
      %mul3A_2219 = arith.mulf %mul3A_2176, %mul3A_532 : vector<16x128xf32>
      %reduce_sum3A_2220 = vector.shape_cast %mul3A_2219 : vector<16x128xf32> to vector<1x16x128xf32>
      %reduce_sum3A_2221 = arith.constant dense<0.000000e+00> : vector<1xf32>
      %reduce_sum3A_2222 = vector.multi_reduction <add>, %reduce_sum3A_2220, %reduce_sum3A_2221 [1, 2] : vector<1x16x128xf32> to vector<1xf32>
      %reduce_sum3A_2223 = vector.shape_cast %reduce_sum3A_2222 : vector<1xf32> to vector<1x1x1xf32>
      %reduce_sum3A_2224 = vector.extract %reduce_sum3A_2223[0, 0, 0] : f32 from vector<1x1x1xf32>
      %eq3A_2225 = arith.constant 22 : i32
      %eq3A_2226 = vector.broadcast %eq3A_2225 : i32 to vector<1x128xi32>
      %eq3A_2227 = arith.cmpi eq, %iota3A_535, %eq3A_2226 : vector<1x128xi32>
      %convert_element_type3A_2228 = arith.extui %eq3A_2227 : vector<1x128xi1> to vector<1x128xi32>
      %convert_element_type3A_2229 = arith.sitofp %convert_element_type3A_2228 : vector<1x128xi32> to vector<1x128xf32>
      %mul3A_2230 = vector.broadcast %add3A_2193 : f32 to vector<1x128xf32>
      %mul3A_2231 = arith.mulf %convert_element_type3A_2229, %mul3A_2230 : vector<1x128xf32>
      %add3A_2232 = arith.addf %add3A_2158, %mul3A_2231 : vector<1x128xf32>
      %mul3A_2233 = vector.broadcast %reduce_sum3A_2200 : f32 to vector<1x128xf32>
      %mul3A_2234 = arith.mulf %convert_element_type3A_2229, %mul3A_2233 : vector<1x128xf32>
      %add3A_2235 = arith.addf %add3A_2161, %mul3A_2234 : vector<1x128xf32>
      %mul3A_2236 = vector.broadcast %reduce_sum3A_2209 : f32 to vector<1x128xf32>
      %mul3A_2237 = arith.mulf %convert_element_type3A_2229, %mul3A_2236 : vector<1x128xf32>
      %add3A_2238 = arith.addf %add3A_2164, %mul3A_2237 : vector<1x128xf32>
      %mul3A_2239 = vector.broadcast %reduce_sum3A_2218 : f32 to vector<1x128xf32>
      %mul3A_2240 = arith.mulf %convert_element_type3A_2229, %mul3A_2239 : vector<1x128xf32>
      %add3A_2241 = arith.addf %add3A_2167, %mul3A_2240 : vector<1x128xf32>
      %mul3A_2242 = vector.broadcast %reduce_sum3A_2224 : f32 to vector<1x128xf32>
      %mul3A_2243 = arith.mulf %convert_element_type3A_2229, %mul3A_2242 : vector<1x128xf32>
      %add3A_2244 = arith.addf %add3A_2170, %mul3A_2243 : vector<1x128xf32>
      %broadcast_in_dim3A_2245 = arith.constant 0.000000e+00 : f32
      %broadcast_in_dim3A_2246 = vector.broadcast %broadcast_in_dim3A_2245 : f32 to vector<1x128xf32>
      %concatenate3A = tpu.concatenate %add3A_2232, %add3A_2235, %add3A_2238, %add3A_2241, %add3A_2244, %broadcast_in_dim3A_2246, %broadcast_in_dim3A_2246, %broadcast_in_dim3A_2246 in 0 : vector<1x128xf32>, vector<1x128xf32>, vector<1x128xf32>, vector<1x128xf32>, vector<1x128xf32>, vector<1x128xf32>, vector<1x128xf32>, vector<1x128xf32> -> vector<8x128xf32>
      %convert_element_type3A_2247 = arith.fptosi %concatenate3A : vector<8x128xf32> to vector<8x128xi32>
      %swap3A_2248 = arith.constant 0 : index
      %swap3A_2249 = arith.constant 0 : index
      %swap3A_2250 = vector.load %arg8[%swap3A_2248, %swap3A_2249] : memref<8x128xi32, #tpu.memory_space<vmem>>, vector<8x128xi32>
      tpu.vector_store %arg8[%swap3A_2248, %swap3A_2249], %convert_element_type3A_2247 {strides = array<i32>} : memref<8x128xi32, #tpu.memory_space<vmem>>, vector<8x128xi32>,
    } else {
    }
    return
  }
  func.func @transform_0(%arg0: i32) -> (i32, i32) {
    %c0_i32 = arith.constant 0 : i32
    %c0_i32_0 = arith.constant 0 : i32
    %c0_i32_1 = arith.constant 0 : i32
    return %c0_i32, %c0_i32_0 : i32, i32
  }
  func.func @transform_1(%arg0: i32) -> (i32, i32, i32) {
    %c0_i32 = arith.constant 0 : i32
    %c0_i32_0 = arith.constant 0 : i32
    %c0_i32_1 = arith.constant 0 : i32
    %c0_i32_2 = arith.constant 0 : i32
    return %c0_i32, %c0_i32_0, %c0_i32_1 : i32, i32, i32
  }
  func.func @transform_2(%arg0: i32) -> (i32, i32) {
    %c0_i32 = arith.constant 0 : i32
    %c0_i32_0 = arith.constant 0 : i32
    %c0_i32_1 = arith.constant 0 : i32
    return %c0_i32, %c0_i32_0 : i32, i32
  }
  func.func @transform_3(%arg0: i32) -> (i32, i32) {
    %c0_i32 = arith.constant 0 : i32
    %c0_i32_0 = arith.constant 0 : i32
    %c0_i32_1 = arith.constant 0 : i32
    return %c0_i32, %c0_i32_0 : i32, i32
  }
  func.func @transform_4(%arg0: i32) -> (i32, i32) {
    %min3A = arith.constant 7 : i32
    %min3A_0 = arith.minsi %arg0, %min3A : i32
    %c0_i32 = arith.constant 0 : i32
    %c0_i32_1 = arith.constant 0 : i32
    return %min3A_0, %c0_i32 : i32, i32
  }
  func.func @transform_5(%arg0: i32) -> (i32, i32) {
    %min3A = arith.constant 7 : i32
    %min3A_0 = arith.minsi %arg0, %min3A : i32
    %c0_i32 = arith.constant 0 : i32
    %c0_i32_1 = arith.constant 0 : i32
    return %min3A_0, %c0_i32 : i32, i32
  }
  func.func @transform_6(%arg0: i32) -> (i32, i32) {
    %c0_i32 = arith.constant 0 : i32
    %c0_i32_0 = arith.constant 0 : i32
    %c0_i32_1 = arith.constant 0 : i32
    return %c0_i32, %c0_i32_0 : i32, i32
  }
  func.func @transform_7(%arg0: i32) -> (i32, i32) {
    %c0_i32 = arith.constant 0 : i32
    %c0_i32_0 = arith.constant 0 : i32
    %c0_i32_1 = arith.constant 0 : i32
    return %c0_i32, %c0_i32_0 : i32, i32
  }
}

module attributes {stable_mosaic.version = 14 : i64} {
  func.func @_group_kernel(%arg0: i32, %arg1: memref<23xi32, #tpu.memory_space<smem>>, %arg2: memref<23xi32, #tpu.memory_space<smem>>, %arg3: memref<23xi32, #tpu.memory_space<smem>>, %arg4: memref<23xi32, #tpu.memory_space<smem>>, %arg5: memref<23xi32, #tpu.memory_space<smem>>, %arg6: memref<256x768xf32, #tpu.memory_space<vmem>>, %arg7: memref<1x2304x768xf32, #tpu.memory_space<vmem>>, %arg8: memref<256x2304xf32, #tpu.memory_space<vmem>>) attributes {dimension_semantics = [#tpu.dimension_semantics<arbitrary>], iteration_bounds = array<i64: 23>, scalar_prefetch = 5 : i64, scratch_operands = 0 : i64, tpu.core_type = #tpu.core_type<tc>, window_params = [{transform_indices = @transform_0, window_bounds = array<i64: 256, 768>}, {transform_indices = @transform_1, window_bounds = array<i64: 1, 2304, 768>}, {transform_indices = @transform_2, window_bounds = array<i64: 256, 2304>}]} {
    %get3A = arith.index_cast %arg0 : i32 to index
    %get3A_0 = memref.load %arg1[%get3A] : memref<23xi32, #tpu.memory_space<smem>>
    %mul3A = arith.constant 256 : i32
    %mul3A_1 = arith.muli %get3A_0, %mul3A : i32
    %iota3A = tpu.iota {dimensions = array<i32: 0>} : vector<256x1xi32>
    %add3A = vector.broadcast %mul3A_1 : i32 to vector<256x1xi32>
    %add3A_2 = arith.addi %add3A, %iota3A : vector<256x1xi32>
    %get3A_3 = arith.index_cast %arg0 : i32 to index
    %get3A_4 = memref.load %arg3[%get3A_3] : memref<23xi32, #tpu.memory_space<smem>>
    %ge3A = vector.broadcast %get3A_4 : i32 to vector<256x1xi32>
    %ge3A_5 = arith.cmpi sge, %add3A_2, %ge3A : vector<256x1xi32>
    %get3A_6 = arith.index_cast %arg0 : i32 to index
    %get3A_7 = memref.load %arg4[%get3A_6] : memref<23xi32, #tpu.memory_space<smem>>
    %lt3A = vector.broadcast %get3A_7 : i32 to vector<256x1xi32>
    %lt3A_8 = arith.cmpi slt, %add3A_2, %lt3A : vector<256x1xi32>
    %and3A = arith.andi %ge3A_5, %lt3A_8 : vector<256x1xi1>
    %convert_element_type3A = arith.extui %and3A : vector<256x1xi1> to vector<256x1xi32>
    %convert_element_type3A_9 = arith.sitofp %convert_element_type3A : vector<256x1xi32> to vector<256x1xf32>
    %get3A_10 = arith.constant 0 : index
    %get3A_11 = arith.constant 0 : index
    %get3A_12 = vector.load %arg6[%get3A_10, %get3A_11] : memref<256x768xf32, #tpu.memory_space<vmem>>, vector<256x768xf32>
    %mul3A_13 = vector.broadcast %convert_element_type3A_9 : vector<256x1xf32> to vector<256x768xf32>
    %mul3A_14 = arith.mulf %get3A_12, %mul3A_13 : vector<256x768xf32>
    %get3A_15 = arith.constant 0 : index
    %get3A_16 = arith.constant 0 : index
    %get3A_17 = arith.constant 0 : index
    %get3A_18 = vector.load %arg7[%get3A_15, %get3A_16, %get3A_17] : memref<1x2304x768xf32, #tpu.memory_space<vmem>>, vector<1x2304x768xf32>
    %get3A_19 = vector.shape_cast %get3A_18 : vector<1x2304x768xf32> to vector<2304x768xf32>
    %dot_general3A = arith.constant dense<0.000000e+00> : vector<256x2304xf32>
    %dot_general3A_20 = tpu.matmul %mul3A_14, %get3A_19, %dot_general3A {dimension_numbers = #tpu.dot_dimension_numbers<[1], [1], [0], [0], [0, 0, 1, 0], [], []>, transpose_lhs_hint = false} : vector<256x768xf32>, vector<2304x768xf32>, vector<256x2304xf32> -> vector<256x2304xf32>
    %get3A_21 = arith.index_cast %arg0 : i32 to index
    %get3A_22 = memref.load %arg5[%get3A_21] : memref<23xi32, #tpu.memory_space<smem>>
    %eq3A = arith.constant 1 : i32
    %eq3A_23 = arith.cmpi eq, %get3A_22, %eq3A : i32
    %convert_element_type3A_24 = arith.extui %eq3A_23 : i1 to i32
    %cond3A = arith.constant 0 : i32
    %cond3A_25 = arith.cmpi ne, %convert_element_type3A_24, %cond3A : i32
    scf.if %cond3A_25 {
      %swap3A = arith.constant 0 : index
      %swap3A_32 = arith.constant 0 : index
      %swap3A_33 = vector.load %arg8[%swap3A, %swap3A_32] : memref<256x2304xf32, #tpu.memory_space<vmem>>, vector<256x2304xf32>
      tpu.vector_store %arg8[%swap3A, %swap3A_32], %dot_general3A_20 {strides = array<i32>} : memref<256x2304xf32, #tpu.memory_space<vmem>>, vector<256x2304xf32>,
    } else {
    }
    %get3A_26 = arith.index_cast %arg0 : i32 to index
    %get3A_27 = memref.load %arg5[%get3A_26] : memref<23xi32, #tpu.memory_space<smem>>
    %ne3A = arith.constant 1 : i32
    %ne3A_28 = arith.cmpi ne, %get3A_27, %ne3A : i32
    %convert_element_type3A_29 = arith.extui %ne3A_28 : i1 to i32
    %cond3A_30 = arith.constant 0 : i32
    %cond3A_31 = arith.cmpi ne, %convert_element_type3A_29, %cond3A_30 : i32
    scf.if %cond3A_31 {
      %get3A_32 = arith.constant 0 : index
      %get3A_33 = arith.constant 0 : index
      %get3A_34 = vector.load %arg8[%get3A_32, %get3A_33] : memref<256x2304xf32, #tpu.memory_space<vmem>>, vector<256x2304xf32>
      %add3A_35 = arith.addf %get3A_34, %dot_general3A_20 : vector<256x2304xf32>
      %swap3A = arith.constant 0 : index
      %swap3A_36 = arith.constant 0 : index
      %swap3A_37 = vector.load %arg8[%swap3A, %swap3A_36] : memref<256x2304xf32, #tpu.memory_space<vmem>>, vector<256x2304xf32>
      tpu.vector_store %arg8[%swap3A, %swap3A_36], %add3A_35 {strides = array<i32>} : memref<256x2304xf32, #tpu.memory_space<vmem>>, vector<256x2304xf32>,
    } else {
    }
    return
  }
  func.func @transform_0(%arg0: i32, %arg1: memref<23xi32, #tpu.memory_space<smem>>, %arg2: memref<23xi32, #tpu.memory_space<smem>>, %arg3: memref<23xi32, #tpu.memory_space<smem>>, %arg4: memref<23xi32, #tpu.memory_space<smem>>, %arg5: memref<23xi32, #tpu.memory_space<smem>>) -> (i32, i32) {
    %get3A = arith.index_cast %arg0 : i32 to index
    %get3A_0 = memref.load %arg1[%get3A] : memref<23xi32, #tpu.memory_space<smem>>
    %c0_i32 = arith.constant 0 : i32
    %c0_i32_1 = arith.constant 0 : i32
    return %get3A_0, %c0_i32 : i32, i32
  }
  func.func @transform_1(%arg0: i32, %arg1: memref<23xi32, #tpu.memory_space<smem>>, %arg2: memref<23xi32, #tpu.memory_space<smem>>, %arg3: memref<23xi32, #tpu.memory_space<smem>>, %arg4: memref<23xi32, #tpu.memory_space<smem>>, %arg5: memref<23xi32, #tpu.memory_space<smem>>) -> (i32, i32, i32) {
    %get3A = arith.index_cast %arg0 : i32 to index
    %get3A_0 = memref.load %arg2[%get3A] : memref<23xi32, #tpu.memory_space<smem>>
    %c0_i32 = arith.constant 0 : i32
    %c0_i32_1 = arith.constant 0 : i32
    %c0_i32_2 = arith.constant 0 : i32
    return %get3A_0, %c0_i32, %c0_i32_1 : i32, i32, i32
  }
  func.func @transform_2(%arg0: i32, %arg1: memref<23xi32, #tpu.memory_space<smem>>, %arg2: memref<23xi32, #tpu.memory_space<smem>>, %arg3: memref<23xi32, #tpu.memory_space<smem>>, %arg4: memref<23xi32, #tpu.memory_space<smem>>, %arg5: memref<23xi32, #tpu.memory_space<smem>>) -> (i32, i32) {
    %get3A = arith.index_cast %arg0 : i32 to index
    %get3A_0 = memref.load %arg1[%get3A] : memref<23xi32, #tpu.memory_space<smem>>
    %c0_i32 = arith.constant 0 : i32
    %c0_i32_1 = arith.constant 0 : i32
    return %get3A_0, %c0_i32 : i32, i32
  }
}

module attributes {stable_mosaic.version = 14 : i64} {
  func.func @_post_kernel(%arg0: i32, %arg1: memref<256x2304xf32, #tpu.memory_space<vmem>>, %arg2: memref<256x2304xf32, #tpu.memory_space<vmem>>, %arg3: memref<256x1xi32, #tpu.memory_space<vmem>>, %arg4: memref<256x1xi32, #tpu.memory_space<vmem>>, %arg5: memref<256x1536xf32, #tpu.memory_space<vmem>>, %arg6: memref<1536x256xf32, #tpu.memory_space<vmem>>, %arg7: memref<1x256xf32, #tpu.memory_space<vmem>>, %arg8: memref<1x1xf32, #tpu.memory_space<vmem>>) attributes {dimension_semantics = [#tpu.dimension_semantics<arbitrary>], iteration_bounds = array<i64: 8>, scalar_prefetch = 0 : i64, scratch_operands = 0 : i64, tpu.core_type = #tpu.core_type<tc>, window_params = [{transform_indices = @transform_0, window_bounds = array<i64: 256, 2304>}, {transform_indices = @transform_1, window_bounds = array<i64: 256, 2304>}, {transform_indices = @transform_2, window_bounds = array<i64: 256, 1>}, {transform_indices = @transform_3, window_bounds = array<i64: 256, 1>}, {pipeline_mode = #tpu.pipeline_mode<synchronous>, transform_indices = @transform_4, window_bounds = array<i64: 256, 1536>}, {pipeline_mode = #tpu.pipeline_mode<synchronous>, transform_indices = @transform_5, window_bounds = array<i64: 1536, 256>}, {pipeline_mode = #tpu.pipeline_mode<synchronous>, transform_indices = @transform_6, window_bounds = array<i64: 1, 256>}, {pipeline_mode = #tpu.pipeline_mode<synchronous>, transform_indices = @transform_7, window_bounds = array<i64: 1, 1>}]} {
    %get3A = arith.constant 0 : index
    %get3A_0 = arith.constant 0 : index
    %get3A_1 = vector.load %arg1[%get3A, %get3A_0] : memref<256x2304xf32, #tpu.memory_space<vmem>>, vector<256x2304xf32>
    %get3A_2 = arith.constant 0 : index
    %get3A_3 = arith.constant 0 : index
    %get3A_4 = vector.load %arg2[%get3A_2, %get3A_3] : memref<256x2304xf32, #tpu.memory_space<vmem>>, vector<256x2304xf32>
    %add3A = arith.addf %get3A_1, %get3A_4 : vector<256x2304xf32>
    %slice3A = vector.extract_strided_slice %add3A {offsets = [0, 0], sizes = [256, 768], strides = [1, 1]} : vector<256x2304xf32> to vector<256x768xf32>
    %slice3A_5 = vector.extract_strided_slice %add3A {offsets = [0, 768], sizes = [256, 768], strides = [1, 1]} : vector<256x2304xf32> to vector<256x768xf32>
    %slice3A_6 = vector.extract_strided_slice %add3A {offsets = [0, 1536], sizes = [256, 768], strides = [1, 1]} : vector<256x2304xf32> to vector<256x768xf32>
    %iota3A = tpu.iota {dimensions = array<i32: 0>} : vector<768x768xi32>
    %iota3A_7 = tpu.iota {dimensions = array<i32: 1>} : vector<768x768xi32>
    %le3A = arith.cmpi sle, %iota3A, %iota3A_7 : vector<768x768xi32>
    %convert_element_type3A = arith.extui %le3A : vector<768x768xi1> to vector<768x768xi32>
    %convert_element_type3A_8 = arith.sitofp %convert_element_type3A : vector<768x768xi32> to vector<768x768xf32>
    %dot_general3A = arith.constant dense<0.000000e+00> : vector<256x768xf32>
    %dot_general3A_9 = tpu.matmul %slice3A, %convert_element_type3A_8, %dot_general3A {dimension_numbers = #tpu.dot_dimension_numbers<[1], [0], [0], [1], [0, 0, 1, 1], [], []>, transpose_lhs_hint = false} : vector<256x768xf32>, vector<768x768xf32>, vector<256x768xf32> -> vector<256x768xf32>
    %mul3A = arith.constant 256 : i32
    %mul3A_10 = arith.muli %arg0, %mul3A : i32
    %iota3A_11 = tpu.iota {dimensions = array<i32: 0>} : vector<256x1xi32>
    %add3A_12 = vector.broadcast %mul3A_10 : i32 to vector<256x1xi32>
    %add3A_13 = arith.addi %add3A_12, %iota3A_11 : vector<256x1xi32>
    %convert_element_type3A_14 = arith.sitofp %add3A_13 : vector<256x1xi32> to vector<256x1xf32>
    %add3A_15 = arith.constant 1.000000e+00 : f32
    %add3A_16 = vector.broadcast %add3A_15 : f32 to vector<256x1xf32>
    %add3A_17 = arith.addf %convert_element_type3A_14, %add3A_16 : vector<256x1xf32>
    %div3A = vector.broadcast %add3A_17 : vector<256x1xf32> to vector<256x768xf32>
    %div3A_18 = arith.divf %dot_general3A_9, %div3A : vector<256x768xf32>
    %mul3A_19 = arith.mulf %div3A_18, %slice3A_5 : vector<256x768xf32>
    %add3A_20 = arith.addf %mul3A_19, %slice3A_6 : vector<256x768xf32>
    %reduce_sum3A = arith.constant dense<0.000000e+00> : vector<256xf32>
    %reduce_sum3A_21 = vector.multi_reduction <add>, %add3A_20, %reduce_sum3A [1] : vector<256x768xf32> to vector<256xf32>
    %broadcast_in_dim3A = vector.shape_cast %reduce_sum3A_21 : vector<256xf32> to vector<256x1xf32>
    %div3A_22 = arith.constant 7.680000e+02 : f32
    %div3A_23 = vector.broadcast %div3A_22 : f32 to vector<256x1xf32>
    %div3A_24 = arith.divf %broadcast_in_dim3A, %div3A_23 : vector<256x1xf32>
    %sub3A = vector.broadcast %div3A_24 : vector<256x1xf32> to vector<256x768xf32>
    %sub3A_25 = arith.subf %add3A_20, %sub3A : vector<256x768xf32>
    %mul3A_26 = arith.mulf %sub3A_25, %sub3A_25 : vector<256x768xf32>
    %reduce_sum3A_27 = arith.constant dense<0.000000e+00> : vector<256xf32>
    %reduce_sum3A_28 = vector.multi_reduction <add>, %mul3A_26, %reduce_sum3A_27 [1] : vector<256x768xf32> to vector<256xf32>
    %broadcast_in_dim3A_29 = vector.shape_cast %reduce_sum3A_28 : vector<256xf32> to vector<256x1xf32>
    %sqrt3A = math.sqrt %broadcast_in_dim3A_29 : vector<256x1xf32>
    %mul3A_30 = arith.constant 0.0360843912 : f32
    %mul3A_31 = vector.broadcast %mul3A_30 : f32 to vector<256x1xf32>
    %mul3A_32 = arith.mulf %sqrt3A, %mul3A_31 : vector<256x1xf32>
    %add3A_33 = arith.constant 9.99999974E-6 : f32
    %add3A_34 = vector.broadcast %add3A_33 : f32 to vector<256x1xf32>
    %add3A_35 = arith.addf %mul3A_32, %add3A_34 : vector<256x1xf32>
    %div3A_36 = vector.broadcast %add3A_35 : vector<256x1xf32> to vector<256x768xf32>
    %div3A_37 = arith.divf %sub3A_25, %div3A_36 : vector<256x768xf32>
    %get3A_38 = arith.constant 0 : index
    %get3A_39 = arith.constant 0 : index
    %get3A_40 = vector.load %arg3[%get3A_38, %get3A_39] : memref<256x1xi32, #tpu.memory_space<vmem>>, vector<256x1xi32>
    %iota3A_41 = tpu.iota {dimensions = array<i32: 1>} : vector<256x256xi32>
    %eq3A = vector.broadcast %get3A_40 : vector<256x1xi32> to vector<256x256xi32>
    %eq3A_42 = arith.cmpi eq, %eq3A, %iota3A_41 : vector<256x256xi32>
    %convert_element_type3A_43 = arith.extui %eq3A_42 : vector<256x256xi1> to vector<256x256xi32>
    %convert_element_type3A_44 = arith.sitofp %convert_element_type3A_43 : vector<256x256xi32> to vector<256x256xf32>
    %get3A_45 = arith.constant 0 : index
    %get3A_46 = arith.constant 0 : index
    %get3A_47 = vector.load %arg5[%get3A_45, %get3A_46] : memref<256x1536xf32, #tpu.memory_space<vmem>>, vector<256x1536xf32>
    %dot_general3A_48 = arith.constant dense<0.000000e+00> : vector<256x1536xf32>
    %dot_general3A_49 = tpu.matmul %convert_element_type3A_44, %get3A_47, %dot_general3A_48 {dimension_numbers = #tpu.dot_dimension_numbers<[1], [0], [0], [1], [0, 0, 1, 1], [], []>, transpose_lhs_hint = false} : vector<256x256xf32>, vector<256x1536xf32>, vector<256x1536xf32> -> vector<256x1536xf32>
    %slice3A_50 = vector.extract_strided_slice %dot_general3A_49 {offsets = [0, 0], sizes = [256, 768], strides = [1, 1]} : vector<256x1536xf32> to vector<256x768xf32>
    %slice3A_51 = vector.extract_strided_slice %dot_general3A_49 {offsets = [0, 768], sizes = [256, 768], strides = [1, 1]} : vector<256x1536xf32> to vector<256x768xf32>
    %mul3A_52 = arith.constant 5.000000e-01 : f32
    %mul3A_53 = vector.broadcast %mul3A_52 : f32 to vector<256x768xf32>
    %mul3A_54 = arith.mulf %slice3A_50, %mul3A_53 : vector<256x768xf32>
    %mul3A_55 = arith.constant 5.000000e-01 : f32
    %mul3A_56 = vector.broadcast %mul3A_55 : f32 to vector<256x768xf32>
    %mul3A_57 = arith.mulf %div3A_37, %mul3A_56 : vector<256x768xf32>
    %add3A_58 = arith.addf %mul3A_54, %mul3A_57 : vector<256x768xf32>
    %add3A_59 = arith.addf %slice3A_51, %add3A_58 : vector<256x768xf32>
    %concatenate3A = tpu.concatenate %add3A_58, %add3A_59 in 1 : vector<256x768xf32>, vector<256x768xf32> -> vector<256x1536xf32>
    %get3A_60 = arith.constant 0 : index
    %get3A_61 = arith.constant 0 : index
    %get3A_62 = vector.load %arg6[%get3A_60, %get3A_61] : memref<1536x256xf32, #tpu.memory_space<vmem>>, vector<1536x256xf32>
    %dot_general3A_63 = arith.constant dense<0.000000e+00> : vector<256x256xf32>
    %dot_general3A_64 = tpu.matmul %concatenate3A, %get3A_62, %dot_general3A_63 {dimension_numbers = #tpu.dot_dimension_numbers<[1], [0], [0], [1], [0, 0, 1, 1], [], []>, transpose_lhs_hint = false} : vector<256x1536xf32>, vector<1536x256xf32>, vector<256x256xf32> -> vector<256x256xf32>
    %get3A_65 = arith.constant 0 : index
    %get3A_66 = arith.constant 0 : index
    %get3A_67 = vector.load %arg7[%get3A_65, %get3A_66] : memref<1x256xf32, #tpu.memory_space<vmem>>, vector<1x256xf32>
    %add3A_68 = vector.broadcast %get3A_67 : vector<1x256xf32> to vector<256x256xf32>
    %add3A_69 = arith.addf %dot_general3A_64, %add3A_68 : vector<256x256xf32>
    %reduce_max3A = arith.constant dense<0xFF800000> : vector<256xf32>
    %reduce_max3A_70 = vector.multi_reduction <maximumf>, %add3A_69, %reduce_max3A [1] : vector<256x256xf32> to vector<256xf32>
    %broadcast_in_dim3A_71 = vector.shape_cast %reduce_max3A_70 : vector<256xf32> to vector<256x1xf32>
    %sub3A_72 = vector.broadcast %broadcast_in_dim3A_71 : vector<256x1xf32> to vector<256x256xf32>
    %sub3A_73 = arith.subf %add3A_69, %sub3A_72 : vector<256x256xf32>
    %exp3A = math.exp %sub3A_73 : vector<256x256xf32>
    %reduce_sum3A_74 = arith.constant dense<0.000000e+00> : vector<256xf32>
    %reduce_sum3A_75 = vector.multi_reduction <add>, %exp3A, %reduce_sum3A_74 [1] : vector<256x256xf32> to vector<256xf32>
    %broadcast_in_dim3A_76 = vector.shape_cast %reduce_sum3A_75 : vector<256xf32> to vector<256x1xf32>
    %log3A = math.log %broadcast_in_dim3A_76 : vector<256x1xf32>
    %add3A_77 = arith.addf %broadcast_in_dim3A_71, %log3A : vector<256x1xf32>
    %get3A_78 = arith.constant 0 : index
    %get3A_79 = arith.constant 0 : index
    %get3A_80 = vector.load %arg4[%get3A_78, %get3A_79] : memref<256x1xi32, #tpu.memory_space<vmem>>, vector<256x1xi32>
    %eq3A_81 = vector.broadcast %get3A_80 : vector<256x1xi32> to vector<256x256xi32>
    %eq3A_82 = arith.cmpi eq, %eq3A_81, %iota3A_41 : vector<256x256xi32>
    %convert_element_type3A_83 = arith.extui %eq3A_82 : vector<256x256xi1> to vector<256x256xi32>
    %convert_element_type3A_84 = arith.sitofp %convert_element_type3A_83 : vector<256x256xi32> to vector<256x256xf32>
    %mul3A_85 = arith.mulf %add3A_69, %convert_element_type3A_84 : vector<256x256xf32>
    %reduce_sum3A_86 = arith.constant dense<0.000000e+00> : vector<256xf32>
    %reduce_sum3A_87 = vector.multi_reduction <add>, %mul3A_85, %reduce_sum3A_86 [1] : vector<256x256xf32> to vector<256xf32>
    %broadcast_in_dim3A_88 = vector.shape_cast %reduce_sum3A_87 : vector<256xf32> to vector<256x1xf32>
    %sub3A_89 = arith.subf %add3A_77, %broadcast_in_dim3A_88 : vector<256x1xf32>
    %reduce_sum3A_90 = vector.shape_cast %sub3A_89 : vector<256x1xf32> to vector<1x256x1xf32>
    %reduce_sum3A_91 = arith.constant dense<0.000000e+00> : vector<1xf32>
    %reduce_sum3A_92 = vector.multi_reduction <add>, %reduce_sum3A_90, %reduce_sum3A_91 [1, 2] : vector<1x256x1xf32> to vector<1xf32>
    %reduce_sum3A_93 = vector.shape_cast %reduce_sum3A_92 : vector<1xf32> to vector<1x1x1xf32>
    %reduce_sum3A_94 = vector.extract %reduce_sum3A_93[0, 0, 0] : f32 from vector<1x1x1xf32>
    %broadcast_in_dim3A_95 = vector.broadcast %reduce_sum3A_94 : f32 to vector<1x1xf32>
    %eq3A_96 = arith.constant 0 : i32
    %eq3A_97 = arith.cmpi eq, %arg0, %eq3A_96 : i32
    %convert_element_type3A_98 = arith.extui %eq3A_97 : i1 to i32
    %cond3A = arith.constant 0 : i32
    %cond3A_99 = arith.cmpi ne, %convert_element_type3A_98, %cond3A : i32
    scf.if %cond3A_99 {
      %broadcast_in_dim3A_106 = arith.constant 0.000000e+00 : f32
      %broadcast_in_dim3A_107 = vector.broadcast %broadcast_in_dim3A_106 : f32 to vector<1x1xf32>
      %swap3A_108 = arith.constant 0 : index
      %swap3A_109 = arith.constant 0 : index
      %swap3A_110 = vector.load %arg8[%swap3A_108, %swap3A_109] : memref<1x1xf32, #tpu.memory_space<vmem>>, vector<1x1xf32>
      tpu.vector_store %arg8[%swap3A_108, %swap3A_109], %broadcast_in_dim3A_107 {strides = array<i32>} : memref<1x1xf32, #tpu.memory_space<vmem>>, vector<1x1xf32>,
    } else {
    }
    %get3A_100 = arith.constant 0 : index
    %get3A_101 = arith.constant 0 : index
    %get3A_102 = vector.load %arg8[%get3A_100, %get3A_101] : memref<1x1xf32, #tpu.memory_space<vmem>>, vector<1x1xf32>
    %add3A_103 = arith.addf %get3A_102, %broadcast_in_dim3A_95 : vector<1x1xf32>
    %swap3A = arith.constant 0 : index
    %swap3A_104 = arith.constant 0 : index
    %swap3A_105 = vector.load %arg8[%swap3A, %swap3A_104] : memref<1x1xf32, #tpu.memory_space<vmem>>, vector<1x1xf32>
    tpu.vector_store %arg8[%swap3A, %swap3A_104], %add3A_103 {strides = array<i32>} : memref<1x1xf32, #tpu.memory_space<vmem>>, vector<1x1xf32>,
    return
  }
  func.func @transform_0(%arg0: i32) -> (i32, i32) {
    %c0_i32 = arith.constant 0 : i32
    %c0_i32_0 = arith.constant 0 : i32
    return %arg0, %c0_i32 : i32, i32
  }
  func.func @transform_1(%arg0: i32) -> (i32, i32) {
    %add3A = arith.constant 8 : i32
    %add3A_0 = arith.addi %arg0, %add3A : i32
    %c0_i32 = arith.constant 0 : i32
    %c0_i32_1 = arith.constant 0 : i32
    return %add3A_0, %c0_i32 : i32, i32
  }
  func.func @transform_2(%arg0: i32) -> (i32, i32) {
    %c0_i32 = arith.constant 0 : i32
    %c0_i32_0 = arith.constant 0 : i32
    return %arg0, %c0_i32 : i32, i32
  }
  func.func @transform_3(%arg0: i32) -> (i32, i32) {
    %c0_i32 = arith.constant 0 : i32
    %c0_i32_0 = arith.constant 0 : i32
    return %arg0, %c0_i32 : i32, i32
  }
  func.func @transform_4(%arg0: i32) -> (i32, i32) {
    %c0_i32 = arith.constant 0 : i32
    %c0_i32_0 = arith.constant 0 : i32
    %c0_i32_1 = arith.constant 0 : i32
    return %c0_i32, %c0_i32_0 : i32, i32
  }
  func.func @transform_5(%arg0: i32) -> (i32, i32) {
    %c0_i32 = arith.constant 0 : i32
    %c0_i32_0 = arith.constant 0 : i32
    %c0_i32_1 = arith.constant 0 : i32
    return %c0_i32, %c0_i32_0 : i32, i32
  }
  func.func @transform_6(%arg0: i32) -> (i32, i32) {
    %c0_i32 = arith.constant 0 : i32
    %c0_i32_0 = arith.constant 0 : i32
    %c0_i32_1 = arith.constant 0 : i32
    return %c0_i32, %c0_i32_0 : i32, i32
  }
  func.func @transform_7(%arg0: i32) -> (i32, i32) {
    %c0_i32 = arith.constant 0 : i32
    %c0_i32_0 = arith.constant 0 : i32
    %c0_i32_1 = arith.constant 0 : i32
    return %c0_i32, %c0_i32_0 : i32, i32
  }
}

</mosaic_0001>

<sc_bundles>
// kernel: kernel.11.cloned.1.call-start
scs
__scs_entry_jumppad:
0x0: {  	(pc) =	sbr.rel $0x88, $3  }
0x1: {  	(tag) =	ssettag $0x0;
	lr =	simm.s32 $0x1  }
0x2: {  	[smem:$0x3F95] =	sst lr;
	_ =	strace $0xD0000000  }
0x3: {  	_ = 	snop  }
0x4: {  	_ = 	snop  }
0x5: {  	_ = 	snop  }
0x6: {  	_ = 	snop  }
0x7: {  	_ = 	snop  }
__scs_overlays_trampoline_lowered:
0x8: {  	[smem:$0x3FA4] =	sst s0  }
0x9: {  	[smem:$0x3FA5] =	sst s1  }
0xa: {  	[smem:$0x3FA6] =	sst s2  }
0xb: {  	[smem:$0x3FA7] =	sst s3  }
0xc: {  	[smem:$0x3FA8] =	sst s4  }
0xd: {  	[smem:$0x3FA9] =	sst s5  }
0xe: {  	[smem:$0x3FAA] =	sst s6  }
0xf: {  	[smem:$0x3FAB] =	sst s7  }
0x10: {  	[smem:$0x3FAC] =	sst s8  }
0x11: {  	[smem:$0x3FAD] =	sst s9;
	s0 =	simm.s32 @!p0 $0x0  }
0x12: {  	s1 =	sld [smem:$0x3F93];
	s0 =	simm.s32 @p0 $0x1  }
0x13: {  	[smem:$0x3FAE] =	sst s0;
	s0 =	simm.s32 @!p1 $0x0  }
0x14: {  	s2 =	sld [smem:$0x3F92];
	s0 =	simm.s32 @p1 $0x1  }
0x15: {  	[smem:$0x3FAF] =	sst s0;
	s0 =	simm.s32 @!p2 $0x0  }
0x16: {  	s3 =	sld [smem:$0x3FDB];
	s0 =	simm.s32 @p2 $0x1  }
0x17: {  	s4 =	simm.s32 $0x1BF5;
	[smem:$0x3FB1] =	sst s0  }
0x18: {  	s0 =	sld [smem:$0x3F94];
	_ =	swait.ge [sflag:s4], $0x0  }
0x19: {  	s7 =	sld [smem:$0x3F95]  }
0x1a: {  	s8 =	sadd.s32 $0xFFFFE003, lr  }
0x1b: {  	s9 =	sadd.s32 $0xFFFFFEF7, lr;
	s5 =	simm.s32 $0xFFFFFFFF;
	p2 =	slt.u32 s8, $0xFFFFF086  }
0x1c: {  	p1 =	slt.u32 s9, $0xF7A;
	s5 =	simm.s32 @!p2 $0x0  }
0x1d: {  	s5 =	simm.s32 @p1 $0x1;
	p0 =	seq.s32 s7, s2  }
0x1e: {  	s7 =	smul.u32 @!p0 $0xF7A, s2;
	p2 =	seq.s32 @!p0 s5, $0x0  }
0x1f: {  	s9 =	smul.u32 $0xF7A, s1;
	s8 =	simm.s32 @!p0 $0x1BF5;
	p2 =	por !p2, p0  }
0x20: {  	[sflag:s8] =	ssyncset.s32 @!p0 $0xFFFFF086;
	s6 =	sadd.s32 @!p0 s3, s7;
	s7 =	simm.s32 @!p0 $0x108  }
0x21: {  	s3 =	sadd.s32 s3, s9;
	s6 =	sadd.s32 @!p0 $0x88, s6;
	s7 =	simm.s32 @p2 $0x1082  }
0x22: {  	[simem:s7], [sflag:s8] =	dma.local @!p0 [hbm:s6], $0xF7A  }
0x23: {  	s9 =	sor.u32 $0xD0000000, s2;
	s6 =	simm.s32 $0x108;
	_ =	swait.ge @!p0 [sflag:s8], $0x0  }
0x24: {  	s3 =	sadd.s32 $0x88, s3;
	s6 =	simm.s32 @!p1 $0x1082;
	[sflag:s4] =	ssyncset.s32 $0xFFFFF086  }
0x25: {  	[simem:s6], [sflag:s4] =	dma.local [hbm:s3], $0xF7A  }
0x26: {  	[smem:$0x3F95] =	sst s1;
	(tag) =	ssettag s2;
	_ =	strace s9  }
0x27: {  	s1 =	sld [smem:$0x3FA5]  }
0x28: {  	s2 =	sld [smem:$0x3FA6]  }
0x29: {  	s4 =	sld [smem:$0x3FA8]  }
0x2a: {  	p0 =	seq.s32 s5, $0x0;
	s5 =	sld [smem:$0x3FA9]  }
0x2b: {  	s6 =	sld [smem:$0x3FAA]  }
0x2c: {  	s7 =	sld [smem:$0x3FAB]  }
0x2d: {  	s3 =	simm.s32 $0x108;
	s8 =	sld [smem:$0x3FAC]  }
0x2e: {  	s3 =	simm.s32 @!p0 $0x1082;
	s9 =	sld [smem:$0x3FAD]  }
0x2f: {  	lr =	sadd.s32 s0, s3;
	s0 =	sld [smem:$0x3FA4]  }
0x30: {  	s3 =	sld [smem:$0x3FA7]  }
0x31: {  	[smem:$0x3FB0] =	sst s10  }
0x32: {  	s10 =	sld [smem:$0x3FAE];
	_ =	sdelay $0x3  }
0x33: {  	p0 =	seq.s32 s10, $0x1;
	s10 =	sld [smem:$0x3FB0];
	_ =	sdelay $0x3  }
0x34: {  	[smem:$0x3FB0] =	sst s10  }
0x35: {  	s10 =	sld [smem:$0x3FAF];
	_ =	sdelay $0x3  }
0x36: {  	p1 =	seq.s32 s10, $0x1;
	s10 =	sld [smem:$0x3FB0];
	_ =	sdelay $0x3  }
0x37: {  	[smem:$0x3FB0] =	sst s10  }
0x38: {  	s10 =	sld [smem:$0x3FB1]  }
0x39: {  	_ = 	snop;
	(pc) =	sbr.ind lr, $3  }
0x3a: {  	_ = 	snop  }
0x3b: {  	_ = 	snop  }
0x3c: {  	p2 =	seq.s32 s10, $0x1;
	s10 =	sld [smem:$0x3FB0]  }
0x3d: {  	_ =	shalt  }
0x3e: {  	_ =	shalt  }
0x3f: {  	_ =	shalt  }
0x40: {  	_ =	shalt  }
0x41: {  	_ =	shalt  }
0x42: {  	_ =	shalt  }
0x43: {  	_ =	shalt  }
0x44: {  	_ =	shalt  }
0x45: {  	_ =	shalt  }
0x46: {  	_ =	shalt  }
0x47: {  	_ =	shalt  }
0x48: {  	_ =	shalt  }
0x49: {  	_ =	shalt  }
0x4a: {  	_ =	shalt  }
0x4b: {  	_ =	shalt  }
0x4c: {  	_ =	shalt  }
0x4d: {  	_ =	shalt  }
0x4e: {  	_ =	shalt  }
0x4f: {  	_ =	shalt  }
0x50: {  	_ =	shalt  }
0x51: {  	_ =	shalt  }
0x52: {  	_ =	shalt  }
0x53: {  	_ =	shalt  }
0x54: {  	_ =	shalt  }
0x55: {  	_ =	shalt  }
0x56: {  	_ =	shalt  }
0x57: {  	_ =	shalt  }
0x58: {  	_ =	shalt  }
0x59: {  	_ =	shalt  }
0x5a: {  	_ =	shalt  }
0x5b: {  	_ =	shalt  }
0x5c: {  	_ =	shalt  }
0x5d: {  	_ =	shalt  }
0x5e: {  	_ =	shalt  }
0x5f: {  	_ =	shalt  }
0x60: {  	_ =	shalt  }
0x61: {  	_ =	shalt  }
0x62: {  	_ =	shalt  }
0x63: {  	_ =	shalt  }
0x64: {  	_ =	shalt  }
0x65: {  	_ =	shalt  }
0x66: {  	_ =	shalt  }
0x67: {  	_ =	shalt  }
0x68: {  	_ =	shalt  }
0x69: {  	_ =	shalt  }
0x6a: {  	_ =	shalt  }
0x6b: {  	_ =	shalt  }
0x6c: {  	_ =	shalt  }
0x6d: {  	_ =	shalt  }
0x6e: {  	_ =	shalt  }
0x6f: {  	_ =	shalt  }
0x70: {  	_ =	shalt  }
0x71: {  	_ =	shalt  }
0x72: {  	_ =	shalt  }
0x73: {  	_ =	shalt  }
0x74: {  	_ =	shalt  }
0x75: {  	_ =	shalt  }
0x76: {  	_ =	shalt  }
0x77: {  	_ =	shalt  }
0x78: {  	_ =	shalt  }
0x79: {  	_ =	shalt  }
0x7a: {  	_ =	shalt  }
0x7b: {  	_ =	shalt  }
0x7c: {  	_ =	shalt  }
0x7d: {  	_ =	shalt  }
0x7e: {  	_ =	shalt  }
0x7f: {  	_ =	shalt  }
0x80: {  	_ =	shalt  }
0x81: {  	_ =	shalt  }
0x82: {  	_ =	shalt  }
0x83: {  	_ =	shalt  }
0x84: {  	_ =	shalt  }
0x85: {  	_ =	shalt  }
0x86: {  	_ =	shalt  }
0x87: {  	_ =	shalt  }
.Lfunc_end0:
.L_simem_size_0:
called_computation.1_lowered:
.L_overlay_start_0:
0x88: {  	s2 =	sld [smem:$0x3FD9]  }
0x89: {  	s3 =	sld [smem:$0x3FFE];
	_ =	sdelay $0x1  }
0x8a: {  	s1 =	srdreg.scid  }
0x8b: {  	s0 =	sand.u32 $0x1, s1  }
0x8c: {  	s16 =	sshll.u32 s0, $0xA;
	s2 =	sadd.s32 s3, s2  }
0x8d: {  	s2 =	sadd.s32 s2, s16  }
0x8e: {  	[smem:$0x3FBC] =	sst s2  }
0x8f: {  	_ = 	snop  }
0x90: {  	(tm) =	ssettm $0x1  }
0x91: {  	s17 =	sld [smem:$0x3FFB];
	_ =	sdelay $0x3  }
0x92: {  	_ =	strace s17  }
0x93: {  	s2 =	sld [smem:$0x3FFC];
	_ =	sdelay $0x3  }
0x94: {  	_ =	strace s2  }
0x95: {  	s2 =	sld [smem:$0x3FFD];
	_ =	sdelay $0x3  }
0x96: {  	_ =	strace s2  }
0x97: {  	_ =	strace $0x8FFFFFFF  }
0x98: {  	s18 =	sld [smem:$0x3FDB];
	_ =	sdelay $0x1  }
0x99: {  	s19 =	simm.s32 $_scs_section_size  }
0x9a: {  	s4 =	simm.s32 $_size__tile_overlayer_lowered;
	s5 =	simm.s32 $_tile_overlayer_lowered  }
0x9b: {  	s22 =	simm.s32 $0x1BFF;
	s21 =	sshll.u32 s5, $0x1;
	s2 =	sadd.s32 s19, s18  }
0x9c: {  	s6 =	simm.s32 $0x0;
	s20 =	sshll.u32 s4, $0x1;
	s4 =	sadd.s32 s21, s2  }
0x9d: {  	[timem:s6], [sflag:s22] =	dma.local [hbm:s4], s20  }
0x9e: {  	_ =	swait.ge [sflag:s22], s20  }
0x9f: {  	s3 =	ssub.s32 $0x0, s20;
	[sflag:s22] =	ssyncset.done $0x0  }
0xa0: {  	[sflag:s22] =	ssyncadd.s32 s3;
	_ =	sdelay $0x1  }
0xa1: {  	s23 =	simm.s32 $0x1B8B  }
0xa2: {  	_ =	swait.ge [sflag:s23], $0x1  }
0xa3: {  	[sflag:s23] =	ssyncset.done $0x0  }
0xa4: {  	s25 =	simm.s32 $0x1B8E;
	s24 =	sld [smem:$0x3FFE];
	[sflag:s23] =	ssyncadd.s32 $0xFFFFFFFF  }
0xa5: {  	s26 =	simm.s32 $execute0_lowered;
	[smem:$0x3FD2] =	sst s25  }
0xa6: {  	s4 =	sshll.u32 s26, $0x1;
	_ =	strace $0x80000049;
	[dreg:$0x1] =	wrdreg $0xFFFFFFFF  }
0xa7: {  	s28 =	simm.s32 $_size_execute0_lowered;
	s2 =	sadd.s32 s2, s4;
	[dreg:$0x0] =	wrdreg $0x0  }
0xa8: {  	s4 =	sshll.u32 s28, $0x1;
	[dreg:$0x2] =	wrdreg s2  }
0xa9: {  	[dreg:$0x3] =	wrdreg s4  }
0xaa: {  	[dreg:$0x4] =	wrdreg $0xC0  }
0xab: {  	_ =	task [dreg:s6], $0x5FFFF  }
0xac: {  	[dreg:$0x1] =	wrdreg $0xFFFFFFFF  }
0xad: {  	[dreg:$0x0] =	wrdreg $0x60  }
0xae: {  	[dreg:$0x2] =	wrdreg s24  }
0xaf: {  	[dreg:$0x3] =	wrdreg $0x9  }
0xb0: {  	_ =	task.clear_ibuf [dreg:s6], $0x4FFFF;
	_ =	strace $0x90000049  }
0xb1: {  	s29 =	simm.s32 $0x9;
	_ =	strace $0x8000004B  }
0xb2: {  	_ =	swait.ge [sflag:s29], $0x1  }
0xb3: {  	[sflag:s29] =	ssyncadd.s32 $0xFFFFFFFF  }
0xb4: {  	_ =	strace $0x9000004B  }
0xb5: {  	_ =	sfence  }
0xb6: {  	s30 =	sld [smem:$0x0];
	_ =	sdelay $0x2  }
0xb7: {  	s31 =	sshll.u32 s1, $0xD;
	s1 =	sshrl.u32 s1, $0x2  }
0xb8: {  	s3 =	sand.u32 $0x4000, s31;
	s1 =	sadd.s32 s1, s30  }
0xb9: {  	s0 =	sor.u32 s3, s0;
	s1 =	sshll.u32 s1, $0x11  }
0xba: {  	s0 =	sor.u32 s1, s0  }
0xbb: {  	s0 =	sadd.s32 $0x8F2B, s0  }
0xbc: {  	[sflag:s0] =	ssyncadd.remote.s32 $0x1  }
0xbd: {  	_ =	sfence.sel $0xFFFF  }
0xbe: {  	[dreg:$0x0] =	wrdreg $0xFFFFFFFF;
	(pc) =	sbr.abs _section_cstart, $3  }
0xbf: {  	[dreg:$0x1] =	wrdreg $0xFFFFFFFF  }
0xc0: {  	_ =	task.clear_ibuf [dreg:s6], $0x2FFFF;
	_ =	strace $0x9FFFFFFF  }
0xc1: {  	(tm) =	ssettm $0x7FFFFFFF  }
tec
execute0_lowered:
.L_overlay_start_1:
0x0: {  	(tag) =	ssettag $0x1  }
0x1: {  	s0 =	rddreg [dreg:$0x0];
	s1 =	simm.s32 $0x0  }
0x2: {  	s4 =	simm.s32 $0x880;
	[smem:$0x7FF] =	sst s1  }
0x3: {  	s22 =	simm.s32 $0x1080;
	_ =	strace $0x8000004A;
	[dreg:$0x2] =	wrdreg s4  }
0x4: {  	s23 =	simm.s32 $0x1880;
	[dreg:$0x3] =	wrdreg s22  }
0x5: {  	s2 =	srdreg.scid;
	s24 =	simm.s32 $0x2080;
	[dreg:$0x4] =	wrdreg s23  }
0x6: {  	s5 =	stileid.u32;
	s25 =	simm.s32 $0x2880;
	[dreg:$0x5] =	wrdreg s24  }
0x7: {  	s7 =	simm.s32 $0x3080;
	s8 =	simm.s32 $0x3880;
	[dreg:$0x6] =	wrdreg s25  }
0x8: {  	s9 =	simm.s32 $0x4080;
	s10 =	simm.s32 $0x4880;
	[dreg:$0x7] =	wrdreg s7  }
0x9: {  	s12 =	simm.s32 $0x5080;
	s13 =	simm.s32 $0x5880;
	[dreg:$0x8] =	wrdreg s8  }
0xa: {  	s15 =	simm.s32 $0x6080;
	s16 =	simm.s32 $0x6880;
	[dreg:$0x9] =	wrdreg s9  }
0xb: {  	s17 =	simm.s32 $0x7080;
	s18 =	simm.s32 $0x7880;
	[dreg:$0xa] =	wrdreg s10  }
0xc: {  	s19 =	simm.s32 $0x8080;
	s20 =	simm.s32 $0x8880;
	[dreg:$0xb] =	wrdreg s12  }
0xd: {  	s21 =	simm.s32 $0x9080;
	s28 =	simm.s32 $0x10880;
	[dreg:$0xc] =	wrdreg s13  }
0xe: {  	s29 =	simm.s32 $0x11080;
	s30 =	simm.s32 $0x11880;
	[dreg:$0xd] =	wrdreg s15  }
0xf: {  	s31 =	simm.s32 $0x1;
	s3 =	sadd.s32 $0x61600, s0;
	[dreg:$0xe] =	wrdreg s16  }
0x10: {  	s2 =	sand.u32 $0x1, s2;
	s5 =	sshll.u32 s5, $0x8;
	[dreg:$0xf] =	wrdreg s17  }
0x11: {  	s6 =	sshll.u32 s2, $0x7;
	s2 =	ssub.s32 $0x2, s2;
	[dreg:$0x10] =	wrdreg s18  }
0x12: {  	s7 =	sadd.s32 $0x61900, s0;
	s8 =	sadd.s32 $0x61A00, s0;
	[dreg:$0x11] =	wrdreg s19  }
0x13: {  	s9 =	sadd.s32 $0x61B00, s0;
	s10 =	sadd.s32 $0x61C00, s0;
	[dreg:$0x12] =	wrdreg s20  }
0x14: {  	[dreg:$0x13] =	wrdreg s21;
	s22 =	simm.s32 $0x9880;
	s12 =	sadd.s32 $0x61E00, s0  }
0x15: {  	s23 =	simm.s32 $0xA080;
	s24 =	simm.s32 $0xA880;
	s15 =	simm.s32 $0x2  }
0x16: {  	s16 =	simm.s32 $0x80;
	s17 =	simm.s32 $0xB880;
	s18 =	simm.s32 $0xC080  }
0x17: {  	s19 =	simm.s32 $0xC880;
	s20 =	simm.s32 $0xD080;
	[dreg:$0x14] =	wrdreg s22  }
0x18: {  	s21 =	simm.s32 $0xD880;
	s5 =	sor.u32 s6, s5;
	[dreg:$0x15] =	wrdreg s23  }
0x19: {  	s11 =	sshrl.u32 s2, $0x1;
	s6 =	sadd.s32 $0x61800, s0;
	[dreg:$0x16] =	wrdreg s24  }
0x1a: {  	s22 =	simm.s32 $0xE080;
	s23 =	simm.s32 $0xE880;
	s24 =	simm.s32 $0xF080  }
0x1b: {  	s5 =	sshrl.u32 s5, $0x3;
	s2 =	ssub.s32 s2, s11;
	s11 =	sadd.s32 $0x61D00, s0  }
0x1c: {  	s26 =	smul.u32 $0x900, s5;
	s5 =	sadd.s32 s5, s0;
	s2 =	smax.u32 s2, $0x1  }
0x1d: {  	s5 =	sadd.s32 $0x61400, s5;
	[dreg:$0x19] =	wrdreg s2;
	s2 =	simm.s32 $0x0  }
0x1e: {  	v2 =	vlaneseq.u32;
	s14 =	sadd.s32 s26, s0;
	[dreg:$0x18] =	wrdreg s5;
	s26 =	simm.s32 $0xB080  }
0x1f: {  	vm0 =	vmmov $0xffff;
	v1 =	vshrl.u32 v2, $0x3;
	s5 =	sadd.s32 $0x61700, s0;
	s25 =	sadd.s32 $0x181600, s14;
	[dreg:$0x17] =	wrdreg s26  }
0x20: {  	v0 =	vand.u32 $0x7, v2;
	v2 =	vor.u32 $0x8, v2;
	v1 =	vmul.u32 $0x8, v1;
	s26 =	simm.s32 $0x10080;
	[dreg:$0x1a] =	wrdreg s25;
	s25 =	simm.s32 $0xF880  }
.LBB2_1:
0x21: {  	[dreg:$0x1b] =	wrdreg s2  }
0x22: {  	s0 =	rddreg [dreg:$0x18]  }
0x23: {  	[tilespmem:s1], [sflag:$0x2] =	stream.linear.gather [hbm4b:s0+s1], $0x80, $0x38;
	[tilespmem:$0x12080] =	vst v63  }
0x24: {  	_ =	swait.ge [sflag:s15], $0x80  }
0x25: {  	[sflag:s15] =	ssyncset.done $0x0  }
0x26: {  	s4 =	simm.s32 $0x0;
	s14 =	rddreg [dreg:$0x1a];
	[sflag:s15] =	ssyncadd.s32 $0xFFFFFF80  }
.LBB2_2:
0x27: {  	s13 =	sshra.s32 s4, $0x2  }
0x28: {  	v3 =	vld [tilespmem:s13+$0x0];
	_ =	sdelay $0x4  }
0x29: {  	v4 =	vshrl.u32 v3, $0x3  }
0x2a: {  	v4 =	vmul.u32 $0x90, v4  }
0x2b: {  	v3 =	vand.u32 $0x7, v3  }
0x2c: {  	v3 =	vor.u32 v3, v4  }
0x2d: {  	v4 =	vperm.xlane v3, v0;
	_ =	sdelay $0x1  }
0x2e: {  	v4 =	vadd.s32 v1, v4;
	_ =	sdelay $0x4  }
0x2f: {  	[tilespmem:s16], [sflag:$0x1] =	stream.indirect_vreg.gather [hbm4b:s3+s1], $0x80, v4, vm0, $0xb8;
	[tilespmem:$0x12080] =	vst v63  }
0x30: {  	s2 =	rddreg [dreg:$0x2]  }
0x31: {  	[tilespmem:s2], [sflag:$0x1] =	stream.indirect_vreg.gather [hbm4b:s5+s1], $0x80, v4, vm0, $0xb8;
	[tilespmem:$0x12080] =	vst v63  }
0x32: {  	s0 =	rddreg [dreg:$0x3]  }
0x33: {  	[tilespmem:s0], [sflag:$0x1] =	stream.indirect_vreg.gather [hbm4b:s6+s1], $0x80, v4, vm0, $0xb8;
	[tilespmem:$0x12080] =	vst v63  }
0x34: {  	s2 =	rddreg [dreg:$0x4]  }
0x35: {  	[tilespmem:s2], [sflag:$0x1] =	stream.indirect_vreg.gather [hbm4b:s7+s1], $0x80, v4, vm0, $0xb8;
	[tilespmem:$0x12080] =	vst v63  }
0x36: {  	s0 =	rddreg [dreg:$0x5]  }
0x37: {  	[tilespmem:s0], [sflag:$0x1] =	stream.indirect_vreg.gather [hbm4b:s8+s1], $0x80, v4, vm0, $0xb8;
	[tilespmem:$0x12080] =	vst v63  }
0x38: {  	s2 =	rddreg [dreg:$0x6]  }
0x39: {  	[tilespmem:s2], [sflag:$0x1] =	stream.indirect_vreg.gather [hbm4b:s9+s1], $0x80, v4, vm0, $0xb8;
	[tilespmem:$0x12080] =	vst v63  }
0x3a: {  	v3 =	vperm.xlane v3, v2;
	s0 =	rddreg [dreg:$0x7]  }
0x3b: {  	[tilespmem:s0], [sflag:$0x1] =	stream.indirect_vreg.gather [hbm4b:s10+s1], $0x80, v4, vm0, $0xb8;
	[tilespmem:$0x12080] =	vst v63  }
0x3c: {  	v3 =	vadd.s32 v1, v3;
	s2 =	rddreg [dreg:$0x8]  }
0x3d: {  	[tilespmem:s2], [sflag:$0x1] =	stream.indirect_vreg.gather [hbm4b:s11+s1], $0x80, v4, vm0, $0xb8;
	[tilespmem:$0x12080] =	vst v63  }
0x3e: {  	s0 =	rddreg [dreg:$0x9]  }
0x3f: {  	[tilespmem:s0], [sflag:$0x1] =	stream.indirect_vreg.gather [hbm4b:s12+s1], $0x80, v4, vm0, $0xb8;
	[tilespmem:$0x12080] =	vst v63  }
0x40: {  	s2 =	rddreg [dreg:$0xa]  }
0x41: {  	[tilespmem:s2], [sflag:$0x1] =	stream.indirect_vreg.gather [hbm4b:s3+s1], $0x80, v3, vm0, $0xb8;
	[tilespmem:$0x12080] =	vst v63  }
0x42: {  	s0 =	rddreg [dreg:$0xb]  }
0x43: {  	[tilespmem:s0], [sflag:$0x1] =	stream.indirect_vreg.gather [hbm4b:s5+s1], $0x80, v3, vm0, $0xb8;
	[tilespmem:$0x12080] =	vst v63  }
0x44: {  	s2 =	rddreg [dreg:$0xc]  }
0x45: {  	[tilespmem:s2], [sflag:$0x1] =	stream.indirect_vreg.gather [hbm4b:s6+s1], $0x80, v3, vm0, $0xb8;
	[tilespmem:$0x12080] =	vst v63  }
0x46: {  	s0 =	rddreg [dreg:$0xd]  }
0x47: {  	[tilespmem:s0], [sflag:$0x1] =	stream.indirect_vreg.gather [hbm4b:s7+s1], $0x80, v3, vm0, $0xb8;
	[tilespmem:$0x12080] =	vst v63  }
0x48: {  	s2 =	rddreg [dreg:$0xe]  }
0x49: {  	[tilespmem:s2], [sflag:$0x1] =	stream.indirect_vreg.gather [hbm4b:s8+s1], $0x80, v3, vm0, $0xb8;
	[tilespmem:$0x12080] =	vst v63  }
0x4a: {  	s0 =	rddreg [dreg:$0xf]  }
0x4b: {  	[tilespmem:s0], [sflag:$0x1] =	stream.indirect_vreg.gather [hbm4b:s9+s1], $0x80, v3, vm0, $0xb8;
	[tilespmem:$0x12080] =	vst v63  }
0x4c: {  	s2 =	rddreg [dreg:$0x10]  }
0x4d: {  	[tilespmem:s2], [sflag:$0x1] =	stream.indirect_vreg.gather [hbm4b:s10+s1], $0x80, v3, vm0, $0xb8;
	[tilespmem:$0x12080] =	vst v63  }
0x4e: {  	s0 =	rddreg [dreg:$0x11]  }
0x4f: {  	[tilespmem:s0], [sflag:$0x1] =	stream.indirect_vreg.gather [hbm4b:s11+s1], $0x80, v3, vm0, $0xb8;
	[tilespmem:$0x12080] =	vst v63  }
0x50: {  	s2 =	rddreg [dreg:$0x12]  }
0x51: {  	[tilespmem:s2], [sflag:$0x1] =	stream.indirect_vreg.gather [hbm4b:s12+s1], $0x80, v3, vm0, $0xb8;
	[tilespmem:$0x12080] =	vst v63  }
0x52: {  	v3 =	vld [tilespmem:s13+$0x10];
	_ =	sdelay $0x4  }
0x53: {  	v63 =	vshrl.u32 v3, $0x3  }
0x54: {  	v4 =	vmul.u32 $0x90, v63  }
0x55: {  	v3 =	vand.u32 $0x7, v3  }
0x56: {  	v3 =	vor.u32 v3, v4  }
0x57: {  	v4 =	vperm.xlane v3, v0;
	_ =	sdelay $0x1  }
0x58: {  	v4 =	vadd.s32 v1, v4;
	_ =	sdelay $0x3  }
0x59: {  	s13 =	rddreg [dreg:$0x13]  }
0x5a: {  	[tilespmem:s13], [sflag:$0x1] =	stream.indirect_vreg.gather [hbm4b:s3+s1], $0x80, v4, vm0, $0xb8;
	[tilespmem:$0x12080] =	vst v63  }
0x5b: {  	s2 =	rddreg [dreg:$0x14]  }
0x5c: {  	[tilespmem:s2], [sflag:$0x1] =	stream.indirect_vreg.gather [hbm4b:s5+s1], $0x80, v4, vm0, $0xb8;
	[tilespmem:$0x12080] =	vst v63  }
0x5d: {  	s13 =	rddreg [dreg:$0x15]  }
0x5e: {  	[tilespmem:s13], [sflag:$0x1] =	stream.indirect_vreg.gather [hbm4b:s6+s1], $0x80, v4, vm0, $0xb8;
	[tilespmem:$0x12080] =	vst v63  }
0x5f: {  	s2 =	rddreg [dreg:$0x16]  }
0x60: {  	[tilespmem:s2], [sflag:$0x1] =	stream.indirect_vreg.gather [hbm4b:s7+s1], $0x80, v4, vm0, $0xb8;
	[tilespmem:$0x12080] =	vst v63  }
0x61: {  	s13 =	rddreg [dreg:$0x17]  }
0x62: {  	[tilespmem:s13], [sflag:$0x1] =	stream.indirect_vreg.gather [hbm4b:s8+s1], $0x80, v4, vm0, $0xb8;
	[tilespmem:$0x12080] =	vst v63  }
0x63: {  	_ = 	snop  }
0x64: {  	[tilespmem:s17], [sflag:$0x1] =	stream.indirect_vreg.gather [hbm4b:s9+s1], $0x80, v4, vm0, $0xb8;
	[tilespmem:$0x12080] =	vst v63  }
0x65: {  	v3 =	vperm.xlane v3, v2  }
0x66: {  	[tilespmem:s18], [sflag:$0x1] =	stream.indirect_vreg.gather [hbm4b:s10+s1], $0x80, v4, vm0, $0xb8;
	[tilespmem:$0x12080] =	vst v63  }
0x67: {  	v3 =	vadd.s32 v1, v3  }
0x68: {  	[tilespmem:s19], [sflag:$0x1] =	stream.indirect_vreg.gather [hbm4b:s11+s1], $0x80, v4, vm0, $0xb8;
	[tilespmem:$0x12080] =	vst v63  }
0x69: {  	_ = 	snop  }
0x6a: {  	[tilespmem:s20], [sflag:$0x1] =	stream.indirect_vreg.gather [hbm4b:s12+s1], $0x80, v4, vm0, $0xb8;
	[tilespmem:$0x12080] =	vst v63  }
0x6b: {  	_ = 	snop  }
0x6c: {  	[tilespmem:s21], [sflag:$0x1] =	stream.indirect_vreg.gather [hbm4b:s3+s1], $0x80, v3, vm0, $0xb8;
	[tilespmem:$0x12080] =	vst v63  }
0x6d: {  	_ = 	snop  }
0x6e: {  	[tilespmem:s22], [sflag:$0x1] =	stream.indirect_vreg.gather [hbm4b:s5+s1], $0x80, v3, vm0, $0xb8;
	[tilespmem:$0x12080] =	vst v63  }
0x6f: {  	_ = 	snop  }
0x70: {  	[tilespmem:s23], [sflag:$0x1] =	stream.indirect_vreg.gather [hbm4b:s6+s1], $0x80, v3, vm0, $0xb8;
	[tilespmem:$0x12080] =	vst v63  }
0x71: {  	_ = 	snop  }
0x72: {  	[tilespmem:s24], [sflag:$0x1] =	stream.indirect_vreg.gather [hbm4b:s7+s1], $0x80, v3, vm0, $0xb8;
	[tilespmem:$0x12080] =	vst v63  }
0x73: {  	_ = 	snop  }
0x74: {  	[tilespmem:s25], [sflag:$0x1] =	stream.indirect_vreg.gather [hbm4b:s8+s1], $0x80, v3, vm0, $0xb8;
	[tilespmem:$0x12080] =	vst v63  }
0x75: {  	_ = 	snop  }
0x76: {  	[tilespmem:s26], [sflag:$0x1] =	stream.indirect_vreg.gather [hbm4b:s9+s1], $0x80, v3, vm0, $0xb8;
	[tilespmem:$0x12080] =	vst v63  }
0x77: {  	_ = 	snop  }
0x78: {  	[tilespmem:s28], [sflag:$0x1] =	stream.indirect_vreg.gather [hbm4b:s10+s1], $0x80, v3, vm0, $0xb8;
	[tilespmem:$0x12080] =	vst v63  }
0x79: {  	_ = 	snop  }
0x7a: {  	[tilespmem:s29], [sflag:$0x1] =	stream.indirect_vreg.gather [hbm4b:s11+s1], $0x80, v3, vm0, $0xb8;
	[tilespmem:$0x12080] =	vst v63  }
0x7b: {  	_ = 	snop  }
0x7c: {  	[tilespmem:s30], [sflag:$0x1] =	stream.indirect_vreg.gather [hbm4b:s12+s1], $0x80, v3, vm0, $0xb8;
	[tilespmem:$0x12080] =	vst v63  }
0x7d: {  	_ =	swait.ge [sflag:s31], $0x12000  }
0x7e: {  	p0 =	sne.s32 s4, $0x180;
	[sflag:s31] =	ssyncset.done $0x0  }
.Ltmp0:
0x7f: {  	[sflag:s31] =	ssyncadd.s32 $0xFFFEE000;
	(pc) =	sbr.rel @p0 .LBB2_2-.Ltmp0, $4  }
0x80: {  	[hbm4b:s14+s1] =	stream.linear.scatter [tilespmem:s16], [sflag:$0x2], $0x12000, $0x38;
	[tilespmem:$0x12080] =	vst v63  }
0x81: {  	_ =	swait.ge [sflag:s15], $0x12000  }
0x82: {  	[sflag:s15] =	ssyncset.done $0x0  }
0x83: {  	s4 =	sadd.s32 $0x80, s4;
	s14 =	sadd.s32 $0x2400, s14;
	[sflag:s15] =	ssyncadd.s32 $0xFFFEE000  }
0x84: {  	s2 =	rddreg [dreg:$0x1b]  }
0x85: {  	s0 =	rddreg [dreg:$0x19];
	s2 =	sadd.s32 $0x1, s2  }
0x86: {  	p0 =	sne.s32 s2, s0  }
.Ltmp1:
0x87: {  	_ = 	snop;
	(pc) =	sbr.rel @p0 .LBB2_1-.Ltmp1, $1  }
0x88: {  	_ =	sdelay $0x3  }
0x89: {  	_ =	sfence.sel $0x180000  }
0x8a: {  	[bflag:$0x0] =	sbarrier.arrive $0xFFFF  }
0x8b: {  	_ =	strace $0x9000004A  }
0x8c: {  	s0 =	stileid.u32;
	[bflag:$0x2] =	sbarrier.arrive $0xFFFF  }
0x8d: {  	p0 =	sne.s32 s0, $0x0;
	s0 =	rddreg [dreg:$0x1]  }
0x8e: {  	s0 =	sadd.s32 @!p0 $0x100000, s0  }
0x8f: {  	[sflag:s0] =	ssyncadd.tile.s32 @!p0 $0x1;
	_ =	shalt  }
.Lfunc_end2:
_tile_overlayer_lowered:
.L_overlay_start_2:
0x90: {  	(tag) =	ssettag $0x2  }
0x91: {  	s0 =	rddreg [dreg:$0x0];
	s2 =	stileid.u32  }
0x92: {  	s1 =	rddreg [dreg:$0x1];
	p0 =	sne.s32 s2, $0x0  }
0x93: {  	s3 =	rddreg [dreg:$0x2];
	[bflag:$0x3] =	sbarrier.arrive $0xFFFF;
	s2 =	simm.s32 @!p0 $0x1C02  }
0x94: {  	[timem:s3], [sflag:s2] =	dma.local @!p0 [hbm:s0], s1  }
0x95: {  	s0 =	simm.s32 @!p0 $0x2  }
0x96: {  	_ =	swait.ge @!p0 [sflag:s0], s1  }
0x97: {  	s1 =	ssub.s32 @!p0 $0x0, s1;
	[sflag:s0] =	ssyncset.done @!p0 $0x0  }
0x98: {  	[sflag:s0] =	ssyncadd.s32 @!p0 s1  }
0x99: {  	[bflag:$0x3] =	sbarrier.arrive $0xFFFF  }
0x9a: {  	_ =	shalt  }

// kernel: kernel.8.cloned.1.call-start
scs
__scs_entry_jumppad:
0x0: {  	(pc) =	sbr.rel $0x88, $3  }
0x1: {  	(tag) =	ssettag $0x0;
	lr =	simm.s32 $0x1  }
0x2: {  	[smem:$0x3F95] =	sst lr;
	_ =	strace $0xD0000000  }
0x3: {  	_ = 	snop  }
0x4: {  	_ = 	snop  }
0x5: {  	_ = 	snop  }
0x6: {  	_ = 	snop  }
0x7: {  	_ = 	snop  }
__scs_overlays_trampoline_lowered:
0x8: {  	[smem:$0x3FA4] =	sst s0  }
0x9: {  	[smem:$0x3FA5] =	sst s1  }
0xa: {  	[smem:$0x3FA6] =	sst s2  }
0xb: {  	[smem:$0x3FA7] =	sst s3  }
0xc: {  	[smem:$0x3FA8] =	sst s4  }
0xd: {  	[smem:$0x3FA9] =	sst s5  }
0xe: {  	[smem:$0x3FAA] =	sst s6  }
0xf: {  	[smem:$0x3FAB] =	sst s7  }
0x10: {  	[smem:$0x3FAC] =	sst s8  }
0x11: {  	[smem:$0x3FAD] =	sst s9;
	s0 =	simm.s32 @!p0 $0x0  }
0x12: {  	s1 =	sld [smem:$0x3F93];
	s0 =	simm.s32 @p0 $0x1  }
0x13: {  	[smem:$0x3FAE] =	sst s0;
	s0 =	simm.s32 @!p1 $0x0  }
0x14: {  	s2 =	sld [smem:$0x3F92];
	s0 =	simm.s32 @p1 $0x1  }
0x15: {  	[smem:$0x3FAF] =	sst s0;
	s0 =	simm.s32 @!p2 $0x0  }
0x16: {  	s3 =	sld [smem:$0x3FDB];
	s0 =	simm.s32 @p2 $0x1  }
0x17: {  	s4 =	simm.s32 $0x1BF5;
	[smem:$0x3FB1] =	sst s0  }
0x18: {  	s0 =	sld [smem:$0x3F94];
	_ =	swait.ge [sflag:s4], $0x0  }
0x19: {  	s7 =	sld [smem:$0x3F95]  }
0x1a: {  	s8 =	sadd.s32 $0xFFFFE003, lr  }
0x1b: {  	s9 =	sadd.s32 $0xFFFFFEF7, lr;
	s5 =	simm.s32 $0xFFFFFFFF;
	p2 =	slt.u32 s8, $0xFFFFF086  }
0x1c: {  	p1 =	slt.u32 s9, $0xF7A;
	s5 =	simm.s32 @!p2 $0x0  }
0x1d: {  	s5 =	simm.s32 @p1 $0x1;
	p0 =	seq.s32 s7, s2  }
0x1e: {  	s7 =	smul.u32 @!p0 $0xF7A, s2;
	p2 =	seq.s32 @!p0 s5, $0x0  }
0x1f: {  	s9 =	smul.u32 $0xF7A, s1;
	s8 =	simm.s32 @!p0 $0x1BF5;
	p2 =	por !p2, p0  }
0x20: {  	[sflag:s8] =	ssyncset.s32 @!p0 $0xFFFFF086;
	s6 =	sadd.s32 @!p0 s3, s7;
	s7 =	simm.s32 @!p0 $0x108  }
0x21: {  	s3 =	sadd.s32 s3, s9;
	s6 =	sadd.s32 @!p0 $0x88, s6;
	s7 =	simm.s32 @p2 $0x1082  }
0x22: {  	[simem:s7], [sflag:s8] =	dma.local @!p0 [hbm:s6], $0xF7A  }
0x23: {  	s9 =	sor.u32 $0xD0000000, s2;
	s6 =	simm.s32 $0x108;
	_ =	swait.ge @!p0 [sflag:s8], $0x0  }
0x24: {  	s3 =	sadd.s32 $0x88, s3;
	s6 =	simm.s32 @!p1 $0x1082;
	[sflag:s4] =	ssyncset.s32 $0xFFFFF086  }
0x25: {  	[simem:s6], [sflag:s4] =	dma.local [hbm:s3], $0xF7A  }
0x26: {  	[smem:$0x3F95] =	sst s1;
	(tag) =	ssettag s2;
	_ =	strace s9  }
0x27: {  	s1 =	sld [smem:$0x3FA5]  }
0x28: {  	s2 =	sld [smem:$0x3FA6]  }
0x29: {  	s4 =	sld [smem:$0x3FA8]  }
0x2a: {  	p0 =	seq.s32 s5, $0x0;
	s5 =	sld [smem:$0x3FA9]  }
0x2b: {  	s6 =	sld [smem:$0x3FAA]  }
0x2c: {  	s7 =	sld [smem:$0x3FAB]  }
0x2d: {  	s3 =	simm.s32 $0x108;
	s8 =	sld [smem:$0x3FAC]  }
0x2e: {  	s3 =	simm.s32 @!p0 $0x1082;
	s9 =	sld [smem:$0x3FAD]  }
0x2f: {  	lr =	sadd.s32 s0, s3;
	s0 =	sld [smem:$0x3FA4]  }
0x30: {  	s3 =	sld [smem:$0x3FA7]  }
0x31: {  	[smem:$0x3FB0] =	sst s10  }
0x32: {  	s10 =	sld [smem:$0x3FAE];
	_ =	sdelay $0x3  }
0x33: {  	p0 =	seq.s32 s10, $0x1;
	s10 =	sld [smem:$0x3FB0];
	_ =	sdelay $0x3  }
0x34: {  	[smem:$0x3FB0] =	sst s10  }
0x35: {  	s10 =	sld [smem:$0x3FAF];
	_ =	sdelay $0x3  }
0x36: {  	p1 =	seq.s32 s10, $0x1;
	s10 =	sld [smem:$0x3FB0];
	_ =	sdelay $0x3  }
0x37: {  	[smem:$0x3FB0] =	sst s10  }
0x38: {  	s10 =	sld [smem:$0x3FB1]  }
0x39: {  	_ = 	snop;
	(pc) =	sbr.ind lr, $3  }
0x3a: {  	_ = 	snop  }
0x3b: {  	_ = 	snop  }
0x3c: {  	p2 =	seq.s32 s10, $0x1;
	s10 =	sld [smem:$0x3FB0]  }
0x3d: {  	_ =	shalt  }
0x3e: {  	_ =	shalt  }
0x3f: {  	_ =	shalt  }
0x40: {  	_ =	shalt  }
0x41: {  	_ =	shalt  }
0x42: {  	_ =	shalt  }
0x43: {  	_ =	shalt  }
0x44: {  	_ =	shalt  }
0x45: {  	_ =	shalt  }
0x46: {  	_ =	shalt  }
0x47: {  	_ =	shalt  }
0x48: {  	_ =	shalt  }
0x49: {  	_ =	shalt  }
0x4a: {  	_ =	shalt  }
0x4b: {  	_ =	shalt  }
0x4c: {  	_ =	shalt  }
0x4d: {  	_ =	shalt  }
0x4e: {  	_ =	shalt  }
0x4f: {  	_ =	shalt  }
0x50: {  	_ =	shalt  }
0x51: {  	_ =	shalt  }
0x52: {  	_ =	shalt  }
0x53: {  	_ =	shalt  }
0x54: {  	_ =	shalt  }
0x55: {  	_ =	shalt  }
0x56: {  	_ =	shalt  }
0x57: {  	_ =	shalt  }
0x58: {  	_ =	shalt  }
0x59: {  	_ =	shalt  }
0x5a: {  	_ =	shalt  }
0x5b: {  	_ =	shalt  }
0x5c: {  	_ =	shalt  }
0x5d: {  	_ =	shalt  }
0x5e: {  	_ =	shalt  }
0x5f: {  	_ =	shalt  }
0x60: {  	_ =	shalt  }
0x61: {  	_ =	shalt  }
0x62: {  	_ =	shalt  }
0x63: {  	_ =	shalt  }
0x64: {  	_ =	shalt  }
0x65: {  	_ =	shalt  }
0x66: {  	_ =	shalt  }
0x67: {  	_ =	shalt  }
0x68: {  	_ =	shalt  }
0x69: {  	_ =	shalt  }
0x6a: {  	_ =	shalt  }
0x6b: {  	_ =	shalt  }
0x6c: {  	_ =	shalt  }
0x6d: {  	_ =	shalt  }
0x6e: {  	_ =	shalt  }
0x6f: {  	_ =	shalt  }
0x70: {  	_ =	shalt  }
0x71: {  	_ =	shalt  }
0x72: {  	_ =	shalt  }
0x73: {  	_ =	shalt  }
0x74: {  	_ =	shalt  }
0x75: {  	_ =	shalt  }
0x76: {  	_ =	shalt  }
0x77: {  	_ =	shalt  }
0x78: {  	_ =	shalt  }
0x79: {  	_ =	shalt  }
0x7a: {  	_ =	shalt  }
0x7b: {  	_ =	shalt  }
0x7c: {  	_ =	shalt  }
0x7d: {  	_ =	shalt  }
0x7e: {  	_ =	shalt  }
0x7f: {  	_ =	shalt  }
0x80: {  	_ =	shalt  }
0x81: {  	_ =	shalt  }
0x82: {  	_ =	shalt  }
0x83: {  	_ =	shalt  }
0x84: {  	_ =	shalt  }
0x85: {  	_ =	shalt  }
0x86: {  	_ =	shalt  }
0x87: {  	_ =	shalt  }
.Lfunc_end0:
.L_simem_size_0:
called_computation_lowered:
.L_overlay_start_0:
0x88: {  	s2 =	sld [smem:$0x3FD9]  }
0x89: {  	s3 =	sld [smem:$0x3FFE];
	_ =	sdelay $0x1  }
0x8a: {  	s1 =	srdreg.scid  }
0x8b: {  	s0 =	sand.u32 $0x1, s1  }
0x8c: {  	s16 =	sshll.u32 s0, $0xA;
	s2 =	sadd.s32 s3, s2  }
0x8d: {  	s2 =	sadd.s32 s2, s16  }
0x8e: {  	[smem:$0x3FBC] =	sst s2  }
0x8f: {  	_ = 	snop  }
0x90: {  	(tm) =	ssettm $0x1  }
0x91: {  	s17 =	sld [smem:$0x3FFB];
	_ =	sdelay $0x3  }
0x92: {  	_ =	strace s17  }
0x93: {  	s2 =	sld [smem:$0x3FFC];
	_ =	sdelay $0x3  }
0x94: {  	_ =	strace s2  }
0x95: {  	s2 =	sld [smem:$0x3FFD];
	_ =	sdelay $0x3  }
0x96: {  	_ =	strace s2  }
0x97: {  	_ =	strace $0x8FFFFFFF  }
0x98: {  	s18 =	sld [smem:$0x3FDB];
	_ =	sdelay $0x1  }
0x99: {  	s19 =	simm.s32 $_scs_section_size  }
0x9a: {  	s4 =	simm.s32 $_size__tile_overlayer_lowered;
	s5 =	simm.s32 $_tile_overlayer_lowered  }
0x9b: {  	s22 =	simm.s32 $0x1BFF;
	s21 =	sshll.u32 s5, $0x1;
	s2 =	sadd.s32 s19, s18  }
0x9c: {  	s6 =	simm.s32 $0x0;
	s20 =	sshll.u32 s4, $0x1;
	s4 =	sadd.s32 s21, s2  }
0x9d: {  	[timem:s6], [sflag:s22] =	dma.local [hbm:s4], s20  }
0x9e: {  	_ =	swait.ge [sflag:s22], s20  }
0x9f: {  	s3 =	ssub.s32 $0x0, s20;
	[sflag:s22] =	ssyncset.done $0x0  }
0xa0: {  	[sflag:s22] =	ssyncadd.s32 s3;
	_ =	sdelay $0x1  }
0xa1: {  	s23 =	simm.s32 $0x1B8B  }
0xa2: {  	_ =	swait.ge [sflag:s23], $0x1  }
0xa3: {  	[sflag:s23] =	ssyncset.done $0x0  }
0xa4: {  	s25 =	simm.s32 $0x1B8E;
	s24 =	sld [smem:$0x3FFE];
	[sflag:s23] =	ssyncadd.s32 $0xFFFFFFFF  }
0xa5: {  	s26 =	simm.s32 $execute0_lowered;
	[smem:$0x3FD2] =	sst s25  }
0xa6: {  	s4 =	sshll.u32 s26, $0x1;
	_ =	strace $0x80000046;
	[dreg:$0x1] =	wrdreg $0xFFFFFFFF  }
0xa7: {  	s28 =	simm.s32 $_size_execute0_lowered;
	s2 =	sadd.s32 s2, s4;
	[dreg:$0x0] =	wrdreg $0x0  }
0xa8: {  	s4 =	sshll.u32 s28, $0x1;
	[dreg:$0x2] =	wrdreg s2  }
0xa9: {  	[dreg:$0x3] =	wrdreg s4  }
0xaa: {  	[dreg:$0x4] =	wrdreg $0xC0  }
0xab: {  	_ =	task [dreg:s6], $0x5FFFF  }
0xac: {  	[dreg:$0x1] =	wrdreg $0xFFFFFFFF  }
0xad: {  	[dreg:$0x0] =	wrdreg $0x60  }
0xae: {  	[dreg:$0x2] =	wrdreg s24  }
0xaf: {  	[dreg:$0x3] =	wrdreg $0x9  }
0xb0: {  	_ =	task.clear_ibuf [dreg:s6], $0x4FFFF;
	_ =	strace $0x90000046  }
0xb1: {  	s29 =	simm.s32 $0x9;
	_ =	strace $0x80000048  }
0xb2: {  	_ =	swait.ge [sflag:s29], $0x1  }
0xb3: {  	[sflag:s29] =	ssyncadd.s32 $0xFFFFFFFF  }
0xb4: {  	_ =	strace $0x90000048  }
0xb5: {  	_ =	sfence  }
0xb6: {  	s30 =	sld [smem:$0x0];
	_ =	sdelay $0x2  }
0xb7: {  	s31 =	sshll.u32 s1, $0xD;
	s1 =	sshrl.u32 s1, $0x2  }
0xb8: {  	s3 =	sand.u32 $0x4000, s31;
	s1 =	sadd.s32 s1, s30  }
0xb9: {  	s0 =	sor.u32 s3, s0;
	s1 =	sshll.u32 s1, $0x11  }
0xba: {  	s0 =	sor.u32 s1, s0  }
0xbb: {  	s0 =	sadd.s32 $0x8F2B, s0  }
0xbc: {  	[sflag:s0] =	ssyncadd.remote.s32 $0x1  }
0xbd: {  	_ =	sfence.sel $0xFFFF  }
0xbe: {  	[dreg:$0x0] =	wrdreg $0xFFFFFFFF;
	(pc) =	sbr.abs _section_cstart, $3  }
0xbf: {  	[dreg:$0x1] =	wrdreg $0xFFFFFFFF  }
0xc0: {  	_ =	task.clear_ibuf [dreg:s6], $0x2FFFF;
	_ =	strace $0x9FFFFFFF  }
0xc1: {  	(tm) =	ssettm $0x7FFFFFFF  }
tec
execute0_lowered:
.L_overlay_start_1:
0x0: {  	(tag) =	ssettag $0x1  }
0x1: {  	s1 =	srdreg.scid  }
0x2: {  	s0 =	stileid.u32;
	s4 =	sand.u32 $0x1, s1  }
0x3: {  	s2 =	sshll.u32 s0, $0x8;
	s3 =	sshll.u32 s4, $0x7  }
0x4: {  	s24 =	rddreg [dreg:$0x0];
	s2 =	sor.u32 s3, s2  }
0x5: {  	s3 =	sshrl.u32 s2, $0x3;
	s5 =	sadd.s32 $0xFFFFF800, s2;
	s2 =	simm.s32 $0x0  }
0x6: {  	s25 =	simm.s32 $0x880;
	[smem:$0x7FF] =	sst s2  }
0x7: {  	s26 =	simm.s32 $0x1080;
	_ =	strace $0x80000047;
	[dreg:$0x4] =	wrdreg s25  }
0x8: {  	p0 =	slt.u32 s0, $0x8;
	s0 =	simm.s32 $0x1880;
	[dreg:$0x5] =	wrdreg s26  }
0x9: {  	s7 =	simm.s32 $0x3080;
	[dreg:$0x6] =	wrdreg s0  }
0xa: {  	s8 =	simm.s32 $0x3880;
	[dreg:$0x9] =	wrdreg s7  }
0xb: {  	s9 =	simm.s32 $0x4080;
	[dreg:$0xa] =	wrdreg s8  }
0xc: {  	s10 =	simm.s32 $0x4880;
	[dreg:$0xb] =	wrdreg s9  }
0xd: {  	s11 =	simm.s32 $0x5080;
	[dreg:$0xc] =	wrdreg s10  }
0xe: {  	s12 =	simm.s32 $0x5880;
	s13 =	simm.s32 $0x6080;
	[dreg:$0xd] =	wrdreg s11  }
0xf: {  	s14 =	simm.s32 $0x6880;
	s15 =	simm.s32 $0x7080;
	[dreg:$0xe] =	wrdreg s12  }
0x10: {  	s16 =	simm.s32 $0x7880;
	s17 =	simm.s32 $0x8080;
	[dreg:$0xf] =	wrdreg s13  }
0x11: {  	s18 =	simm.s32 $0x8880;
	s19 =	simm.s32 $0x9080;
	[dreg:$0x10] =	wrdreg s14  }
0x12: {  	s21 =	simm.s32 $0x9880;
	s22 =	simm.s32 $0xA080;
	[dreg:$0x11] =	wrdreg s15  }
0x13: {  	s23 =	simm.s32 $0xB080;
	s28 =	simm.s32 $0x16080;
	[dreg:$0x12] =	wrdreg s16  }
0x14: {  	s29 =	simm.s32 $0x16880;
	s30 =	simm.s32 $0x17080;
	[dreg:$0x13] =	wrdreg s17  }
0x15: {  	s31 =	simm.s32 $0x17880;
	s4 =	ssub.s32 $0x2, s4;
	[dreg:$0x14] =	wrdreg s18  }
0x16: {  	s1 =	simm.s32 $0x1;
	s20 =	sshrl.u32 s4, $0x1;
	[dreg:$0x15] =	wrdreg s19  }
0x17: {  	s6 =	smul.u32 $0x300, s3;
	s5 =	sshrl.u32 s5, $0x3;
	[dreg:$0x16] =	wrdreg s21  }
0x18: {  	s3 =	sadd.s32 s3, s24;
	s5 =	smul.u32 $0x300, s5;
	[dreg:$0x17] =	wrdreg s22  }
0x19: {  	s3 =	sadd.s32 $0x61400, s3;
	s7 =	simm.s32 $0xA880;
	[dreg:$0x19] =	wrdreg s23  }
0x1a: {  	s25 =	simm.s32 $0xC080;
	s8 =	simm.s32 $0x80;
	s26 =	simm.s32 $0xC880  }
0x1b: {  	s10 =	simm.s32 $0xD880;
	s11 =	simm.s32 $0xE080;
	s12 =	simm.s32 $0xE880  }
0x1c: {  	s13 =	simm.s32 $0xF080;
	s14 =	simm.s32 $0xF880;
	s15 =	simm.s32 $0x10080  }
0x1d: {  	s16 =	simm.s32 $0x10880;
	s17 =	simm.s32 $0x11080;
	s18 =	simm.s32 $0x11880  }
0x1e: {  	s19 =	simm.s32 $0x12080;
	s21 =	simm.s32 $0x13080;
	s22 =	simm.s32 $0x13880  }
0x1f: {  	s23 =	simm.s32 $0x14080;
	s6 =	sadd.s32 s6, s24;
	[dreg:$0x2] =	wrdreg s3  }
0x20: {  	s3 =	sadd.s32 $0x61600, s24;
	[dreg:$0x18] =	wrdreg s7;
	s5 =	sadd.s32 s5, s24  }
0x21: {  	[dreg:$0x1b] =	wrdreg s25;
	s6 =	sadd.s32 $0x1400, s6;
	s5 =	sadd.s32 $0x31400, s5  }
0x22: {  	s7 =	simm.s32 $0x2;
	[dreg:$0x1c] =	wrdreg s26;
	s5 =	smov.u32 @p0 s6  }
0x23: {  	s25 =	simm.s32 $0x15080;
	s6 =	simm.s32 $0x2880;
	[dreg:$0x3] =	wrdreg s5  }
0x24: {  	s26 =	simm.s32 $0x15880;
	s5 =	simm.s32 $0x2080;
	[dreg:$0x8] =	wrdreg s6  }
0x25: {  	v2 =	vlaneseq.u32;
	s6 =	ssub.s32 s4, s20;
	s4 =	sadd.s32 $0x61700, s24;
	s20 =	simm.s32 $0x12880  }
0x26: {  	vm0 =	vmmov $0xffff;
	v1 =	vshrl.u32 v2, $0x3;
	[dreg:$0x7] =	wrdreg s5;
	s5 =	sadd.s32 $0x61800, s24;
	s24 =	simm.s32 $0xB880  }
0x27: {  	v0 =	vand.u32 $0x7, v2;
	v2 =	vor.u32 $0x8, v2;
	v1 =	vmul.u32 $0x8, v1;
	s6 =	smax.u32 s6, $0x1;
	[dreg:$0x1a] =	wrdreg s24;
	s24 =	simm.s32 $0x14880  }
.LBB2_1:
0x28: {  	s0 =	rddreg [dreg:$0x2]  }
0x29: {  	[tilespmem:s2], [sflag:$0x2] =	stream.linear.gather [hbm4b:s0+s2], $0x80, $0x38;
	[tilespmem:$0x18080] =	vst v63  }
0x2a: {  	_ =	swait.ge [sflag:s7], $0x80  }
0x2b: {  	[sflag:s7] =	ssyncset.done $0x0  }
0x2c: {  	s9 =	rddreg [dreg:$0x3];
	[sflag:s7] =	ssyncadd.s32 $0xFFFFFF80  }
0x2d: {  	[tilespmem:s8], [sflag:$0x2] =	stream.linear.gather [hbm4b:s9+s2], $0x18000, $0x38;
	[tilespmem:$0x18080] =	vst v63  }
0x2e: {  	_ =	swait.ge [sflag:s7], $0x18000  }
0x2f: {  	[sflag:s7] =	ssyncset.done $0x0  }
0x30: {  	[sflag:s7] =	ssyncadd.s32 $0xFFFE8000  }
0x31: {  	v3 =	vld [tilespmem:$0x0];
	_ =	sdelay $0x4  }
0x32: {  	v4 =	vshrl.u32 v3, $0x3  }
0x33: {  	v4 =	vmul.u32 $0x30, v4  }
0x34: {  	v3 =	vand.u32 $0x7, v3  }
0x35: {  	v3 =	vor.u32 v3, v4  }
0x36: {  	v4 =	vperm.xlane v3, v0;
	_ =	sdelay $0x1  }
0x37: {  	v4 =	vadd.s32 v1, v4;
	_ =	sdelay $0x3  }
0x38: {  	v3 =	vperm.xlane v3, v2  }
0x39: {  	[hbm4b:s3+s2] =	stream.indirect_vreg.scatter [tilespmem:s8], [sflag:$0x1], $0x80, v4, vm0, $0xb8;
	[tilespmem:$0x18080] =	vst v63  }
0x3a: {  	s0 =	rddreg [dreg:$0x4];
	v3 =	vadd.s32 v1, v3  }
0x3b: {  	[hbm4b:s4+s2] =	stream.indirect_vreg.scatter [tilespmem:s0], [sflag:$0x1], $0x80, v4, vm0, $0xb8;
	[tilespmem:$0x18080] =	vst v63  }
0x3c: {  	s9 =	rddreg [dreg:$0x5]  }
0x3d: {  	[hbm4b:s5+s2] =	stream.indirect_vreg.scatter [tilespmem:s9], [sflag:$0x1], $0x80, v4, vm0, $0xb8;
	[tilespmem:$0x18080] =	vst v63  }
0x3e: {  	s0 =	rddreg [dreg:$0x6]  }
0x3f: {  	[hbm4b:s3+s2] =	stream.indirect_vreg.scatter [tilespmem:s0], [sflag:$0x1], $0x80, v3, vm0, $0xb8;
	[tilespmem:$0x18080] =	vst v63  }
0x40: {  	s9 =	rddreg [dreg:$0x7]  }
0x41: {  	[hbm4b:s4+s2] =	stream.indirect_vreg.scatter [tilespmem:s9], [sflag:$0x1], $0x80, v3, vm0, $0xb8;
	[tilespmem:$0x18080] =	vst v63  }
0x42: {  	s0 =	rddreg [dreg:$0x8]  }
0x43: {  	[hbm4b:s5+s2] =	stream.indirect_vreg.scatter [tilespmem:s0], [sflag:$0x1], $0x80, v3, vm0, $0xb8;
	[tilespmem:$0x18080] =	vst v63  }
0x44: {  	v3 =	vld [tilespmem:$0x10];
	_ =	sdelay $0x4  }
0x45: {  	v57 =	vshrl.u32 v3, $0x3  }
0x46: {  	v4 =	vmul.u32 $0x30, v57  }
0x47: {  	v3 =	vand.u32 $0x7, v3  }
0x48: {  	v3 =	vor.u32 v3, v4  }
0x49: {  	v4 =	vperm.xlane v3, v0;
	_ =	sdelay $0x1  }
0x4a: {  	v4 =	vadd.s32 v1, v4;
	_ =	sdelay $0x3  }
0x4b: {  	s0 =	rddreg [dreg:$0x9];
	v3 =	vperm.xlane v3, v2  }
0x4c: {  	[hbm4b:s3+s2] =	stream.indirect_vreg.scatter [tilespmem:s0], [sflag:$0x1], $0x80, v4, vm0, $0xb8;
	[tilespmem:$0x18080] =	vst v63  }
0x4d: {  	s9 =	rddreg [dreg:$0xa];
	v3 =	vadd.s32 v1, v3  }
0x4e: {  	[hbm4b:s4+s2] =	stream.indirect_vreg.scatter [tilespmem:s9], [sflag:$0x1], $0x80, v4, vm0, $0xb8;
	[tilespmem:$0x18080] =	vst v63  }
0x4f: {  	s0 =	rddreg [dreg:$0xb]  }
0x50: {  	[hbm4b:s5+s2] =	stream.indirect_vreg.scatter [tilespmem:s0], [sflag:$0x1], $0x80, v4, vm0, $0xb8;
	[tilespmem:$0x18080] =	vst v63  }
0x51: {  	s9 =	rddreg [dreg:$0xc]  }
0x52: {  	[hbm4b:s3+s2] =	stream.indirect_vreg.scatter [tilespmem:s9], [sflag:$0x1], $0x80, v3, vm0, $0xb8;
	[tilespmem:$0x18080] =	vst v63  }
0x53: {  	s0 =	rddreg [dreg:$0xd]  }
0x54: {  	[hbm4b:s4+s2] =	stream.indirect_vreg.scatter [tilespmem:s0], [sflag:$0x1], $0x80, v3, vm0, $0xb8;
	[tilespmem:$0x18080] =	vst v63  }
0x55: {  	s9 =	rddreg [dreg:$0xe]  }
0x56: {  	[hbm4b:s5+s2] =	stream.indirect_vreg.scatter [tilespmem:s9], [sflag:$0x1], $0x80, v3, vm0, $0xb8;
	[tilespmem:$0x18080] =	vst v63  }
0x57: {  	v3 =	vld [tilespmem:$0x20];
	_ =	sdelay $0x4  }
0x58: {  	v58 =	vshrl.u32 v3, $0x3  }
0x59: {  	v4 =	vmul.u32 $0x30, v58  }
0x5a: {  	v3 =	vand.u32 $0x7, v3  }
0x5b: {  	v3 =	vor.u32 v3, v4  }
0x5c: {  	v4 =	vperm.xlane v3, v0;
	_ =	sdelay $0x1  }
0x5d: {  	v4 =	vadd.s32 v1, v4;
	_ =	sdelay $0x3  }
0x5e: {  	s0 =	rddreg [dreg:$0xf];
	v3 =	vperm.xlane v3, v2  }
0x5f: {  	[hbm4b:s3+s2] =	stream.indirect_vreg.scatter [tilespmem:s0], [sflag:$0x1], $0x80, v4, vm0, $0xb8;
	[tilespmem:$0x18080] =	vst v63  }
0x60: {  	s9 =	rddreg [dreg:$0x10];
	v3 =	vadd.s32 v1, v3  }
0x61: {  	[hbm4b:s4+s2] =	stream.indirect_vreg.scatter [tilespmem:s9], [sflag:$0x1], $0x80, v4, vm0, $0xb8;
	[tilespmem:$0x18080] =	vst v63  }
0x62: {  	s0 =	rddreg [dreg:$0x11]  }
0x63: {  	[hbm4b:s5+s2] =	stream.indirect_vreg.scatter [tilespmem:s0], [sflag:$0x1], $0x80, v4, vm0, $0xb8;
	[tilespmem:$0x18080] =	vst v63  }
0x64: {  	s9 =	rddreg [dreg:$0x12]  }
0x65: {  	[hbm4b:s3+s2] =	stream.indirect_vreg.scatter [tilespmem:s9], [sflag:$0x1], $0x80, v3, vm0, $0xb8;
	[tilespmem:$0x18080] =	vst v63  }
0x66: {  	s0 =	rddreg [dreg:$0x13]  }
0x67: {  	[hbm4b:s4+s2] =	stream.indirect_vreg.scatter [tilespmem:s0], [sflag:$0x1], $0x80, v3, vm0, $0xb8;
	[tilespmem:$0x18080] =	vst v63  }
0x68: {  	s9 =	rddreg [dreg:$0x14]  }
0x69: {  	[hbm4b:s5+s2] =	stream.indirect_vreg.scatter [tilespmem:s9], [sflag:$0x1], $0x80, v3, vm0, $0xb8;
	[tilespmem:$0x18080] =	vst v63  }
0x6a: {  	v3 =	vld [tilespmem:$0x30];
	_ =	sdelay $0x4  }
0x6b: {  	v59 =	vshrl.u32 v3, $0x3  }
0x6c: {  	v4 =	vmul.u32 $0x30, v59  }
0x6d: {  	v3 =	vand.u32 $0x7, v3  }
0x6e: {  	v3 =	vor.u32 v3, v4  }
0x6f: {  	v4 =	vperm.xlane v3, v0;
	_ =	sdelay $0x1  }
0x70: {  	v4 =	vadd.s32 v1, v4;
	_ =	sdelay $0x3  }
0x71: {  	s0 =	rddreg [dreg:$0x15];
	v3 =	vperm.xlane v3, v2  }
0x72: {  	[hbm4b:s3+s2] =	stream.indirect_vreg.scatter [tilespmem:s0], [sflag:$0x1], $0x80, v4, vm0, $0xb8;
	[tilespmem:$0x18080] =	vst v63  }
0x73: {  	s9 =	rddreg [dreg:$0x16];
	v3 =	vadd.s32 v1, v3  }
0x74: {  	[hbm4b:s4+s2] =	stream.indirect_vreg.scatter [tilespmem:s9], [sflag:$0x1], $0x80, v4, vm0, $0xb8;
	[tilespmem:$0x18080] =	vst v63  }
0x75: {  	s0 =	rddreg [dreg:$0x17]  }
0x76: {  	[hbm4b:s5+s2] =	stream.indirect_vreg.scatter [tilespmem:s0], [sflag:$0x1], $0x80, v4, vm0, $0xb8;
	[tilespmem:$0x18080] =	vst v63  }
0x77: {  	s9 =	rddreg [dreg:$0x18]  }
0x78: {  	[hbm4b:s3+s2] =	stream.indirect_vreg.scatter [tilespmem:s9], [sflag:$0x1], $0x80, v3, vm0, $0xb8;
	[tilespmem:$0x18080] =	vst v63  }
0x79: {  	s0 =	rddreg [dreg:$0x19]  }
0x7a: {  	[hbm4b:s4+s2] =	stream.indirect_vreg.scatter [tilespmem:s0], [sflag:$0x1], $0x80, v3, vm0, $0xb8;
	[tilespmem:$0x18080] =	vst v63  }
0x7b: {  	s9 =	rddreg [dreg:$0x1a]  }
0x7c: {  	[hbm4b:s5+s2] =	stream.indirect_vreg.scatter [tilespmem:s9], [sflag:$0x1], $0x80, v3, vm0, $0xb8;
	[tilespmem:$0x18080] =	vst v63  }
0x7d: {  	v3 =	vld [tilespmem:$0x40];
	_ =	sdelay $0x4  }
0x7e: {  	v60 =	vshrl.u32 v3, $0x3  }
0x7f: {  	v4 =	vmul.u32 $0x30, v60  }
0x80: {  	v3 =	vand.u32 $0x7, v3  }
0x81: {  	v3 =	vor.u32 v3, v4  }
0x82: {  	v4 =	vperm.xlane v3, v0;
	_ =	sdelay $0x1  }
0x83: {  	v4 =	vadd.s32 v1, v4;
	_ =	sdelay $0x3  }
0x84: {  	s0 =	rddreg [dreg:$0x1b];
	v3 =	vperm.xlane v3, v2  }
0x85: {  	[hbm4b:s3+s2] =	stream.indirect_vreg.scatter [tilespmem:s0], [sflag:$0x1], $0x80, v4, vm0, $0xb8;
	[tilespmem:$0x18080] =	vst v63  }
0x86: {  	s9 =	rddreg [dreg:$0x1c];
	v3 =	vadd.s32 v1, v3  }
0x87: {  	[hbm4b:s4+s2] =	stream.indirect_vreg.scatter [tilespmem:s9], [sflag:$0x1], $0x80, v4, vm0, $0xb8;
	[tilespmem:$0x18080] =	vst v63  }
0x88: {  	s9 =	simm.s32 $0xD080  }
0x89: {  	[hbm4b:s5+s2] =	stream.indirect_vreg.scatter [tilespmem:s9], [sflag:$0x1], $0x80, v4, vm0, $0xb8;
	[tilespmem:$0x18080] =	vst v63  }
0x8a: {  	_ = 	snop  }
0x8b: {  	[hbm4b:s3+s2] =	stream.indirect_vreg.scatter [tilespmem:s10], [sflag:$0x1], $0x80, v3, vm0, $0xb8;
	[tilespmem:$0x18080] =	vst v63  }
0x8c: {  	_ = 	snop  }
0x8d: {  	[hbm4b:s4+s2] =	stream.indirect_vreg.scatter [tilespmem:s11], [sflag:$0x1], $0x80, v3, vm0, $0xb8;
	[tilespmem:$0x18080] =	vst v63  }
0x8e: {  	_ = 	snop  }
0x8f: {  	[hbm4b:s5+s2] =	stream.indirect_vreg.scatter [tilespmem:s12], [sflag:$0x1], $0x80, v3, vm0, $0xb8;
	[tilespmem:$0x18080] =	vst v63  }
0x90: {  	v3 =	vld [tilespmem:$0x50];
	_ =	sdelay $0x4  }
0x91: {  	v61 =	vshrl.u32 v3, $0x3  }
0x92: {  	v4 =	vmul.u32 $0x30, v61  }
0x93: {  	v3 =	vand.u32 $0x7, v3  }
0x94: {  	v3 =	vor.u32 v3, v4  }
0x95: {  	v4 =	vperm.xlane v3, v0;
	_ =	sdelay $0x1  }
0x96: {  	v4 =	vadd.s32 v1, v4;
	_ =	sdelay $0x3  }
0x97: {  	v3 =	vperm.xlane v3, v2  }
0x98: {  	[hbm4b:s3+s2] =	stream.indirect_vreg.scatter [tilespmem:s13], [sflag:$0x1], $0x80, v4, vm0, $0xb8;
	[tilespmem:$0x18080] =	vst v63  }
0x99: {  	v3 =	vadd.s32 v1, v3  }
0x9a: {  	[hbm4b:s4+s2] =	stream.indirect_vreg.scatter [tilespmem:s14], [sflag:$0x1], $0x80, v4, vm0, $0xb8;
	[tilespmem:$0x18080] =	vst v63  }
0x9b: {  	_ = 	snop  }
0x9c: {  	[hbm4b:s5+s2] =	stream.indirect_vreg.scatter [tilespmem:s15], [sflag:$0x1], $0x80, v4, vm0, $0xb8;
	[tilespmem:$0x18080] =	vst v63  }
0x9d: {  	_ = 	snop  }
0x9e: {  	[hbm4b:s3+s2] =	stream.indirect_vreg.scatter [tilespmem:s16], [sflag:$0x1], $0x80, v3, vm0, $0xb8;
	[tilespmem:$0x18080] =	vst v63  }
0x9f: {  	_ = 	snop  }
0xa0: {  	[hbm4b:s4+s2] =	stream.indirect_vreg.scatter [tilespmem:s17], [sflag:$0x1], $0x80, v3, vm0, $0xb8;
	[tilespmem:$0x18080] =	vst v63  }
0xa1: {  	_ = 	snop  }
0xa2: {  	[hbm4b:s5+s2] =	stream.indirect_vreg.scatter [tilespmem:s18], [sflag:$0x1], $0x80, v3, vm0, $0xb8;
	[tilespmem:$0x18080] =	vst v63  }
0xa3: {  	v3 =	vld [tilespmem:$0x60];
	_ =	sdelay $0x4  }
0xa4: {  	v62 =	vshrl.u32 v3, $0x3  }
0xa5: {  	v4 =	vmul.u32 $0x30, v62  }
0xa6: {  	v3 =	vand.u32 $0x7, v3  }
0xa7: {  	v3 =	vor.u32 v3, v4  }
0xa8: {  	v4 =	vperm.xlane v3, v0;
	_ =	sdelay $0x1  }
0xa9: {  	v4 =	vadd.s32 v1, v4;
	_ =	sdelay $0x3  }
0xaa: {  	v3 =	vperm.xlane v3, v2  }
0xab: {  	[hbm4b:s3+s2] =	stream.indirect_vreg.scatter [tilespmem:s19], [sflag:$0x1], $0x80, v4, vm0, $0xb8;
	[tilespmem:$0x18080] =	vst v63  }
0xac: {  	v3 =	vadd.s32 v1, v3  }
0xad: {  	[hbm4b:s4+s2] =	stream.indirect_vreg.scatter [tilespmem:s20], [sflag:$0x1], $0x80, v4, vm0, $0xb8;
	[tilespmem:$0x18080] =	vst v63  }
0xae: {  	_ = 	snop  }
0xaf: {  	[hbm4b:s5+s2] =	stream.indirect_vreg.scatter [tilespmem:s21], [sflag:$0x1], $0x80, v4, vm0, $0xb8;
	[tilespmem:$0x18080] =	vst v63  }
0xb0: {  	_ = 	snop  }
0xb1: {  	[hbm4b:s3+s2] =	stream.indirect_vreg.scatter [tilespmem:s22], [sflag:$0x1], $0x80, v3, vm0, $0xb8;
	[tilespmem:$0x18080] =	vst v63  }
0xb2: {  	_ = 	snop  }
0xb3: {  	[hbm4b:s4+s2] =	stream.indirect_vreg.scatter [tilespmem:s23], [sflag:$0x1], $0x80, v3, vm0, $0xb8;
	[tilespmem:$0x18080] =	vst v63  }
0xb4: {  	_ = 	snop  }
0xb5: {  	[hbm4b:s5+s2] =	stream.indirect_vreg.scatter [tilespmem:s24], [sflag:$0x1], $0x80, v3, vm0, $0xb8;
	[tilespmem:$0x18080] =	vst v63  }
0xb6: {  	v3 =	vld [tilespmem:$0x70];
	_ =	sdelay $0x4  }
0xb7: {  	v63 =	vshrl.u32 v3, $0x3  }
0xb8: {  	v4 =	vmul.u32 $0x30, v63  }
0xb9: {  	v3 =	vand.u32 $0x7, v3  }
0xba: {  	v3 =	vor.u32 v3, v4  }
0xbb: {  	v4 =	vperm.xlane v3, v0;
	_ =	sdelay $0x1  }
0xbc: {  	v4 =	vadd.s32 v1, v4;
	_ =	sdelay $0x3  }
0xbd: {  	v3 =	vperm.xlane v3, v2  }
0xbe: {  	[hbm4b:s3+s2] =	stream.indirect_vreg.scatter [tilespmem:s25], [sflag:$0x1], $0x80, v4, vm0, $0xb8;
	[tilespmem:$0x18080] =	vst v63  }
0xbf: {  	v3 =	vadd.s32 v1, v3  }
0xc0: {  	[hbm4b:s4+s2] =	stream.indirect_vreg.scatter [tilespmem:s26], [sflag:$0x1], $0x80, v4, vm0, $0xb8;
	[tilespmem:$0x18080] =	vst v63  }
0xc1: {  	_ = 	snop  }
0xc2: {  	[hbm4b:s5+s2] =	stream.indirect_vreg.scatter [tilespmem:s28], [sflag:$0x1], $0x80, v4, vm0, $0xb8;
	[tilespmem:$0x18080] =	vst v63  }
0xc3: {  	_ = 	snop  }
0xc4: {  	[hbm4b:s3+s2] =	stream.indirect_vreg.scatter [tilespmem:s29], [sflag:$0x1], $0x80, v3, vm0, $0xb8;
	[tilespmem:$0x18080] =	vst v63  }
0xc5: {  	p0 =	sne.s32 s6, $0x1  }
0xc6: {  	[hbm4b:s4+s2] =	stream.indirect_vreg.scatter [tilespmem:s30], [sflag:$0x1], $0x80, v3, vm0, $0xb8;
	[tilespmem:$0x18080] =	vst v63  }
.Ltmp0:
0xc7: {  	_ = 	snop;
	(pc) =	sbr.rel @p0 .LBB2_1-.Ltmp0, $4  }
0xc8: {  	[hbm4b:s5+s2] =	stream.indirect_vreg.scatter [tilespmem:s31], [sflag:$0x1], $0x80, v3, vm0, $0xb8;
	[tilespmem:$0x18080] =	vst v63  }
0xc9: {  	_ =	swait.ge [sflag:s1], $0x18000  }
0xca: {  	[sflag:s1] =	ssyncset.done $0x0  }
0xcb: {  	s6 =	sadd.s32 $0xFFFFFFFF, s6;
	[sflag:s1] =	ssyncadd.s32 $0xFFFE8000  }
0xcc: {  	_ =	sfence.sel $0x180000  }
0xcd: {  	[bflag:$0x0] =	sbarrier.arrive $0xFFFF  }
0xce: {  	_ =	strace $0x90000047  }
0xcf: {  	s0 =	stileid.u32;
	[bflag:$0x2] =	sbarrier.arrive $0xFFFF  }
0xd0: {  	p0 =	sne.s32 s0, $0x0;
	s0 =	rddreg [dreg:$0x1]  }
0xd1: {  	s0 =	sadd.s32 @!p0 $0x100000, s0  }
0xd2: {  	[sflag:s0] =	ssyncadd.tile.s32 @!p0 $0x1;
	_ =	shalt  }
.Lfunc_end2:
_tile_overlayer_lowered:
.L_overlay_start_2:
0xd3: {  	(tag) =	ssettag $0x2  }
0xd4: {  	s0 =	rddreg [dreg:$0x0];
	s2 =	stileid.u32  }
0xd5: {  	s1 =	rddreg [dreg:$0x1];
	p0 =	sne.s32 s2, $0x0  }
0xd6: {  	s3 =	rddreg [dreg:$0x2];
	[bflag:$0x3] =	sbarrier.arrive $0xFFFF;
	s2 =	simm.s32 @!p0 $0x1C02  }
0xd7: {  	[timem:s3], [sflag:s2] =	dma.local @!p0 [hbm:s0], s1  }
0xd8: {  	s0 =	simm.s32 @!p0 $0x2  }
0xd9: {  	_ =	swait.ge @!p0 [sflag:s0], s1  }
0xda: {  	s1 =	ssub.s32 @!p0 $0x0, s1;
	[sflag:s0] =	ssyncset.done @!p0 $0x0  }
0xdb: {  	[sflag:s0] =	ssyncadd.s32 @!p0 s1  }
0xdc: {  	[bflag:$0x3] =	sbarrier.arrive $0xFFFF  }
0xdd: {  	_ =	shalt  }

</sc_bundles>
